<compile_context>
chip_gen: v7x
topology: tpu7x:2x2x1
jax: 0.10.2.dev20260603
libtpu: 0.0.44.dev20260713+nightly
codegen_flags: <defaults>
</compile_context>

<pallas_src>
import functools

import jax
import jax.numpy as jnp
from jax import lax
from jax.experimental import pallas as pl
from jax.experimental.pallas import tpu as pltpu
from jax.experimental.pallas import tpu_sc as plsc

N_OBS = 3276800
TABLE = 1000000
NUM_CORES = 2
NUM_SUBCORES = 16
NUM_WORKERS = NUM_CORES * NUM_SUBCORES
PER_WORKER = N_OBS // NUM_WORKERS
CHUNK = 6400
NUM_CHUNKS = PER_WORKER // CHUNK
LANES = 16
NBUF_IN = 3
NBUF = 2
NPIECES = -(-TABLE // (NUM_SUBCORES * CHUNK))


def _sc_logistic(x, word_ids, a_b, random_x0):
    mesh = plsc.VectorSubcoreMesh(core_axis_name="c", subcore_axis_name="s")

    scratch = [
        pltpu.VMEM_SHARED((TABLE,), jnp.float32),
        pltpu.SemaphoreType.DMA,
        pltpu.VMEM((3 * LANES,), jnp.float32),
        pltpu.SemaphoreType.DMA,
    ]
    for _ in range(NBUF_IN):
        scratch += [
            pltpu.VMEM((CHUNK,), jnp.int32),
            pltpu.VMEM((CHUNK,), jnp.float32),
            pltpu.SemaphoreType.DMA,
        ]
    for _ in range(NBUF):
        scratch += [
            pltpu.VMEM((CHUNK,), jnp.float32),
            pltpu.VMEM((CHUNK,), jnp.float32),
            pltpu.SemaphoreType.DMA,
            pltpu.SemaphoreType.DMA,
            pltpu.SemaphoreType.DMA,
        ]

    @functools.partial(
        pl.kernel,
        out_type=jax.ShapeDtypeStruct((N_OBS,), jnp.float32),
        mesh=mesh,
        scratch_types=scratch,
    )
    def run(x_hbm, ids_hbm, abl_hbm, table_hbm, out_hbm,
            tbl_sp, tsem, abl_v, ssem, *bufs):
        idx_v = [bufs[3 * i + 0] for i in range(NBUF_IN)]
        x_v = [bufs[3 * i + 1] for i in range(NBUF_IN)]
        isem = [bufs[3 * i + 2] for i in range(NBUF_IN)]
        gb = bufs[3 * NBUF_IN:]
        val_v = [gb[5 * i + 0] for i in range(NBUF)]
        o_v = [gb[5 * i + 1] for i in range(NBUF)]
        gsem = [gb[5 * i + 2] for i in range(NBUF)]
        g2sem = [gb[5 * i + 3] for i in range(NBUF)]
        wsem = [gb[5 * i + 4] for i in range(NBUF)]

        sid = lax.axis_index("s")
        wid = sid * NUM_CORES + lax.axis_index("c")
        base = wid * PER_WORKER

        ring = [(val_v[0], gsem[0]), (val_v[1], gsem[1]),
                (o_v[0], wsem[0]), (o_v[1], wsem[1])]
        RD = len(ring)

        def tload(p):
            poff = jnp.minimum((p * NUM_SUBCORES + sid) * CHUNK,
                               TABLE - CHUNK)
            buf, sem = ring[p % RD]
            return poff, buf, pltpu.async_copy(
                table_hbm.at[pl.ds(poff, CHUNK)], buf, sem)

        tloads = {}
        for p in range(min(RD - 1, NPIECES)):
            tloads[p] = tload(p)
        scopy = pltpu.async_copy(abl_hbm, abl_v, ssem)

        def stage_in(c):
            bi = c % NBUF_IN
            off = base + c * CHUNK
            h1 = pltpu.async_copy(
                ids_hbm.at[pl.ds(off, CHUNK)], idx_v[bi], isem[bi])
            h2 = pltpu.async_copy(
                x_hbm.at[pl.ds(off, CHUNK)], x_v[bi], isem[bi])
            return (h1, h2)

        ins = {}
        for c in range(min(NBUF_IN, NUM_CHUNKS)):
            ins[c] = stage_in(c)

        tstores = {}
        for p in range(NPIECES):
            poff, buf, h = tloads[p]
            h.wait()
            tstores[p] = pltpu.async_copy(
                buf, tbl_sp.at[pl.ds(poff, CHUNK)], tsem)
            q = p + RD - 1
            if q < NPIECES:
                if p >= 1:
                    tstores[p - 1].wait()
                tloads[q] = tload(q)
        for p in range(max(0, NPIECES - RD), NPIECES):
            tstores[p].wait()
        plsc.subcore_barrier()

        scopy.wait()
        av = abl_v[pl.ds(0, LANES)]
        bv = abl_v[pl.ds(LANES, LANES)]
        lv = abl_v[pl.ds(2 * LANES, LANES)]

        H = CHUNK // 2

        def gather(c):
            bi = c % NBUF_IN
            bg = c % NBUF
            h1 = pltpu.async_copy(
                tbl_sp.at[idx_v[bi].at[pl.ds(0, H)]],
                val_v[bg].at[pl.ds(0, H)], gsem[bg])
            h2 = pltpu.async_copy(
                tbl_sp.at[idx_v[bi].at[pl.ds(H, H)]],
                val_v[bg].at[pl.ds(H, H)], g2sem[bg])
            return (h1, h2)

        gathers = {}
        writes = {}
        ins[0][0].wait()
        ins[0][1].wait()
        gathers[0] = gather(0)

        for c in range(NUM_CHUNKS):
            bb = c % NBUF
            if c + 1 < NUM_CHUNKS:
                ins[c + 1][0].wait()
                ins[c + 1][1].wait()
                gathers[c + 1] = gather(c + 1)
            gathers[c][0].wait()
            gathers[c][1].wait()
            if c - NBUF >= 0:
                writes[c - NBUF].wait()

            bi = c % NBUF_IN

            @plsc.parallel_loop(0, CHUNK, LANES, unroll=4)
            def _vec(i):
                s = pl.ds(i, LANES)
                arg = av * (x_v[bi][s] - val_v[bb][s]) + bv
                o_v[bb][s] = lv / (1.0 + jnp.exp(arg))

            off = base + c * CHUNK
            writes[c] = pltpu.async_copy(
                o_v[bb], out_hbm.at[pl.ds(off, CHUNK)], wsem[bb])
            if c + NBUF_IN < NUM_CHUNKS:
                ins[c + NBUF_IN] = stage_in(c + NBUF_IN)

        for c in range(max(0, NUM_CHUNKS - NBUF), NUM_CHUNKS):
            writes[c].wait()

    return run(x, word_ids, a_b, random_x0)


def kernel(x, word_ids, fixed_L, fixed_x0, fixed_k, random_x0):
    ids = word_ids.astype(jnp.int32)
    k = jnp.asarray(fixed_k, jnp.float32)
    x0 = jnp.asarray(fixed_x0, jnp.float32)
    abl = jnp.concatenate([
        jnp.broadcast_to(-k, (LANES,)),
        jnp.broadcast_to(k * x0, (LANES,)),
        jnp.broadcast_to(jnp.asarray(fixed_L, jnp.float32), (LANES,)),
    ])
    return _sc_logistic(x, ids, abl, random_x0)

# --- scband reference (transcript-rebuilt; emitter-appended) ---
"""Pipeline reference for scband-random-midpoint-logistic-model-75496935129759 (READ-ONLY COPY).

The authoritative reference and input builder live on the scoring server;
editing this copy changes nothing except your own understanding.
"""

import jax, jax.numpy as jnp
import numpy as np

NUM_WORDS = 1000000
N_OBS = 3276800

def setup_inputs(seed: int = 0) -> dict:
    key = jax.random.key(seed)
    k1, k2, k3 = jax.random.split(key, 3)
    x = jax.random.uniform(k1, (N_OBS,), dtype=jnp.float32)
    word_ids = jax.random.randint(k2, (N_OBS,), 0, NUM_WORDS, dtype=jnp.int64 if jax.config.jax_enable_x64 else jnp.int32)
    # learned parameters (match torch init)
    fixed_L = jnp.asarray(1.0, dtype=jnp.float32)
    fixed_x0 = jnp.asarray(18.0, dtype=jnp.float32)
    fixed_k = jnp.asarray(0.3, dtype=jnp.float32)
    random_x0 = jax.random.normal(k3, (NUM_WORDS,), dtype=jnp.float32) * 0.1
    return {"x": x, "word_ids": word_ids, "fixed_L": fixed_L, "fixed_x0": fixed_x0, "fixed_k": fixed_k, "random_x0": random_x0}

def reference(x, word_ids, fixed_L, fixed_x0, fixed_k, random_x0):
    # embedding-style gather of per-word random midpoints
    word_x0 = fixed_x0 + jnp.take(random_x0, word_ids, axis=0)
    return fixed_L / (1.0 + jnp.exp(-fixed_k * (x - word_x0)))

if __name__ == "__main__":
    import jax
    _d = setup_inputs()
    print(jax.jit(kernel)(*tuple(_d.values())))

</pallas_src>

<mosaic_0001>
#map = affine_map<(d0, d1) -> (0)>
module attributes {stable_mosaic.version = 14 : i64} {
  func.func @run(%arg0: i32, %arg1: i32, %arg2: memref<3276800xf32, #tpu.memory_space<hbm>>, %arg3: memref<3276800xi32, #tpu.memory_space<hbm>>, %arg4: memref<48xf32, #tpu.memory_space<hbm>>, %arg5: memref<1000000xf32, #tpu.memory_space<hbm>>, %arg6: memref<3276800xf32, #tpu.memory_space<hbm>>, %arg7: memref<1000000xf32, #tpu.memory_space<vmem_shared>>, %arg8: memref<!tpu.dma_semaphore, #tpu.memory_space<semaphore_mem>>, %arg9: memref<48xf32, #tpu.memory_space<vmem>>, %arg10: memref<!tpu.dma_semaphore, #tpu.memory_space<semaphore_mem>>, %arg11: memref<6400xi32, #tpu.memory_space<vmem>>, %arg12: memref<6400xf32, #tpu.memory_space<vmem>>, %arg13: memref<!tpu.dma_semaphore, #tpu.memory_space<semaphore_mem>>, %arg14: memref<6400xi32, #tpu.memory_space<vmem>>, %arg15: memref<6400xf32, #tpu.memory_space<vmem>>, %arg16: memref<!tpu.dma_semaphore, #tpu.memory_space<semaphore_mem>>, %arg17: memref<6400xi32, #tpu.memory_space<vmem>>, %arg18: memref<6400xf32, #tpu.memory_space<vmem>>, %arg19: memref<!tpu.dma_semaphore, #tpu.memory_space<semaphore_mem>>, %arg20: memref<6400xf32, #tpu.memory_space<vmem>>, %arg21: memref<6400xf32, #tpu.memory_space<vmem>>, %arg22: memref<!tpu.dma_semaphore, #tpu.memory_space<semaphore_mem>>, %arg23: memref<!tpu.dma_semaphore, #tpu.memory_space<semaphore_mem>>, %arg24: memref<!tpu.dma_semaphore, #tpu.memory_space<semaphore_mem>>, %arg25: memref<6400xf32, #tpu.memory_space<vmem>>, %arg26: memref<6400xf32, #tpu.memory_space<vmem>>, %arg27: memref<!tpu.dma_semaphore, #tpu.memory_space<semaphore_mem>>, %arg28: memref<!tpu.dma_semaphore, #tpu.memory_space<semaphore_mem>>, %arg29: memref<!tpu.dma_semaphore, #tpu.memory_space<semaphore_mem>>) attributes {dimension_semantics = [#tpu.dimension_semantics<core_parallel>, #tpu.dimension_semantics<subcore_parallel>], iteration_bounds = array<i64: 2, 16>, scalar_prefetch = 0 : i64, scratch_operands = 23 : i64, tpu.core_type = #tpu.core_type<sc_vector_subcore>, window_params = [{transform_indices = #map}, {transform_indices = #map}, {transform_indices = #map}, {transform_indices = #map}, {transform_indices = #map}]} {
    %mul3A = arith.constant 2 : i32
    %mul3A_0 = arith.muli %arg1, %mul3A : i32
    %add3A = arith.addi %mul3A_0, %arg0 : i32
    %mul3A_1 = arith.constant 102400 : i32
    %mul3A_2 = arith.muli %add3A, %mul3A_1 : i32
    %add3A_3 = arith.constant 0 : i32
    %add3A_4 = arith.addi %add3A_3, %arg1 : i32
    %mul3A_5 = arith.constant 6400 : i32
    %mul3A_6 = arith.muli %add3A_4, %mul3A_5 : i32
    %min3A = arith.constant 993600 : i32
    %min3A_7 = arith.minsi %mul3A_6, %min3A : i32
    %dma_start3A = tpu.memref_slice %arg5[%min3A_7] : memref<1000000xf32, #tpu.memory_space<hbm>> -> memref<6400xf32, #tpu.memory_space<hbm>>
    %dma_start3A_8 = tpu.memref_slice %arg5[%min3A_7] : memref<1000000xf32, #tpu.memory_space<hbm>> -> memref<6400xf32, #tpu.memory_space<hbm>>
    tpu.enqueue_dma source(%dma_start3A_8 : memref<6400xf32, #tpu.memory_space<hbm>>) target(%arg20 : memref<6400xf32, #tpu.memory_space<vmem>>) target_semaphore(%arg22 : memref<!tpu.dma_semaphore, #tpu.memory_space<semaphore_mem>>)
    %add3A_9 = arith.constant 16 : i32
    %add3A_10 = arith.addi %add3A_9, %arg1 : i32
    %mul3A_11 = arith.constant 6400 : i32
    %mul3A_12 = arith.muli %add3A_10, %mul3A_11 : i32
    %min3A_13 = arith.constant 993600 : i32
    %min3A_14 = arith.minsi %mul3A_12, %min3A_13 : i32
    %dma_start3A_15 = tpu.memref_slice %arg5[%min3A_14] : memref<1000000xf32, #tpu.memory_space<hbm>> -> memref<6400xf32, #tpu.memory_space<hbm>>
    %dma_start3A_16 = tpu.memref_slice %arg5[%min3A_14] : memref<1000000xf32, #tpu.memory_space<hbm>> -> memref<6400xf32, #tpu.memory_space<hbm>>
    tpu.enqueue_dma source(%dma_start3A_16 : memref<6400xf32, #tpu.memory_space<hbm>>) target(%arg25 : memref<6400xf32, #tpu.memory_space<vmem>>) target_semaphore(%arg27 : memref<!tpu.dma_semaphore, #tpu.memory_space<semaphore_mem>>)
    %add3A_17 = arith.constant 32 : i32
    %add3A_18 = arith.addi %add3A_17, %arg1 : i32
    %mul3A_19 = arith.constant 6400 : i32
    %mul3A_20 = arith.muli %add3A_18, %mul3A_19 : i32
    %min3A_21 = arith.constant 993600 : i32
    %min3A_22 = arith.minsi %mul3A_20, %min3A_21 : i32
    %dma_start3A_23 = tpu.memref_slice %arg5[%min3A_22] : memref<1000000xf32, #tpu.memory_space<hbm>> -> memref<6400xf32, #tpu.memory_space<hbm>>
    %dma_start3A_24 = tpu.memref_slice %arg5[%min3A_22] : memref<1000000xf32, #tpu.memory_space<hbm>> -> memref<6400xf32, #tpu.memory_space<hbm>>
    tpu.enqueue_dma source(%dma_start3A_24 : memref<6400xf32, #tpu.memory_space<hbm>>) target(%arg21 : memref<6400xf32, #tpu.memory_space<vmem>>) target_semaphore(%arg24 : memref<!tpu.dma_semaphore, #tpu.memory_space<semaphore_mem>>)
    tpu.enqueue_dma source(%arg4 : memref<48xf32, #tpu.memory_space<hbm>>) target(%arg9 : memref<48xf32, #tpu.memory_space<vmem>>) target_semaphore(%arg10 : memref<!tpu.dma_semaphore, #tpu.memory_space<semaphore_mem>>)
    %add3A_25 = arith.constant 0 : i32
    %add3A_26 = arith.addi %mul3A_2, %add3A_25 : i32
    %dma_start3A_27 = tpu.memref_slice %arg3[%add3A_26] : memref<3276800xi32, #tpu.memory_space<hbm>> -> memref<6400xi32, #tpu.memory_space<hbm>>
    %dma_start3A_28 = tpu.memref_slice %arg3[%add3A_26] : memref<3276800xi32, #tpu.memory_space<hbm>> -> memref<6400xi32, #tpu.memory_space<hbm>>
    tpu.enqueue_dma source(%dma_start3A_28 : memref<6400xi32, #tpu.memory_space<hbm>>) target(%arg11 : memref<6400xi32, #tpu.memory_space<vmem>>) target_semaphore(%arg13 : memref<!tpu.dma_semaphore, #tpu.memory_space<semaphore_mem>>)
    %dma_start3A_29 = tpu.memref_slice %arg2[%add3A_26] : memref<3276800xf32, #tpu.memory_space<hbm>> -> memref<6400xf32, #tpu.memory_space<hbm>>
    %dma_start3A_30 = tpu.memref_slice %arg2[%add3A_26] : memref<3276800xf32, #tpu.memory_space<hbm>> -> memref<6400xf32, #tpu.memory_space<hbm>>
    tpu.enqueue_dma source(%dma_start3A_30 : memref<6400xf32, #tpu.memory_space<hbm>>) target(%arg12 : memref<6400xf32, #tpu.memory_space<vmem>>) target_semaphore(%arg13 : memref<!tpu.dma_semaphore, #tpu.memory_space<semaphore_mem>>)
    %add3A_31 = arith.constant 6400 : i32
    %add3A_32 = arith.addi %mul3A_2, %add3A_31 : i32
    %dma_start3A_33 = tpu.memref_slice %arg3[%add3A_32] : memref<3276800xi32, #tpu.memory_space<hbm>> -> memref<6400xi32, #tpu.memory_space<hbm>>
    %dma_start3A_34 = tpu.memref_slice %arg3[%add3A_32] : memref<3276800xi32, #tpu.memory_space<hbm>> -> memref<6400xi32, #tpu.memory_space<hbm>>
    tpu.enqueue_dma source(%dma_start3A_34 : memref<6400xi32, #tpu.memory_space<hbm>>) target(%arg14 : memref<6400xi32, #tpu.memory_space<vmem>>) target_semaphore(%arg16 : memref<!tpu.dma_semaphore, #tpu.memory_space<semaphore_mem>>)
    %dma_start3A_35 = tpu.memref_slice %arg2[%add3A_32] : memref<3276800xf32, #tpu.memory_space<hbm>> -> memref<6400xf32, #tpu.memory_space<hbm>>
    %dma_start3A_36 = tpu.memref_slice %arg2[%add3A_32] : memref<3276800xf32, #tpu.memory_space<hbm>> -> memref<6400xf32, #tpu.memory_space<hbm>>
    tpu.enqueue_dma source(%dma_start3A_36 : memref<6400xf32, #tpu.memory_space<hbm>>) target(%arg15 : memref<6400xf32, #tpu.memory_space<vmem>>) target_semaphore(%arg16 : memref<!tpu.dma_semaphore, #tpu.memory_space<semaphore_mem>>)
    %add3A_37 = arith.constant 12800 : i32
    %add3A_38 = arith.addi %mul3A_2, %add3A_37 : i32
    %dma_start3A_39 = tpu.memref_slice %arg3[%add3A_38] : memref<3276800xi32, #tpu.memory_space<hbm>> -> memref<6400xi32, #tpu.memory_space<hbm>>
    %dma_start3A_40 = tpu.memref_slice %arg3[%add3A_38] : memref<3276800xi32, #tpu.memory_space<hbm>> -> memref<6400xi32, #tpu.memory_space<hbm>>
    tpu.enqueue_dma source(%dma_start3A_40 : memref<6400xi32, #tpu.memory_space<hbm>>) target(%arg17 : memref<6400xi32, #tpu.memory_space<vmem>>) target_semaphore(%arg19 : memref<!tpu.dma_semaphore, #tpu.memory_space<semaphore_mem>>)
    %dma_start3A_41 = tpu.memref_slice %arg2[%add3A_38] : memref<3276800xf32, #tpu.memory_space<hbm>> -> memref<6400xf32, #tpu.memory_space<hbm>>
    %dma_start3A_42 = tpu.memref_slice %arg2[%add3A_38] : memref<3276800xf32, #tpu.memory_space<hbm>> -> memref<6400xf32, #tpu.memory_space<hbm>>
    tpu.enqueue_dma source(%dma_start3A_42 : memref<6400xf32, #tpu.memory_space<hbm>>) target(%arg18 : memref<6400xf32, #tpu.memory_space<vmem>>) target_semaphore(%arg19 : memref<!tpu.dma_semaphore, #tpu.memory_space<semaphore_mem>>)
    %dma_wait3A = tpu.memref_slice %arg5[%min3A_7] : memref<1000000xf32, #tpu.memory_space<hbm>> -> memref<6400xf32, #tpu.memory_space<hbm>>
    %dma_wait3A_43 = tpu.memref_slice %arg5[%min3A_7] : memref<1000000xf32, #tpu.memory_space<hbm>> -> memref<6400xf32, #tpu.memory_space<hbm>>
    tpu.wait_dma2 semaphore(%arg22 : memref<!tpu.dma_semaphore, #tpu.memory_space<semaphore_mem>>) src(%dma_wait3A_43 : memref<6400xf32, #tpu.memory_space<hbm>>) dst(%arg20 : memref<6400xf32, #tpu.memory_space<vmem>>)
    %dma_start3A_44 = tpu.memref_slice %arg7[%min3A_7] : memref<1000000xf32, #tpu.memory_space<vmem_shared>> -> memref<6400xf32, #tpu.memory_space<vmem_shared>>
    %dma_start3A_45 = tpu.memref_slice %arg7[%min3A_7] : memref<1000000xf32, #tpu.memory_space<vmem_shared>> -> memref<6400xf32, #tpu.memory_space<vmem_shared>>
    tpu.enqueue_dma source(%arg20 : memref<6400xf32, #tpu.memory_space<vmem>>) target(%dma_start3A_45 : memref<6400xf32, #tpu.memory_space<vmem_shared>>) target_semaphore(%arg8 : memref<!tpu.dma_semaphore, #tpu.memory_space<semaphore_mem>>)
    %add3A_46 = arith.constant 48 : i32
    %add3A_47 = arith.addi %add3A_46, %arg1 : i32
    %mul3A_48 = arith.constant 6400 : i32
    %mul3A_49 = arith.muli %add3A_47, %mul3A_48 : i32
    %min3A_50 = arith.constant 993600 : i32
    %min3A_51 = arith.minsi %mul3A_49, %min3A_50 : i32
    %dma_start3A_52 = tpu.memref_slice %arg5[%min3A_51] : memref<1000000xf32, #tpu.memory_space<hbm>> -> memref<6400xf32, #tpu.memory_space<hbm>>
    %dma_start3A_53 = tpu.memref_slice %arg5[%min3A_51] : memref<1000000xf32, #tpu.memory_space<hbm>> -> memref<6400xf32, #tpu.memory_space<hbm>>
    tpu.enqueue_dma source(%dma_start3A_53 : memref<6400xf32, #tpu.memory_space<hbm>>) target(%arg26 : memref<6400xf32, #tpu.memory_space<vmem>>) target_semaphore(%arg29 : memref<!tpu.dma_semaphore, #tpu.memory_space<semaphore_mem>>)
    %dma_wait3A_54 = tpu.memref_slice %arg5[%min3A_14] : memref<1000000xf32, #tpu.memory_space<hbm>> -> memref<6400xf32, #tpu.memory_space<hbm>>
    %dma_wait3A_55 = tpu.memref_slice %arg5[%min3A_14] : memref<1000000xf32, #tpu.memory_space<hbm>> -> memref<6400xf32, #tpu.memory_space<hbm>>
    tpu.wait_dma2 semaphore(%arg27 : memref<!tpu.dma_semaphore, #tpu.memory_space<semaphore_mem>>) src(%dma_wait3A_55 : memref<6400xf32, #tpu.memory_space<hbm>>) dst(%arg25 : memref<6400xf32, #tpu.memory_space<vmem>>)
    %dma_start3A_56 = tpu.memref_slice %arg7[%min3A_14] : memref<1000000xf32, #tpu.memory_space<vmem_shared>> -> memref<6400xf32, #tpu.memory_space<vmem_shared>>
    %dma_start3A_57 = tpu.memref_slice %arg7[%min3A_14] : memref<1000000xf32, #tpu.memory_space<vmem_shared>> -> memref<6400xf32, #tpu.memory_space<vmem_shared>>
    tpu.enqueue_dma source(%arg25 : memref<6400xf32, #tpu.memory_space<vmem>>) target(%dma_start3A_57 : memref<6400xf32, #tpu.memory_space<vmem_shared>>) target_semaphore(%arg8 : memref<!tpu.dma_semaphore, #tpu.memory_space<semaphore_mem>>)
    %dma_wait3A_58 = tpu.memref_slice %arg7[%min3A_7] : memref<1000000xf32, #tpu.memory_space<vmem_shared>> -> memref<6400xf32, #tpu.memory_space<vmem_shared>>
    %dma_wait3A_59 = tpu.memref_slice %arg7[%min3A_7] : memref<1000000xf32, #tpu.memory_space<vmem_shared>> -> memref<6400xf32, #tpu.memory_space<vmem_shared>>
    tpu.wait_dma2 semaphore(%arg8 : memref<!tpu.dma_semaphore, #tpu.memory_space<semaphore_mem>>) src(%arg20 : memref<6400xf32, #tpu.memory_space<vmem>>) dst(%dma_wait3A_59 : memref<6400xf32, #tpu.memory_space<vmem_shared>>)
    %add3A_60 = arith.constant 64 : i32
    %add3A_61 = arith.addi %add3A_60, %arg1 : i32
    %mul3A_62 = arith.constant 6400 : i32
    %mul3A_63 = arith.muli %add3A_61, %mul3A_62 : i32
    %min3A_64 = arith.constant 993600 : i32
    %min3A_65 = arith.minsi %mul3A_63, %min3A_64 : i32
    %dma_start3A_66 = tpu.memref_slice %arg5[%min3A_65] : memref<1000000xf32, #tpu.memory_space<hbm>> -> memref<6400xf32, #tpu.memory_space<hbm>>
    %dma_start3A_67 = tpu.memref_slice %arg5[%min3A_65] : memref<1000000xf32, #tpu.memory_space<hbm>> -> memref<6400xf32, #tpu.memory_space<hbm>>
    tpu.enqueue_dma source(%dma_start3A_67 : memref<6400xf32, #tpu.memory_space<hbm>>) target(%arg20 : memref<6400xf32, #tpu.memory_space<vmem>>) target_semaphore(%arg22 : memref<!tpu.dma_semaphore, #tpu.memory_space<semaphore_mem>>)
    %dma_wait3A_68 = tpu.memref_slice %arg5[%min3A_22] : memref<1000000xf32, #tpu.memory_space<hbm>> -> memref<6400xf32, #tpu.memory_space<hbm>>
    %dma_wait3A_69 = tpu.memref_slice %arg5[%min3A_22] : memref<1000000xf32, #tpu.memory_space<hbm>> -> memref<6400xf32, #tpu.memory_space<hbm>>
    tpu.wait_dma2 semaphore(%arg24 : memref<!tpu.dma_semaphore, #tpu.memory_space<semaphore_mem>>) src(%dma_wait3A_69 : memref<6400xf32, #tpu.memory_space<hbm>>) dst(%arg21 : memref<6400xf32, #tpu.memory_space<vmem>>)
    %dma_start3A_70 = tpu.memref_slice %arg7[%min3A_22] : memref<1000000xf32, #tpu.memory_space<vmem_shared>> -> memref<6400xf32, #tpu.memory_space<vmem_shared>>
    %dma_start3A_71 = tpu.memref_slice %arg7[%min3A_22] : memref<1000000xf32, #tpu.memory_space<vmem_shared>> -> memref<6400xf32, #tpu.memory_space<vmem_shared>>
    tpu.enqueue_dma source(%arg21 : memref<6400xf32, #tpu.memory_space<vmem>>) target(%dma_start3A_71 : memref<6400xf32, #tpu.memory_space<vmem_shared>>) target_semaphore(%arg8 : memref<!tpu.dma_semaphore, #tpu.memory_space<semaphore_mem>>)
    %dma_wait3A_72 = tpu.memref_slice %arg7[%min3A_14] : memref<1000000xf32, #tpu.memory_space<vmem_shared>> -> memref<6400xf32, #tpu.memory_space<vmem_shared>>
    %dma_wait3A_73 = tpu.memref_slice %arg7[%min3A_14] : memref<1000000xf32, #tpu.memory_space<vmem_shared>> -> memref<6400xf32, #tpu.memory_space<vmem_shared>>
    tpu.wait_dma2 semaphore(%arg8 : memref<!tpu.dma_semaphore, #tpu.memory_space<semaphore_mem>>) src(%arg25 : memref<6400xf32, #tpu.memory_space<vmem>>) dst(%dma_wait3A_73 : memref<6400xf32, #tpu.memory_space<vmem_shared>>)
    %add3A_74 = arith.constant 80 : i32
    %add3A_75 = arith.addi %add3A_74, %arg1 : i32
    %mul3A_76 = arith.constant 6400 : i32
    %mul3A_77 = arith.muli %add3A_75, %mul3A_76 : i32
    %min3A_78 = arith.constant 993600 : i32
    %min3A_79 = arith.minsi %mul3A_77, %min3A_78 : i32
    %dma_start3A_80 = tpu.memref_slice %arg5[%min3A_79] : memref<1000000xf32, #tpu.memory_space<hbm>> -> memref<6400xf32, #tpu.memory_space<hbm>>
    %dma_start3A_81 = tpu.memref_slice %arg5[%min3A_79] : memref<1000000xf32, #tpu.memory_space<hbm>> -> memref<6400xf32, #tpu.memory_space<hbm>>
    tpu.enqueue_dma source(%dma_start3A_81 : memref<6400xf32, #tpu.memory_space<hbm>>) target(%arg25 : memref<6400xf32, #tpu.memory_space<vmem>>) target_semaphore(%arg27 : memref<!tpu.dma_semaphore, #tpu.memory_space<semaphore_mem>>)
    %dma_wait3A_82 = tpu.memref_slice %arg5[%min3A_51] : memref<1000000xf32, #tpu.memory_space<hbm>> -> memref<6400xf32, #tpu.memory_space<hbm>>
    %dma_wait3A_83 = tpu.memref_slice %arg5[%min3A_51] : memref<1000000xf32, #tpu.memory_space<hbm>> -> memref<6400xf32, #tpu.memory_space<hbm>>
    tpu.wait_dma2 semaphore(%arg29 : memref<!tpu.dma_semaphore, #tpu.memory_space<semaphore_mem>>) src(%dma_wait3A_83 : memref<6400xf32, #tpu.memory_space<hbm>>) dst(%arg26 : memref<6400xf32, #tpu.memory_space<vmem>>)
    %dma_start3A_84 = tpu.memref_slice %arg7[%min3A_51] : memref<1000000xf32, #tpu.memory_space<vmem_shared>> -> memref<6400xf32, #tpu.memory_space<vmem_shared>>
    %dma_start3A_85 = tpu.memref_slice %arg7[%min3A_51] : memref<1000000xf32, #tpu.memory_space<vmem_shared>> -> memref<6400xf32, #tpu.memory_space<vmem_shared>>
    tpu.enqueue_dma source(%arg26 : memref<6400xf32, #tpu.memory_space<vmem>>) target(%dma_start3A_85 : memref<6400xf32, #tpu.memory_space<vmem_shared>>) target_semaphore(%arg8 : memref<!tpu.dma_semaphore, #tpu.memory_space<semaphore_mem>>)
    %dma_wait3A_86 = tpu.memref_slice %arg7[%min3A_22] : memref<1000000xf32, #tpu.memory_space<vmem_shared>> -> memref<6400xf32, #tpu.memory_space<vmem_shared>>
    %dma_wait3A_87 = tpu.memref_slice %arg7[%min3A_22] : memref<1000000xf32, #tpu.memory_space<vmem_shared>> -> memref<6400xf32, #tpu.memory_space<vmem_shared>>
    tpu.wait_dma2 semaphore(%arg8 : memref<!tpu.dma_semaphore, #tpu.memory_space<semaphore_mem>>) src(%arg21 : memref<6400xf32, #tpu.memory_space<vmem>>) dst(%dma_wait3A_87 : memref<6400xf32, #tpu.memory_space<vmem_shared>>)
    %add3A_88 = arith.constant 96 : i32
    %add3A_89 = arith.addi %add3A_88, %arg1 : i32
    %mul3A_90 = arith.constant 6400 : i32
    %mul3A_91 = arith.muli %add3A_89, %mul3A_90 : i32
    %min3A_92 = arith.constant 993600 : i32
    %min3A_93 = arith.minsi %mul3A_91, %min3A_92 : i32
    %dma_start3A_94 = tpu.memref_slice %arg5[%min3A_93] : memref<1000000xf32, #tpu.memory_space<hbm>> -> memref<6400xf32, #tpu.memory_space<hbm>>
    %dma_start3A_95 = tpu.memref_slice %arg5[%min3A_93] : memref<1000000xf32, #tpu.memory_space<hbm>> -> memref<6400xf32, #tpu.memory_space<hbm>>
    tpu.enqueue_dma source(%dma_start3A_95 : memref<6400xf32, #tpu.memory_space<hbm>>) target(%arg21 : memref<6400xf32, #tpu.memory_space<vmem>>) target_semaphore(%arg24 : memref<!tpu.dma_semaphore, #tpu.memory_space<semaphore_mem>>)
    %dma_wait3A_96 = tpu.memref_slice %arg5[%min3A_65] : memref<1000000xf32, #tpu.memory_space<hbm>> -> memref<6400xf32, #tpu.memory_space<hbm>>
    %dma_wait3A_97 = tpu.memref_slice %arg5[%min3A_65] : memref<1000000xf32, #tpu.memory_space<hbm>> -> memref<6400xf32, #tpu.memory_space<hbm>>
    tpu.wait_dma2 semaphore(%arg22 : memref<!tpu.dma_semaphore, #tpu.memory_space<semaphore_mem>>) src(%dma_wait3A_97 : memref<6400xf32, #tpu.memory_space<hbm>>) dst(%arg20 : memref<6400xf32, #tpu.memory_space<vmem>>)
    %dma_start3A_98 = tpu.memref_slice %arg7[%min3A_65] : memref<1000000xf32, #tpu.memory_space<vmem_shared>> -> memref<6400xf32, #tpu.memory_space<vmem_shared>>
    %dma_start3A_99 = tpu.memref_slice %arg7[%min3A_65] : memref<1000000xf32, #tpu.memory_space<vmem_shared>> -> memref<6400xf32, #tpu.memory_space<vmem_shared>>
    tpu.enqueue_dma source(%arg20 : memref<6400xf32, #tpu.memory_space<vmem>>) target(%dma_start3A_99 : memref<6400xf32, #tpu.memory_space<vmem_shared>>) target_semaphore(%arg8 : memref<!tpu.dma_semaphore, #tpu.memory_space<semaphore_mem>>)
    %dma_wait3A_100 = tpu.memref_slice %arg7[%min3A_51] : memref<1000000xf32, #tpu.memory_space<vmem_shared>> -> memref<6400xf32, #tpu.memory_space<vmem_shared>>
    %dma_wait3A_101 = tpu.memref_slice %arg7[%min3A_51] : memref<1000000xf32, #tpu.memory_space<vmem_shared>> -> memref<6400xf32, #tpu.memory_space<vmem_shared>>
    tpu.wait_dma2 semaphore(%arg8 : memref<!tpu.dma_semaphore, #tpu.memory_space<semaphore_mem>>) src(%arg26 : memref<6400xf32, #tpu.memory_space<vmem>>) dst(%dma_wait3A_101 : memref<6400xf32, #tpu.memory_space<vmem_shared>>)
    %add3A_102 = arith.constant 112 : i32
    %add3A_103 = arith.addi %add3A_102, %arg1 : i32
    %mul3A_104 = arith.constant 6400 : i32
    %mul3A_105 = arith.muli %add3A_103, %mul3A_104 : i32
    %min3A_106 = arith.constant 993600 : i32
    %min3A_107 = arith.minsi %mul3A_105, %min3A_106 : i32
    %dma_start3A_108 = tpu.memref_slice %arg5[%min3A_107] : memref<1000000xf32, #tpu.memory_space<hbm>> -> memref<6400xf32, #tpu.memory_space<hbm>>
    %dma_start3A_109 = tpu.memref_slice %arg5[%min3A_107] : memref<1000000xf32, #tpu.memory_space<hbm>> -> memref<6400xf32, #tpu.memory_space<hbm>>
    tpu.enqueue_dma source(%dma_start3A_109 : memref<6400xf32, #tpu.memory_space<hbm>>) target(%arg26 : memref<6400xf32, #tpu.memory_space<vmem>>) target_semaphore(%arg29 : memref<!tpu.dma_semaphore, #tpu.memory_space<semaphore_mem>>)
    %dma_wait3A_110 = tpu.memref_slice %arg5[%min3A_79] : memref<1000000xf32, #tpu.memory_space<hbm>> -> memref<6400xf32, #tpu.memory_space<hbm>>
    %dma_wait3A_111 = tpu.memref_slice %arg5[%min3A_79] : memref<1000000xf32, #tpu.memory_space<hbm>> -> memref<6400xf32, #tpu.memory_space<hbm>>
    tpu.wait_dma2 semaphore(%arg27 : memref<!tpu.dma_semaphore, #tpu.memory_space<semaphore_mem>>) src(%dma_wait3A_111 : memref<6400xf32, #tpu.memory_space<hbm>>) dst(%arg25 : memref<6400xf32, #tpu.memory_space<vmem>>)
    %dma_start3A_112 = tpu.memref_slice %arg7[%min3A_79] : memref<1000000xf32, #tpu.memory_space<vmem_shared>> -> memref<6400xf32, #tpu.memory_space<vmem_shared>>
    %dma_start3A_113 = tpu.memref_slice %arg7[%min3A_79] : memref<1000000xf32, #tpu.memory_space<vmem_shared>> -> memref<6400xf32, #tpu.memory_space<vmem_shared>>
    tpu.enqueue_dma source(%arg25 : memref<6400xf32, #tpu.memory_space<vmem>>) target(%dma_start3A_113 : memref<6400xf32, #tpu.memory_space<vmem_shared>>) target_semaphore(%arg8 : memref<!tpu.dma_semaphore, #tpu.memory_space<semaphore_mem>>)
    %dma_wait3A_114 = tpu.memref_slice %arg7[%min3A_65] : memref<1000000xf32, #tpu.memory_space<vmem_shared>> -> memref<6400xf32, #tpu.memory_space<vmem_shared>>
    %dma_wait3A_115 = tpu.memref_slice %arg7[%min3A_65] : memref<1000000xf32, #tpu.memory_space<vmem_shared>> -> memref<6400xf32, #tpu.memory_space<vmem_shared>>
    tpu.wait_dma2 semaphore(%arg8 : memref<!tpu.dma_semaphore, #tpu.memory_space<semaphore_mem>>) src(%arg20 : memref<6400xf32, #tpu.memory_space<vmem>>) dst(%dma_wait3A_115 : memref<6400xf32, #tpu.memory_space<vmem_shared>>)
    %add3A_116 = arith.constant 128 : i32
    %add3A_117 = arith.addi %add3A_116, %arg1 : i32
    %mul3A_118 = arith.constant 6400 : i32
    %mul3A_119 = arith.muli %add3A_117, %mul3A_118 : i32
    %min3A_120 = arith.constant 993600 : i32
    %min3A_121 = arith.minsi %mul3A_119, %min3A_120 : i32
    %dma_start3A_122 = tpu.memref_slice %arg5[%min3A_121] : memref<1000000xf32, #tpu.memory_space<hbm>> -> memref<6400xf32, #tpu.memory_space<hbm>>
    %dma_start3A_123 = tpu.memref_slice %arg5[%min3A_121] : memref<1000000xf32, #tpu.memory_space<hbm>> -> memref<6400xf32, #tpu.memory_space<hbm>>
    tpu.enqueue_dma source(%dma_start3A_123 : memref<6400xf32, #tpu.memory_space<hbm>>) target(%arg20 : memref<6400xf32, #tpu.memory_space<vmem>>) target_semaphore(%arg22 : memref<!tpu.dma_semaphore, #tpu.memory_space<semaphore_mem>>)
    %dma_wait3A_124 = tpu.memref_slice %arg5[%min3A_93] : memref<1000000xf32, #tpu.memory_space<hbm>> -> memref<6400xf32, #tpu.memory_space<hbm>>
    %dma_wait3A_125 = tpu.memref_slice %arg5[%min3A_93] : memref<1000000xf32, #tpu.memory_space<hbm>> -> memref<6400xf32, #tpu.memory_space<hbm>>
    tpu.wait_dma2 semaphore(%arg24 : memref<!tpu.dma_semaphore, #tpu.memory_space<semaphore_mem>>) src(%dma_wait3A_125 : memref<6400xf32, #tpu.memory_space<hbm>>) dst(%arg21 : memref<6400xf32, #tpu.memory_space<vmem>>)
    %dma_start3A_126 = tpu.memref_slice %arg7[%min3A_93] : memref<1000000xf32, #tpu.memory_space<vmem_shared>> -> memref<6400xf32, #tpu.memory_space<vmem_shared>>
    %dma_start3A_127 = tpu.memref_slice %arg7[%min3A_93] : memref<1000000xf32, #tpu.memory_space<vmem_shared>> -> memref<6400xf32, #tpu.memory_space<vmem_shared>>
    tpu.enqueue_dma source(%arg21 : memref<6400xf32, #tpu.memory_space<vmem>>) target(%dma_start3A_127 : memref<6400xf32, #tpu.memory_space<vmem_shared>>) target_semaphore(%arg8 : memref<!tpu.dma_semaphore, #tpu.memory_space<semaphore_mem>>)
    %dma_wait3A_128 = tpu.memref_slice %arg7[%min3A_79] : memref<1000000xf32, #tpu.memory_space<vmem_shared>> -> memref<6400xf32, #tpu.memory_space<vmem_shared>>
    %dma_wait3A_129 = tpu.memref_slice %arg7[%min3A_79] : memref<1000000xf32, #tpu.memory_space<vmem_shared>> -> memref<6400xf32, #tpu.memory_space<vmem_shared>>
    tpu.wait_dma2 semaphore(%arg8 : memref<!tpu.dma_semaphore, #tpu.memory_space<semaphore_mem>>) src(%arg25 : memref<6400xf32, #tpu.memory_space<vmem>>) dst(%dma_wait3A_129 : memref<6400xf32, #tpu.memory_space<vmem_shared>>)
    %add3A_130 = arith.constant 144 : i32
    %add3A_131 = arith.addi %add3A_130, %arg1 : i32
    %mul3A_132 = arith.constant 6400 : i32
    %mul3A_133 = arith.muli %add3A_131, %mul3A_132 : i32
    %min3A_134 = arith.constant 993600 : i32
    %min3A_135 = arith.minsi %mul3A_133, %min3A_134 : i32
    %dma_start3A_136 = tpu.memref_slice %arg5[%min3A_135] : memref<1000000xf32, #tpu.memory_space<hbm>> -> memref<6400xf32, #tpu.memory_space<hbm>>
    %dma_start3A_137 = tpu.memref_slice %arg5[%min3A_135] : memref<1000000xf32, #tpu.memory_space<hbm>> -> memref<6400xf32, #tpu.memory_space<hbm>>
    tpu.enqueue_dma source(%dma_start3A_137 : memref<6400xf32, #tpu.memory_space<hbm>>) target(%arg25 : memref<6400xf32, #tpu.memory_space<vmem>>) target_semaphore(%arg27 : memref<!tpu.dma_semaphore, #tpu.memory_space<semaphore_mem>>)
    %dma_wait3A_138 = tpu.memref_slice %arg5[%min3A_107] : memref<1000000xf32, #tpu.memory_space<hbm>> -> memref<6400xf32, #tpu.memory_space<hbm>>
    %dma_wait3A_139 = tpu.memref_slice %arg5[%min3A_107] : memref<1000000xf32, #tpu.memory_space<hbm>> -> memref<6400xf32, #tpu.memory_space<hbm>>
    tpu.wait_dma2 semaphore(%arg29 : memref<!tpu.dma_semaphore, #tpu.memory_space<semaphore_mem>>) src(%dma_wait3A_139 : memref<6400xf32, #tpu.memory_space<hbm>>) dst(%arg26 : memref<6400xf32, #tpu.memory_space<vmem>>)
    %dma_start3A_140 = tpu.memref_slice %arg7[%min3A_107] : memref<1000000xf32, #tpu.memory_space<vmem_shared>> -> memref<6400xf32, #tpu.memory_space<vmem_shared>>
    %dma_start3A_141 = tpu.memref_slice %arg7[%min3A_107] : memref<1000000xf32, #tpu.memory_space<vmem_shared>> -> memref<6400xf32, #tpu.memory_space<vmem_shared>>
    tpu.enqueue_dma source(%arg26 : memref<6400xf32, #tpu.memory_space<vmem>>) target(%dma_start3A_141 : memref<6400xf32, #tpu.memory_space<vmem_shared>>) target_semaphore(%arg8 : memref<!tpu.dma_semaphore, #tpu.memory_space<semaphore_mem>>)
    %dma_wait3A_142 = tpu.memref_slice %arg5[%min3A_121] : memref<1000000xf32, #tpu.memory_space<hbm>> -> memref<6400xf32, #tpu.memory_space<hbm>>
    %dma_wait3A_143 = tpu.memref_slice %arg5[%min3A_121] : memref<1000000xf32, #tpu.memory_space<hbm>> -> memref<6400xf32, #tpu.memory_space<hbm>>
    tpu.wait_dma2 semaphore(%arg22 : memref<!tpu.dma_semaphore, #tpu.memory_space<semaphore_mem>>) src(%dma_wait3A_143 : memref<6400xf32, #tpu.memory_space<hbm>>) dst(%arg20 : memref<6400xf32, #tpu.memory_space<vmem>>)
    %dma_start3A_144 = tpu.memref_slice %arg7[%min3A_121] : memref<1000000xf32, #tpu.memory_space<vmem_shared>> -> memref<6400xf32, #tpu.memory_space<vmem_shared>>
    %dma_start3A_145 = tpu.memref_slice %arg7[%min3A_121] : memref<1000000xf32, #tpu.memory_space<vmem_shared>> -> memref<6400xf32, #tpu.memory_space<vmem_shared>>
    tpu.enqueue_dma source(%arg20 : memref<6400xf32, #tpu.memory_space<vmem>>) target(%dma_start3A_145 : memref<6400xf32, #tpu.memory_space<vmem_shared>>) target_semaphore(%arg8 : memref<!tpu.dma_semaphore, #tpu.memory_space<semaphore_mem>>)
    %dma_wait3A_146 = tpu.memref_slice %arg5[%min3A_135] : memref<1000000xf32, #tpu.memory_space<hbm>> -> memref<6400xf32, #tpu.memory_space<hbm>>
    %dma_wait3A_147 = tpu.memref_slice %arg5[%min3A_135] : memref<1000000xf32, #tpu.memory_space<hbm>> -> memref<6400xf32, #tpu.memory_space<hbm>>
    tpu.wait_dma2 semaphore(%arg27 : memref<!tpu.dma_semaphore, #tpu.memory_space<semaphore_mem>>) src(%dma_wait3A_147 : memref<6400xf32, #tpu.memory_space<hbm>>) dst(%arg25 : memref<6400xf32, #tpu.memory_space<vmem>>)
    %dma_start3A_148 = tpu.memref_slice %arg7[%min3A_135] : memref<1000000xf32, #tpu.memory_space<vmem_shared>> -> memref<6400xf32, #tpu.memory_space<vmem_shared>>
    %dma_start3A_149 = tpu.memref_slice %arg7[%min3A_135] : memref<1000000xf32, #tpu.memory_space<vmem_shared>> -> memref<6400xf32, #tpu.memory_space<vmem_shared>>
    tpu.enqueue_dma source(%arg25 : memref<6400xf32, #tpu.memory_space<vmem>>) target(%dma_start3A_149 : memref<6400xf32, #tpu.memory_space<vmem_shared>>) target_semaphore(%arg8 : memref<!tpu.dma_semaphore, #tpu.memory_space<semaphore_mem>>)
    %dma_wait3A_150 = tpu.memref_slice %arg7[%min3A_93] : memref<1000000xf32, #tpu.memory_space<vmem_shared>> -> memref<6400xf32, #tpu.memory_space<vmem_shared>>
    %dma_wait3A_151 = tpu.memref_slice %arg7[%min3A_93] : memref<1000000xf32, #tpu.memory_space<vmem_shared>> -> memref<6400xf32, #tpu.memory_space<vmem_shared>>
    tpu.wait_dma2 semaphore(%arg8 : memref<!tpu.dma_semaphore, #tpu.memory_space<semaphore_mem>>) src(%arg21 : memref<6400xf32, #tpu.memory_space<vmem>>) dst(%dma_wait3A_151 : memref<6400xf32, #tpu.memory_space<vmem_shared>>)
    %dma_wait3A_152 = tpu.memref_slice %arg7[%min3A_107] : memref<1000000xf32, #tpu.memory_space<vmem_shared>> -> memref<6400xf32, #tpu.memory_space<vmem_shared>>
    %dma_wait3A_153 = tpu.memref_slice %arg7[%min3A_107] : memref<1000000xf32, #tpu.memory_space<vmem_shared>> -> memref<6400xf32, #tpu.memory_space<vmem_shared>>
    tpu.wait_dma2 semaphore(%arg8 : memref<!tpu.dma_semaphore, #tpu.memory_space<semaphore_mem>>) src(%arg26 : memref<6400xf32, #tpu.memory_space<vmem>>) dst(%dma_wait3A_153 : memref<6400xf32, #tpu.memory_space<vmem_shared>>)
    %dma_wait3A_154 = tpu.memref_slice %arg7[%min3A_121] : memref<1000000xf32, #tpu.memory_space<vmem_shared>> -> memref<6400xf32, #tpu.memory_space<vmem_shared>>
    %dma_wait3A_155 = tpu.memref_slice %arg7[%min3A_121] : memref<1000000xf32, #tpu.memory_space<vmem_shared>> -> memref<6400xf32, #tpu.memory_space<vmem_shared>>
    tpu.wait_dma2 semaphore(%arg8 : memref<!tpu.dma_semaphore, #tpu.memory_space<semaphore_mem>>) src(%arg20 : memref<6400xf32, #tpu.memory_space<vmem>>) dst(%dma_wait3A_155 : memref<6400xf32, #tpu.memory_space<vmem_shared>>)
    %dma_wait3A_156 = tpu.memref_slice %arg7[%min3A_135] : memref<1000000xf32, #tpu.memory_space<vmem_shared>> -> memref<6400xf32, #tpu.memory_space<vmem_shared>>
    %dma_wait3A_157 = tpu.memref_slice %arg7[%min3A_135] : memref<1000000xf32, #tpu.memory_space<vmem_shared>> -> memref<6400xf32, #tpu.memory_space<vmem_shared>>
    tpu.wait_dma2 semaphore(%arg8 : memref<!tpu.dma_semaphore, #tpu.memory_space<semaphore_mem>>) src(%arg25 : memref<6400xf32, #tpu.memory_space<vmem>>) dst(%dma_wait3A_157 : memref<6400xf32, #tpu.memory_space<vmem_shared>>)
    %barrier3A = arith.constant 0 : index
    tpu.barrier barrier_id(%barrier3A)
    tpu.wait_dma2 semaphore(%arg10 : memref<!tpu.dma_semaphore, #tpu.memory_space<semaphore_mem>>) src(%arg4 : memref<48xf32, #tpu.memory_space<hbm>>) dst(%arg9 : memref<48xf32, #tpu.memory_space<vmem>>)
    %get3A = arith.constant 0 : index
    %get3A_158 = tpu.vector_load %arg9[%get3A] {strides = array<i32>} : memref<48xf32, #tpu.memory_space<vmem>>, vector<16xf32>,
    %get3A_159 = vector.shape_cast %get3A_158 : vector<16xf32> to vector<16xf32>
    %get3A_160 = arith.constant 16 : index
    %get3A_161 = tpu.vector_load %arg9[%get3A_160] {strides = array<i32>} : memref<48xf32, #tpu.memory_space<vmem>>, vector<16xf32>,
    %get3A_162 = vector.shape_cast %get3A_161 : vector<16xf32> to vector<16xf32>
    %get3A_163 = arith.constant 32 : index
    %get3A_164 = tpu.vector_load %arg9[%get3A_163] {strides = array<i32>} : memref<48xf32, #tpu.memory_space<vmem>>, vector<16xf32>,
    %get3A_165 = vector.shape_cast %get3A_164 : vector<16xf32> to vector<16xf32>
    %dma_wait3A_166 = tpu.memref_slice %arg3[%add3A_26] : memref<3276800xi32, #tpu.memory_space<hbm>> -> memref<6400xi32, #tpu.memory_space<hbm>>
    %dma_wait3A_167 = tpu.memref_slice %arg3[%add3A_26] : memref<3276800xi32, #tpu.memory_space<hbm>> -> memref<6400xi32, #tpu.memory_space<hbm>>
    tpu.wait_dma2 semaphore(%arg13 : memref<!tpu.dma_semaphore, #tpu.memory_space<semaphore_mem>>) src(%dma_wait3A_167 : memref<6400xi32, #tpu.memory_space<hbm>>) dst(%arg11 : memref<6400xi32, #tpu.memory_space<vmem>>)
    %dma_wait3A_168 = tpu.memref_slice %arg2[%add3A_26] : memref<3276800xf32, #tpu.memory_space<hbm>> -> memref<6400xf32, #tpu.memory_space<hbm>>
    %dma_wait3A_169 = tpu.memref_slice %arg2[%add3A_26] : memref<3276800xf32, #tpu.memory_space<hbm>> -> memref<6400xf32, #tpu.memory_space<hbm>>
    tpu.wait_dma2 semaphore(%arg13 : memref<!tpu.dma_semaphore, #tpu.memory_space<semaphore_mem>>) src(%dma_wait3A_169 : memref<6400xf32, #tpu.memory_space<hbm>>) dst(%arg12 : memref<6400xf32, #tpu.memory_space<vmem>>)
    %dma_start3A_170 = arith.constant 0 : i32
    %dma_start3A_171 = tpu.memref_slice %arg20[%dma_start3A_170] : memref<6400xf32, #tpu.memory_space<vmem>> -> memref<3200xf32, #tpu.memory_space<vmem>>
    %dma_start3A_172 = arith.constant 0 : i32
    %dma_start3A_173 = tpu.memref_slice %arg11[%dma_start3A_172] : memref<6400xi32, #tpu.memory_space<vmem>> -> memref<3200xi32, #tpu.memory_space<vmem>>
    %dma_start3A_174 = arith.constant 0 : i32
    %dma_start3A_175 = tpu.memref_slice %arg7[%dma_start3A_174] : memref<1000000xf32, #tpu.memory_space<vmem_shared>> -> memref<1000000xf32, #tpu.memory_space<vmem_shared>>
    tpu.enqueue_indirect_dma source(%dma_start3A_175 : memref<1000000xf32, #tpu.memory_space<vmem_shared>>) target(%dma_start3A_171 : memref<3200xf32, #tpu.memory_space<vmem>>) offsets(%dma_start3A_173 : memref<3200xi32, #tpu.memory_space<vmem>>) semaphore(%arg22 : memref<!tpu.dma_semaphore, #tpu.memory_space<semaphore_mem>>)
    %dma_start3A_176 = arith.constant 3200 : i32
    %dma_start3A_177 = tpu.memref_slice %arg20[%dma_start3A_176] : memref<6400xf32, #tpu.memory_space<vmem>> -> memref<3200xf32, #tpu.memory_space<vmem>>
    %dma_start3A_178 = arith.constant 3200 : i32
    %dma_start3A_179 = tpu.memref_slice %arg11[%dma_start3A_178] : memref<6400xi32, #tpu.memory_space<vmem>> -> memref<3200xi32, #tpu.memory_space<vmem>>
    %dma_start3A_180 = arith.constant 0 : i32
    %dma_start3A_181 = tpu.memref_slice %arg7[%dma_start3A_180] : memref<1000000xf32, #tpu.memory_space<vmem_shared>> -> memref<1000000xf32, #tpu.memory_space<vmem_shared>>
    tpu.enqueue_indirect_dma source(%dma_start3A_181 : memref<1000000xf32, #tpu.memory_space<vmem_shared>>) target(%dma_start3A_177 : memref<3200xf32, #tpu.memory_space<vmem>>) offsets(%dma_start3A_179 : memref<3200xi32, #tpu.memory_space<vmem>>) semaphore(%arg23 : memref<!tpu.dma_semaphore, #tpu.memory_space<semaphore_mem>>)
    %dma_wait3A_182 = tpu.memref_slice %arg3[%add3A_32] : memref<3276800xi32, #tpu.memory_space<hbm>> -> memref<6400xi32, #tpu.memory_space<hbm>>
    %dma_wait3A_183 = tpu.memref_slice %arg3[%add3A_32] : memref<3276800xi32, #tpu.memory_space<hbm>> -> memref<6400xi32, #tpu.memory_space<hbm>>
    tpu.wait_dma2 semaphore(%arg16 : memref<!tpu.dma_semaphore, #tpu.memory_space<semaphore_mem>>) src(%dma_wait3A_183 : memref<6400xi32, #tpu.memory_space<hbm>>) dst(%arg14 : memref<6400xi32, #tpu.memory_space<vmem>>)
    %dma_wait3A_184 = tpu.memref_slice %arg2[%add3A_32] : memref<3276800xf32, #tpu.memory_space<hbm>> -> memref<6400xf32, #tpu.memory_space<hbm>>
    %dma_wait3A_185 = tpu.memref_slice %arg2[%add3A_32] : memref<3276800xf32, #tpu.memory_space<hbm>> -> memref<6400xf32, #tpu.memory_space<hbm>>
    tpu.wait_dma2 semaphore(%arg16 : memref<!tpu.dma_semaphore, #tpu.memory_space<semaphore_mem>>) src(%dma_wait3A_185 : memref<6400xf32, #tpu.memory_space<hbm>>) dst(%arg15 : memref<6400xf32, #tpu.memory_space<vmem>>)
    %dma_start3A_186 = arith.constant 0 : i32
    %dma_start3A_187 = tpu.memref_slice %arg25[%dma_start3A_186] : memref<6400xf32, #tpu.memory_space<vmem>> -> memref<3200xf32, #tpu.memory_space<vmem>>
    %dma_start3A_188 = arith.constant 0 : i32
    %dma_start3A_189 = tpu.memref_slice %arg14[%dma_start3A_188] : memref<6400xi32, #tpu.memory_space<vmem>> -> memref<3200xi32, #tpu.memory_space<vmem>>
    %dma_start3A_190 = arith.constant 0 : i32
    %dma_start3A_191 = tpu.memref_slice %arg7[%dma_start3A_190] : memref<1000000xf32, #tpu.memory_space<vmem_shared>> -> memref<1000000xf32, #tpu.memory_space<vmem_shared>>
    tpu.enqueue_indirect_dma source(%dma_start3A_191 : memref<1000000xf32, #tpu.memory_space<vmem_shared>>) target(%dma_start3A_187 : memref<3200xf32, #tpu.memory_space<vmem>>) offsets(%dma_start3A_189 : memref<3200xi32, #tpu.memory_space<vmem>>) semaphore(%arg27 : memref<!tpu.dma_semaphore, #tpu.memory_space<semaphore_mem>>)
    %dma_start3A_192 = arith.constant 3200 : i32
    %dma_start3A_193 = tpu.memref_slice %arg25[%dma_start3A_192] : memref<6400xf32, #tpu.memory_space<vmem>> -> memref<3200xf32, #tpu.memory_space<vmem>>
    %dma_start3A_194 = arith.constant 3200 : i32
    %dma_start3A_195 = tpu.memref_slice %arg14[%dma_start3A_194] : memref<6400xi32, #tpu.memory_space<vmem>> -> memref<3200xi32, #tpu.memory_space<vmem>>
    %dma_start3A_196 = arith.constant 0 : i32
    %dma_start3A_197 = tpu.memref_slice %arg7[%dma_start3A_196] : memref<1000000xf32, #tpu.memory_space<vmem_shared>> -> memref<1000000xf32, #tpu.memory_space<vmem_shared>>
    tpu.enqueue_indirect_dma source(%dma_start3A_197 : memref<1000000xf32, #tpu.memory_space<vmem_shared>>) target(%dma_start3A_193 : memref<3200xf32, #tpu.memory_space<vmem>>) offsets(%dma_start3A_195 : memref<3200xi32, #tpu.memory_space<vmem>>) semaphore(%arg28 : memref<!tpu.dma_semaphore, #tpu.memory_space<semaphore_mem>>)
    %dma_wait3A_198 = arith.constant 0 : i32
    %dma_wait3A_199 = tpu.memref_slice %arg20[%dma_wait3A_198] : memref<6400xf32, #tpu.memory_space<vmem>> -> memref<3200xf32, #tpu.memory_space<vmem>>
    %dma_wait3A_200 = arith.constant 0 : i32
    %dma_wait3A_201 = tpu.memref_slice %arg11[%dma_wait3A_200] : memref<6400xi32, #tpu.memory_space<vmem>> -> memref<3200xi32, #tpu.memory_space<vmem>>
    %dma_wait3A_202 = arith.constant 0 : i32
    %dma_wait3A_203 = tpu.memref_slice %arg7[%dma_wait3A_202] : memref<1000000xf32, #tpu.memory_space<vmem_shared>> -> memref<1000000xf32, #tpu.memory_space<vmem_shared>>
    tpu.wait_indirect_dma semaphore(%arg22 : memref<!tpu.dma_semaphore, #tpu.memory_space<semaphore_mem>>) src(%dma_wait3A_203 : memref<1000000xf32, #tpu.memory_space<vmem_shared>>) dst(%dma_wait3A_199 : memref<3200xf32, #tpu.memory_space<vmem>>)
    %dma_wait3A_204 = arith.constant 3200 : i32
    %dma_wait3A_205 = tpu.memref_slice %arg20[%dma_wait3A_204] : memref<6400xf32, #tpu.memory_space<vmem>> -> memref<3200xf32, #tpu.memory_space<vmem>>
    %dma_wait3A_206 = arith.constant 3200 : i32
    %dma_wait3A_207 = tpu.memref_slice %arg11[%dma_wait3A_206] : memref<6400xi32, #tpu.memory_space<vmem>> -> memref<3200xi32, #tpu.memory_space<vmem>>
    %dma_wait3A_208 = arith.constant 0 : i32
    %dma_wait3A_209 = tpu.memref_slice %arg7[%dma_wait3A_208] : memref<1000000xf32, #tpu.memory_space<vmem_shared>> -> memref<1000000xf32, #tpu.memory_space<vmem_shared>>
    tpu.wait_indirect_dma semaphore(%arg23 : memref<!tpu.dma_semaphore, #tpu.memory_space<semaphore_mem>>) src(%dma_wait3A_209 : memref<1000000xf32, #tpu.memory_space<vmem_shared>>) dst(%dma_wait3A_205 : memref<3200xf32, #tpu.memory_space<vmem>>)
    %parallel_loop3A = arith.constant 0 : i32
    %parallel_loop3A_210 = arith.constant 6400 : i32
    %parallel_loop3A_211 = arith.constant 16 : i32
    scf.for %parallel_loop3A_835 = %parallel_loop3A to %parallel_loop3A_210 step %parallel_loop3A_211  : i32 {
      %parallel_loop3A_836 = arith.index_cast %parallel_loop3A_835 : i32 to index
      %parallel_loop3A_837 = tpu.vector_load %arg12[%parallel_loop3A_836] {strides = array<i32>} : memref<6400xf32, #tpu.memory_space<vmem>>, vector<16xf32>,
      %parallel_loop3A_838 = vector.shape_cast %parallel_loop3A_837 : vector<16xf32> to vector<16xf32>
      %parallel_loop3A_839 = arith.index_cast %parallel_loop3A_835 : i32 to index
      %parallel_loop3A_840 = tpu.vector_load %arg20[%parallel_loop3A_839] {strides = array<i32>} : memref<6400xf32, #tpu.memory_space<vmem>>, vector<16xf32>,
      %parallel_loop3A_841 = vector.shape_cast %parallel_loop3A_840 : vector<16xf32> to vector<16xf32>
      %parallel_loop3A_842 = arith.subf %parallel_loop3A_838, %parallel_loop3A_841 : vector<16xf32>
      %parallel_loop3A_843 = arith.mulf %get3A_159, %parallel_loop3A_842 : vector<16xf32>
      %parallel_loop3A_844 = arith.addf %parallel_loop3A_843, %get3A_162 : vector<16xf32>
      %parallel_loop3A_845 = math.exp %parallel_loop3A_844 : vector<16xf32>
      %parallel_loop3A_846 = arith.constant 1.000000e+00 : f32
      %parallel_loop3A_847 = vector.broadcast %parallel_loop3A_846 : f32 to vector<16xf32>
      %parallel_loop3A_848 = arith.addf %parallel_loop3A_847, %parallel_loop3A_845 : vector<16xf32>
      %parallel_loop3A_849 = arith.divf %get3A_165, %parallel_loop3A_848 : vector<16xf32>
      %parallel_loop3A_850 = arith.index_cast %parallel_loop3A_835 : i32 to index
      %parallel_loop3A_851 = tpu.vector_load %arg21[%parallel_loop3A_850] {strides = array<i32>} : memref<6400xf32, #tpu.memory_space<vmem>>, vector<16xf32>,
      %parallel_loop3A_852 = vector.shape_cast %parallel_loop3A_851 : vector<16xf32> to vector<16xf32>
      %parallel_loop3A_853 = vector.shape_cast %parallel_loop3A_849 : vector<16xf32> to vector<16xf32>
      tpu.vector_store %arg21[%parallel_loop3A_850], %parallel_loop3A_853 {strides = array<i32>} : memref<6400xf32, #tpu.memory_space<vmem>>, vector<16xf32>,
    } {sc.loop_unroll_factor = 4 : i64, sc.parallel_access}
    %add3A_212 = arith.constant 0 : i32
    %add3A_213 = arith.addi %mul3A_2, %add3A_212 : i32
    %dma_start3A_214 = tpu.memref_slice %arg6[%add3A_213] : memref<3276800xf32, #tpu.memory_space<hbm>> -> memref<6400xf32, #tpu.memory_space<hbm>>
    %dma_start3A_215 = tpu.memref_slice %arg6[%add3A_213] : memref<3276800xf32, #tpu.memory_space<hbm>> -> memref<6400xf32, #tpu.memory_space<hbm>>
    tpu.enqueue_dma source(%arg21 : memref<6400xf32, #tpu.memory_space<vmem>>) target(%dma_start3A_215 : memref<6400xf32, #tpu.memory_space<hbm>>) target_semaphore(%arg24 : memref<!tpu.dma_semaphore, #tpu.memory_space<semaphore_mem>>)
    %add3A_216 = arith.constant 19200 : i32
    %add3A_217 = arith.addi %mul3A_2, %add3A_216 : i32
    %dma_start3A_218 = tpu.memref_slice %arg3[%add3A_217] : memref<3276800xi32, #tpu.memory_space<hbm>> -> memref<6400xi32, #tpu.memory_space<hbm>>
    %dma_start3A_219 = tpu.memref_slice %arg3[%add3A_217] : memref<3276800xi32, #tpu.memory_space<hbm>> -> memref<6400xi32, #tpu.memory_space<hbm>>
    tpu.enqueue_dma source(%dma_start3A_219 : memref<6400xi32, #tpu.memory_space<hbm>>) target(%arg11 : memref<6400xi32, #tpu.memory_space<vmem>>) target_semaphore(%arg13 : memref<!tpu.dma_semaphore, #tpu.memory_space<semaphore_mem>>)
    %dma_start3A_220 = tpu.memref_slice %arg2[%add3A_217] : memref<3276800xf32, #tpu.memory_space<hbm>> -> memref<6400xf32, #tpu.memory_space<hbm>>
    %dma_start3A_221 = tpu.memref_slice %arg2[%add3A_217] : memref<3276800xf32, #tpu.memory_space<hbm>> -> memref<6400xf32, #tpu.memory_space<hbm>>
    tpu.enqueue_dma source(%dma_start3A_221 : memref<6400xf32, #tpu.memory_space<hbm>>) target(%arg12 : memref<6400xf32, #tpu.memory_space<vmem>>) target_semaphore(%arg13 : memref<!tpu.dma_semaphore, #tpu.memory_space<semaphore_mem>>)
    %dma_wait3A_222 = tpu.memref_slice %arg3[%add3A_38] : memref<3276800xi32, #tpu.memory_space<hbm>> -> memref<6400xi32, #tpu.memory_space<hbm>>
    %dma_wait3A_223 = tpu.memref_slice %arg3[%add3A_38] : memref<3276800xi32, #tpu.memory_space<hbm>> -> memref<6400xi32, #tpu.memory_space<hbm>>
    tpu.wait_dma2 semaphore(%arg19 : memref<!tpu.dma_semaphore, #tpu.memory_space<semaphore_mem>>) src(%dma_wait3A_223 : memref<6400xi32, #tpu.memory_space<hbm>>) dst(%arg17 : memref<6400xi32, #tpu.memory_space<vmem>>)
    %dma_wait3A_224 = tpu.memref_slice %arg2[%add3A_38] : memref<3276800xf32, #tpu.memory_space<hbm>> -> memref<6400xf32, #tpu.memory_space<hbm>>
    %dma_wait3A_225 = tpu.memref_slice %arg2[%add3A_38] : memref<3276800xf32, #tpu.memory_space<hbm>> -> memref<6400xf32, #tpu.memory_space<hbm>>
    tpu.wait_dma2 semaphore(%arg19 : memref<!tpu.dma_semaphore, #tpu.memory_space<semaphore_mem>>) src(%dma_wait3A_225 : memref<6400xf32, #tpu.memory_space<hbm>>) dst(%arg18 : memref<6400xf32, #tpu.memory_space<vmem>>)
    %dma_start3A_226 = arith.constant 0 : i32
    %dma_start3A_227 = tpu.memref_slice %arg20[%dma_start3A_226] : memref<6400xf32, #tpu.memory_space<vmem>> -> memref<3200xf32, #tpu.memory_space<vmem>>
    %dma_start3A_228 = arith.constant 0 : i32
    %dma_start3A_229 = tpu.memref_slice %arg17[%dma_start3A_228] : memref<6400xi32, #tpu.memory_space<vmem>> -> memref<3200xi32, #tpu.memory_space<vmem>>
    %dma_start3A_230 = arith.constant 0 : i32
    %dma_start3A_231 = tpu.memref_slice %arg7[%dma_start3A_230] : memref<1000000xf32, #tpu.memory_space<vmem_shared>> -> memref<1000000xf32, #tpu.memory_space<vmem_shared>>
    tpu.enqueue_indirect_dma source(%dma_start3A_231 : memref<1000000xf32, #tpu.memory_space<vmem_shared>>) target(%dma_start3A_227 : memref<3200xf32, #tpu.memory_space<vmem>>) offsets(%dma_start3A_229 : memref<3200xi32, #tpu.memory_space<vmem>>) semaphore(%arg22 : memref<!tpu.dma_semaphore, #tpu.memory_space<semaphore_mem>>)
    %dma_start3A_232 = arith.constant 3200 : i32
    %dma_start3A_233 = tpu.memref_slice %arg20[%dma_start3A_232] : memref<6400xf32, #tpu.memory_space<vmem>> -> memref<3200xf32, #tpu.memory_space<vmem>>
    %dma_start3A_234 = arith.constant 3200 : i32
    %dma_start3A_235 = tpu.memref_slice %arg17[%dma_start3A_234] : memref<6400xi32, #tpu.memory_space<vmem>> -> memref<3200xi32, #tpu.memory_space<vmem>>
    %dma_start3A_236 = arith.constant 0 : i32
    %dma_start3A_237 = tpu.memref_slice %arg7[%dma_start3A_236] : memref<1000000xf32, #tpu.memory_space<vmem_shared>> -> memref<1000000xf32, #tpu.memory_space<vmem_shared>>
    tpu.enqueue_indirect_dma source(%dma_start3A_237 : memref<1000000xf32, #tpu.memory_space<vmem_shared>>) target(%dma_start3A_233 : memref<3200xf32, #tpu.memory_space<vmem>>) offsets(%dma_start3A_235 : memref<3200xi32, #tpu.memory_space<vmem>>) semaphore(%arg23 : memref<!tpu.dma_semaphore, #tpu.memory_space<semaphore_mem>>)
    %dma_wait3A_238 = arith.constant 0 : i32
    %dma_wait3A_239 = tpu.memref_slice %arg25[%dma_wait3A_238] : memref<6400xf32, #tpu.memory_space<vmem>> -> memref<3200xf32, #tpu.memory_space<vmem>>
    %dma_wait3A_240 = arith.constant 0 : i32
    %dma_wait3A_241 = tpu.memref_slice %arg14[%dma_wait3A_240] : memref<6400xi32, #tpu.memory_space<vmem>> -> memref<3200xi32, #tpu.memory_space<vmem>>
    %dma_wait3A_242 = arith.constant 0 : i32
    %dma_wait3A_243 = tpu.memref_slice %arg7[%dma_wait3A_242] : memref<1000000xf32, #tpu.memory_space<vmem_shared>> -> memref<1000000xf32, #tpu.memory_space<vmem_shared>>
    tpu.wait_indirect_dma semaphore(%arg27 : memref<!tpu.dma_semaphore, #tpu.memory_space<semaphore_mem>>) src(%dma_wait3A_243 : memref<1000000xf32, #tpu.memory_space<vmem_shared>>) dst(%dma_wait3A_239 : memref<3200xf32, #tpu.memory_space<vmem>>)
    %dma_wait3A_244 = arith.constant 3200 : i32
    %dma_wait3A_245 = tpu.memref_slice %arg25[%dma_wait3A_244] : memref<6400xf32, #tpu.memory_space<vmem>> -> memref<3200xf32, #tpu.memory_space<vmem>>
    %dma_wait3A_246 = arith.constant 3200 : i32
    %dma_wait3A_247 = tpu.memref_slice %arg14[%dma_wait3A_246] : memref<6400xi32, #tpu.memory_space<vmem>> -> memref<3200xi32, #tpu.memory_space<vmem>>
    %dma_wait3A_248 = arith.constant 0 : i32
    %dma_wait3A_249 = tpu.memref_slice %arg7[%dma_wait3A_248] : memref<1000000xf32, #tpu.memory_space<vmem_shared>> -> memref<1000000xf32, #tpu.memory_space<vmem_shared>>
    tpu.wait_indirect_dma semaphore(%arg28 : memref<!tpu.dma_semaphore, #tpu.memory_space<semaphore_mem>>) src(%dma_wait3A_249 : memref<1000000xf32, #tpu.memory_space<vmem_shared>>) dst(%dma_wait3A_245 : memref<3200xf32, #tpu.memory_space<vmem>>)
    %parallel_loop3A_250 = arith.constant 0 : i32
    %parallel_loop3A_251 = arith.constant 6400 : i32
    %parallel_loop3A_252 = arith.constant 16 : i32
    scf.for %parallel_loop3A_835 = %parallel_loop3A_250 to %parallel_loop3A_251 step %parallel_loop3A_252  : i32 {
      %parallel_loop3A_836 = arith.index_cast %parallel_loop3A_835 : i32 to index
      %parallel_loop3A_837 = tpu.vector_load %arg15[%parallel_loop3A_836] {strides = array<i32>} : memref<6400xf32, #tpu.memory_space<vmem>>, vector<16xf32>,
      %parallel_loop3A_838 = vector.shape_cast %parallel_loop3A_837 : vector<16xf32> to vector<16xf32>
      %parallel_loop3A_839 = arith.index_cast %parallel_loop3A_835 : i32 to index
      %parallel_loop3A_840 = tpu.vector_load %arg25[%parallel_loop3A_839] {strides = array<i32>} : memref<6400xf32, #tpu.memory_space<vmem>>, vector<16xf32>,
      %parallel_loop3A_841 = vector.shape_cast %parallel_loop3A_840 : vector<16xf32> to vector<16xf32>
      %parallel_loop3A_842 = arith.subf %parallel_loop3A_838, %parallel_loop3A_841 : vector<16xf32>
      %parallel_loop3A_843 = arith.mulf %get3A_159, %parallel_loop3A_842 : vector<16xf32>
      %parallel_loop3A_844 = arith.addf %parallel_loop3A_843, %get3A_162 : vector<16xf32>
      %parallel_loop3A_845 = math.exp %parallel_loop3A_844 : vector<16xf32>
      %parallel_loop3A_846 = arith.constant 1.000000e+00 : f32
      %parallel_loop3A_847 = vector.broadcast %parallel_loop3A_846 : f32 to vector<16xf32>
      %parallel_loop3A_848 = arith.addf %parallel_loop3A_847, %parallel_loop3A_845 : vector<16xf32>
      %parallel_loop3A_849 = arith.divf %get3A_165, %parallel_loop3A_848 : vector<16xf32>
      %parallel_loop3A_850 = arith.index_cast %parallel_loop3A_835 : i32 to index
      %parallel_loop3A_851 = tpu.vector_load %arg26[%parallel_loop3A_850] {strides = array<i32>} : memref<6400xf32, #tpu.memory_space<vmem>>, vector<16xf32>,
      %parallel_loop3A_852 = vector.shape_cast %parallel_loop3A_851 : vector<16xf32> to vector<16xf32>
      %parallel_loop3A_853 = vector.shape_cast %parallel_loop3A_849 : vector<16xf32> to vector<16xf32>
      tpu.vector_store %arg26[%parallel_loop3A_850], %parallel_loop3A_853 {strides = array<i32>} : memref<6400xf32, #tpu.memory_space<vmem>>, vector<16xf32>,
    } {sc.loop_unroll_factor = 4 : i64, sc.parallel_access}
    %add3A_253 = arith.constant 6400 : i32
    %add3A_254 = arith.addi %mul3A_2, %add3A_253 : i32
    %dma_start3A_255 = tpu.memref_slice %arg6[%add3A_254] : memref<3276800xf32, #tpu.memory_space<hbm>> -> memref<6400xf32, #tpu.memory_space<hbm>>
    %dma_start3A_256 = tpu.memref_slice %arg6[%add3A_254] : memref<3276800xf32, #tpu.memory_space<hbm>> -> memref<6400xf32, #tpu.memory_space<hbm>>
    tpu.enqueue_dma source(%arg26 : memref<6400xf32, #tpu.memory_space<vmem>>) target(%dma_start3A_256 : memref<6400xf32, #tpu.memory_space<hbm>>) target_semaphore(%arg29 : memref<!tpu.dma_semaphore, #tpu.memory_space<semaphore_mem>>)
    %add3A_257 = arith.constant 25600 : i32
    %add3A_258 = arith.addi %mul3A_2, %add3A_257 : i32
    %dma_start3A_259 = tpu.memref_slice %arg3[%add3A_258] : memref<3276800xi32, #tpu.memory_space<hbm>> -> memref<6400xi32, #tpu.memory_space<hbm>>
    %dma_start3A_260 = tpu.memref_slice %arg3[%add3A_258] : memref<3276800xi32, #tpu.memory_space<hbm>> -> memref<6400xi32, #tpu.memory_space<hbm>>
    tpu.enqueue_dma source(%dma_start3A_260 : memref<6400xi32, #tpu.memory_space<hbm>>) target(%arg14 : memref<6400xi32, #tpu.memory_space<vmem>>) target_semaphore(%arg16 : memref<!tpu.dma_semaphore, #tpu.memory_space<semaphore_mem>>)
    %dma_start3A_261 = tpu.memref_slice %arg2[%add3A_258] : memref<3276800xf32, #tpu.memory_space<hbm>> -> memref<6400xf32, #tpu.memory_space<hbm>>
    %dma_start3A_262 = tpu.memref_slice %arg2[%add3A_258] : memref<3276800xf32, #tpu.memory_space<hbm>> -> memref<6400xf32, #tpu.memory_space<hbm>>
    tpu.enqueue_dma source(%dma_start3A_262 : memref<6400xf32, #tpu.memory_space<hbm>>) target(%arg15 : memref<6400xf32, #tpu.memory_space<vmem>>) target_semaphore(%arg16 : memref<!tpu.dma_semaphore, #tpu.memory_space<semaphore_mem>>)
    %dma_wait3A_263 = tpu.memref_slice %arg3[%add3A_217] : memref<3276800xi32, #tpu.memory_space<hbm>> -> memref<6400xi32, #tpu.memory_space<hbm>>
    %dma_wait3A_264 = tpu.memref_slice %arg3[%add3A_217] : memref<3276800xi32, #tpu.memory_space<hbm>> -> memref<6400xi32, #tpu.memory_space<hbm>>
    tpu.wait_dma2 semaphore(%arg13 : memref<!tpu.dma_semaphore, #tpu.memory_space<semaphore_mem>>) src(%dma_wait3A_264 : memref<6400xi32, #tpu.memory_space<hbm>>) dst(%arg11 : memref<6400xi32, #tpu.memory_space<vmem>>)
    %dma_wait3A_265 = tpu.memref_slice %arg2[%add3A_217] : memref<3276800xf32, #tpu.memory_space<hbm>> -> memref<6400xf32, #tpu.memory_space<hbm>>
    %dma_wait3A_266 = tpu.memref_slice %arg2[%add3A_217] : memref<3276800xf32, #tpu.memory_space<hbm>> -> memref<6400xf32, #tpu.memory_space<hbm>>
    tpu.wait_dma2 semaphore(%arg13 : memref<!tpu.dma_semaphore, #tpu.memory_space<semaphore_mem>>) src(%dma_wait3A_266 : memref<6400xf32, #tpu.memory_space<hbm>>) dst(%arg12 : memref<6400xf32, #tpu.memory_space<vmem>>)
    %dma_start3A_267 = arith.constant 0 : i32
    %dma_start3A_268 = tpu.memref_slice %arg25[%dma_start3A_267] : memref<6400xf32, #tpu.memory_space<vmem>> -> memref<3200xf32, #tpu.memory_space<vmem>>
    %dma_start3A_269 = arith.constant 0 : i32
    %dma_start3A_270 = tpu.memref_slice %arg11[%dma_start3A_269] : memref<6400xi32, #tpu.memory_space<vmem>> -> memref<3200xi32, #tpu.memory_space<vmem>>
    %dma_start3A_271 = arith.constant 0 : i32
    %dma_start3A_272 = tpu.memref_slice %arg7[%dma_start3A_271] : memref<1000000xf32, #tpu.memory_space<vmem_shared>> -> memref<1000000xf32, #tpu.memory_space<vmem_shared>>
    tpu.enqueue_indirect_dma source(%dma_start3A_272 : memref<1000000xf32, #tpu.memory_space<vmem_shared>>) target(%dma_start3A_268 : memref<3200xf32, #tpu.memory_space<vmem>>) offsets(%dma_start3A_270 : memref<3200xi32, #tpu.memory_space<vmem>>) semaphore(%arg27 : memref<!tpu.dma_semaphore, #tpu.memory_space<semaphore_mem>>)
    %dma_start3A_273 = arith.constant 3200 : i32
    %dma_start3A_274 = tpu.memref_slice %arg25[%dma_start3A_273] : memref<6400xf32, #tpu.memory_space<vmem>> -> memref<3200xf32, #tpu.memory_space<vmem>>
    %dma_start3A_275 = arith.constant 3200 : i32
    %dma_start3A_276 = tpu.memref_slice %arg11[%dma_start3A_275] : memref<6400xi32, #tpu.memory_space<vmem>> -> memref<3200xi32, #tpu.memory_space<vmem>>
    %dma_start3A_277 = arith.constant 0 : i32
    %dma_start3A_278 = tpu.memref_slice %arg7[%dma_start3A_277] : memref<1000000xf32, #tpu.memory_space<vmem_shared>> -> memref<1000000xf32, #tpu.memory_space<vmem_shared>>
    tpu.enqueue_indirect_dma source(%dma_start3A_278 : memref<1000000xf32, #tpu.memory_space<vmem_shared>>) target(%dma_start3A_274 : memref<3200xf32, #tpu.memory_space<vmem>>) offsets(%dma_start3A_276 : memref<3200xi32, #tpu.memory_space<vmem>>) semaphore(%arg28 : memref<!tpu.dma_semaphore, #tpu.memory_space<semaphore_mem>>)
    %dma_wait3A_279 = arith.constant 0 : i32
    %dma_wait3A_280 = tpu.memref_slice %arg20[%dma_wait3A_279] : memref<6400xf32, #tpu.memory_space<vmem>> -> memref<3200xf32, #tpu.memory_space<vmem>>
    %dma_wait3A_281 = arith.constant 0 : i32
    %dma_wait3A_282 = tpu.memref_slice %arg17[%dma_wait3A_281] : memref<6400xi32, #tpu.memory_space<vmem>> -> memref<3200xi32, #tpu.memory_space<vmem>>
    %dma_wait3A_283 = arith.constant 0 : i32
    %dma_wait3A_284 = tpu.memref_slice %arg7[%dma_wait3A_283] : memref<1000000xf32, #tpu.memory_space<vmem_shared>> -> memref<1000000xf32, #tpu.memory_space<vmem_shared>>
    tpu.wait_indirect_dma semaphore(%arg22 : memref<!tpu.dma_semaphore, #tpu.memory_space<semaphore_mem>>) src(%dma_wait3A_284 : memref<1000000xf32, #tpu.memory_space<vmem_shared>>) dst(%dma_wait3A_280 : memref<3200xf32, #tpu.memory_space<vmem>>)
    %dma_wait3A_285 = arith.constant 3200 : i32
    %dma_wait3A_286 = tpu.memref_slice %arg20[%dma_wait3A_285] : memref<6400xf32, #tpu.memory_space<vmem>> -> memref<3200xf32, #tpu.memory_space<vmem>>
    %dma_wait3A_287 = arith.constant 3200 : i32
    %dma_wait3A_288 = tpu.memref_slice %arg17[%dma_wait3A_287] : memref<6400xi32, #tpu.memory_space<vmem>> -> memref<3200xi32, #tpu.memory_space<vmem>>
    %dma_wait3A_289 = arith.constant 0 : i32
    %dma_wait3A_290 = tpu.memref_slice %arg7[%dma_wait3A_289] : memref<1000000xf32, #tpu.memory_space<vmem_shared>> -> memref<1000000xf32, #tpu.memory_space<vmem_shared>>
    tpu.wait_indirect_dma semaphore(%arg23 : memref<!tpu.dma_semaphore, #tpu.memory_space<semaphore_mem>>) src(%dma_wait3A_290 : memref<1000000xf32, #tpu.memory_space<vmem_shared>>) dst(%dma_wait3A_286 : memref<3200xf32, #tpu.memory_space<vmem>>)
    %dma_wait3A_291 = tpu.memref_slice %arg6[%add3A_213] : memref<3276800xf32, #tpu.memory_space<hbm>> -> memref<6400xf32, #tpu.memory_space<hbm>>
    %dma_wait3A_292 = tpu.memref_slice %arg6[%add3A_213] : memref<3276800xf32, #tpu.memory_space<hbm>> -> memref<6400xf32, #tpu.memory_space<hbm>>
    tpu.wait_dma2 semaphore(%arg24 : memref<!tpu.dma_semaphore, #tpu.memory_space<semaphore_mem>>) src(%arg21 : memref<6400xf32, #tpu.memory_space<vmem>>) dst(%dma_wait3A_292 : memref<6400xf32, #tpu.memory_space<hbm>>)
    %parallel_loop3A_293 = arith.constant 0 : i32
    %parallel_loop3A_294 = arith.constant 6400 : i32
    %parallel_loop3A_295 = arith.constant 16 : i32
    scf.for %parallel_loop3A_835 = %parallel_loop3A_293 to %parallel_loop3A_294 step %parallel_loop3A_295  : i32 {
      %parallel_loop3A_836 = arith.index_cast %parallel_loop3A_835 : i32 to index
      %parallel_loop3A_837 = tpu.vector_load %arg18[%parallel_loop3A_836] {strides = array<i32>} : memref<6400xf32, #tpu.memory_space<vmem>>, vector<16xf32>,
      %parallel_loop3A_838 = vector.shape_cast %parallel_loop3A_837 : vector<16xf32> to vector<16xf32>
      %parallel_loop3A_839 = arith.index_cast %parallel_loop3A_835 : i32 to index
      %parallel_loop3A_840 = tpu.vector_load %arg20[%parallel_loop3A_839] {strides = array<i32>} : memref<6400xf32, #tpu.memory_space<vmem>>, vector<16xf32>,
      %parallel_loop3A_841 = vector.shape_cast %parallel_loop3A_840 : vector<16xf32> to vector<16xf32>
      %parallel_loop3A_842 = arith.subf %parallel_loop3A_838, %parallel_loop3A_841 : vector<16xf32>
      %parallel_loop3A_843 = arith.mulf %get3A_159, %parallel_loop3A_842 : vector<16xf32>
      %parallel_loop3A_844 = arith.addf %parallel_loop3A_843, %get3A_162 : vector<16xf32>
      %parallel_loop3A_845 = math.exp %parallel_loop3A_844 : vector<16xf32>
      %parallel_loop3A_846 = arith.constant 1.000000e+00 : f32
      %parallel_loop3A_847 = vector.broadcast %parallel_loop3A_846 : f32 to vector<16xf32>
      %parallel_loop3A_848 = arith.addf %parallel_loop3A_847, %parallel_loop3A_845 : vector<16xf32>
      %parallel_loop3A_849 = arith.divf %get3A_165, %parallel_loop3A_848 : vector<16xf32>
      %parallel_loop3A_850 = arith.index_cast %parallel_loop3A_835 : i32 to index
      %parallel_loop3A_851 = tpu.vector_load %arg21[%parallel_loop3A_850] {strides = array<i32>} : memref<6400xf32, #tpu.memory_space<vmem>>, vector<16xf32>,
      %parallel_loop3A_852 = vector.shape_cast %parallel_loop3A_851 : vector<16xf32> to vector<16xf32>
      %parallel_loop3A_853 = vector.shape_cast %parallel_loop3A_849 : vector<16xf32> to vector<16xf32>
      tpu.vector_store %arg21[%parallel_loop3A_850], %parallel_loop3A_853 {strides = array<i32>} : memref<6400xf32, #tpu.memory_space<vmem>>, vector<16xf32>,
    } {sc.loop_unroll_factor = 4 : i64, sc.parallel_access}
    %add3A_296 = arith.constant 12800 : i32
    %add3A_297 = arith.addi %mul3A_2, %add3A_296 : i32
    %dma_start3A_298 = tpu.memref_slice %arg6[%add3A_297] : memref<3276800xf32, #tpu.memory_space<hbm>> -> memref<6400xf32, #tpu.memory_space<hbm>>
    %dma_start3A_299 = tpu.memref_slice %arg6[%add3A_297] : memref<3276800xf32, #tpu.memory_space<hbm>> -> memref<6400xf32, #tpu.memory_space<hbm>>
    tpu.enqueue_dma source(%arg21 : memref<6400xf32, #tpu.memory_space<vmem>>) target(%dma_start3A_299 : memref<6400xf32, #tpu.memory_space<hbm>>) target_semaphore(%arg24 : memref<!tpu.dma_semaphore, #tpu.memory_space<semaphore_mem>>)
    %add3A_300 = arith.constant 32000 : i32
    %add3A_301 = arith.addi %mul3A_2, %add3A_300 : i32
    %dma_start3A_302 = tpu.memref_slice %arg3[%add3A_301] : memref<3276800xi32, #tpu.memory_space<hbm>> -> memref<6400xi32, #tpu.memory_space<hbm>>
    %dma_start3A_303 = tpu.memref_slice %arg3[%add3A_301] : memref<3276800xi32, #tpu.memory_space<hbm>> -> memref<6400xi32, #tpu.memory_space<hbm>>
    tpu.enqueue_dma source(%dma_start3A_303 : memref<6400xi32, #tpu.memory_space<hbm>>) target(%arg17 : memref<6400xi32, #tpu.memory_space<vmem>>) target_semaphore(%arg19 : memref<!tpu.dma_semaphore, #tpu.memory_space<semaphore_mem>>)
    %dma_start3A_304 = tpu.memref_slice %arg2[%add3A_301] : memref<3276800xf32, #tpu.memory_space<hbm>> -> memref<6400xf32, #tpu.memory_space<hbm>>
    %dma_start3A_305 = tpu.memref_slice %arg2[%add3A_301] : memref<3276800xf32, #tpu.memory_space<hbm>> -> memref<6400xf32, #tpu.memory_space<hbm>>
    tpu.enqueue_dma source(%dma_start3A_305 : memref<6400xf32, #tpu.memory_space<hbm>>) target(%arg18 : memref<6400xf32, #tpu.memory_space<vmem>>) target_semaphore(%arg19 : memref<!tpu.dma_semaphore, #tpu.memory_space<semaphore_mem>>)
    %dma_wait3A_306 = tpu.memref_slice %arg3[%add3A_258] : memref<3276800xi32, #tpu.memory_space<hbm>> -> memref<6400xi32, #tpu.memory_space<hbm>>
    %dma_wait3A_307 = tpu.memref_slice %arg3[%add3A_258] : memref<3276800xi32, #tpu.memory_space<hbm>> -> memref<6400xi32, #tpu.memory_space<hbm>>
    tpu.wait_dma2 semaphore(%arg16 : memref<!tpu.dma_semaphore, #tpu.memory_space<semaphore_mem>>) src(%dma_wait3A_307 : memref<6400xi32, #tpu.memory_space<hbm>>) dst(%arg14 : memref<6400xi32, #tpu.memory_space<vmem>>)
    %dma_wait3A_308 = tpu.memref_slice %arg2[%add3A_258] : memref<3276800xf32, #tpu.memory_space<hbm>> -> memref<6400xf32, #tpu.memory_space<hbm>>
    %dma_wait3A_309 = tpu.memref_slice %arg2[%add3A_258] : memref<3276800xf32, #tpu.memory_space<hbm>> -> memref<6400xf32, #tpu.memory_space<hbm>>
    tpu.wait_dma2 semaphore(%arg16 : memref<!tpu.dma_semaphore, #tpu.memory_space<semaphore_mem>>) src(%dma_wait3A_309 : memref<6400xf32, #tpu.memory_space<hbm>>) dst(%arg15 : memref<6400xf32, #tpu.memory_space<vmem>>)
    %dma_start3A_310 = arith.constant 0 : i32
    %dma_start3A_311 = tpu.memref_slice %arg20[%dma_start3A_310] : memref<6400xf32, #tpu.memory_space<vmem>> -> memref<3200xf32, #tpu.memory_space<vmem>>
    %dma_start3A_312 = arith.constant 0 : i32
    %dma_start3A_313 = tpu.memref_slice %arg14[%dma_start3A_312] : memref<6400xi32, #tpu.memory_space<vmem>> -> memref<3200xi32, #tpu.memory_space<vmem>>
    %dma_start3A_314 = arith.constant 0 : i32
    %dma_start3A_315 = tpu.memref_slice %arg7[%dma_start3A_314] : memref<1000000xf32, #tpu.memory_space<vmem_shared>> -> memref<1000000xf32, #tpu.memory_space<vmem_shared>>
    tpu.enqueue_indirect_dma source(%dma_start3A_315 : memref<1000000xf32, #tpu.memory_space<vmem_shared>>) target(%dma_start3A_311 : memref<3200xf32, #tpu.memory_space<vmem>>) offsets(%dma_start3A_313 : memref<3200xi32, #tpu.memory_space<vmem>>) semaphore(%arg22 : memref<!tpu.dma_semaphore, #tpu.memory_space<semaphore_mem>>)
    %dma_start3A_316 = arith.constant 3200 : i32
    %dma_start3A_317 = tpu.memref_slice %arg20[%dma_start3A_316] : memref<6400xf32, #tpu.memory_space<vmem>> -> memref<3200xf32, #tpu.memory_space<vmem>>
    %dma_start3A_318 = arith.constant 3200 : i32
    %dma_start3A_319 = tpu.memref_slice %arg14[%dma_start3A_318] : memref<6400xi32, #tpu.memory_space<vmem>> -> memref<3200xi32, #tpu.memory_space<vmem>>
    %dma_start3A_320 = arith.constant 0 : i32
    %dma_start3A_321 = tpu.memref_slice %arg7[%dma_start3A_320] : memref<1000000xf32, #tpu.memory_space<vmem_shared>> -> memref<1000000xf32, #tpu.memory_space<vmem_shared>>
    tpu.enqueue_indirect_dma source(%dma_start3A_321 : memref<1000000xf32, #tpu.memory_space<vmem_shared>>) target(%dma_start3A_317 : memref<3200xf32, #tpu.memory_space<vmem>>) offsets(%dma_start3A_319 : memref<3200xi32, #tpu.memory_space<vmem>>) semaphore(%arg23 : memref<!tpu.dma_semaphore, #tpu.memory_space<semaphore_mem>>)
    %dma_wait3A_322 = arith.constant 0 : i32
    %dma_wait3A_323 = tpu.memref_slice %arg25[%dma_wait3A_322] : memref<6400xf32, #tpu.memory_space<vmem>> -> memref<3200xf32, #tpu.memory_space<vmem>>
    %dma_wait3A_324 = arith.constant 0 : i32
    %dma_wait3A_325 = tpu.memref_slice %arg11[%dma_wait3A_324] : memref<6400xi32, #tpu.memory_space<vmem>> -> memref<3200xi32, #tpu.memory_space<vmem>>
    %dma_wait3A_326 = arith.constant 0 : i32
    %dma_wait3A_327 = tpu.memref_slice %arg7[%dma_wait3A_326] : memref<1000000xf32, #tpu.memory_space<vmem_shared>> -> memref<1000000xf32, #tpu.memory_space<vmem_shared>>
    tpu.wait_indirect_dma semaphore(%arg27 : memref<!tpu.dma_semaphore, #tpu.memory_space<semaphore_mem>>) src(%dma_wait3A_327 : memref<1000000xf32, #tpu.memory_space<vmem_shared>>) dst(%dma_wait3A_323 : memref<3200xf32, #tpu.memory_space<vmem>>)
    %dma_wait3A_328 = arith.constant 3200 : i32
    %dma_wait3A_329 = tpu.memref_slice %arg25[%dma_wait3A_328] : memref<6400xf32, #tpu.memory_space<vmem>> -> memref<3200xf32, #tpu.memory_space<vmem>>
    %dma_wait3A_330 = arith.constant 3200 : i32
    %dma_wait3A_331 = tpu.memref_slice %arg11[%dma_wait3A_330] : memref<6400xi32, #tpu.memory_space<vmem>> -> memref<3200xi32, #tpu.memory_space<vmem>>
    %dma_wait3A_332 = arith.constant 0 : i32
    %dma_wait3A_333 = tpu.memref_slice %arg7[%dma_wait3A_332] : memref<1000000xf32, #tpu.memory_space<vmem_shared>> -> memref<1000000xf32, #tpu.memory_space<vmem_shared>>
    tpu.wait_indirect_dma semaphore(%arg28 : memref<!tpu.dma_semaphore, #tpu.memory_space<semaphore_mem>>) src(%dma_wait3A_333 : memref<1000000xf32, #tpu.memory_space<vmem_shared>>) dst(%dma_wait3A_329 : memref<3200xf32, #tpu.memory_space<vmem>>)
    %dma_wait3A_334 = tpu.memref_slice %arg6[%add3A_254] : memref<3276800xf32, #tpu.memory_space<hbm>> -> memref<6400xf32, #tpu.memory_space<hbm>>
    %dma_wait3A_335 = tpu.memref_slice %arg6[%add3A_254] : memref<3276800xf32, #tpu.memory_space<hbm>> -> memref<6400xf32, #tpu.memory_space<hbm>>
    tpu.wait_dma2 semaphore(%arg29 : memref<!tpu.dma_semaphore, #tpu.memory_space<semaphore_mem>>) src(%arg26 : memref<6400xf32, #tpu.memory_space<vmem>>) dst(%dma_wait3A_335 : memref<6400xf32, #tpu.memory_space<hbm>>)
    %parallel_loop3A_336 = arith.constant 0 : i32
    %parallel_loop3A_337 = arith.constant 6400 : i32
    %parallel_loop3A_338 = arith.constant 16 : i32
    scf.for %parallel_loop3A_835 = %parallel_loop3A_336 to %parallel_loop3A_337 step %parallel_loop3A_338  : i32 {
      %parallel_loop3A_836 = arith.index_cast %parallel_loop3A_835 : i32 to index
      %parallel_loop3A_837 = tpu.vector_load %arg12[%parallel_loop3A_836] {strides = array<i32>} : memref<6400xf32, #tpu.memory_space<vmem>>, vector<16xf32>,
      %parallel_loop3A_838 = vector.shape_cast %parallel_loop3A_837 : vector<16xf32> to vector<16xf32>
      %parallel_loop3A_839 = arith.index_cast %parallel_loop3A_835 : i32 to index
      %parallel_loop3A_840 = tpu.vector_load %arg25[%parallel_loop3A_839] {strides = array<i32>} : memref<6400xf32, #tpu.memory_space<vmem>>, vector<16xf32>,
      %parallel_loop3A_841 = vector.shape_cast %parallel_loop3A_840 : vector<16xf32> to vector<16xf32>
      %parallel_loop3A_842 = arith.subf %parallel_loop3A_838, %parallel_loop3A_841 : vector<16xf32>
      %parallel_loop3A_843 = arith.mulf %get3A_159, %parallel_loop3A_842 : vector<16xf32>
      %parallel_loop3A_844 = arith.addf %parallel_loop3A_843, %get3A_162 : vector<16xf32>
      %parallel_loop3A_845 = math.exp %parallel_loop3A_844 : vector<16xf32>
      %parallel_loop3A_846 = arith.constant 1.000000e+00 : f32
      %parallel_loop3A_847 = vector.broadcast %parallel_loop3A_846 : f32 to vector<16xf32>
      %parallel_loop3A_848 = arith.addf %parallel_loop3A_847, %parallel_loop3A_845 : vector<16xf32>
      %parallel_loop3A_849 = arith.divf %get3A_165, %parallel_loop3A_848 : vector<16xf32>
      %parallel_loop3A_850 = arith.index_cast %parallel_loop3A_835 : i32 to index
      %parallel_loop3A_851 = tpu.vector_load %arg26[%parallel_loop3A_850] {strides = array<i32>} : memref<6400xf32, #tpu.memory_space<vmem>>, vector<16xf32>,
      %parallel_loop3A_852 = vector.shape_cast %parallel_loop3A_851 : vector<16xf32> to vector<16xf32>
      %parallel_loop3A_853 = vector.shape_cast %parallel_loop3A_849 : vector<16xf32> to vector<16xf32>
      tpu.vector_store %arg26[%parallel_loop3A_850], %parallel_loop3A_853 {strides = array<i32>} : memref<6400xf32, #tpu.memory_space<vmem>>, vector<16xf32>,
    } {sc.loop_unroll_factor = 4 : i64, sc.parallel_access}
    %add3A_339 = arith.constant 19200 : i32
    %add3A_340 = arith.addi %mul3A_2, %add3A_339 : i32
    %dma_start3A_341 = tpu.memref_slice %arg6[%add3A_340] : memref<3276800xf32, #tpu.memory_space<hbm>> -> memref<6400xf32, #tpu.memory_space<hbm>>
    %dma_start3A_342 = tpu.memref_slice %arg6[%add3A_340] : memref<3276800xf32, #tpu.memory_space<hbm>> -> memref<6400xf32, #tpu.memory_space<hbm>>
    tpu.enqueue_dma source(%arg26 : memref<6400xf32, #tpu.memory_space<vmem>>) target(%dma_start3A_342 : memref<6400xf32, #tpu.memory_space<hbm>>) target_semaphore(%arg29 : memref<!tpu.dma_semaphore, #tpu.memory_space<semaphore_mem>>)
    %add3A_343 = arith.constant 38400 : i32
    %add3A_344 = arith.addi %mul3A_2, %add3A_343 : i32
    %dma_start3A_345 = tpu.memref_slice %arg3[%add3A_344] : memref<3276800xi32, #tpu.memory_space<hbm>> -> memref<6400xi32, #tpu.memory_space<hbm>>
    %dma_start3A_346 = tpu.memref_slice %arg3[%add3A_344] : memref<3276800xi32, #tpu.memory_space<hbm>> -> memref<6400xi32, #tpu.memory_space<hbm>>
    tpu.enqueue_dma source(%dma_start3A_346 : memref<6400xi32, #tpu.memory_space<hbm>>) target(%arg11 : memref<6400xi32, #tpu.memory_space<vmem>>) target_semaphore(%arg13 : memref<!tpu.dma_semaphore, #tpu.memory_space<semaphore_mem>>)
    %dma_start3A_347 = tpu.memref_slice %arg2[%add3A_344] : memref<3276800xf32, #tpu.memory_space<hbm>> -> memref<6400xf32, #tpu.memory_space<hbm>>
    %dma_start3A_348 = tpu.memref_slice %arg2[%add3A_344] : memref<3276800xf32, #tpu.memory_space<hbm>> -> memref<6400xf32, #tpu.memory_space<hbm>>
    tpu.enqueue_dma source(%dma_start3A_348 : memref<6400xf32, #tpu.memory_space<hbm>>) target(%arg12 : memref<6400xf32, #tpu.memory_space<vmem>>) target_semaphore(%arg13 : memref<!tpu.dma_semaphore, #tpu.memory_space<semaphore_mem>>)
    %dma_wait3A_349 = tpu.memref_slice %arg3[%add3A_301] : memref<3276800xi32, #tpu.memory_space<hbm>> -> memref<6400xi32, #tpu.memory_space<hbm>>
    %dma_wait3A_350 = tpu.memref_slice %arg3[%add3A_301] : memref<3276800xi32, #tpu.memory_space<hbm>> -> memref<6400xi32, #tpu.memory_space<hbm>>
    tpu.wait_dma2 semaphore(%arg19 : memref<!tpu.dma_semaphore, #tpu.memory_space<semaphore_mem>>) src(%dma_wait3A_350 : memref<6400xi32, #tpu.memory_space<hbm>>) dst(%arg17 : memref<6400xi32, #tpu.memory_space<vmem>>)
    %dma_wait3A_351 = tpu.memref_slice %arg2[%add3A_301] : memref<3276800xf32, #tpu.memory_space<hbm>> -> memref<6400xf32, #tpu.memory_space<hbm>>
    %dma_wait3A_352 = tpu.memref_slice %arg2[%add3A_301] : memref<3276800xf32, #tpu.memory_space<hbm>> -> memref<6400xf32, #tpu.memory_space<hbm>>
    tpu.wait_dma2 semaphore(%arg19 : memref<!tpu.dma_semaphore, #tpu.memory_space<semaphore_mem>>) src(%dma_wait3A_352 : memref<6400xf32, #tpu.memory_space<hbm>>) dst(%arg18 : memref<6400xf32, #tpu.memory_space<vmem>>)
    %dma_start3A_353 = arith.constant 0 : i32
    %dma_start3A_354 = tpu.memref_slice %arg25[%dma_start3A_353] : memref<6400xf32, #tpu.memory_space<vmem>> -> memref<3200xf32, #tpu.memory_space<vmem>>
    %dma_start3A_355 = arith.constant 0 : i32
    %dma_start3A_356 = tpu.memref_slice %arg17[%dma_start3A_355] : memref<6400xi32, #tpu.memory_space<vmem>> -> memref<3200xi32, #tpu.memory_space<vmem>>
    %dma_start3A_357 = arith.constant 0 : i32
    %dma_start3A_358 = tpu.memref_slice %arg7[%dma_start3A_357] : memref<1000000xf32, #tpu.memory_space<vmem_shared>> -> memref<1000000xf32, #tpu.memory_space<vmem_shared>>
    tpu.enqueue_indirect_dma source(%dma_start3A_358 : memref<1000000xf32, #tpu.memory_space<vmem_shared>>) target(%dma_start3A_354 : memref<3200xf32, #tpu.memory_space<vmem>>) offsets(%dma_start3A_356 : memref<3200xi32, #tpu.memory_space<vmem>>) semaphore(%arg27 : memref<!tpu.dma_semaphore, #tpu.memory_space<semaphore_mem>>)
    %dma_start3A_359 = arith.constant 3200 : i32
    %dma_start3A_360 = tpu.memref_slice %arg25[%dma_start3A_359] : memref<6400xf32, #tpu.memory_space<vmem>> -> memref<3200xf32, #tpu.memory_space<vmem>>
    %dma_start3A_361 = arith.constant 3200 : i32
    %dma_start3A_362 = tpu.memref_slice %arg17[%dma_start3A_361] : memref<6400xi32, #tpu.memory_space<vmem>> -> memref<3200xi32, #tpu.memory_space<vmem>>
    %dma_start3A_363 = arith.constant 0 : i32
    %dma_start3A_364 = tpu.memref_slice %arg7[%dma_start3A_363] : memref<1000000xf32, #tpu.memory_space<vmem_shared>> -> memref<1000000xf32, #tpu.memory_space<vmem_shared>>
    tpu.enqueue_indirect_dma source(%dma_start3A_364 : memref<1000000xf32, #tpu.memory_space<vmem_shared>>) target(%dma_start3A_360 : memref<3200xf32, #tpu.memory_space<vmem>>) offsets(%dma_start3A_362 : memref<3200xi32, #tpu.memory_space<vmem>>) semaphore(%arg28 : memref<!tpu.dma_semaphore, #tpu.memory_space<semaphore_mem>>)
    %dma_wait3A_365 = arith.constant 0 : i32
    %dma_wait3A_366 = tpu.memref_slice %arg20[%dma_wait3A_365] : memref<6400xf32, #tpu.memory_space<vmem>> -> memref<3200xf32, #tpu.memory_space<vmem>>
    %dma_wait3A_367 = arith.constant 0 : i32
    %dma_wait3A_368 = tpu.memref_slice %arg14[%dma_wait3A_367] : memref<6400xi32, #tpu.memory_space<vmem>> -> memref<3200xi32, #tpu.memory_space<vmem>>
    %dma_wait3A_369 = arith.constant 0 : i32
    %dma_wait3A_370 = tpu.memref_slice %arg7[%dma_wait3A_369] : memref<1000000xf32, #tpu.memory_space<vmem_shared>> -> memref<1000000xf32, #tpu.memory_space<vmem_shared>>
    tpu.wait_indirect_dma semaphore(%arg22 : memref<!tpu.dma_semaphore, #tpu.memory_space<semaphore_mem>>) src(%dma_wait3A_370 : memref<1000000xf32, #tpu.memory_space<vmem_shared>>) dst(%dma_wait3A_366 : memref<3200xf32, #tpu.memory_space<vmem>>)
    %dma_wait3A_371 = arith.constant 3200 : i32
    %dma_wait3A_372 = tpu.memref_slice %arg20[%dma_wait3A_371] : memref<6400xf32, #tpu.memory_space<vmem>> -> memref<3200xf32, #tpu.memory_space<vmem>>
    %dma_wait3A_373 = arith.constant 3200 : i32
    %dma_wait3A_374 = tpu.memref_slice %arg14[%dma_wait3A_373] : memref<6400xi32, #tpu.memory_space<vmem>> -> memref<3200xi32, #tpu.memory_space<vmem>>
    %dma_wait3A_375 = arith.constant 0 : i32
    %dma_wait3A_376 = tpu.memref_slice %arg7[%dma_wait3A_375] : memref<1000000xf32, #tpu.memory_space<vmem_shared>> -> memref<1000000xf32, #tpu.memory_space<vmem_shared>>
    tpu.wait_indirect_dma semaphore(%arg23 : memref<!tpu.dma_semaphore, #tpu.memory_space<semaphore_mem>>) src(%dma_wait3A_376 : memref<1000000xf32, #tpu.memory_space<vmem_shared>>) dst(%dma_wait3A_372 : memref<3200xf32, #tpu.memory_space<vmem>>)
    %dma_wait3A_377 = tpu.memref_slice %arg6[%add3A_297] : memref<3276800xf32, #tpu.memory_space<hbm>> -> memref<6400xf32, #tpu.memory_space<hbm>>
    %dma_wait3A_378 = tpu.memref_slice %arg6[%add3A_297] : memref<3276800xf32, #tpu.memory_space<hbm>> -> memref<6400xf32, #tpu.memory_space<hbm>>
    tpu.wait_dma2 semaphore(%arg24 : memref<!tpu.dma_semaphore, #tpu.memory_space<semaphore_mem>>) src(%arg21 : memref<6400xf32, #tpu.memory_space<vmem>>) dst(%dma_wait3A_378 : memref<6400xf32, #tpu.memory_space<hbm>>)
    %parallel_loop3A_379 = arith.constant 0 : i32
    %parallel_loop3A_380 = arith.constant 6400 : i32
    %parallel_loop3A_381 = arith.constant 16 : i32
    scf.for %parallel_loop3A_835 = %parallel_loop3A_379 to %parallel_loop3A_380 step %parallel_loop3A_381  : i32 {
      %parallel_loop3A_836 = arith.index_cast %parallel_loop3A_835 : i32 to index
      %parallel_loop3A_837 = tpu.vector_load %arg15[%parallel_loop3A_836] {strides = array<i32>} : memref<6400xf32, #tpu.memory_space<vmem>>, vector<16xf32>,
      %parallel_loop3A_838 = vector.shape_cast %parallel_loop3A_837 : vector<16xf32> to vector<16xf32>
      %parallel_loop3A_839 = arith.index_cast %parallel_loop3A_835 : i32 to index
      %parallel_loop3A_840 = tpu.vector_load %arg20[%parallel_loop3A_839] {strides = array<i32>} : memref<6400xf32, #tpu.memory_space<vmem>>, vector<16xf32>,
      %parallel_loop3A_841 = vector.shape_cast %parallel_loop3A_840 : vector<16xf32> to vector<16xf32>
      %parallel_loop3A_842 = arith.subf %parallel_loop3A_838, %parallel_loop3A_841 : vector<16xf32>
      %parallel_loop3A_843 = arith.mulf %get3A_159, %parallel_loop3A_842 : vector<16xf32>
      %parallel_loop3A_844 = arith.addf %parallel_loop3A_843, %get3A_162 : vector<16xf32>
      %parallel_loop3A_845 = math.exp %parallel_loop3A_844 : vector<16xf32>
      %parallel_loop3A_846 = arith.constant 1.000000e+00 : f32
      %parallel_loop3A_847 = vector.broadcast %parallel_loop3A_846 : f32 to vector<16xf32>
      %parallel_loop3A_848 = arith.addf %parallel_loop3A_847, %parallel_loop3A_845 : vector<16xf32>
      %parallel_loop3A_849 = arith.divf %get3A_165, %parallel_loop3A_848 : vector<16xf32>
      %parallel_loop3A_850 = arith.index_cast %parallel_loop3A_835 : i32 to index
      %parallel_loop3A_851 = tpu.vector_load %arg21[%parallel_loop3A_850] {strides = array<i32>} : memref<6400xf32, #tpu.memory_space<vmem>>, vector<16xf32>,
      %parallel_loop3A_852 = vector.shape_cast %parallel_loop3A_851 : vector<16xf32> to vector<16xf32>
      %parallel_loop3A_853 = vector.shape_cast %parallel_loop3A_849 : vector<16xf32> to vector<16xf32>
      tpu.vector_store %arg21[%parallel_loop3A_850], %parallel_loop3A_853 {strides = array<i32>} : memref<6400xf32, #tpu.memory_space<vmem>>, vector<16xf32>,
    } {sc.loop_unroll_factor = 4 : i64, sc.parallel_access}
    %add3A_382 = arith.constant 25600 : i32
    %add3A_383 = arith.addi %mul3A_2, %add3A_382 : i32
    %dma_start3A_384 = tpu.memref_slice %arg6[%add3A_383] : memref<3276800xf32, #tpu.memory_space<hbm>> -> memref<6400xf32, #tpu.memory_space<hbm>>
    %dma_start3A_385 = tpu.memref_slice %arg6[%add3A_383] : memref<3276800xf32, #tpu.memory_space<hbm>> -> memref<6400xf32, #tpu.memory_space<hbm>>
    tpu.enqueue_dma source(%arg21 : memref<6400xf32, #tpu.memory_space<vmem>>) target(%dma_start3A_385 : memref<6400xf32, #tpu.memory_space<hbm>>) target_semaphore(%arg24 : memref<!tpu.dma_semaphore, #tpu.memory_space<semaphore_mem>>)
    %add3A_386 = arith.constant 44800 : i32
    %add3A_387 = arith.addi %mul3A_2, %add3A_386 : i32
    %dma_start3A_388 = tpu.memref_slice %arg3[%add3A_387] : memref<3276800xi32, #tpu.memory_space<hbm>> -> memref<6400xi32, #tpu.memory_space<hbm>>
    %dma_start3A_389 = tpu.memref_slice %arg3[%add3A_387] : memref<3276800xi32, #tpu.memory_space<hbm>> -> memref<6400xi32, #tpu.memory_space<hbm>>
    tpu.enqueue_dma source(%dma_start3A_389 : memref<6400xi32, #tpu.memory_space<hbm>>) target(%arg14 : memref<6400xi32, #tpu.memory_space<vmem>>) target_semaphore(%arg16 : memref<!tpu.dma_semaphore, #tpu.memory_space<semaphore_mem>>)
    %dma_start3A_390 = tpu.memref_slice %arg2[%add3A_387] : memref<3276800xf32, #tpu.memory_space<hbm>> -> memref<6400xf32, #tpu.memory_space<hbm>>
    %dma_start3A_391 = tpu.memref_slice %arg2[%add3A_387] : memref<3276800xf32, #tpu.memory_space<hbm>> -> memref<6400xf32, #tpu.memory_space<hbm>>
    tpu.enqueue_dma source(%dma_start3A_391 : memref<6400xf32, #tpu.memory_space<hbm>>) target(%arg15 : memref<6400xf32, #tpu.memory_space<vmem>>) target_semaphore(%arg16 : memref<!tpu.dma_semaphore, #tpu.memory_space<semaphore_mem>>)
    %dma_wait3A_392 = tpu.memref_slice %arg3[%add3A_344] : memref<3276800xi32, #tpu.memory_space<hbm>> -> memref<6400xi32, #tpu.memory_space<hbm>>
    %dma_wait3A_393 = tpu.memref_slice %arg3[%add3A_344] : memref<3276800xi32, #tpu.memory_space<hbm>> -> memref<6400xi32, #tpu.memory_space<hbm>>
    tpu.wait_dma2 semaphore(%arg13 : memref<!tpu.dma_semaphore, #tpu.memory_space<semaphore_mem>>) src(%dma_wait3A_393 : memref<6400xi32, #tpu.memory_space<hbm>>) dst(%arg11 : memref<6400xi32, #tpu.memory_space<vmem>>)
    %dma_wait3A_394 = tpu.memref_slice %arg2[%add3A_344] : memref<3276800xf32, #tpu.memory_space<hbm>> -> memref<6400xf32, #tpu.memory_space<hbm>>
    %dma_wait3A_395 = tpu.memref_slice %arg2[%add3A_344] : memref<3276800xf32, #tpu.memory_space<hbm>> -> memref<6400xf32, #tpu.memory_space<hbm>>
    tpu.wait_dma2 semaphore(%arg13 : memref<!tpu.dma_semaphore, #tpu.memory_space<semaphore_mem>>) src(%dma_wait3A_395 : memref<6400xf32, #tpu.memory_space<hbm>>) dst(%arg12 : memref<6400xf32, #tpu.memory_space<vmem>>)
    %dma_start3A_396 = arith.constant 0 : i32
    %dma_start3A_397 = tpu.memref_slice %arg20[%dma_start3A_396] : memref<6400xf32, #tpu.memory_space<vmem>> -> memref<3200xf32, #tpu.memory_space<vmem>>
    %dma_start3A_398 = arith.constant 0 : i32
    %dma_start3A_399 = tpu.memref_slice %arg11[%dma_start3A_398] : memref<6400xi32, #tpu.memory_space<vmem>> -> memref<3200xi32, #tpu.memory_space<vmem>>
    %dma_start3A_400 = arith.constant 0 : i32
    %dma_start3A_401 = tpu.memref_slice %arg7[%dma_start3A_400] : memref<1000000xf32, #tpu.memory_space<vmem_shared>> -> memref<1000000xf32, #tpu.memory_space<vmem_shared>>
    tpu.enqueue_indirect_dma source(%dma_start3A_401 : memref<1000000xf32, #tpu.memory_space<vmem_shared>>) target(%dma_start3A_397 : memref<3200xf32, #tpu.memory_space<vmem>>) offsets(%dma_start3A_399 : memref<3200xi32, #tpu.memory_space<vmem>>) semaphore(%arg22 : memref<!tpu.dma_semaphore, #tpu.memory_space<semaphore_mem>>)
    %dma_start3A_402 = arith.constant 3200 : i32
    %dma_start3A_403 = tpu.memref_slice %arg20[%dma_start3A_402] : memref<6400xf32, #tpu.memory_space<vmem>> -> memref<3200xf32, #tpu.memory_space<vmem>>
    %dma_start3A_404 = arith.constant 3200 : i32
    %dma_start3A_405 = tpu.memref_slice %arg11[%dma_start3A_404] : memref<6400xi32, #tpu.memory_space<vmem>> -> memref<3200xi32, #tpu.memory_space<vmem>>
    %dma_start3A_406 = arith.constant 0 : i32
    %dma_start3A_407 = tpu.memref_slice %arg7[%dma_start3A_406] : memref<1000000xf32, #tpu.memory_space<vmem_shared>> -> memref<1000000xf32, #tpu.memory_space<vmem_shared>>
    tpu.enqueue_indirect_dma source(%dma_start3A_407 : memref<1000000xf32, #tpu.memory_space<vmem_shared>>) target(%dma_start3A_403 : memref<3200xf32, #tpu.memory_space<vmem>>) offsets(%dma_start3A_405 : memref<3200xi32, #tpu.memory_space<vmem>>) semaphore(%arg23 : memref<!tpu.dma_semaphore, #tpu.memory_space<semaphore_mem>>)
    %dma_wait3A_408 = arith.constant 0 : i32
    %dma_wait3A_409 = tpu.memref_slice %arg25[%dma_wait3A_408] : memref<6400xf32, #tpu.memory_space<vmem>> -> memref<3200xf32, #tpu.memory_space<vmem>>
    %dma_wait3A_410 = arith.constant 0 : i32
    %dma_wait3A_411 = tpu.memref_slice %arg17[%dma_wait3A_410] : memref<6400xi32, #tpu.memory_space<vmem>> -> memref<3200xi32, #tpu.memory_space<vmem>>
    %dma_wait3A_412 = arith.constant 0 : i32
    %dma_wait3A_413 = tpu.memref_slice %arg7[%dma_wait3A_412] : memref<1000000xf32, #tpu.memory_space<vmem_shared>> -> memref<1000000xf32, #tpu.memory_space<vmem_shared>>
    tpu.wait_indirect_dma semaphore(%arg27 : memref<!tpu.dma_semaphore, #tpu.memory_space<semaphore_mem>>) src(%dma_wait3A_413 : memref<1000000xf32, #tpu.memory_space<vmem_shared>>) dst(%dma_wait3A_409 : memref<3200xf32, #tpu.memory_space<vmem>>)
    %dma_wait3A_414 = arith.constant 3200 : i32
    %dma_wait3A_415 = tpu.memref_slice %arg25[%dma_wait3A_414] : memref<6400xf32, #tpu.memory_space<vmem>> -> memref<3200xf32, #tpu.memory_space<vmem>>
    %dma_wait3A_416 = arith.constant 3200 : i32
    %dma_wait3A_417 = tpu.memref_slice %arg17[%dma_wait3A_416] : memref<6400xi32, #tpu.memory_space<vmem>> -> memref<3200xi32, #tpu.memory_space<vmem>>
    %dma_wait3A_418 = arith.constant 0 : i32
    %dma_wait3A_419 = tpu.memref_slice %arg7[%dma_wait3A_418] : memref<1000000xf32, #tpu.memory_space<vmem_shared>> -> memref<1000000xf32, #tpu.memory_space<vmem_shared>>
    tpu.wait_indirect_dma semaphore(%arg28 : memref<!tpu.dma_semaphore, #tpu.memory_space<semaphore_mem>>) src(%dma_wait3A_419 : memref<1000000xf32, #tpu.memory_space<vmem_shared>>) dst(%dma_wait3A_415 : memref<3200xf32, #tpu.memory_space<vmem>>)
    %dma_wait3A_420 = tpu.memref_slice %arg6[%add3A_340] : memref<3276800xf32, #tpu.memory_space<hbm>> -> memref<6400xf32, #tpu.memory_space<hbm>>
    %dma_wait3A_421 = tpu.memref_slice %arg6[%add3A_340] : memref<3276800xf32, #tpu.memory_space<hbm>> -> memref<6400xf32, #tpu.memory_space<hbm>>
    tpu.wait_dma2 semaphore(%arg29 : memref<!tpu.dma_semaphore, #tpu.memory_space<semaphore_mem>>) src(%arg26 : memref<6400xf32, #tpu.memory_space<vmem>>) dst(%dma_wait3A_421 : memref<6400xf32, #tpu.memory_space<hbm>>)
    %parallel_loop3A_422 = arith.constant 0 : i32
    %parallel_loop3A_423 = arith.constant 6400 : i32
    %parallel_loop3A_424 = arith.constant 16 : i32
    scf.for %parallel_loop3A_835 = %parallel_loop3A_422 to %parallel_loop3A_423 step %parallel_loop3A_424  : i32 {
      %parallel_loop3A_836 = arith.index_cast %parallel_loop3A_835 : i32 to index
      %parallel_loop3A_837 = tpu.vector_load %arg18[%parallel_loop3A_836] {strides = array<i32>} : memref<6400xf32, #tpu.memory_space<vmem>>, vector<16xf32>,
      %parallel_loop3A_838 = vector.shape_cast %parallel_loop3A_837 : vector<16xf32> to vector<16xf32>
      %parallel_loop3A_839 = arith.index_cast %parallel_loop3A_835 : i32 to index
      %parallel_loop3A_840 = tpu.vector_load %arg25[%parallel_loop3A_839] {strides = array<i32>} : memref<6400xf32, #tpu.memory_space<vmem>>, vector<16xf32>,
      %parallel_loop3A_841 = vector.shape_cast %parallel_loop3A_840 : vector<16xf32> to vector<16xf32>
      %parallel_loop3A_842 = arith.subf %parallel_loop3A_838, %parallel_loop3A_841 : vector<16xf32>
      %parallel_loop3A_843 = arith.mulf %get3A_159, %parallel_loop3A_842 : vector<16xf32>
      %parallel_loop3A_844 = arith.addf %parallel_loop3A_843, %get3A_162 : vector<16xf32>
      %parallel_loop3A_845 = math.exp %parallel_loop3A_844 : vector<16xf32>
      %parallel_loop3A_846 = arith.constant 1.000000e+00 : f32
      %parallel_loop3A_847 = vector.broadcast %parallel_loop3A_846 : f32 to vector<16xf32>
      %parallel_loop3A_848 = arith.addf %parallel_loop3A_847, %parallel_loop3A_845 : vector<16xf32>
      %parallel_loop3A_849 = arith.divf %get3A_165, %parallel_loop3A_848 : vector<16xf32>
      %parallel_loop3A_850 = arith.index_cast %parallel_loop3A_835 : i32 to index
      %parallel_loop3A_851 = tpu.vector_load %arg26[%parallel_loop3A_850] {strides = array<i32>} : memref<6400xf32, #tpu.memory_space<vmem>>, vector<16xf32>,
      %parallel_loop3A_852 = vector.shape_cast %parallel_loop3A_851 : vector<16xf32> to vector<16xf32>
      %parallel_loop3A_853 = vector.shape_cast %parallel_loop3A_849 : vector<16xf32> to vector<16xf32>
      tpu.vector_store %arg26[%parallel_loop3A_850], %parallel_loop3A_853 {strides = array<i32>} : memref<6400xf32, #tpu.memory_space<vmem>>, vector<16xf32>,
    } {sc.loop_unroll_factor = 4 : i64, sc.parallel_access}
    %add3A_425 = arith.constant 32000 : i32
    %add3A_426 = arith.addi %mul3A_2, %add3A_425 : i32
    %dma_start3A_427 = tpu.memref_slice %arg6[%add3A_426] : memref<3276800xf32, #tpu.memory_space<hbm>> -> memref<6400xf32, #tpu.memory_space<hbm>>
    %dma_start3A_428 = tpu.memref_slice %arg6[%add3A_426] : memref<3276800xf32, #tpu.memory_space<hbm>> -> memref<6400xf32, #tpu.memory_space<hbm>>
    tpu.enqueue_dma source(%arg26 : memref<6400xf32, #tpu.memory_space<vmem>>) target(%dma_start3A_428 : memref<6400xf32, #tpu.memory_space<hbm>>) target_semaphore(%arg29 : memref<!tpu.dma_semaphore, #tpu.memory_space<semaphore_mem>>)
    %add3A_429 = arith.constant 51200 : i32
    %add3A_430 = arith.addi %mul3A_2, %add3A_429 : i32
    %dma_start3A_431 = tpu.memref_slice %arg3[%add3A_430] : memref<3276800xi32, #tpu.memory_space<hbm>> -> memref<6400xi32, #tpu.memory_space<hbm>>
    %dma_start3A_432 = tpu.memref_slice %arg3[%add3A_430] : memref<3276800xi32, #tpu.memory_space<hbm>> -> memref<6400xi32, #tpu.memory_space<hbm>>
    tpu.enqueue_dma source(%dma_start3A_432 : memref<6400xi32, #tpu.memory_space<hbm>>) target(%arg17 : memref<6400xi32, #tpu.memory_space<vmem>>) target_semaphore(%arg19 : memref<!tpu.dma_semaphore, #tpu.memory_space<semaphore_mem>>)
    %dma_start3A_433 = tpu.memref_slice %arg2[%add3A_430] : memref<3276800xf32, #tpu.memory_space<hbm>> -> memref<6400xf32, #tpu.memory_space<hbm>>
    %dma_start3A_434 = tpu.memref_slice %arg2[%add3A_430] : memref<3276800xf32, #tpu.memory_space<hbm>> -> memref<6400xf32, #tpu.memory_space<hbm>>
    tpu.enqueue_dma source(%dma_start3A_434 : memref<6400xf32, #tpu.memory_space<hbm>>) target(%arg18 : memref<6400xf32, #tpu.memory_space<vmem>>) target_semaphore(%arg19 : memref<!tpu.dma_semaphore, #tpu.memory_space<semaphore_mem>>)
    %dma_wait3A_435 = tpu.memref_slice %arg3[%add3A_387] : memref<3276800xi32, #tpu.memory_space<hbm>> -> memref<6400xi32, #tpu.memory_space<hbm>>
    %dma_wait3A_436 = tpu.memref_slice %arg3[%add3A_387] : memref<3276800xi32, #tpu.memory_space<hbm>> -> memref<6400xi32, #tpu.memory_space<hbm>>
    tpu.wait_dma2 semaphore(%arg16 : memref<!tpu.dma_semaphore, #tpu.memory_space<semaphore_mem>>) src(%dma_wait3A_436 : memref<6400xi32, #tpu.memory_space<hbm>>) dst(%arg14 : memref<6400xi32, #tpu.memory_space<vmem>>)
    %dma_wait3A_437 = tpu.memref_slice %arg2[%add3A_387] : memref<3276800xf32, #tpu.memory_space<hbm>> -> memref<6400xf32, #tpu.memory_space<hbm>>
    %dma_wait3A_438 = tpu.memref_slice %arg2[%add3A_387] : memref<3276800xf32, #tpu.memory_space<hbm>> -> memref<6400xf32, #tpu.memory_space<hbm>>
    tpu.wait_dma2 semaphore(%arg16 : memref<!tpu.dma_semaphore, #tpu.memory_space<semaphore_mem>>) src(%dma_wait3A_438 : memref<6400xf32, #tpu.memory_space<hbm>>) dst(%arg15 : memref<6400xf32, #tpu.memory_space<vmem>>)
    %dma_start3A_439 = arith.constant 0 : i32
    %dma_start3A_440 = tpu.memref_slice %arg25[%dma_start3A_439] : memref<6400xf32, #tpu.memory_space<vmem>> -> memref<3200xf32, #tpu.memory_space<vmem>>
    %dma_start3A_441 = arith.constant 0 : i32
    %dma_start3A_442 = tpu.memref_slice %arg14[%dma_start3A_441] : memref<6400xi32, #tpu.memory_space<vmem>> -> memref<3200xi32, #tpu.memory_space<vmem>>
    %dma_start3A_443 = arith.constant 0 : i32
    %dma_start3A_444 = tpu.memref_slice %arg7[%dma_start3A_443] : memref<1000000xf32, #tpu.memory_space<vmem_shared>> -> memref<1000000xf32, #tpu.memory_space<vmem_shared>>
    tpu.enqueue_indirect_dma source(%dma_start3A_444 : memref<1000000xf32, #tpu.memory_space<vmem_shared>>) target(%dma_start3A_440 : memref<3200xf32, #tpu.memory_space<vmem>>) offsets(%dma_start3A_442 : memref<3200xi32, #tpu.memory_space<vmem>>) semaphore(%arg27 : memref<!tpu.dma_semaphore, #tpu.memory_space<semaphore_mem>>)
    %dma_start3A_445 = arith.constant 3200 : i32
    %dma_start3A_446 = tpu.memref_slice %arg25[%dma_start3A_445] : memref<6400xf32, #tpu.memory_space<vmem>> -> memref<3200xf32, #tpu.memory_space<vmem>>
    %dma_start3A_447 = arith.constant 3200 : i32
    %dma_start3A_448 = tpu.memref_slice %arg14[%dma_start3A_447] : memref<6400xi32, #tpu.memory_space<vmem>> -> memref<3200xi32, #tpu.memory_space<vmem>>
    %dma_start3A_449 = arith.constant 0 : i32
    %dma_start3A_450 = tpu.memref_slice %arg7[%dma_start3A_449] : memref<1000000xf32, #tpu.memory_space<vmem_shared>> -> memref<1000000xf32, #tpu.memory_space<vmem_shared>>
    tpu.enqueue_indirect_dma source(%dma_start3A_450 : memref<1000000xf32, #tpu.memory_space<vmem_shared>>) target(%dma_start3A_446 : memref<3200xf32, #tpu.memory_space<vmem>>) offsets(%dma_start3A_448 : memref<3200xi32, #tpu.memory_space<vmem>>) semaphore(%arg28 : memref<!tpu.dma_semaphore, #tpu.memory_space<semaphore_mem>>)
    %dma_wait3A_451 = arith.constant 0 : i32
    %dma_wait3A_452 = tpu.memref_slice %arg20[%dma_wait3A_451] : memref<6400xf32, #tpu.memory_space<vmem>> -> memref<3200xf32, #tpu.memory_space<vmem>>
    %dma_wait3A_453 = arith.constant 0 : i32
    %dma_wait3A_454 = tpu.memref_slice %arg11[%dma_wait3A_453] : memref<6400xi32, #tpu.memory_space<vmem>> -> memref<3200xi32, #tpu.memory_space<vmem>>
    %dma_wait3A_455 = arith.constant 0 : i32
    %dma_wait3A_456 = tpu.memref_slice %arg7[%dma_wait3A_455] : memref<1000000xf32, #tpu.memory_space<vmem_shared>> -> memref<1000000xf32, #tpu.memory_space<vmem_shared>>
    tpu.wait_indirect_dma semaphore(%arg22 : memref<!tpu.dma_semaphore, #tpu.memory_space<semaphore_mem>>) src(%dma_wait3A_456 : memref<1000000xf32, #tpu.memory_space<vmem_shared>>) dst(%dma_wait3A_452 : memref<3200xf32, #tpu.memory_space<vmem>>)
    %dma_wait3A_457 = arith.constant 3200 : i32
    %dma_wait3A_458 = tpu.memref_slice %arg20[%dma_wait3A_457] : memref<6400xf32, #tpu.memory_space<vmem>> -> memref<3200xf32, #tpu.memory_space<vmem>>
    %dma_wait3A_459 = arith.constant 3200 : i32
    %dma_wait3A_460 = tpu.memref_slice %arg11[%dma_wait3A_459] : memref<6400xi32, #tpu.memory_space<vmem>> -> memref<3200xi32, #tpu.memory_space<vmem>>
    %dma_wait3A_461 = arith.constant 0 : i32
    %dma_wait3A_462 = tpu.memref_slice %arg7[%dma_wait3A_461] : memref<1000000xf32, #tpu.memory_space<vmem_shared>> -> memref<1000000xf32, #tpu.memory_space<vmem_shared>>
    tpu.wait_indirect_dma semaphore(%arg23 : memref<!tpu.dma_semaphore, #tpu.memory_space<semaphore_mem>>) src(%dma_wait3A_462 : memref<1000000xf32, #tpu.memory_space<vmem_shared>>) dst(%dma_wait3A_458 : memref<3200xf32, #tpu.memory_space<vmem>>)
    %dma_wait3A_463 = tpu.memref_slice %arg6[%add3A_383] : memref<3276800xf32, #tpu.memory_space<hbm>> -> memref<6400xf32, #tpu.memory_space<hbm>>
    %dma_wait3A_464 = tpu.memref_slice %arg6[%add3A_383] : memref<3276800xf32, #tpu.memory_space<hbm>> -> memref<6400xf32, #tpu.memory_space<hbm>>
    tpu.wait_dma2 semaphore(%arg24 : memref<!tpu.dma_semaphore, #tpu.memory_space<semaphore_mem>>) src(%arg21 : memref<6400xf32, #tpu.memory_space<vmem>>) dst(%dma_wait3A_464 : memref<6400xf32, #tpu.memory_space<hbm>>)
    %parallel_loop3A_465 = arith.constant 0 : i32
    %parallel_loop3A_466 = arith.constant 6400 : i32
    %parallel_loop3A_467 = arith.constant 16 : i32
    scf.for %parallel_loop3A_835 = %parallel_loop3A_465 to %parallel_loop3A_466 step %parallel_loop3A_467  : i32 {
      %parallel_loop3A_836 = arith.index_cast %parallel_loop3A_835 : i32 to index
      %parallel_loop3A_837 = tpu.vector_load %arg12[%parallel_loop3A_836] {strides = array<i32>} : memref<6400xf32, #tpu.memory_space<vmem>>, vector<16xf32>,
      %parallel_loop3A_838 = vector.shape_cast %parallel_loop3A_837 : vector<16xf32> to vector<16xf32>
      %parallel_loop3A_839 = arith.index_cast %parallel_loop3A_835 : i32 to index
      %parallel_loop3A_840 = tpu.vector_load %arg20[%parallel_loop3A_839] {strides = array<i32>} : memref<6400xf32, #tpu.memory_space<vmem>>, vector<16xf32>,
      %parallel_loop3A_841 = vector.shape_cast %parallel_loop3A_840 : vector<16xf32> to vector<16xf32>
      %parallel_loop3A_842 = arith.subf %parallel_loop3A_838, %parallel_loop3A_841 : vector<16xf32>
      %parallel_loop3A_843 = arith.mulf %get3A_159, %parallel_loop3A_842 : vector<16xf32>
      %parallel_loop3A_844 = arith.addf %parallel_loop3A_843, %get3A_162 : vector<16xf32>
      %parallel_loop3A_845 = math.exp %parallel_loop3A_844 : vector<16xf32>
      %parallel_loop3A_846 = arith.constant 1.000000e+00 : f32
      %parallel_loop3A_847 = vector.broadcast %parallel_loop3A_846 : f32 to vector<16xf32>
      %parallel_loop3A_848 = arith.addf %parallel_loop3A_847, %parallel_loop3A_845 : vector<16xf32>
      %parallel_loop3A_849 = arith.divf %get3A_165, %parallel_loop3A_848 : vector<16xf32>
      %parallel_loop3A_850 = arith.index_cast %parallel_loop3A_835 : i32 to index
      %parallel_loop3A_851 = tpu.vector_load %arg21[%parallel_loop3A_850] {strides = array<i32>} : memref<6400xf32, #tpu.memory_space<vmem>>, vector<16xf32>,
      %parallel_loop3A_852 = vector.shape_cast %parallel_loop3A_851 : vector<16xf32> to vector<16xf32>
      %parallel_loop3A_853 = vector.shape_cast %parallel_loop3A_849 : vector<16xf32> to vector<16xf32>
      tpu.vector_store %arg21[%parallel_loop3A_850], %parallel_loop3A_853 {strides = array<i32>} : memref<6400xf32, #tpu.memory_space<vmem>>, vector<16xf32>,
    } {sc.loop_unroll_factor = 4 : i64, sc.parallel_access}
    %add3A_468 = arith.constant 38400 : i32
    %add3A_469 = arith.addi %mul3A_2, %add3A_468 : i32
    %dma_start3A_470 = tpu.memref_slice %arg6[%add3A_469] : memref<3276800xf32, #tpu.memory_space<hbm>> -> memref<6400xf32, #tpu.memory_space<hbm>>
    %dma_start3A_471 = tpu.memref_slice %arg6[%add3A_469] : memref<3276800xf32, #tpu.memory_space<hbm>> -> memref<6400xf32, #tpu.memory_space<hbm>>
    tpu.enqueue_dma source(%arg21 : memref<6400xf32, #tpu.memory_space<vmem>>) target(%dma_start3A_471 : memref<6400xf32, #tpu.memory_space<hbm>>) target_semaphore(%arg24 : memref<!tpu.dma_semaphore, #tpu.memory_space<semaphore_mem>>)
    %add3A_472 = arith.constant 57600 : i32
    %add3A_473 = arith.addi %mul3A_2, %add3A_472 : i32
    %dma_start3A_474 = tpu.memref_slice %arg3[%add3A_473] : memref<3276800xi32, #tpu.memory_space<hbm>> -> memref<6400xi32, #tpu.memory_space<hbm>>
    %dma_start3A_475 = tpu.memref_slice %arg3[%add3A_473] : memref<3276800xi32, #tpu.memory_space<hbm>> -> memref<6400xi32, #tpu.memory_space<hbm>>
    tpu.enqueue_dma source(%dma_start3A_475 : memref<6400xi32, #tpu.memory_space<hbm>>) target(%arg11 : memref<6400xi32, #tpu.memory_space<vmem>>) target_semaphore(%arg13 : memref<!tpu.dma_semaphore, #tpu.memory_space<semaphore_mem>>)
    %dma_start3A_476 = tpu.memref_slice %arg2[%add3A_473] : memref<3276800xf32, #tpu.memory_space<hbm>> -> memref<6400xf32, #tpu.memory_space<hbm>>
    %dma_start3A_477 = tpu.memref_slice %arg2[%add3A_473] : memref<3276800xf32, #tpu.memory_space<hbm>> -> memref<6400xf32, #tpu.memory_space<hbm>>
    tpu.enqueue_dma source(%dma_start3A_477 : memref<6400xf32, #tpu.memory_space<hbm>>) target(%arg12 : memref<6400xf32, #tpu.memory_space<vmem>>) target_semaphore(%arg13 : memref<!tpu.dma_semaphore, #tpu.memory_space<semaphore_mem>>)
    %dma_wait3A_478 = tpu.memref_slice %arg3[%add3A_430] : memref<3276800xi32, #tpu.memory_space<hbm>> -> memref<6400xi32, #tpu.memory_space<hbm>>
    %dma_wait3A_479 = tpu.memref_slice %arg3[%add3A_430] : memref<3276800xi32, #tpu.memory_space<hbm>> -> memref<6400xi32, #tpu.memory_space<hbm>>
    tpu.wait_dma2 semaphore(%arg19 : memref<!tpu.dma_semaphore, #tpu.memory_space<semaphore_mem>>) src(%dma_wait3A_479 : memref<6400xi32, #tpu.memory_space<hbm>>) dst(%arg17 : memref<6400xi32, #tpu.memory_space<vmem>>)
    %dma_wait3A_480 = tpu.memref_slice %arg2[%add3A_430] : memref<3276800xf32, #tpu.memory_space<hbm>> -> memref<6400xf32, #tpu.memory_space<hbm>>
    %dma_wait3A_481 = tpu.memref_slice %arg2[%add3A_430] : memref<3276800xf32, #tpu.memory_space<hbm>> -> memref<6400xf32, #tpu.memory_space<hbm>>
    tpu.wait_dma2 semaphore(%arg19 : memref<!tpu.dma_semaphore, #tpu.memory_space<semaphore_mem>>) src(%dma_wait3A_481 : memref<6400xf32, #tpu.memory_space<hbm>>) dst(%arg18 : memref<6400xf32, #tpu.memory_space<vmem>>)
    %dma_start3A_482 = arith.constant 0 : i32
    %dma_start3A_483 = tpu.memref_slice %arg20[%dma_start3A_482] : memref<6400xf32, #tpu.memory_space<vmem>> -> memref<3200xf32, #tpu.memory_space<vmem>>
    %dma_start3A_484 = arith.constant 0 : i32
    %dma_start3A_485 = tpu.memref_slice %arg17[%dma_start3A_484] : memref<6400xi32, #tpu.memory_space<vmem>> -> memref<3200xi32, #tpu.memory_space<vmem>>
    %dma_start3A_486 = arith.constant 0 : i32
    %dma_start3A_487 = tpu.memref_slice %arg7[%dma_start3A_486] : memref<1000000xf32, #tpu.memory_space<vmem_shared>> -> memref<1000000xf32, #tpu.memory_space<vmem_shared>>
    tpu.enqueue_indirect_dma source(%dma_start3A_487 : memref<1000000xf32, #tpu.memory_space<vmem_shared>>) target(%dma_start3A_483 : memref<3200xf32, #tpu.memory_space<vmem>>) offsets(%dma_start3A_485 : memref<3200xi32, #tpu.memory_space<vmem>>) semaphore(%arg22 : memref<!tpu.dma_semaphore, #tpu.memory_space<semaphore_mem>>)
    %dma_start3A_488 = arith.constant 3200 : i32
    %dma_start3A_489 = tpu.memref_slice %arg20[%dma_start3A_488] : memref<6400xf32, #tpu.memory_space<vmem>> -> memref<3200xf32, #tpu.memory_space<vmem>>
    %dma_start3A_490 = arith.constant 3200 : i32
    %dma_start3A_491 = tpu.memref_slice %arg17[%dma_start3A_490] : memref<6400xi32, #tpu.memory_space<vmem>> -> memref<3200xi32, #tpu.memory_space<vmem>>
    %dma_start3A_492 = arith.constant 0 : i32
    %dma_start3A_493 = tpu.memref_slice %arg7[%dma_start3A_492] : memref<1000000xf32, #tpu.memory_space<vmem_shared>> -> memref<1000000xf32, #tpu.memory_space<vmem_shared>>
    tpu.enqueue_indirect_dma source(%dma_start3A_493 : memref<1000000xf32, #tpu.memory_space<vmem_shared>>) target(%dma_start3A_489 : memref<3200xf32, #tpu.memory_space<vmem>>) offsets(%dma_start3A_491 : memref<3200xi32, #tpu.memory_space<vmem>>) semaphore(%arg23 : memref<!tpu.dma_semaphore, #tpu.memory_space<semaphore_mem>>)
    %dma_wait3A_494 = arith.constant 0 : i32
    %dma_wait3A_495 = tpu.memref_slice %arg25[%dma_wait3A_494] : memref<6400xf32, #tpu.memory_space<vmem>> -> memref<3200xf32, #tpu.memory_space<vmem>>
    %dma_wait3A_496 = arith.constant 0 : i32
    %dma_wait3A_497 = tpu.memref_slice %arg14[%dma_wait3A_496] : memref<6400xi32, #tpu.memory_space<vmem>> -> memref<3200xi32, #tpu.memory_space<vmem>>
    %dma_wait3A_498 = arith.constant 0 : i32
    %dma_wait3A_499 = tpu.memref_slice %arg7[%dma_wait3A_498] : memref<1000000xf32, #tpu.memory_space<vmem_shared>> -> memref<1000000xf32, #tpu.memory_space<vmem_shared>>
    tpu.wait_indirect_dma semaphore(%arg27 : memref<!tpu.dma_semaphore, #tpu.memory_space<semaphore_mem>>) src(%dma_wait3A_499 : memref<1000000xf32, #tpu.memory_space<vmem_shared>>) dst(%dma_wait3A_495 : memref<3200xf32, #tpu.memory_space<vmem>>)
    %dma_wait3A_500 = arith.constant 3200 : i32
    %dma_wait3A_501 = tpu.memref_slice %arg25[%dma_wait3A_500] : memref<6400xf32, #tpu.memory_space<vmem>> -> memref<3200xf32, #tpu.memory_space<vmem>>
    %dma_wait3A_502 = arith.constant 3200 : i32
    %dma_wait3A_503 = tpu.memref_slice %arg14[%dma_wait3A_502] : memref<6400xi32, #tpu.memory_space<vmem>> -> memref<3200xi32, #tpu.memory_space<vmem>>
    %dma_wait3A_504 = arith.constant 0 : i32
    %dma_wait3A_505 = tpu.memref_slice %arg7[%dma_wait3A_504] : memref<1000000xf32, #tpu.memory_space<vmem_shared>> -> memref<1000000xf32, #tpu.memory_space<vmem_shared>>
    tpu.wait_indirect_dma semaphore(%arg28 : memref<!tpu.dma_semaphore, #tpu.memory_space<semaphore_mem>>) src(%dma_wait3A_505 : memref<1000000xf32, #tpu.memory_space<vmem_shared>>) dst(%dma_wait3A_501 : memref<3200xf32, #tpu.memory_space<vmem>>)
    %dma_wait3A_506 = tpu.memref_slice %arg6[%add3A_426] : memref<3276800xf32, #tpu.memory_space<hbm>> -> memref<6400xf32, #tpu.memory_space<hbm>>
    %dma_wait3A_507 = tpu.memref_slice %arg6[%add3A_426] : memref<3276800xf32, #tpu.memory_space<hbm>> -> memref<6400xf32, #tpu.memory_space<hbm>>
    tpu.wait_dma2 semaphore(%arg29 : memref<!tpu.dma_semaphore, #tpu.memory_space<semaphore_mem>>) src(%arg26 : memref<6400xf32, #tpu.memory_space<vmem>>) dst(%dma_wait3A_507 : memref<6400xf32, #tpu.memory_space<hbm>>)
    %parallel_loop3A_508 = arith.constant 0 : i32
    %parallel_loop3A_509 = arith.constant 6400 : i32
    %parallel_loop3A_510 = arith.constant 16 : i32
    scf.for %parallel_loop3A_835 = %parallel_loop3A_508 to %parallel_loop3A_509 step %parallel_loop3A_510  : i32 {
      %parallel_loop3A_836 = arith.index_cast %parallel_loop3A_835 : i32 to index
      %parallel_loop3A_837 = tpu.vector_load %arg15[%parallel_loop3A_836] {strides = array<i32>} : memref<6400xf32, #tpu.memory_space<vmem>>, vector<16xf32>,
      %parallel_loop3A_838 = vector.shape_cast %parallel_loop3A_837 : vector<16xf32> to vector<16xf32>
      %parallel_loop3A_839 = arith.index_cast %parallel_loop3A_835 : i32 to index
      %parallel_loop3A_840 = tpu.vector_load %arg25[%parallel_loop3A_839] {strides = array<i32>} : memref<6400xf32, #tpu.memory_space<vmem>>, vector<16xf32>,
      %parallel_loop3A_841 = vector.shape_cast %parallel_loop3A_840 : vector<16xf32> to vector<16xf32>
      %parallel_loop3A_842 = arith.subf %parallel_loop3A_838, %parallel_loop3A_841 : vector<16xf32>
      %parallel_loop3A_843 = arith.mulf %get3A_159, %parallel_loop3A_842 : vector<16xf32>
      %parallel_loop3A_844 = arith.addf %parallel_loop3A_843, %get3A_162 : vector<16xf32>
      %parallel_loop3A_845 = math.exp %parallel_loop3A_844 : vector<16xf32>
      %parallel_loop3A_846 = arith.constant 1.000000e+00 : f32
      %parallel_loop3A_847 = vector.broadcast %parallel_loop3A_846 : f32 to vector<16xf32>
      %parallel_loop3A_848 = arith.addf %parallel_loop3A_847, %parallel_loop3A_845 : vector<16xf32>
      %parallel_loop3A_849 = arith.divf %get3A_165, %parallel_loop3A_848 : vector<16xf32>
      %parallel_loop3A_850 = arith.index_cast %parallel_loop3A_835 : i32 to index
      %parallel_loop3A_851 = tpu.vector_load %arg26[%parallel_loop3A_850] {strides = array<i32>} : memref<6400xf32, #tpu.memory_space<vmem>>, vector<16xf32>,
      %parallel_loop3A_852 = vector.shape_cast %parallel_loop3A_851 : vector<16xf32> to vector<16xf32>
      %parallel_loop3A_853 = vector.shape_cast %parallel_loop3A_849 : vector<16xf32> to vector<16xf32>
      tpu.vector_store %arg26[%parallel_loop3A_850], %parallel_loop3A_853 {strides = array<i32>} : memref<6400xf32, #tpu.memory_space<vmem>>, vector<16xf32>,
    } {sc.loop_unroll_factor = 4 : i64, sc.parallel_access}
    %add3A_511 = arith.constant 44800 : i32
    %add3A_512 = arith.addi %mul3A_2, %add3A_511 : i32
    %dma_start3A_513 = tpu.memref_slice %arg6[%add3A_512] : memref<3276800xf32, #tpu.memory_space<hbm>> -> memref<6400xf32, #tpu.memory_space<hbm>>
    %dma_start3A_514 = tpu.memref_slice %arg6[%add3A_512] : memref<3276800xf32, #tpu.memory_space<hbm>> -> memref<6400xf32, #tpu.memory_space<hbm>>
    tpu.enqueue_dma source(%arg26 : memref<6400xf32, #tpu.memory_space<vmem>>) target(%dma_start3A_514 : memref<6400xf32, #tpu.memory_space<hbm>>) target_semaphore(%arg29 : memref<!tpu.dma_semaphore, #tpu.memory_space<semaphore_mem>>)
    %add3A_515 = arith.constant 64000 : i32
    %add3A_516 = arith.addi %mul3A_2, %add3A_515 : i32
    %dma_start3A_517 = tpu.memref_slice %arg3[%add3A_516] : memref<3276800xi32, #tpu.memory_space<hbm>> -> memref<6400xi32, #tpu.memory_space<hbm>>
    %dma_start3A_518 = tpu.memref_slice %arg3[%add3A_516] : memref<3276800xi32, #tpu.memory_space<hbm>> -> memref<6400xi32, #tpu.memory_space<hbm>>
    tpu.enqueue_dma source(%dma_start3A_518 : memref<6400xi32, #tpu.memory_space<hbm>>) target(%arg14 : memref<6400xi32, #tpu.memory_space<vmem>>) target_semaphore(%arg16 : memref<!tpu.dma_semaphore, #tpu.memory_space<semaphore_mem>>)
    %dma_start3A_519 = tpu.memref_slice %arg2[%add3A_516] : memref<3276800xf32, #tpu.memory_space<hbm>> -> memref<6400xf32, #tpu.memory_space<hbm>>
    %dma_start3A_520 = tpu.memref_slice %arg2[%add3A_516] : memref<3276800xf32, #tpu.memory_space<hbm>> -> memref<6400xf32, #tpu.memory_space<hbm>>
    tpu.enqueue_dma source(%dma_start3A_520 : memref<6400xf32, #tpu.memory_space<hbm>>) target(%arg15 : memref<6400xf32, #tpu.memory_space<vmem>>) target_semaphore(%arg16 : memref<!tpu.dma_semaphore, #tpu.memory_space<semaphore_mem>>)
    %dma_wait3A_521 = tpu.memref_slice %arg3[%add3A_473] : memref<3276800xi32, #tpu.memory_space<hbm>> -> memref<6400xi32, #tpu.memory_space<hbm>>
    %dma_wait3A_522 = tpu.memref_slice %arg3[%add3A_473] : memref<3276800xi32, #tpu.memory_space<hbm>> -> memref<6400xi32, #tpu.memory_space<hbm>>
    tpu.wait_dma2 semaphore(%arg13 : memref<!tpu.dma_semaphore, #tpu.memory_space<semaphore_mem>>) src(%dma_wait3A_522 : memref<6400xi32, #tpu.memory_space<hbm>>) dst(%arg11 : memref<6400xi32, #tpu.memory_space<vmem>>)
    %dma_wait3A_523 = tpu.memref_slice %arg2[%add3A_473] : memref<3276800xf32, #tpu.memory_space<hbm>> -> memref<6400xf32, #tpu.memory_space<hbm>>
    %dma_wait3A_524 = tpu.memref_slice %arg2[%add3A_473] : memref<3276800xf32, #tpu.memory_space<hbm>> -> memref<6400xf32, #tpu.memory_space<hbm>>
    tpu.wait_dma2 semaphore(%arg13 : memref<!tpu.dma_semaphore, #tpu.memory_space<semaphore_mem>>) src(%dma_wait3A_524 : memref<6400xf32, #tpu.memory_space<hbm>>) dst(%arg12 : memref<6400xf32, #tpu.memory_space<vmem>>)
    %dma_start3A_525 = arith.constant 0 : i32
    %dma_start3A_526 = tpu.memref_slice %arg25[%dma_start3A_525] : memref<6400xf32, #tpu.memory_space<vmem>> -> memref<3200xf32, #tpu.memory_space<vmem>>
    %dma_start3A_527 = arith.constant 0 : i32
    %dma_start3A_528 = tpu.memref_slice %arg11[%dma_start3A_527] : memref<6400xi32, #tpu.memory_space<vmem>> -> memref<3200xi32, #tpu.memory_space<vmem>>
    %dma_start3A_529 = arith.constant 0 : i32
    %dma_start3A_530 = tpu.memref_slice %arg7[%dma_start3A_529] : memref<1000000xf32, #tpu.memory_space<vmem_shared>> -> memref<1000000xf32, #tpu.memory_space<vmem_shared>>
    tpu.enqueue_indirect_dma source(%dma_start3A_530 : memref<1000000xf32, #tpu.memory_space<vmem_shared>>) target(%dma_start3A_526 : memref<3200xf32, #tpu.memory_space<vmem>>) offsets(%dma_start3A_528 : memref<3200xi32, #tpu.memory_space<vmem>>) semaphore(%arg27 : memref<!tpu.dma_semaphore, #tpu.memory_space<semaphore_mem>>)
    %dma_start3A_531 = arith.constant 3200 : i32
    %dma_start3A_532 = tpu.memref_slice %arg25[%dma_start3A_531] : memref<6400xf32, #tpu.memory_space<vmem>> -> memref<3200xf32, #tpu.memory_space<vmem>>
    %dma_start3A_533 = arith.constant 3200 : i32
    %dma_start3A_534 = tpu.memref_slice %arg11[%dma_start3A_533] : memref<6400xi32, #tpu.memory_space<vmem>> -> memref<3200xi32, #tpu.memory_space<vmem>>
    %dma_start3A_535 = arith.constant 0 : i32
    %dma_start3A_536 = tpu.memref_slice %arg7[%dma_start3A_535] : memref<1000000xf32, #tpu.memory_space<vmem_shared>> -> memref<1000000xf32, #tpu.memory_space<vmem_shared>>
    tpu.enqueue_indirect_dma source(%dma_start3A_536 : memref<1000000xf32, #tpu.memory_space<vmem_shared>>) target(%dma_start3A_532 : memref<3200xf32, #tpu.memory_space<vmem>>) offsets(%dma_start3A_534 : memref<3200xi32, #tpu.memory_space<vmem>>) semaphore(%arg28 : memref<!tpu.dma_semaphore, #tpu.memory_space<semaphore_mem>>)
    %dma_wait3A_537 = arith.constant 0 : i32
    %dma_wait3A_538 = tpu.memref_slice %arg20[%dma_wait3A_537] : memref<6400xf32, #tpu.memory_space<vmem>> -> memref<3200xf32, #tpu.memory_space<vmem>>
    %dma_wait3A_539 = arith.constant 0 : i32
    %dma_wait3A_540 = tpu.memref_slice %arg17[%dma_wait3A_539] : memref<6400xi32, #tpu.memory_space<vmem>> -> memref<3200xi32, #tpu.memory_space<vmem>>
    %dma_wait3A_541 = arith.constant 0 : i32
    %dma_wait3A_542 = tpu.memref_slice %arg7[%dma_wait3A_541] : memref<1000000xf32, #tpu.memory_space<vmem_shared>> -> memref<1000000xf32, #tpu.memory_space<vmem_shared>>
    tpu.wait_indirect_dma semaphore(%arg22 : memref<!tpu.dma_semaphore, #tpu.memory_space<semaphore_mem>>) src(%dma_wait3A_542 : memref<1000000xf32, #tpu.memory_space<vmem_shared>>) dst(%dma_wait3A_538 : memref<3200xf32, #tpu.memory_space<vmem>>)
    %dma_wait3A_543 = arith.constant 3200 : i32
    %dma_wait3A_544 = tpu.memref_slice %arg20[%dma_wait3A_543] : memref<6400xf32, #tpu.memory_space<vmem>> -> memref<3200xf32, #tpu.memory_space<vmem>>
    %dma_wait3A_545 = arith.constant 3200 : i32
    %dma_wait3A_546 = tpu.memref_slice %arg17[%dma_wait3A_545] : memref<6400xi32, #tpu.memory_space<vmem>> -> memref<3200xi32, #tpu.memory_space<vmem>>
    %dma_wait3A_547 = arith.constant 0 : i32
    %dma_wait3A_548 = tpu.memref_slice %arg7[%dma_wait3A_547] : memref<1000000xf32, #tpu.memory_space<vmem_shared>> -> memref<1000000xf32, #tpu.memory_space<vmem_shared>>
    tpu.wait_indirect_dma semaphore(%arg23 : memref<!tpu.dma_semaphore, #tpu.memory_space<semaphore_mem>>) src(%dma_wait3A_548 : memref<1000000xf32, #tpu.memory_space<vmem_shared>>) dst(%dma_wait3A_544 : memref<3200xf32, #tpu.memory_space<vmem>>)
    %dma_wait3A_549 = tpu.memref_slice %arg6[%add3A_469] : memref<3276800xf32, #tpu.memory_space<hbm>> -> memref<6400xf32, #tpu.memory_space<hbm>>
    %dma_wait3A_550 = tpu.memref_slice %arg6[%add3A_469] : memref<3276800xf32, #tpu.memory_space<hbm>> -> memref<6400xf32, #tpu.memory_space<hbm>>
    tpu.wait_dma2 semaphore(%arg24 : memref<!tpu.dma_semaphore, #tpu.memory_space<semaphore_mem>>) src(%arg21 : memref<6400xf32, #tpu.memory_space<vmem>>) dst(%dma_wait3A_550 : memref<6400xf32, #tpu.memory_space<hbm>>)
    %parallel_loop3A_551 = arith.constant 0 : i32
    %parallel_loop3A_552 = arith.constant 6400 : i32
    %parallel_loop3A_553 = arith.constant 16 : i32
    scf.for %parallel_loop3A_835 = %parallel_loop3A_551 to %parallel_loop3A_552 step %parallel_loop3A_553  : i32 {
      %parallel_loop3A_836 = arith.index_cast %parallel_loop3A_835 : i32 to index
      %parallel_loop3A_837 = tpu.vector_load %arg18[%parallel_loop3A_836] {strides = array<i32>} : memref<6400xf32, #tpu.memory_space<vmem>>, vector<16xf32>,
      %parallel_loop3A_838 = vector.shape_cast %parallel_loop3A_837 : vector<16xf32> to vector<16xf32>
      %parallel_loop3A_839 = arith.index_cast %parallel_loop3A_835 : i32 to index
      %parallel_loop3A_840 = tpu.vector_load %arg20[%parallel_loop3A_839] {strides = array<i32>} : memref<6400xf32, #tpu.memory_space<vmem>>, vector<16xf32>,
      %parallel_loop3A_841 = vector.shape_cast %parallel_loop3A_840 : vector<16xf32> to vector<16xf32>
      %parallel_loop3A_842 = arith.subf %parallel_loop3A_838, %parallel_loop3A_841 : vector<16xf32>
      %parallel_loop3A_843 = arith.mulf %get3A_159, %parallel_loop3A_842 : vector<16xf32>
      %parallel_loop3A_844 = arith.addf %parallel_loop3A_843, %get3A_162 : vector<16xf32>
      %parallel_loop3A_845 = math.exp %parallel_loop3A_844 : vector<16xf32>
      %parallel_loop3A_846 = arith.constant 1.000000e+00 : f32
      %parallel_loop3A_847 = vector.broadcast %parallel_loop3A_846 : f32 to vector<16xf32>
      %parallel_loop3A_848 = arith.addf %parallel_loop3A_847, %parallel_loop3A_845 : vector<16xf32>
      %parallel_loop3A_849 = arith.divf %get3A_165, %parallel_loop3A_848 : vector<16xf32>
      %parallel_loop3A_850 = arith.index_cast %parallel_loop3A_835 : i32 to index
      %parallel_loop3A_851 = tpu.vector_load %arg21[%parallel_loop3A_850] {strides = array<i32>} : memref<6400xf32, #tpu.memory_space<vmem>>, vector<16xf32>,
      %parallel_loop3A_852 = vector.shape_cast %parallel_loop3A_851 : vector<16xf32> to vector<16xf32>
      %parallel_loop3A_853 = vector.shape_cast %parallel_loop3A_849 : vector<16xf32> to vector<16xf32>
      tpu.vector_store %arg21[%parallel_loop3A_850], %parallel_loop3A_853 {strides = array<i32>} : memref<6400xf32, #tpu.memory_space<vmem>>, vector<16xf32>,
    } {sc.loop_unroll_factor = 4 : i64, sc.parallel_access}
    %add3A_554 = arith.constant 51200 : i32
    %add3A_555 = arith.addi %mul3A_2, %add3A_554 : i32
    %dma_start3A_556 = tpu.memref_slice %arg6[%add3A_555] : memref<3276800xf32, #tpu.memory_space<hbm>> -> memref<6400xf32, #tpu.memory_space<hbm>>
    %dma_start3A_557 = tpu.memref_slice %arg6[%add3A_555] : memref<3276800xf32, #tpu.memory_space<hbm>> -> memref<6400xf32, #tpu.memory_space<hbm>>
    tpu.enqueue_dma source(%arg21 : memref<6400xf32, #tpu.memory_space<vmem>>) target(%dma_start3A_557 : memref<6400xf32, #tpu.memory_space<hbm>>) target_semaphore(%arg24 : memref<!tpu.dma_semaphore, #tpu.memory_space<semaphore_mem>>)
    %add3A_558 = arith.constant 70400 : i32
    %add3A_559 = arith.addi %mul3A_2, %add3A_558 : i32
    %dma_start3A_560 = tpu.memref_slice %arg3[%add3A_559] : memref<3276800xi32, #tpu.memory_space<hbm>> -> memref<6400xi32, #tpu.memory_space<hbm>>
    %dma_start3A_561 = tpu.memref_slice %arg3[%add3A_559] : memref<3276800xi32, #tpu.memory_space<hbm>> -> memref<6400xi32, #tpu.memory_space<hbm>>
    tpu.enqueue_dma source(%dma_start3A_561 : memref<6400xi32, #tpu.memory_space<hbm>>) target(%arg17 : memref<6400xi32, #tpu.memory_space<vmem>>) target_semaphore(%arg19 : memref<!tpu.dma_semaphore, #tpu.memory_space<semaphore_mem>>)
    %dma_start3A_562 = tpu.memref_slice %arg2[%add3A_559] : memref<3276800xf32, #tpu.memory_space<hbm>> -> memref<6400xf32, #tpu.memory_space<hbm>>
    %dma_start3A_563 = tpu.memref_slice %arg2[%add3A_559] : memref<3276800xf32, #tpu.memory_space<hbm>> -> memref<6400xf32, #tpu.memory_space<hbm>>
    tpu.enqueue_dma source(%dma_start3A_563 : memref<6400xf32, #tpu.memory_space<hbm>>) target(%arg18 : memref<6400xf32, #tpu.memory_space<vmem>>) target_semaphore(%arg19 : memref<!tpu.dma_semaphore, #tpu.memory_space<semaphore_mem>>)
    %dma_wait3A_564 = tpu.memref_slice %arg3[%add3A_516] : memref<3276800xi32, #tpu.memory_space<hbm>> -> memref<6400xi32, #tpu.memory_space<hbm>>
    %dma_wait3A_565 = tpu.memref_slice %arg3[%add3A_516] : memref<3276800xi32, #tpu.memory_space<hbm>> -> memref<6400xi32, #tpu.memory_space<hbm>>
    tpu.wait_dma2 semaphore(%arg16 : memref<!tpu.dma_semaphore, #tpu.memory_space<semaphore_mem>>) src(%dma_wait3A_565 : memref<6400xi32, #tpu.memory_space<hbm>>) dst(%arg14 : memref<6400xi32, #tpu.memory_space<vmem>>)
    %dma_wait3A_566 = tpu.memref_slice %arg2[%add3A_516] : memref<3276800xf32, #tpu.memory_space<hbm>> -> memref<6400xf32, #tpu.memory_space<hbm>>
    %dma_wait3A_567 = tpu.memref_slice %arg2[%add3A_516] : memref<3276800xf32, #tpu.memory_space<hbm>> -> memref<6400xf32, #tpu.memory_space<hbm>>
    tpu.wait_dma2 semaphore(%arg16 : memref<!tpu.dma_semaphore, #tpu.memory_space<semaphore_mem>>) src(%dma_wait3A_567 : memref<6400xf32, #tpu.memory_space<hbm>>) dst(%arg15 : memref<6400xf32, #tpu.memory_space<vmem>>)
    %dma_start3A_568 = arith.constant 0 : i32
    %dma_start3A_569 = tpu.memref_slice %arg20[%dma_start3A_568] : memref<6400xf32, #tpu.memory_space<vmem>> -> memref<3200xf32, #tpu.memory_space<vmem>>
    %dma_start3A_570 = arith.constant 0 : i32
    %dma_start3A_571 = tpu.memref_slice %arg14[%dma_start3A_570] : memref<6400xi32, #tpu.memory_space<vmem>> -> memref<3200xi32, #tpu.memory_space<vmem>>
    %dma_start3A_572 = arith.constant 0 : i32
    %dma_start3A_573 = tpu.memref_slice %arg7[%dma_start3A_572] : memref<1000000xf32, #tpu.memory_space<vmem_shared>> -> memref<1000000xf32, #tpu.memory_space<vmem_shared>>
    tpu.enqueue_indirect_dma source(%dma_start3A_573 : memref<1000000xf32, #tpu.memory_space<vmem_shared>>) target(%dma_start3A_569 : memref<3200xf32, #tpu.memory_space<vmem>>) offsets(%dma_start3A_571 : memref<3200xi32, #tpu.memory_space<vmem>>) semaphore(%arg22 : memref<!tpu.dma_semaphore, #tpu.memory_space<semaphore_mem>>)
    %dma_start3A_574 = arith.constant 3200 : i32
    %dma_start3A_575 = tpu.memref_slice %arg20[%dma_start3A_574] : memref<6400xf32, #tpu.memory_space<vmem>> -> memref<3200xf32, #tpu.memory_space<vmem>>
    %dma_start3A_576 = arith.constant 3200 : i32
    %dma_start3A_577 = tpu.memref_slice %arg14[%dma_start3A_576] : memref<6400xi32, #tpu.memory_space<vmem>> -> memref<3200xi32, #tpu.memory_space<vmem>>
    %dma_start3A_578 = arith.constant 0 : i32
    %dma_start3A_579 = tpu.memref_slice %arg7[%dma_start3A_578] : memref<1000000xf32, #tpu.memory_space<vmem_shared>> -> memref<1000000xf32, #tpu.memory_space<vmem_shared>>
    tpu.enqueue_indirect_dma source(%dma_start3A_579 : memref<1000000xf32, #tpu.memory_space<vmem_shared>>) target(%dma_start3A_575 : memref<3200xf32, #tpu.memory_space<vmem>>) offsets(%dma_start3A_577 : memref<3200xi32, #tpu.memory_space<vmem>>) semaphore(%arg23 : memref<!tpu.dma_semaphore, #tpu.memory_space<semaphore_mem>>)
    %dma_wait3A_580 = arith.constant 0 : i32
    %dma_wait3A_581 = tpu.memref_slice %arg25[%dma_wait3A_580] : memref<6400xf32, #tpu.memory_space<vmem>> -> memref<3200xf32, #tpu.memory_space<vmem>>
    %dma_wait3A_582 = arith.constant 0 : i32
    %dma_wait3A_583 = tpu.memref_slice %arg11[%dma_wait3A_582] : memref<6400xi32, #tpu.memory_space<vmem>> -> memref<3200xi32, #tpu.memory_space<vmem>>
    %dma_wait3A_584 = arith.constant 0 : i32
    %dma_wait3A_585 = tpu.memref_slice %arg7[%dma_wait3A_584] : memref<1000000xf32, #tpu.memory_space<vmem_shared>> -> memref<1000000xf32, #tpu.memory_space<vmem_shared>>
    tpu.wait_indirect_dma semaphore(%arg27 : memref<!tpu.dma_semaphore, #tpu.memory_space<semaphore_mem>>) src(%dma_wait3A_585 : memref<1000000xf32, #tpu.memory_space<vmem_shared>>) dst(%dma_wait3A_581 : memref<3200xf32, #tpu.memory_space<vmem>>)
    %dma_wait3A_586 = arith.constant 3200 : i32
    %dma_wait3A_587 = tpu.memref_slice %arg25[%dma_wait3A_586] : memref<6400xf32, #tpu.memory_space<vmem>> -> memref<3200xf32, #tpu.memory_space<vmem>>
    %dma_wait3A_588 = arith.constant 3200 : i32
    %dma_wait3A_589 = tpu.memref_slice %arg11[%dma_wait3A_588] : memref<6400xi32, #tpu.memory_space<vmem>> -> memref<3200xi32, #tpu.memory_space<vmem>>
    %dma_wait3A_590 = arith.constant 0 : i32
    %dma_wait3A_591 = tpu.memref_slice %arg7[%dma_wait3A_590] : memref<1000000xf32, #tpu.memory_space<vmem_shared>> -> memref<1000000xf32, #tpu.memory_space<vmem_shared>>
    tpu.wait_indirect_dma semaphore(%arg28 : memref<!tpu.dma_semaphore, #tpu.memory_space<semaphore_mem>>) src(%dma_wait3A_591 : memref<1000000xf32, #tpu.memory_space<vmem_shared>>) dst(%dma_wait3A_587 : memref<3200xf32, #tpu.memory_space<vmem>>)
    %dma_wait3A_592 = tpu.memref_slice %arg6[%add3A_512] : memref<3276800xf32, #tpu.memory_space<hbm>> -> memref<6400xf32, #tpu.memory_space<hbm>>
    %dma_wait3A_593 = tpu.memref_slice %arg6[%add3A_512] : memref<3276800xf32, #tpu.memory_space<hbm>> -> memref<6400xf32, #tpu.memory_space<hbm>>
    tpu.wait_dma2 semaphore(%arg29 : memref<!tpu.dma_semaphore, #tpu.memory_space<semaphore_mem>>) src(%arg26 : memref<6400xf32, #tpu.memory_space<vmem>>) dst(%dma_wait3A_593 : memref<6400xf32, #tpu.memory_space<hbm>>)
    %parallel_loop3A_594 = arith.constant 0 : i32
    %parallel_loop3A_595 = arith.constant 6400 : i32
    %parallel_loop3A_596 = arith.constant 16 : i32
    scf.for %parallel_loop3A_835 = %parallel_loop3A_594 to %parallel_loop3A_595 step %parallel_loop3A_596  : i32 {
      %parallel_loop3A_836 = arith.index_cast %parallel_loop3A_835 : i32 to index
      %parallel_loop3A_837 = tpu.vector_load %arg12[%parallel_loop3A_836] {strides = array<i32>} : memref<6400xf32, #tpu.memory_space<vmem>>, vector<16xf32>,
      %parallel_loop3A_838 = vector.shape_cast %parallel_loop3A_837 : vector<16xf32> to vector<16xf32>
      %parallel_loop3A_839 = arith.index_cast %parallel_loop3A_835 : i32 to index
      %parallel_loop3A_840 = tpu.vector_load %arg25[%parallel_loop3A_839] {strides = array<i32>} : memref<6400xf32, #tpu.memory_space<vmem>>, vector<16xf32>,
      %parallel_loop3A_841 = vector.shape_cast %parallel_loop3A_840 : vector<16xf32> to vector<16xf32>
      %parallel_loop3A_842 = arith.subf %parallel_loop3A_838, %parallel_loop3A_841 : vector<16xf32>
      %parallel_loop3A_843 = arith.mulf %get3A_159, %parallel_loop3A_842 : vector<16xf32>
      %parallel_loop3A_844 = arith.addf %parallel_loop3A_843, %get3A_162 : vector<16xf32>
      %parallel_loop3A_845 = math.exp %parallel_loop3A_844 : vector<16xf32>
      %parallel_loop3A_846 = arith.constant 1.000000e+00 : f32
      %parallel_loop3A_847 = vector.broadcast %parallel_loop3A_846 : f32 to vector<16xf32>
      %parallel_loop3A_848 = arith.addf %parallel_loop3A_847, %parallel_loop3A_845 : vector<16xf32>
      %parallel_loop3A_849 = arith.divf %get3A_165, %parallel_loop3A_848 : vector<16xf32>
      %parallel_loop3A_850 = arith.index_cast %parallel_loop3A_835 : i32 to index
      %parallel_loop3A_851 = tpu.vector_load %arg26[%parallel_loop3A_850] {strides = array<i32>} : memref<6400xf32, #tpu.memory_space<vmem>>, vector<16xf32>,
      %parallel_loop3A_852 = vector.shape_cast %parallel_loop3A_851 : vector<16xf32> to vector<16xf32>
      %parallel_loop3A_853 = vector.shape_cast %parallel_loop3A_849 : vector<16xf32> to vector<16xf32>
      tpu.vector_store %arg26[%parallel_loop3A_850], %parallel_loop3A_853 {strides = array<i32>} : memref<6400xf32, #tpu.memory_space<vmem>>, vector<16xf32>,
    } {sc.loop_unroll_factor = 4 : i64, sc.parallel_access}
    %add3A_597 = arith.constant 57600 : i32
    %add3A_598 = arith.addi %mul3A_2, %add3A_597 : i32
    %dma_start3A_599 = tpu.memref_slice %arg6[%add3A_598] : memref<3276800xf32, #tpu.memory_space<hbm>> -> memref<6400xf32, #tpu.memory_space<hbm>>
    %dma_start3A_600 = tpu.memref_slice %arg6[%add3A_598] : memref<3276800xf32, #tpu.memory_space<hbm>> -> memref<6400xf32, #tpu.memory_space<hbm>>
    tpu.enqueue_dma source(%arg26 : memref<6400xf32, #tpu.memory_space<vmem>>) target(%dma_start3A_600 : memref<6400xf32, #tpu.memory_space<hbm>>) target_semaphore(%arg29 : memref<!tpu.dma_semaphore, #tpu.memory_space<semaphore_mem>>)
    %add3A_601 = arith.constant 76800 : i32
    %add3A_602 = arith.addi %mul3A_2, %add3A_601 : i32
    %dma_start3A_603 = tpu.memref_slice %arg3[%add3A_602] : memref<3276800xi32, #tpu.memory_space<hbm>> -> memref<6400xi32, #tpu.memory_space<hbm>>
    %dma_start3A_604 = tpu.memref_slice %arg3[%add3A_602] : memref<3276800xi32, #tpu.memory_space<hbm>> -> memref<6400xi32, #tpu.memory_space<hbm>>
    tpu.enqueue_dma source(%dma_start3A_604 : memref<6400xi32, #tpu.memory_space<hbm>>) target(%arg11 : memref<6400xi32, #tpu.memory_space<vmem>>) target_semaphore(%arg13 : memref<!tpu.dma_semaphore, #tpu.memory_space<semaphore_mem>>)
    %dma_start3A_605 = tpu.memref_slice %arg2[%add3A_602] : memref<3276800xf32, #tpu.memory_space<hbm>> -> memref<6400xf32, #tpu.memory_space<hbm>>
    %dma_start3A_606 = tpu.memref_slice %arg2[%add3A_602] : memref<3276800xf32, #tpu.memory_space<hbm>> -> memref<6400xf32, #tpu.memory_space<hbm>>
    tpu.enqueue_dma source(%dma_start3A_606 : memref<6400xf32, #tpu.memory_space<hbm>>) target(%arg12 : memref<6400xf32, #tpu.memory_space<vmem>>) target_semaphore(%arg13 : memref<!tpu.dma_semaphore, #tpu.memory_space<semaphore_mem>>)
    %dma_wait3A_607 = tpu.memref_slice %arg3[%add3A_559] : memref<3276800xi32, #tpu.memory_space<hbm>> -> memref<6400xi32, #tpu.memory_space<hbm>>
    %dma_wait3A_608 = tpu.memref_slice %arg3[%add3A_559] : memref<3276800xi32, #tpu.memory_space<hbm>> -> memref<6400xi32, #tpu.memory_space<hbm>>
    tpu.wait_dma2 semaphore(%arg19 : memref<!tpu.dma_semaphore, #tpu.memory_space<semaphore_mem>>) src(%dma_wait3A_608 : memref<6400xi32, #tpu.memory_space<hbm>>) dst(%arg17 : memref<6400xi32, #tpu.memory_space<vmem>>)
    %dma_wait3A_609 = tpu.memref_slice %arg2[%add3A_559] : memref<3276800xf32, #tpu.memory_space<hbm>> -> memref<6400xf32, #tpu.memory_space<hbm>>
    %dma_wait3A_610 = tpu.memref_slice %arg2[%add3A_559] : memref<3276800xf32, #tpu.memory_space<hbm>> -> memref<6400xf32, #tpu.memory_space<hbm>>
    tpu.wait_dma2 semaphore(%arg19 : memref<!tpu.dma_semaphore, #tpu.memory_space<semaphore_mem>>) src(%dma_wait3A_610 : memref<6400xf32, #tpu.memory_space<hbm>>) dst(%arg18 : memref<6400xf32, #tpu.memory_space<vmem>>)
    %dma_start3A_611 = arith.constant 0 : i32
    %dma_start3A_612 = tpu.memref_slice %arg25[%dma_start3A_611] : memref<6400xf32, #tpu.memory_space<vmem>> -> memref<3200xf32, #tpu.memory_space<vmem>>
    %dma_start3A_613 = arith.constant 0 : i32
    %dma_start3A_614 = tpu.memref_slice %arg17[%dma_start3A_613] : memref<6400xi32, #tpu.memory_space<vmem>> -> memref<3200xi32, #tpu.memory_space<vmem>>
    %dma_start3A_615 = arith.constant 0 : i32
    %dma_start3A_616 = tpu.memref_slice %arg7[%dma_start3A_615] : memref<1000000xf32, #tpu.memory_space<vmem_shared>> -> memref<1000000xf32, #tpu.memory_space<vmem_shared>>
    tpu.enqueue_indirect_dma source(%dma_start3A_616 : memref<1000000xf32, #tpu.memory_space<vmem_shared>>) target(%dma_start3A_612 : memref<3200xf32, #tpu.memory_space<vmem>>) offsets(%dma_start3A_614 : memref<3200xi32, #tpu.memory_space<vmem>>) semaphore(%arg27 : memref<!tpu.dma_semaphore, #tpu.memory_space<semaphore_mem>>)
    %dma_start3A_617 = arith.constant 3200 : i32
    %dma_start3A_618 = tpu.memref_slice %arg25[%dma_start3A_617] : memref<6400xf32, #tpu.memory_space<vmem>> -> memref<3200xf32, #tpu.memory_space<vmem>>
    %dma_start3A_619 = arith.constant 3200 : i32
    %dma_start3A_620 = tpu.memref_slice %arg17[%dma_start3A_619] : memref<6400xi32, #tpu.memory_space<vmem>> -> memref<3200xi32, #tpu.memory_space<vmem>>
    %dma_start3A_621 = arith.constant 0 : i32
    %dma_start3A_622 = tpu.memref_slice %arg7[%dma_start3A_621] : memref<1000000xf32, #tpu.memory_space<vmem_shared>> -> memref<1000000xf32, #tpu.memory_space<vmem_shared>>
    tpu.enqueue_indirect_dma source(%dma_start3A_622 : memref<1000000xf32, #tpu.memory_space<vmem_shared>>) target(%dma_start3A_618 : memref<3200xf32, #tpu.memory_space<vmem>>) offsets(%dma_start3A_620 : memref<3200xi32, #tpu.memory_space<vmem>>) semaphore(%arg28 : memref<!tpu.dma_semaphore, #tpu.memory_space<semaphore_mem>>)
    %dma_wait3A_623 = arith.constant 0 : i32
    %dma_wait3A_624 = tpu.memref_slice %arg20[%dma_wait3A_623] : memref<6400xf32, #tpu.memory_space<vmem>> -> memref<3200xf32, #tpu.memory_space<vmem>>
    %dma_wait3A_625 = arith.constant 0 : i32
    %dma_wait3A_626 = tpu.memref_slice %arg14[%dma_wait3A_625] : memref<6400xi32, #tpu.memory_space<vmem>> -> memref<3200xi32, #tpu.memory_space<vmem>>
    %dma_wait3A_627 = arith.constant 0 : i32
    %dma_wait3A_628 = tpu.memref_slice %arg7[%dma_wait3A_627] : memref<1000000xf32, #tpu.memory_space<vmem_shared>> -> memref<1000000xf32, #tpu.memory_space<vmem_shared>>
    tpu.wait_indirect_dma semaphore(%arg22 : memref<!tpu.dma_semaphore, #tpu.memory_space<semaphore_mem>>) src(%dma_wait3A_628 : memref<1000000xf32, #tpu.memory_space<vmem_shared>>) dst(%dma_wait3A_624 : memref<3200xf32, #tpu.memory_space<vmem>>)
    %dma_wait3A_629 = arith.constant 3200 : i32
    %dma_wait3A_630 = tpu.memref_slice %arg20[%dma_wait3A_629] : memref<6400xf32, #tpu.memory_space<vmem>> -> memref<3200xf32, #tpu.memory_space<vmem>>
    %dma_wait3A_631 = arith.constant 3200 : i32
    %dma_wait3A_632 = tpu.memref_slice %arg14[%dma_wait3A_631] : memref<6400xi32, #tpu.memory_space<vmem>> -> memref<3200xi32, #tpu.memory_space<vmem>>
    %dma_wait3A_633 = arith.constant 0 : i32
    %dma_wait3A_634 = tpu.memref_slice %arg7[%dma_wait3A_633] : memref<1000000xf32, #tpu.memory_space<vmem_shared>> -> memref<1000000xf32, #tpu.memory_space<vmem_shared>>
    tpu.wait_indirect_dma semaphore(%arg23 : memref<!tpu.dma_semaphore, #tpu.memory_space<semaphore_mem>>) src(%dma_wait3A_634 : memref<1000000xf32, #tpu.memory_space<vmem_shared>>) dst(%dma_wait3A_630 : memref<3200xf32, #tpu.memory_space<vmem>>)
    %dma_wait3A_635 = tpu.memref_slice %arg6[%add3A_555] : memref<3276800xf32, #tpu.memory_space<hbm>> -> memref<6400xf32, #tpu.memory_space<hbm>>
    %dma_wait3A_636 = tpu.memref_slice %arg6[%add3A_555] : memref<3276800xf32, #tpu.memory_space<hbm>> -> memref<6400xf32, #tpu.memory_space<hbm>>
    tpu.wait_dma2 semaphore(%arg24 : memref<!tpu.dma_semaphore, #tpu.memory_space<semaphore_mem>>) src(%arg21 : memref<6400xf32, #tpu.memory_space<vmem>>) dst(%dma_wait3A_636 : memref<6400xf32, #tpu.memory_space<hbm>>)
    %parallel_loop3A_637 = arith.constant 0 : i32
    %parallel_loop3A_638 = arith.constant 6400 : i32
    %parallel_loop3A_639 = arith.constant 16 : i32
    scf.for %parallel_loop3A_835 = %parallel_loop3A_637 to %parallel_loop3A_638 step %parallel_loop3A_639  : i32 {
      %parallel_loop3A_836 = arith.index_cast %parallel_loop3A_835 : i32 to index
      %parallel_loop3A_837 = tpu.vector_load %arg15[%parallel_loop3A_836] {strides = array<i32>} : memref<6400xf32, #tpu.memory_space<vmem>>, vector<16xf32>,
      %parallel_loop3A_838 = vector.shape_cast %parallel_loop3A_837 : vector<16xf32> to vector<16xf32>
      %parallel_loop3A_839 = arith.index_cast %parallel_loop3A_835 : i32 to index
      %parallel_loop3A_840 = tpu.vector_load %arg20[%parallel_loop3A_839] {strides = array<i32>} : memref<6400xf32, #tpu.memory_space<vmem>>, vector<16xf32>,
      %parallel_loop3A_841 = vector.shape_cast %parallel_loop3A_840 : vector<16xf32> to vector<16xf32>
      %parallel_loop3A_842 = arith.subf %parallel_loop3A_838, %parallel_loop3A_841 : vector<16xf32>
      %parallel_loop3A_843 = arith.mulf %get3A_159, %parallel_loop3A_842 : vector<16xf32>
      %parallel_loop3A_844 = arith.addf %parallel_loop3A_843, %get3A_162 : vector<16xf32>
      %parallel_loop3A_845 = math.exp %parallel_loop3A_844 : vector<16xf32>
      %parallel_loop3A_846 = arith.constant 1.000000e+00 : f32
      %parallel_loop3A_847 = vector.broadcast %parallel_loop3A_846 : f32 to vector<16xf32>
      %parallel_loop3A_848 = arith.addf %parallel_loop3A_847, %parallel_loop3A_845 : vector<16xf32>
      %parallel_loop3A_849 = arith.divf %get3A_165, %parallel_loop3A_848 : vector<16xf32>
      %parallel_loop3A_850 = arith.index_cast %parallel_loop3A_835 : i32 to index
      %parallel_loop3A_851 = tpu.vector_load %arg21[%parallel_loop3A_850] {strides = array<i32>} : memref<6400xf32, #tpu.memory_space<vmem>>, vector<16xf32>,
      %parallel_loop3A_852 = vector.shape_cast %parallel_loop3A_851 : vector<16xf32> to vector<16xf32>
      %parallel_loop3A_853 = vector.shape_cast %parallel_loop3A_849 : vector<16xf32> to vector<16xf32>
      tpu.vector_store %arg21[%parallel_loop3A_850], %parallel_loop3A_853 {strides = array<i32>} : memref<6400xf32, #tpu.memory_space<vmem>>, vector<16xf32>,
    } {sc.loop_unroll_factor = 4 : i64, sc.parallel_access}
    %add3A_640 = arith.constant 64000 : i32
    %add3A_641 = arith.addi %mul3A_2, %add3A_640 : i32
    %dma_start3A_642 = tpu.memref_slice %arg6[%add3A_641] : memref<3276800xf32, #tpu.memory_space<hbm>> -> memref<6400xf32, #tpu.memory_space<hbm>>
    %dma_start3A_643 = tpu.memref_slice %arg6[%add3A_641] : memref<3276800xf32, #tpu.memory_space<hbm>> -> memref<6400xf32, #tpu.memory_space<hbm>>
    tpu.enqueue_dma source(%arg21 : memref<6400xf32, #tpu.memory_space<vmem>>) target(%dma_start3A_643 : memref<6400xf32, #tpu.memory_space<hbm>>) target_semaphore(%arg24 : memref<!tpu.dma_semaphore, #tpu.memory_space<semaphore_mem>>)
    %add3A_644 = arith.constant 83200 : i32
    %add3A_645 = arith.addi %mul3A_2, %add3A_644 : i32
    %dma_start3A_646 = tpu.memref_slice %arg3[%add3A_645] : memref<3276800xi32, #tpu.memory_space<hbm>> -> memref<6400xi32, #tpu.memory_space<hbm>>
    %dma_start3A_647 = tpu.memref_slice %arg3[%add3A_645] : memref<3276800xi32, #tpu.memory_space<hbm>> -> memref<6400xi32, #tpu.memory_space<hbm>>
    tpu.enqueue_dma source(%dma_start3A_647 : memref<6400xi32, #tpu.memory_space<hbm>>) target(%arg14 : memref<6400xi32, #tpu.memory_space<vmem>>) target_semaphore(%arg16 : memref<!tpu.dma_semaphore, #tpu.memory_space<semaphore_mem>>)
    %dma_start3A_648 = tpu.memref_slice %arg2[%add3A_645] : memref<3276800xf32, #tpu.memory_space<hbm>> -> memref<6400xf32, #tpu.memory_space<hbm>>
    %dma_start3A_649 = tpu.memref_slice %arg2[%add3A_645] : memref<3276800xf32, #tpu.memory_space<hbm>> -> memref<6400xf32, #tpu.memory_space<hbm>>
    tpu.enqueue_dma source(%dma_start3A_649 : memref<6400xf32, #tpu.memory_space<hbm>>) target(%arg15 : memref<6400xf32, #tpu.memory_space<vmem>>) target_semaphore(%arg16 : memref<!tpu.dma_semaphore, #tpu.memory_space<semaphore_mem>>)
    %dma_wait3A_650 = tpu.memref_slice %arg3[%add3A_602] : memref<3276800xi32, #tpu.memory_space<hbm>> -> memref<6400xi32, #tpu.memory_space<hbm>>
    %dma_wait3A_651 = tpu.memref_slice %arg3[%add3A_602] : memref<3276800xi32, #tpu.memory_space<hbm>> -> memref<6400xi32, #tpu.memory_space<hbm>>
    tpu.wait_dma2 semaphore(%arg13 : memref<!tpu.dma_semaphore, #tpu.memory_space<semaphore_mem>>) src(%dma_wait3A_651 : memref<6400xi32, #tpu.memory_space<hbm>>) dst(%arg11 : memref<6400xi32, #tpu.memory_space<vmem>>)
    %dma_wait3A_652 = tpu.memref_slice %arg2[%add3A_602] : memref<3276800xf32, #tpu.memory_space<hbm>> -> memref<6400xf32, #tpu.memory_space<hbm>>
    %dma_wait3A_653 = tpu.memref_slice %arg2[%add3A_602] : memref<3276800xf32, #tpu.memory_space<hbm>> -> memref<6400xf32, #tpu.memory_space<hbm>>
    tpu.wait_dma2 semaphore(%arg13 : memref<!tpu.dma_semaphore, #tpu.memory_space<semaphore_mem>>) src(%dma_wait3A_653 : memref<6400xf32, #tpu.memory_space<hbm>>) dst(%arg12 : memref<6400xf32, #tpu.memory_space<vmem>>)
    %dma_start3A_654 = arith.constant 0 : i32
    %dma_start3A_655 = tpu.memref_slice %arg20[%dma_start3A_654] : memref<6400xf32, #tpu.memory_space<vmem>> -> memref<3200xf32, #tpu.memory_space<vmem>>
    %dma_start3A_656 = arith.constant 0 : i32
    %dma_start3A_657 = tpu.memref_slice %arg11[%dma_start3A_656] : memref<6400xi32, #tpu.memory_space<vmem>> -> memref<3200xi32, #tpu.memory_space<vmem>>
    %dma_start3A_658 = arith.constant 0 : i32
    %dma_start3A_659 = tpu.memref_slice %arg7[%dma_start3A_658] : memref<1000000xf32, #tpu.memory_space<vmem_shared>> -> memref<1000000xf32, #tpu.memory_space<vmem_shared>>
    tpu.enqueue_indirect_dma source(%dma_start3A_659 : memref<1000000xf32, #tpu.memory_space<vmem_shared>>) target(%dma_start3A_655 : memref<3200xf32, #tpu.memory_space<vmem>>) offsets(%dma_start3A_657 : memref<3200xi32, #tpu.memory_space<vmem>>) semaphore(%arg22 : memref<!tpu.dma_semaphore, #tpu.memory_space<semaphore_mem>>)
    %dma_start3A_660 = arith.constant 3200 : i32
    %dma_start3A_661 = tpu.memref_slice %arg20[%dma_start3A_660] : memref<6400xf32, #tpu.memory_space<vmem>> -> memref<3200xf32, #tpu.memory_space<vmem>>
    %dma_start3A_662 = arith.constant 3200 : i32
    %dma_start3A_663 = tpu.memref_slice %arg11[%dma_start3A_662] : memref<6400xi32, #tpu.memory_space<vmem>> -> memref<3200xi32, #tpu.memory_space<vmem>>
    %dma_start3A_664 = arith.constant 0 : i32
    %dma_start3A_665 = tpu.memref_slice %arg7[%dma_start3A_664] : memref<1000000xf32, #tpu.memory_space<vmem_shared>> -> memref<1000000xf32, #tpu.memory_space<vmem_shared>>
    tpu.enqueue_indirect_dma source(%dma_start3A_665 : memref<1000000xf32, #tpu.memory_space<vmem_shared>>) target(%dma_start3A_661 : memref<3200xf32, #tpu.memory_space<vmem>>) offsets(%dma_start3A_663 : memref<3200xi32, #tpu.memory_space<vmem>>) semaphore(%arg23 : memref<!tpu.dma_semaphore, #tpu.memory_space<semaphore_mem>>)
    %dma_wait3A_666 = arith.constant 0 : i32
    %dma_wait3A_667 = tpu.memref_slice %arg25[%dma_wait3A_666] : memref<6400xf32, #tpu.memory_space<vmem>> -> memref<3200xf32, #tpu.memory_space<vmem>>
    %dma_wait3A_668 = arith.constant 0 : i32
    %dma_wait3A_669 = tpu.memref_slice %arg17[%dma_wait3A_668] : memref<6400xi32, #tpu.memory_space<vmem>> -> memref<3200xi32, #tpu.memory_space<vmem>>
    %dma_wait3A_670 = arith.constant 0 : i32
    %dma_wait3A_671 = tpu.memref_slice %arg7[%dma_wait3A_670] : memref<1000000xf32, #tpu.memory_space<vmem_shared>> -> memref<1000000xf32, #tpu.memory_space<vmem_shared>>
    tpu.wait_indirect_dma semaphore(%arg27 : memref<!tpu.dma_semaphore, #tpu.memory_space<semaphore_mem>>) src(%dma_wait3A_671 : memref<1000000xf32, #tpu.memory_space<vmem_shared>>) dst(%dma_wait3A_667 : memref<3200xf32, #tpu.memory_space<vmem>>)
    %dma_wait3A_672 = arith.constant 3200 : i32
    %dma_wait3A_673 = tpu.memref_slice %arg25[%dma_wait3A_672] : memref<6400xf32, #tpu.memory_space<vmem>> -> memref<3200xf32, #tpu.memory_space<vmem>>
    %dma_wait3A_674 = arith.constant 3200 : i32
    %dma_wait3A_675 = tpu.memref_slice %arg17[%dma_wait3A_674] : memref<6400xi32, #tpu.memory_space<vmem>> -> memref<3200xi32, #tpu.memory_space<vmem>>
    %dma_wait3A_676 = arith.constant 0 : i32
    %dma_wait3A_677 = tpu.memref_slice %arg7[%dma_wait3A_676] : memref<1000000xf32, #tpu.memory_space<vmem_shared>> -> memref<1000000xf32, #tpu.memory_space<vmem_shared>>
    tpu.wait_indirect_dma semaphore(%arg28 : memref<!tpu.dma_semaphore, #tpu.memory_space<semaphore_mem>>) src(%dma_wait3A_677 : memref<1000000xf32, #tpu.memory_space<vmem_shared>>) dst(%dma_wait3A_673 : memref<3200xf32, #tpu.memory_space<vmem>>)
    %dma_wait3A_678 = tpu.memref_slice %arg6[%add3A_598] : memref<3276800xf32, #tpu.memory_space<hbm>> -> memref<6400xf32, #tpu.memory_space<hbm>>
    %dma_wait3A_679 = tpu.memref_slice %arg6[%add3A_598] : memref<3276800xf32, #tpu.memory_space<hbm>> -> memref<6400xf32, #tpu.memory_space<hbm>>
    tpu.wait_dma2 semaphore(%arg29 : memref<!tpu.dma_semaphore, #tpu.memory_space<semaphore_mem>>) src(%arg26 : memref<6400xf32, #tpu.memory_space<vmem>>) dst(%dma_wait3A_679 : memref<6400xf32, #tpu.memory_space<hbm>>)
    %parallel_loop3A_680 = arith.constant 0 : i32
    %parallel_loop3A_681 = arith.constant 6400 : i32
    %parallel_loop3A_682 = arith.constant 16 : i32
    scf.for %parallel_loop3A_835 = %parallel_loop3A_680 to %parallel_loop3A_681 step %parallel_loop3A_682  : i32 {
      %parallel_loop3A_836 = arith.index_cast %parallel_loop3A_835 : i32 to index
      %parallel_loop3A_837 = tpu.vector_load %arg18[%parallel_loop3A_836] {strides = array<i32>} : memref<6400xf32, #tpu.memory_space<vmem>>, vector<16xf32>,
      %parallel_loop3A_838 = vector.shape_cast %parallel_loop3A_837 : vector<16xf32> to vector<16xf32>
      %parallel_loop3A_839 = arith.index_cast %parallel_loop3A_835 : i32 to index
      %parallel_loop3A_840 = tpu.vector_load %arg25[%parallel_loop3A_839] {strides = array<i32>} : memref<6400xf32, #tpu.memory_space<vmem>>, vector<16xf32>,
      %parallel_loop3A_841 = vector.shape_cast %parallel_loop3A_840 : vector<16xf32> to vector<16xf32>
      %parallel_loop3A_842 = arith.subf %parallel_loop3A_838, %parallel_loop3A_841 : vector<16xf32>
      %parallel_loop3A_843 = arith.mulf %get3A_159, %parallel_loop3A_842 : vector<16xf32>
      %parallel_loop3A_844 = arith.addf %parallel_loop3A_843, %get3A_162 : vector<16xf32>
      %parallel_loop3A_845 = math.exp %parallel_loop3A_844 : vector<16xf32>
      %parallel_loop3A_846 = arith.constant 1.000000e+00 : f32
      %parallel_loop3A_847 = vector.broadcast %parallel_loop3A_846 : f32 to vector<16xf32>
      %parallel_loop3A_848 = arith.addf %parallel_loop3A_847, %parallel_loop3A_845 : vector<16xf32>
      %parallel_loop3A_849 = arith.divf %get3A_165, %parallel_loop3A_848 : vector<16xf32>
      %parallel_loop3A_850 = arith.index_cast %parallel_loop3A_835 : i32 to index
      %parallel_loop3A_851 = tpu.vector_load %arg26[%parallel_loop3A_850] {strides = array<i32>} : memref<6400xf32, #tpu.memory_space<vmem>>, vector<16xf32>,
      %parallel_loop3A_852 = vector.shape_cast %parallel_loop3A_851 : vector<16xf32> to vector<16xf32>
      %parallel_loop3A_853 = vector.shape_cast %parallel_loop3A_849 : vector<16xf32> to vector<16xf32>
      tpu.vector_store %arg26[%parallel_loop3A_850], %parallel_loop3A_853 {strides = array<i32>} : memref<6400xf32, #tpu.memory_space<vmem>>, vector<16xf32>,
    } {sc.loop_unroll_factor = 4 : i64, sc.parallel_access}
    %add3A_683 = arith.constant 70400 : i32
    %add3A_684 = arith.addi %mul3A_2, %add3A_683 : i32
    %dma_start3A_685 = tpu.memref_slice %arg6[%add3A_684] : memref<3276800xf32, #tpu.memory_space<hbm>> -> memref<6400xf32, #tpu.memory_space<hbm>>
    %dma_start3A_686 = tpu.memref_slice %arg6[%add3A_684] : memref<3276800xf32, #tpu.memory_space<hbm>> -> memref<6400xf32, #tpu.memory_space<hbm>>
    tpu.enqueue_dma source(%arg26 : memref<6400xf32, #tpu.memory_space<vmem>>) target(%dma_start3A_686 : memref<6400xf32, #tpu.memory_space<hbm>>) target_semaphore(%arg29 : memref<!tpu.dma_semaphore, #tpu.memory_space<semaphore_mem>>)
    %add3A_687 = arith.constant 89600 : i32
    %add3A_688 = arith.addi %mul3A_2, %add3A_687 : i32
    %dma_start3A_689 = tpu.memref_slice %arg3[%add3A_688] : memref<3276800xi32, #tpu.memory_space<hbm>> -> memref<6400xi32, #tpu.memory_space<hbm>>
    %dma_start3A_690 = tpu.memref_slice %arg3[%add3A_688] : memref<3276800xi32, #tpu.memory_space<hbm>> -> memref<6400xi32, #tpu.memory_space<hbm>>
    tpu.enqueue_dma source(%dma_start3A_690 : memref<6400xi32, #tpu.memory_space<hbm>>) target(%arg17 : memref<6400xi32, #tpu.memory_space<vmem>>) target_semaphore(%arg19 : memref<!tpu.dma_semaphore, #tpu.memory_space<semaphore_mem>>)
    %dma_start3A_691 = tpu.memref_slice %arg2[%add3A_688] : memref<3276800xf32, #tpu.memory_space<hbm>> -> memref<6400xf32, #tpu.memory_space<hbm>>
    %dma_start3A_692 = tpu.memref_slice %arg2[%add3A_688] : memref<3276800xf32, #tpu.memory_space<hbm>> -> memref<6400xf32, #tpu.memory_space<hbm>>
    tpu.enqueue_dma source(%dma_start3A_692 : memref<6400xf32, #tpu.memory_space<hbm>>) target(%arg18 : memref<6400xf32, #tpu.memory_space<vmem>>) target_semaphore(%arg19 : memref<!tpu.dma_semaphore, #tpu.memory_space<semaphore_mem>>)
    %dma_wait3A_693 = tpu.memref_slice %arg3[%add3A_645] : memref<3276800xi32, #tpu.memory_space<hbm>> -> memref<6400xi32, #tpu.memory_space<hbm>>
    %dma_wait3A_694 = tpu.memref_slice %arg3[%add3A_645] : memref<3276800xi32, #tpu.memory_space<hbm>> -> memref<6400xi32, #tpu.memory_space<hbm>>
    tpu.wait_dma2 semaphore(%arg16 : memref<!tpu.dma_semaphore, #tpu.memory_space<semaphore_mem>>) src(%dma_wait3A_694 : memref<6400xi32, #tpu.memory_space<hbm>>) dst(%arg14 : memref<6400xi32, #tpu.memory_space<vmem>>)
    %dma_wait3A_695 = tpu.memref_slice %arg2[%add3A_645] : memref<3276800xf32, #tpu.memory_space<hbm>> -> memref<6400xf32, #tpu.memory_space<hbm>>
    %dma_wait3A_696 = tpu.memref_slice %arg2[%add3A_645] : memref<3276800xf32, #tpu.memory_space<hbm>> -> memref<6400xf32, #tpu.memory_space<hbm>>
    tpu.wait_dma2 semaphore(%arg16 : memref<!tpu.dma_semaphore, #tpu.memory_space<semaphore_mem>>) src(%dma_wait3A_696 : memref<6400xf32, #tpu.memory_space<hbm>>) dst(%arg15 : memref<6400xf32, #tpu.memory_space<vmem>>)
    %dma_start3A_697 = arith.constant 0 : i32
    %dma_start3A_698 = tpu.memref_slice %arg25[%dma_start3A_697] : memref<6400xf32, #tpu.memory_space<vmem>> -> memref<3200xf32, #tpu.memory_space<vmem>>
    %dma_start3A_699 = arith.constant 0 : i32
    %dma_start3A_700 = tpu.memref_slice %arg14[%dma_start3A_699] : memref<6400xi32, #tpu.memory_space<vmem>> -> memref<3200xi32, #tpu.memory_space<vmem>>
    %dma_start3A_701 = arith.constant 0 : i32
    %dma_start3A_702 = tpu.memref_slice %arg7[%dma_start3A_701] : memref<1000000xf32, #tpu.memory_space<vmem_shared>> -> memref<1000000xf32, #tpu.memory_space<vmem_shared>>
    tpu.enqueue_indirect_dma source(%dma_start3A_702 : memref<1000000xf32, #tpu.memory_space<vmem_shared>>) target(%dma_start3A_698 : memref<3200xf32, #tpu.memory_space<vmem>>) offsets(%dma_start3A_700 : memref<3200xi32, #tpu.memory_space<vmem>>) semaphore(%arg27 : memref<!tpu.dma_semaphore, #tpu.memory_space<semaphore_mem>>)
    %dma_start3A_703 = arith.constant 3200 : i32
    %dma_start3A_704 = tpu.memref_slice %arg25[%dma_start3A_703] : memref<6400xf32, #tpu.memory_space<vmem>> -> memref<3200xf32, #tpu.memory_space<vmem>>
    %dma_start3A_705 = arith.constant 3200 : i32
    %dma_start3A_706 = tpu.memref_slice %arg14[%dma_start3A_705] : memref<6400xi32, #tpu.memory_space<vmem>> -> memref<3200xi32, #tpu.memory_space<vmem>>
    %dma_start3A_707 = arith.constant 0 : i32
    %dma_start3A_708 = tpu.memref_slice %arg7[%dma_start3A_707] : memref<1000000xf32, #tpu.memory_space<vmem_shared>> -> memref<1000000xf32, #tpu.memory_space<vmem_shared>>
    tpu.enqueue_indirect_dma source(%dma_start3A_708 : memref<1000000xf32, #tpu.memory_space<vmem_shared>>) target(%dma_start3A_704 : memref<3200xf32, #tpu.memory_space<vmem>>) offsets(%dma_start3A_706 : memref<3200xi32, #tpu.memory_space<vmem>>) semaphore(%arg28 : memref<!tpu.dma_semaphore, #tpu.memory_space<semaphore_mem>>)
    %dma_wait3A_709 = arith.constant 0 : i32
    %dma_wait3A_710 = tpu.memref_slice %arg20[%dma_wait3A_709] : memref<6400xf32, #tpu.memory_space<vmem>> -> memref<3200xf32, #tpu.memory_space<vmem>>
    %dma_wait3A_711 = arith.constant 0 : i32
    %dma_wait3A_712 = tpu.memref_slice %arg11[%dma_wait3A_711] : memref<6400xi32, #tpu.memory_space<vmem>> -> memref<3200xi32, #tpu.memory_space<vmem>>
    %dma_wait3A_713 = arith.constant 0 : i32
    %dma_wait3A_714 = tpu.memref_slice %arg7[%dma_wait3A_713] : memref<1000000xf32, #tpu.memory_space<vmem_shared>> -> memref<1000000xf32, #tpu.memory_space<vmem_shared>>
    tpu.wait_indirect_dma semaphore(%arg22 : memref<!tpu.dma_semaphore, #tpu.memory_space<semaphore_mem>>) src(%dma_wait3A_714 : memref<1000000xf32, #tpu.memory_space<vmem_shared>>) dst(%dma_wait3A_710 : memref<3200xf32, #tpu.memory_space<vmem>>)
    %dma_wait3A_715 = arith.constant 3200 : i32
    %dma_wait3A_716 = tpu.memref_slice %arg20[%dma_wait3A_715] : memref<6400xf32, #tpu.memory_space<vmem>> -> memref<3200xf32, #tpu.memory_space<vmem>>
    %dma_wait3A_717 = arith.constant 3200 : i32
    %dma_wait3A_718 = tpu.memref_slice %arg11[%dma_wait3A_717] : memref<6400xi32, #tpu.memory_space<vmem>> -> memref<3200xi32, #tpu.memory_space<vmem>>
    %dma_wait3A_719 = arith.constant 0 : i32
    %dma_wait3A_720 = tpu.memref_slice %arg7[%dma_wait3A_719] : memref<1000000xf32, #tpu.memory_space<vmem_shared>> -> memref<1000000xf32, #tpu.memory_space<vmem_shared>>
    tpu.wait_indirect_dma semaphore(%arg23 : memref<!tpu.dma_semaphore, #tpu.memory_space<semaphore_mem>>) src(%dma_wait3A_720 : memref<1000000xf32, #tpu.memory_space<vmem_shared>>) dst(%dma_wait3A_716 : memref<3200xf32, #tpu.memory_space<vmem>>)
    %dma_wait3A_721 = tpu.memref_slice %arg6[%add3A_641] : memref<3276800xf32, #tpu.memory_space<hbm>> -> memref<6400xf32, #tpu.memory_space<hbm>>
    %dma_wait3A_722 = tpu.memref_slice %arg6[%add3A_641] : memref<3276800xf32, #tpu.memory_space<hbm>> -> memref<6400xf32, #tpu.memory_space<hbm>>
    tpu.wait_dma2 semaphore(%arg24 : memref<!tpu.dma_semaphore, #tpu.memory_space<semaphore_mem>>) src(%arg21 : memref<6400xf32, #tpu.memory_space<vmem>>) dst(%dma_wait3A_722 : memref<6400xf32, #tpu.memory_space<hbm>>)
    %parallel_loop3A_723 = arith.constant 0 : i32
    %parallel_loop3A_724 = arith.constant 6400 : i32
    %parallel_loop3A_725 = arith.constant 16 : i32
    scf.for %parallel_loop3A_835 = %parallel_loop3A_723 to %parallel_loop3A_724 step %parallel_loop3A_725  : i32 {
      %parallel_loop3A_836 = arith.index_cast %parallel_loop3A_835 : i32 to index
      %parallel_loop3A_837 = tpu.vector_load %arg12[%parallel_loop3A_836] {strides = array<i32>} : memref<6400xf32, #tpu.memory_space<vmem>>, vector<16xf32>,
      %parallel_loop3A_838 = vector.shape_cast %parallel_loop3A_837 : vector<16xf32> to vector<16xf32>
      %parallel_loop3A_839 = arith.index_cast %parallel_loop3A_835 : i32 to index
      %parallel_loop3A_840 = tpu.vector_load %arg20[%parallel_loop3A_839] {strides = array<i32>} : memref<6400xf32, #tpu.memory_space<vmem>>, vector<16xf32>,
      %parallel_loop3A_841 = vector.shape_cast %parallel_loop3A_840 : vector<16xf32> to vector<16xf32>
      %parallel_loop3A_842 = arith.subf %parallel_loop3A_838, %parallel_loop3A_841 : vector<16xf32>
      %parallel_loop3A_843 = arith.mulf %get3A_159, %parallel_loop3A_842 : vector<16xf32>
      %parallel_loop3A_844 = arith.addf %parallel_loop3A_843, %get3A_162 : vector<16xf32>
      %parallel_loop3A_845 = math.exp %parallel_loop3A_844 : vector<16xf32>
      %parallel_loop3A_846 = arith.constant 1.000000e+00 : f32
      %parallel_loop3A_847 = vector.broadcast %parallel_loop3A_846 : f32 to vector<16xf32>
      %parallel_loop3A_848 = arith.addf %parallel_loop3A_847, %parallel_loop3A_845 : vector<16xf32>
      %parallel_loop3A_849 = arith.divf %get3A_165, %parallel_loop3A_848 : vector<16xf32>
      %parallel_loop3A_850 = arith.index_cast %parallel_loop3A_835 : i32 to index
      %parallel_loop3A_851 = tpu.vector_load %arg21[%parallel_loop3A_850] {strides = array<i32>} : memref<6400xf32, #tpu.memory_space<vmem>>, vector<16xf32>,
      %parallel_loop3A_852 = vector.shape_cast %parallel_loop3A_851 : vector<16xf32> to vector<16xf32>
      %parallel_loop3A_853 = vector.shape_cast %parallel_loop3A_849 : vector<16xf32> to vector<16xf32>
      tpu.vector_store %arg21[%parallel_loop3A_850], %parallel_loop3A_853 {strides = array<i32>} : memref<6400xf32, #tpu.memory_space<vmem>>, vector<16xf32>,
    } {sc.loop_unroll_factor = 4 : i64, sc.parallel_access}
    %add3A_726 = arith.constant 76800 : i32
    %add3A_727 = arith.addi %mul3A_2, %add3A_726 : i32
    %dma_start3A_728 = tpu.memref_slice %arg6[%add3A_727] : memref<3276800xf32, #tpu.memory_space<hbm>> -> memref<6400xf32, #tpu.memory_space<hbm>>
    %dma_start3A_729 = tpu.memref_slice %arg6[%add3A_727] : memref<3276800xf32, #tpu.memory_space<hbm>> -> memref<6400xf32, #tpu.memory_space<hbm>>
    tpu.enqueue_dma source(%arg21 : memref<6400xf32, #tpu.memory_space<vmem>>) target(%dma_start3A_729 : memref<6400xf32, #tpu.memory_space<hbm>>) target_semaphore(%arg24 : memref<!tpu.dma_semaphore, #tpu.memory_space<semaphore_mem>>)
    %add3A_730 = arith.constant 96000 : i32
    %add3A_731 = arith.addi %mul3A_2, %add3A_730 : i32
    %dma_start3A_732 = tpu.memref_slice %arg3[%add3A_731] : memref<3276800xi32, #tpu.memory_space<hbm>> -> memref<6400xi32, #tpu.memory_space<hbm>>
    %dma_start3A_733 = tpu.memref_slice %arg3[%add3A_731] : memref<3276800xi32, #tpu.memory_space<hbm>> -> memref<6400xi32, #tpu.memory_space<hbm>>
    tpu.enqueue_dma source(%dma_start3A_733 : memref<6400xi32, #tpu.memory_space<hbm>>) target(%arg11 : memref<6400xi32, #tpu.memory_space<vmem>>) target_semaphore(%arg13 : memref<!tpu.dma_semaphore, #tpu.memory_space<semaphore_mem>>)
    %dma_start3A_734 = tpu.memref_slice %arg2[%add3A_731] : memref<3276800xf32, #tpu.memory_space<hbm>> -> memref<6400xf32, #tpu.memory_space<hbm>>
    %dma_start3A_735 = tpu.memref_slice %arg2[%add3A_731] : memref<3276800xf32, #tpu.memory_space<hbm>> -> memref<6400xf32, #tpu.memory_space<hbm>>
    tpu.enqueue_dma source(%dma_start3A_735 : memref<6400xf32, #tpu.memory_space<hbm>>) target(%arg12 : memref<6400xf32, #tpu.memory_space<vmem>>) target_semaphore(%arg13 : memref<!tpu.dma_semaphore, #tpu.memory_space<semaphore_mem>>)
    %dma_wait3A_736 = tpu.memref_slice %arg3[%add3A_688] : memref<3276800xi32, #tpu.memory_space<hbm>> -> memref<6400xi32, #tpu.memory_space<hbm>>
    %dma_wait3A_737 = tpu.memref_slice %arg3[%add3A_688] : memref<3276800xi32, #tpu.memory_space<hbm>> -> memref<6400xi32, #tpu.memory_space<hbm>>
    tpu.wait_dma2 semaphore(%arg19 : memref<!tpu.dma_semaphore, #tpu.memory_space<semaphore_mem>>) src(%dma_wait3A_737 : memref<6400xi32, #tpu.memory_space<hbm>>) dst(%arg17 : memref<6400xi32, #tpu.memory_space<vmem>>)
    %dma_wait3A_738 = tpu.memref_slice %arg2[%add3A_688] : memref<3276800xf32, #tpu.memory_space<hbm>> -> memref<6400xf32, #tpu.memory_space<hbm>>
    %dma_wait3A_739 = tpu.memref_slice %arg2[%add3A_688] : memref<3276800xf32, #tpu.memory_space<hbm>> -> memref<6400xf32, #tpu.memory_space<hbm>>
    tpu.wait_dma2 semaphore(%arg19 : memref<!tpu.dma_semaphore, #tpu.memory_space<semaphore_mem>>) src(%dma_wait3A_739 : memref<6400xf32, #tpu.memory_space<hbm>>) dst(%arg18 : memref<6400xf32, #tpu.memory_space<vmem>>)
    %dma_start3A_740 = arith.constant 0 : i32
    %dma_start3A_741 = tpu.memref_slice %arg20[%dma_start3A_740] : memref<6400xf32, #tpu.memory_space<vmem>> -> memref<3200xf32, #tpu.memory_space<vmem>>
    %dma_start3A_742 = arith.constant 0 : i32
    %dma_start3A_743 = tpu.memref_slice %arg17[%dma_start3A_742] : memref<6400xi32, #tpu.memory_space<vmem>> -> memref<3200xi32, #tpu.memory_space<vmem>>
    %dma_start3A_744 = arith.constant 0 : i32
    %dma_start3A_745 = tpu.memref_slice %arg7[%dma_start3A_744] : memref<1000000xf32, #tpu.memory_space<vmem_shared>> -> memref<1000000xf32, #tpu.memory_space<vmem_shared>>
    tpu.enqueue_indirect_dma source(%dma_start3A_745 : memref<1000000xf32, #tpu.memory_space<vmem_shared>>) target(%dma_start3A_741 : memref<3200xf32, #tpu.memory_space<vmem>>) offsets(%dma_start3A_743 : memref<3200xi32, #tpu.memory_space<vmem>>) semaphore(%arg22 : memref<!tpu.dma_semaphore, #tpu.memory_space<semaphore_mem>>)
    %dma_start3A_746 = arith.constant 3200 : i32
    %dma_start3A_747 = tpu.memref_slice %arg20[%dma_start3A_746] : memref<6400xf32, #tpu.memory_space<vmem>> -> memref<3200xf32, #tpu.memory_space<vmem>>
    %dma_start3A_748 = arith.constant 3200 : i32
    %dma_start3A_749 = tpu.memref_slice %arg17[%dma_start3A_748] : memref<6400xi32, #tpu.memory_space<vmem>> -> memref<3200xi32, #tpu.memory_space<vmem>>
    %dma_start3A_750 = arith.constant 0 : i32
    %dma_start3A_751 = tpu.memref_slice %arg7[%dma_start3A_750] : memref<1000000xf32, #tpu.memory_space<vmem_shared>> -> memref<1000000xf32, #tpu.memory_space<vmem_shared>>
    tpu.enqueue_indirect_dma source(%dma_start3A_751 : memref<1000000xf32, #tpu.memory_space<vmem_shared>>) target(%dma_start3A_747 : memref<3200xf32, #tpu.memory_space<vmem>>) offsets(%dma_start3A_749 : memref<3200xi32, #tpu.memory_space<vmem>>) semaphore(%arg23 : memref<!tpu.dma_semaphore, #tpu.memory_space<semaphore_mem>>)
    %dma_wait3A_752 = arith.constant 0 : i32
    %dma_wait3A_753 = tpu.memref_slice %arg25[%dma_wait3A_752] : memref<6400xf32, #tpu.memory_space<vmem>> -> memref<3200xf32, #tpu.memory_space<vmem>>
    %dma_wait3A_754 = arith.constant 0 : i32
    %dma_wait3A_755 = tpu.memref_slice %arg14[%dma_wait3A_754] : memref<6400xi32, #tpu.memory_space<vmem>> -> memref<3200xi32, #tpu.memory_space<vmem>>
    %dma_wait3A_756 = arith.constant 0 : i32
    %dma_wait3A_757 = tpu.memref_slice %arg7[%dma_wait3A_756] : memref<1000000xf32, #tpu.memory_space<vmem_shared>> -> memref<1000000xf32, #tpu.memory_space<vmem_shared>>
    tpu.wait_indirect_dma semaphore(%arg27 : memref<!tpu.dma_semaphore, #tpu.memory_space<semaphore_mem>>) src(%dma_wait3A_757 : memref<1000000xf32, #tpu.memory_space<vmem_shared>>) dst(%dma_wait3A_753 : memref<3200xf32, #tpu.memory_space<vmem>>)
    %dma_wait3A_758 = arith.constant 3200 : i32
    %dma_wait3A_759 = tpu.memref_slice %arg25[%dma_wait3A_758] : memref<6400xf32, #tpu.memory_space<vmem>> -> memref<3200xf32, #tpu.memory_space<vmem>>
    %dma_wait3A_760 = arith.constant 3200 : i32
    %dma_wait3A_761 = tpu.memref_slice %arg14[%dma_wait3A_760] : memref<6400xi32, #tpu.memory_space<vmem>> -> memref<3200xi32, #tpu.memory_space<vmem>>
    %dma_wait3A_762 = arith.constant 0 : i32
    %dma_wait3A_763 = tpu.memref_slice %arg7[%dma_wait3A_762] : memref<1000000xf32, #tpu.memory_space<vmem_shared>> -> memref<1000000xf32, #tpu.memory_space<vmem_shared>>
    tpu.wait_indirect_dma semaphore(%arg28 : memref<!tpu.dma_semaphore, #tpu.memory_space<semaphore_mem>>) src(%dma_wait3A_763 : memref<1000000xf32, #tpu.memory_space<vmem_shared>>) dst(%dma_wait3A_759 : memref<3200xf32, #tpu.memory_space<vmem>>)
    %dma_wait3A_764 = tpu.memref_slice %arg6[%add3A_684] : memref<3276800xf32, #tpu.memory_space<hbm>> -> memref<6400xf32, #tpu.memory_space<hbm>>
    %dma_wait3A_765 = tpu.memref_slice %arg6[%add3A_684] : memref<3276800xf32, #tpu.memory_space<hbm>> -> memref<6400xf32, #tpu.memory_space<hbm>>
    tpu.wait_dma2 semaphore(%arg29 : memref<!tpu.dma_semaphore, #tpu.memory_space<semaphore_mem>>) src(%arg26 : memref<6400xf32, #tpu.memory_space<vmem>>) dst(%dma_wait3A_765 : memref<6400xf32, #tpu.memory_space<hbm>>)
    %parallel_loop3A_766 = arith.constant 0 : i32
    %parallel_loop3A_767 = arith.constant 6400 : i32
    %parallel_loop3A_768 = arith.constant 16 : i32
    scf.for %parallel_loop3A_835 = %parallel_loop3A_766 to %parallel_loop3A_767 step %parallel_loop3A_768  : i32 {
      %parallel_loop3A_836 = arith.index_cast %parallel_loop3A_835 : i32 to index
      %parallel_loop3A_837 = tpu.vector_load %arg15[%parallel_loop3A_836] {strides = array<i32>} : memref<6400xf32, #tpu.memory_space<vmem>>, vector<16xf32>,
      %parallel_loop3A_838 = vector.shape_cast %parallel_loop3A_837 : vector<16xf32> to vector<16xf32>
      %parallel_loop3A_839 = arith.index_cast %parallel_loop3A_835 : i32 to index
      %parallel_loop3A_840 = tpu.vector_load %arg25[%parallel_loop3A_839] {strides = array<i32>} : memref<6400xf32, #tpu.memory_space<vmem>>, vector<16xf32>,
      %parallel_loop3A_841 = vector.shape_cast %parallel_loop3A_840 : vector<16xf32> to vector<16xf32>
      %parallel_loop3A_842 = arith.subf %parallel_loop3A_838, %parallel_loop3A_841 : vector<16xf32>
      %parallel_loop3A_843 = arith.mulf %get3A_159, %parallel_loop3A_842 : vector<16xf32>
      %parallel_loop3A_844 = arith.addf %parallel_loop3A_843, %get3A_162 : vector<16xf32>
      %parallel_loop3A_845 = math.exp %parallel_loop3A_844 : vector<16xf32>
      %parallel_loop3A_846 = arith.constant 1.000000e+00 : f32
      %parallel_loop3A_847 = vector.broadcast %parallel_loop3A_846 : f32 to vector<16xf32>
      %parallel_loop3A_848 = arith.addf %parallel_loop3A_847, %parallel_loop3A_845 : vector<16xf32>
      %parallel_loop3A_849 = arith.divf %get3A_165, %parallel_loop3A_848 : vector<16xf32>
      %parallel_loop3A_850 = arith.index_cast %parallel_loop3A_835 : i32 to index
      %parallel_loop3A_851 = tpu.vector_load %arg26[%parallel_loop3A_850] {strides = array<i32>} : memref<6400xf32, #tpu.memory_space<vmem>>, vector<16xf32>,
      %parallel_loop3A_852 = vector.shape_cast %parallel_loop3A_851 : vector<16xf32> to vector<16xf32>
      %parallel_loop3A_853 = vector.shape_cast %parallel_loop3A_849 : vector<16xf32> to vector<16xf32>
      tpu.vector_store %arg26[%parallel_loop3A_850], %parallel_loop3A_853 {strides = array<i32>} : memref<6400xf32, #tpu.memory_space<vmem>>, vector<16xf32>,
    } {sc.loop_unroll_factor = 4 : i64, sc.parallel_access}
    %add3A_769 = arith.constant 83200 : i32
    %add3A_770 = arith.addi %mul3A_2, %add3A_769 : i32
    %dma_start3A_771 = tpu.memref_slice %arg6[%add3A_770] : memref<3276800xf32, #tpu.memory_space<hbm>> -> memref<6400xf32, #tpu.memory_space<hbm>>
    %dma_start3A_772 = tpu.memref_slice %arg6[%add3A_770] : memref<3276800xf32, #tpu.memory_space<hbm>> -> memref<6400xf32, #tpu.memory_space<hbm>>
    tpu.enqueue_dma source(%arg26 : memref<6400xf32, #tpu.memory_space<vmem>>) target(%dma_start3A_772 : memref<6400xf32, #tpu.memory_space<hbm>>) target_semaphore(%arg29 : memref<!tpu.dma_semaphore, #tpu.memory_space<semaphore_mem>>)
    %dma_wait3A_773 = tpu.memref_slice %arg3[%add3A_731] : memref<3276800xi32, #tpu.memory_space<hbm>> -> memref<6400xi32, #tpu.memory_space<hbm>>
    %dma_wait3A_774 = tpu.memref_slice %arg3[%add3A_731] : memref<3276800xi32, #tpu.memory_space<hbm>> -> memref<6400xi32, #tpu.memory_space<hbm>>
    tpu.wait_dma2 semaphore(%arg13 : memref<!tpu.dma_semaphore, #tpu.memory_space<semaphore_mem>>) src(%dma_wait3A_774 : memref<6400xi32, #tpu.memory_space<hbm>>) dst(%arg11 : memref<6400xi32, #tpu.memory_space<vmem>>)
    %dma_wait3A_775 = tpu.memref_slice %arg2[%add3A_731] : memref<3276800xf32, #tpu.memory_space<hbm>> -> memref<6400xf32, #tpu.memory_space<hbm>>
    %dma_wait3A_776 = tpu.memref_slice %arg2[%add3A_731] : memref<3276800xf32, #tpu.memory_space<hbm>> -> memref<6400xf32, #tpu.memory_space<hbm>>
    tpu.wait_dma2 semaphore(%arg13 : memref<!tpu.dma_semaphore, #tpu.memory_space<semaphore_mem>>) src(%dma_wait3A_776 : memref<6400xf32, #tpu.memory_space<hbm>>) dst(%arg12 : memref<6400xf32, #tpu.memory_space<vmem>>)
    %dma_start3A_777 = arith.constant 0 : i32
    %dma_start3A_778 = tpu.memref_slice %arg25[%dma_start3A_777] : memref<6400xf32, #tpu.memory_space<vmem>> -> memref<3200xf32, #tpu.memory_space<vmem>>
    %dma_start3A_779 = arith.constant 0 : i32
    %dma_start3A_780 = tpu.memref_slice %arg11[%dma_start3A_779] : memref<6400xi32, #tpu.memory_space<vmem>> -> memref<3200xi32, #tpu.memory_space<vmem>>
    %dma_start3A_781 = arith.constant 0 : i32
    %dma_start3A_782 = tpu.memref_slice %arg7[%dma_start3A_781] : memref<1000000xf32, #tpu.memory_space<vmem_shared>> -> memref<1000000xf32, #tpu.memory_space<vmem_shared>>
    tpu.enqueue_indirect_dma source(%dma_start3A_782 : memref<1000000xf32, #tpu.memory_space<vmem_shared>>) target(%dma_start3A_778 : memref<3200xf32, #tpu.memory_space<vmem>>) offsets(%dma_start3A_780 : memref<3200xi32, #tpu.memory_space<vmem>>) semaphore(%arg27 : memref<!tpu.dma_semaphore, #tpu.memory_space<semaphore_mem>>)
    %dma_start3A_783 = arith.constant 3200 : i32
    %dma_start3A_784 = tpu.memref_slice %arg25[%dma_start3A_783] : memref<6400xf32, #tpu.memory_space<vmem>> -> memref<3200xf32, #tpu.memory_space<vmem>>
    %dma_start3A_785 = arith.constant 3200 : i32
    %dma_start3A_786 = tpu.memref_slice %arg11[%dma_start3A_785] : memref<6400xi32, #tpu.memory_space<vmem>> -> memref<3200xi32, #tpu.memory_space<vmem>>
    %dma_start3A_787 = arith.constant 0 : i32
    %dma_start3A_788 = tpu.memref_slice %arg7[%dma_start3A_787] : memref<1000000xf32, #tpu.memory_space<vmem_shared>> -> memref<1000000xf32, #tpu.memory_space<vmem_shared>>
    tpu.enqueue_indirect_dma source(%dma_start3A_788 : memref<1000000xf32, #tpu.memory_space<vmem_shared>>) target(%dma_start3A_784 : memref<3200xf32, #tpu.memory_space<vmem>>) offsets(%dma_start3A_786 : memref<3200xi32, #tpu.memory_space<vmem>>) semaphore(%arg28 : memref<!tpu.dma_semaphore, #tpu.memory_space<semaphore_mem>>)
    %dma_wait3A_789 = arith.constant 0 : i32
    %dma_wait3A_790 = tpu.memref_slice %arg20[%dma_wait3A_789] : memref<6400xf32, #tpu.memory_space<vmem>> -> memref<3200xf32, #tpu.memory_space<vmem>>
    %dma_wait3A_791 = arith.constant 0 : i32
    %dma_wait3A_792 = tpu.memref_slice %arg17[%dma_wait3A_791] : memref<6400xi32, #tpu.memory_space<vmem>> -> memref<3200xi32, #tpu.memory_space<vmem>>
    %dma_wait3A_793 = arith.constant 0 : i32
    %dma_wait3A_794 = tpu.memref_slice %arg7[%dma_wait3A_793] : memref<1000000xf32, #tpu.memory_space<vmem_shared>> -> memref<1000000xf32, #tpu.memory_space<vmem_shared>>
    tpu.wait_indirect_dma semaphore(%arg22 : memref<!tpu.dma_semaphore, #tpu.memory_space<semaphore_mem>>) src(%dma_wait3A_794 : memref<1000000xf32, #tpu.memory_space<vmem_shared>>) dst(%dma_wait3A_790 : memref<3200xf32, #tpu.memory_space<vmem>>)
    %dma_wait3A_795 = arith.constant 3200 : i32
    %dma_wait3A_796 = tpu.memref_slice %arg20[%dma_wait3A_795] : memref<6400xf32, #tpu.memory_space<vmem>> -> memref<3200xf32, #tpu.memory_space<vmem>>
    %dma_wait3A_797 = arith.constant 3200 : i32
    %dma_wait3A_798 = tpu.memref_slice %arg17[%dma_wait3A_797] : memref<6400xi32, #tpu.memory_space<vmem>> -> memref<3200xi32, #tpu.memory_space<vmem>>
    %dma_wait3A_799 = arith.constant 0 : i32
    %dma_wait3A_800 = tpu.memref_slice %arg7[%dma_wait3A_799] : memref<1000000xf32, #tpu.memory_space<vmem_shared>> -> memref<1000000xf32, #tpu.memory_space<vmem_shared>>
    tpu.wait_indirect_dma semaphore(%arg23 : memref<!tpu.dma_semaphore, #tpu.memory_space<semaphore_mem>>) src(%dma_wait3A_800 : memref<1000000xf32, #tpu.memory_space<vmem_shared>>) dst(%dma_wait3A_796 : memref<3200xf32, #tpu.memory_space<vmem>>)
    %dma_wait3A_801 = tpu.memref_slice %arg6[%add3A_727] : memref<3276800xf32, #tpu.memory_space<hbm>> -> memref<6400xf32, #tpu.memory_space<hbm>>
    %dma_wait3A_802 = tpu.memref_slice %arg6[%add3A_727] : memref<3276800xf32, #tpu.memory_space<hbm>> -> memref<6400xf32, #tpu.memory_space<hbm>>
    tpu.wait_dma2 semaphore(%arg24 : memref<!tpu.dma_semaphore, #tpu.memory_space<semaphore_mem>>) src(%arg21 : memref<6400xf32, #tpu.memory_space<vmem>>) dst(%dma_wait3A_802 : memref<6400xf32, #tpu.memory_space<hbm>>)
    %parallel_loop3A_803 = arith.constant 0 : i32
    %parallel_loop3A_804 = arith.constant 6400 : i32
    %parallel_loop3A_805 = arith.constant 16 : i32
    scf.for %parallel_loop3A_835 = %parallel_loop3A_803 to %parallel_loop3A_804 step %parallel_loop3A_805  : i32 {
      %parallel_loop3A_836 = arith.index_cast %parallel_loop3A_835 : i32 to index
      %parallel_loop3A_837 = tpu.vector_load %arg18[%parallel_loop3A_836] {strides = array<i32>} : memref<6400xf32, #tpu.memory_space<vmem>>, vector<16xf32>,
      %parallel_loop3A_838 = vector.shape_cast %parallel_loop3A_837 : vector<16xf32> to vector<16xf32>
      %parallel_loop3A_839 = arith.index_cast %parallel_loop3A_835 : i32 to index
      %parallel_loop3A_840 = tpu.vector_load %arg20[%parallel_loop3A_839] {strides = array<i32>} : memref<6400xf32, #tpu.memory_space<vmem>>, vector<16xf32>,
      %parallel_loop3A_841 = vector.shape_cast %parallel_loop3A_840 : vector<16xf32> to vector<16xf32>
      %parallel_loop3A_842 = arith.subf %parallel_loop3A_838, %parallel_loop3A_841 : vector<16xf32>
      %parallel_loop3A_843 = arith.mulf %get3A_159, %parallel_loop3A_842 : vector<16xf32>
      %parallel_loop3A_844 = arith.addf %parallel_loop3A_843, %get3A_162 : vector<16xf32>
      %parallel_loop3A_845 = math.exp %parallel_loop3A_844 : vector<16xf32>
      %parallel_loop3A_846 = arith.constant 1.000000e+00 : f32
      %parallel_loop3A_847 = vector.broadcast %parallel_loop3A_846 : f32 to vector<16xf32>
      %parallel_loop3A_848 = arith.addf %parallel_loop3A_847, %parallel_loop3A_845 : vector<16xf32>
      %parallel_loop3A_849 = arith.divf %get3A_165, %parallel_loop3A_848 : vector<16xf32>
      %parallel_loop3A_850 = arith.index_cast %parallel_loop3A_835 : i32 to index
      %parallel_loop3A_851 = tpu.vector_load %arg21[%parallel_loop3A_850] {strides = array<i32>} : memref<6400xf32, #tpu.memory_space<vmem>>, vector<16xf32>,
      %parallel_loop3A_852 = vector.shape_cast %parallel_loop3A_851 : vector<16xf32> to vector<16xf32>
      %parallel_loop3A_853 = vector.shape_cast %parallel_loop3A_849 : vector<16xf32> to vector<16xf32>
      tpu.vector_store %arg21[%parallel_loop3A_850], %parallel_loop3A_853 {strides = array<i32>} : memref<6400xf32, #tpu.memory_space<vmem>>, vector<16xf32>,
    } {sc.loop_unroll_factor = 4 : i64, sc.parallel_access}
    %add3A_806 = arith.constant 89600 : i32
    %add3A_807 = arith.addi %mul3A_2, %add3A_806 : i32
    %dma_start3A_808 = tpu.memref_slice %arg6[%add3A_807] : memref<3276800xf32, #tpu.memory_space<hbm>> -> memref<6400xf32, #tpu.memory_space<hbm>>
    %dma_start3A_809 = tpu.memref_slice %arg6[%add3A_807] : memref<3276800xf32, #tpu.memory_space<hbm>> -> memref<6400xf32, #tpu.memory_space<hbm>>
    tpu.enqueue_dma source(%arg21 : memref<6400xf32, #tpu.memory_space<vmem>>) target(%dma_start3A_809 : memref<6400xf32, #tpu.memory_space<hbm>>) target_semaphore(%arg24 : memref<!tpu.dma_semaphore, #tpu.memory_space<semaphore_mem>>)
    %dma_wait3A_810 = arith.constant 0 : i32
    %dma_wait3A_811 = tpu.memref_slice %arg25[%dma_wait3A_810] : memref<6400xf32, #tpu.memory_space<vmem>> -> memref<3200xf32, #tpu.memory_space<vmem>>
    %dma_wait3A_812 = arith.constant 0 : i32
    %dma_wait3A_813 = tpu.memref_slice %arg11[%dma_wait3A_812] : memref<6400xi32, #tpu.memory_space<vmem>> -> memref<3200xi32, #tpu.memory_space<vmem>>
    %dma_wait3A_814 = arith.constant 0 : i32
    %dma_wait3A_815 = tpu.memref_slice %arg7[%dma_wait3A_814] : memref<1000000xf32, #tpu.memory_space<vmem_shared>> -> memref<1000000xf32, #tpu.memory_space<vmem_shared>>
    tpu.wait_indirect_dma semaphore(%arg27 : memref<!tpu.dma_semaphore, #tpu.memory_space<semaphore_mem>>) src(%dma_wait3A_815 : memref<1000000xf32, #tpu.memory_space<vmem_shared>>) dst(%dma_wait3A_811 : memref<3200xf32, #tpu.memory_space<vmem>>)
    %dma_wait3A_816 = arith.constant 3200 : i32
    %dma_wait3A_817 = tpu.memref_slice %arg25[%dma_wait3A_816] : memref<6400xf32, #tpu.memory_space<vmem>> -> memref<3200xf32, #tpu.memory_space<vmem>>
    %dma_wait3A_818 = arith.constant 3200 : i32
    %dma_wait3A_819 = tpu.memref_slice %arg11[%dma_wait3A_818] : memref<6400xi32, #tpu.memory_space<vmem>> -> memref<3200xi32, #tpu.memory_space<vmem>>
    %dma_wait3A_820 = arith.constant 0 : i32
    %dma_wait3A_821 = tpu.memref_slice %arg7[%dma_wait3A_820] : memref<1000000xf32, #tpu.memory_space<vmem_shared>> -> memref<1000000xf32, #tpu.memory_space<vmem_shared>>
    tpu.wait_indirect_dma semaphore(%arg28 : memref<!tpu.dma_semaphore, #tpu.memory_space<semaphore_mem>>) src(%dma_wait3A_821 : memref<1000000xf32, #tpu.memory_space<vmem_shared>>) dst(%dma_wait3A_817 : memref<3200xf32, #tpu.memory_space<vmem>>)
    %dma_wait3A_822 = tpu.memref_slice %arg6[%add3A_770] : memref<3276800xf32, #tpu.memory_space<hbm>> -> memref<6400xf32, #tpu.memory_space<hbm>>
    %dma_wait3A_823 = tpu.memref_slice %arg6[%add3A_770] : memref<3276800xf32, #tpu.memory_space<hbm>> -> memref<6400xf32, #tpu.memory_space<hbm>>
    tpu.wait_dma2 semaphore(%arg29 : memref<!tpu.dma_semaphore, #tpu.memory_space<semaphore_mem>>) src(%arg26 : memref<6400xf32, #tpu.memory_space<vmem>>) dst(%dma_wait3A_823 : memref<6400xf32, #tpu.memory_space<hbm>>)
    %parallel_loop3A_824 = arith.constant 0 : i32
    %parallel_loop3A_825 = arith.constant 6400 : i32
    %parallel_loop3A_826 = arith.constant 16 : i32
    scf.for %parallel_loop3A_835 = %parallel_loop3A_824 to %parallel_loop3A_825 step %parallel_loop3A_826  : i32 {
      %parallel_loop3A_836 = arith.index_cast %parallel_loop3A_835 : i32 to index
      %parallel_loop3A_837 = tpu.vector_load %arg12[%parallel_loop3A_836] {strides = array<i32>} : memref<6400xf32, #tpu.memory_space<vmem>>, vector<16xf32>,
      %parallel_loop3A_838 = vector.shape_cast %parallel_loop3A_837 : vector<16xf32> to vector<16xf32>
      %parallel_loop3A_839 = arith.index_cast %parallel_loop3A_835 : i32 to index
      %parallel_loop3A_840 = tpu.vector_load %arg25[%parallel_loop3A_839] {strides = array<i32>} : memref<6400xf32, #tpu.memory_space<vmem>>, vector<16xf32>,
      %parallel_loop3A_841 = vector.shape_cast %parallel_loop3A_840 : vector<16xf32> to vector<16xf32>
      %parallel_loop3A_842 = arith.subf %parallel_loop3A_838, %parallel_loop3A_841 : vector<16xf32>
      %parallel_loop3A_843 = arith.mulf %get3A_159, %parallel_loop3A_842 : vector<16xf32>
      %parallel_loop3A_844 = arith.addf %parallel_loop3A_843, %get3A_162 : vector<16xf32>
      %parallel_loop3A_845 = math.exp %parallel_loop3A_844 : vector<16xf32>
      %parallel_loop3A_846 = arith.constant 1.000000e+00 : f32
      %parallel_loop3A_847 = vector.broadcast %parallel_loop3A_846 : f32 to vector<16xf32>
      %parallel_loop3A_848 = arith.addf %parallel_loop3A_847, %parallel_loop3A_845 : vector<16xf32>
      %parallel_loop3A_849 = arith.divf %get3A_165, %parallel_loop3A_848 : vector<16xf32>
      %parallel_loop3A_850 = arith.index_cast %parallel_loop3A_835 : i32 to index
      %parallel_loop3A_851 = tpu.vector_load %arg26[%parallel_loop3A_850] {strides = array<i32>} : memref<6400xf32, #tpu.memory_space<vmem>>, vector<16xf32>,
      %parallel_loop3A_852 = vector.shape_cast %parallel_loop3A_851 : vector<16xf32> to vector<16xf32>
      %parallel_loop3A_853 = vector.shape_cast %parallel_loop3A_849 : vector<16xf32> to vector<16xf32>
      tpu.vector_store %arg26[%parallel_loop3A_850], %parallel_loop3A_853 {strides = array<i32>} : memref<6400xf32, #tpu.memory_space<vmem>>, vector<16xf32>,
    } {sc.loop_unroll_factor = 4 : i64, sc.parallel_access}
    %add3A_827 = arith.constant 96000 : i32
    %add3A_828 = arith.addi %mul3A_2, %add3A_827 : i32
    %dma_start3A_829 = tpu.memref_slice %arg6[%add3A_828] : memref<3276800xf32, #tpu.memory_space<hbm>> -> memref<6400xf32, #tpu.memory_space<hbm>>
    %dma_start3A_830 = tpu.memref_slice %arg6[%add3A_828] : memref<3276800xf32, #tpu.memory_space<hbm>> -> memref<6400xf32, #tpu.memory_space<hbm>>
    tpu.enqueue_dma source(%arg26 : memref<6400xf32, #tpu.memory_space<vmem>>) target(%dma_start3A_830 : memref<6400xf32, #tpu.memory_space<hbm>>) target_semaphore(%arg29 : memref<!tpu.dma_semaphore, #tpu.memory_space<semaphore_mem>>)
    %dma_wait3A_831 = tpu.memref_slice %arg6[%add3A_807] : memref<3276800xf32, #tpu.memory_space<hbm>> -> memref<6400xf32, #tpu.memory_space<hbm>>
    %dma_wait3A_832 = tpu.memref_slice %arg6[%add3A_807] : memref<3276800xf32, #tpu.memory_space<hbm>> -> memref<6400xf32, #tpu.memory_space<hbm>>
    tpu.wait_dma2 semaphore(%arg24 : memref<!tpu.dma_semaphore, #tpu.memory_space<semaphore_mem>>) src(%arg21 : memref<6400xf32, #tpu.memory_space<vmem>>) dst(%dma_wait3A_832 : memref<6400xf32, #tpu.memory_space<hbm>>)
    %dma_wait3A_833 = tpu.memref_slice %arg6[%add3A_828] : memref<3276800xf32, #tpu.memory_space<hbm>> -> memref<6400xf32, #tpu.memory_space<hbm>>
    %dma_wait3A_834 = tpu.memref_slice %arg6[%add3A_828] : memref<3276800xf32, #tpu.memory_space<hbm>> -> memref<6400xf32, #tpu.memory_space<hbm>>
    tpu.wait_dma2 semaphore(%arg29 : memref<!tpu.dma_semaphore, #tpu.memory_space<semaphore_mem>>) src(%arg26 : memref<6400xf32, #tpu.memory_space<vmem>>) dst(%dma_wait3A_834 : memref<6400xf32, #tpu.memory_space<hbm>>)
    return
  }
}

</mosaic_0001>

<sc_bundles>
// kernel: kernel.3.cloned.1.call-start
scs
__scs_entry_jumppad:
0x0: {  	(pc) =	sbr.rel $0x88, $3  }
0x1: {  	(tag) =	ssettag $0x0;
	lr =	simm.s32 $0x1  }
0x2: {  	[smem:$0x3F9B] =	sst lr;
	_ =	strace $0xD0000000  }
0x3: {  	_ = 	snop  }
0x4: {  	_ = 	snop  }
0x5: {  	_ = 	snop  }
0x6: {  	_ = 	snop  }
0x7: {  	_ = 	snop  }
__scs_overlays_trampoline_lowered:
0x8: {  	[smem:$0x3FAA] =	sst s0  }
0x9: {  	[smem:$0x3FAB] =	sst s1  }
0xa: {  	[smem:$0x3FAC] =	sst s2  }
0xb: {  	[smem:$0x3FAD] =	sst s3  }
0xc: {  	[smem:$0x3FAE] =	sst s4  }
0xd: {  	[smem:$0x3FAF] =	sst s5  }
0xe: {  	[smem:$0x3FB0] =	sst s6  }
0xf: {  	[smem:$0x3FB1] =	sst s7  }
0x10: {  	[smem:$0x3FB2] =	sst s8  }
0x11: {  	[smem:$0x3FB3] =	sst s9;
	s0 =	simm.s32 @!p0 $0x0  }
0x12: {  	s1 =	sld [smem:$0x3F99];
	s0 =	simm.s32 @p0 $0x1  }
0x13: {  	[smem:$0x3FB4] =	sst s0;
	s0 =	simm.s32 @!p1 $0x0  }
0x14: {  	s2 =	sld [smem:$0x3F98];
	s0 =	simm.s32 @p1 $0x1  }
0x15: {  	[smem:$0x3FB5] =	sst s0;
	s0 =	simm.s32 @!p2 $0x0  }
0x16: {  	s3 =	sld [smem:$0x3FDB];
	s0 =	simm.s32 @p2 $0x1  }
0x17: {  	s4 =	simm.s32 $0x1BF5;
	[smem:$0x3FB7] =	sst s0  }
0x18: {  	s0 =	sld [smem:$0x3F9A];
	_ =	swait.ge [sflag:s4], $0x0  }
0x19: {  	s7 =	sld [smem:$0x3F9B]  }
0x1a: {  	s8 =	sadd.s32 $0xFFFFE003, lr  }
0x1b: {  	s9 =	sadd.s32 $0xFFFFFEF7, lr;
	s5 =	simm.s32 $0xFFFFFFFF;
	p2 =	slt.u32 s8, $0xFFFFF086  }
0x1c: {  	p1 =	slt.u32 s9, $0xF7A;
	s5 =	simm.s32 @!p2 $0x0  }
0x1d: {  	s5 =	simm.s32 @p1 $0x1;
	p0 =	seq.s32 s7, s2  }
0x1e: {  	s7 =	smul.u32 @!p0 $0xF7A, s2;
	p2 =	seq.s32 @!p0 s5, $0x0  }
0x1f: {  	s9 =	smul.u32 $0xF7A, s1;
	s8 =	simm.s32 @!p0 $0x1BF5;
	p2 =	por !p2, p0  }
0x20: {  	[sflag:s8] =	ssyncset.s32 @!p0 $0xFFFFF086;
	s6 =	sadd.s32 @!p0 s3, s7;
	s7 =	simm.s32 @!p0 $0x108  }
0x21: {  	s3 =	sadd.s32 s3, s9;
	s6 =	sadd.s32 @!p0 $0x88, s6;
	s7 =	simm.s32 @p2 $0x1082  }
0x22: {  	[simem:s7], [sflag:s8] =	dma.local @!p0 [hbm:s6], $0xF7A  }
0x23: {  	s9 =	sor.u32 $0xD0000000, s2;
	s6 =	simm.s32 $0x108;
	_ =	swait.ge @!p0 [sflag:s8], $0x0  }
0x24: {  	s3 =	sadd.s32 $0x88, s3;
	s6 =	simm.s32 @!p1 $0x1082;
	[sflag:s4] =	ssyncset.s32 $0xFFFFF086  }
0x25: {  	[simem:s6], [sflag:s4] =	dma.local [hbm:s3], $0xF7A  }
0x26: {  	[smem:$0x3F9B] =	sst s1;
	(tag) =	ssettag s2;
	_ =	strace s9  }
0x27: {  	s1 =	sld [smem:$0x3FAB]  }
0x28: {  	s2 =	sld [smem:$0x3FAC]  }
0x29: {  	s4 =	sld [smem:$0x3FAE]  }
0x2a: {  	p0 =	seq.s32 s5, $0x0;
	s5 =	sld [smem:$0x3FAF]  }
0x2b: {  	s6 =	sld [smem:$0x3FB0]  }
0x2c: {  	s7 =	sld [smem:$0x3FB1]  }
0x2d: {  	s3 =	simm.s32 $0x108;
	s8 =	sld [smem:$0x3FB2]  }
0x2e: {  	s3 =	simm.s32 @!p0 $0x1082;
	s9 =	sld [smem:$0x3FB3]  }
0x2f: {  	lr =	sadd.s32 s0, s3;
	s0 =	sld [smem:$0x3FAA]  }
0x30: {  	s3 =	sld [smem:$0x3FAD]  }
0x31: {  	[smem:$0x3FB6] =	sst s10  }
0x32: {  	s10 =	sld [smem:$0x3FB4];
	_ =	sdelay $0x3  }
0x33: {  	p0 =	seq.s32 s10, $0x1;
	s10 =	sld [smem:$0x3FB6];
	_ =	sdelay $0x3  }
0x34: {  	[smem:$0x3FB6] =	sst s10  }
0x35: {  	s10 =	sld [smem:$0x3FB5];
	_ =	sdelay $0x3  }
0x36: {  	p1 =	seq.s32 s10, $0x1;
	s10 =	sld [smem:$0x3FB6];
	_ =	sdelay $0x3  }
0x37: {  	[smem:$0x3FB6] =	sst s10  }
0x38: {  	s10 =	sld [smem:$0x3FB7]  }
0x39: {  	_ = 	snop;
	(pc) =	sbr.ind lr, $3  }
0x3a: {  	_ = 	snop  }
0x3b: {  	_ = 	snop  }
0x3c: {  	p2 =	seq.s32 s10, $0x1;
	s10 =	sld [smem:$0x3FB6]  }
0x3d: {  	_ =	shalt  }
0x3e: {  	_ =	shalt  }
0x3f: {  	_ =	shalt  }
0x40: {  	_ =	shalt  }
0x41: {  	_ =	shalt  }
0x42: {  	_ =	shalt  }
0x43: {  	_ =	shalt  }
0x44: {  	_ =	shalt  }
0x45: {  	_ =	shalt  }
0x46: {  	_ =	shalt  }
0x47: {  	_ =	shalt  }
0x48: {  	_ =	shalt  }
0x49: {  	_ =	shalt  }
0x4a: {  	_ =	shalt  }
0x4b: {  	_ =	shalt  }
0x4c: {  	_ =	shalt  }
0x4d: {  	_ =	shalt  }
0x4e: {  	_ =	shalt  }
0x4f: {  	_ =	shalt  }
0x50: {  	_ =	shalt  }
0x51: {  	_ =	shalt  }
0x52: {  	_ =	shalt  }
0x53: {  	_ =	shalt  }
0x54: {  	_ =	shalt  }
0x55: {  	_ =	shalt  }
0x56: {  	_ =	shalt  }
0x57: {  	_ =	shalt  }
0x58: {  	_ =	shalt  }
0x59: {  	_ =	shalt  }
0x5a: {  	_ =	shalt  }
0x5b: {  	_ =	shalt  }
0x5c: {  	_ =	shalt  }
0x5d: {  	_ =	shalt  }
0x5e: {  	_ =	shalt  }
0x5f: {  	_ =	shalt  }
0x60: {  	_ =	shalt  }
0x61: {  	_ =	shalt  }
0x62: {  	_ =	shalt  }
0x63: {  	_ =	shalt  }
0x64: {  	_ =	shalt  }
0x65: {  	_ =	shalt  }
0x66: {  	_ =	shalt  }
0x67: {  	_ =	shalt  }
0x68: {  	_ =	shalt  }
0x69: {  	_ =	shalt  }
0x6a: {  	_ =	shalt  }
0x6b: {  	_ =	shalt  }
0x6c: {  	_ =	shalt  }
0x6d: {  	_ =	shalt  }
0x6e: {  	_ =	shalt  }
0x6f: {  	_ =	shalt  }
0x70: {  	_ =	shalt  }
0x71: {  	_ =	shalt  }
0x72: {  	_ =	shalt  }
0x73: {  	_ =	shalt  }
0x74: {  	_ =	shalt  }
0x75: {  	_ =	shalt  }
0x76: {  	_ =	shalt  }
0x77: {  	_ =	shalt  }
0x78: {  	_ =	shalt  }
0x79: {  	_ =	shalt  }
0x7a: {  	_ =	shalt  }
0x7b: {  	_ =	shalt  }
0x7c: {  	_ =	shalt  }
0x7d: {  	_ =	shalt  }
0x7e: {  	_ =	shalt  }
0x7f: {  	_ =	shalt  }
0x80: {  	_ =	shalt  }
0x81: {  	_ =	shalt  }
0x82: {  	_ =	shalt  }
0x83: {  	_ =	shalt  }
0x84: {  	_ =	shalt  }
0x85: {  	_ =	shalt  }
0x86: {  	_ =	shalt  }
0x87: {  	_ =	shalt  }
.Lfunc_end0:
.L_simem_size_0:
called_computation_lowered:
.L_overlay_start_0:
0x88: {  	s2 =	sld [smem:$0x3FD9]  }
0x89: {  	s3 =	sld [smem:$0x3FFE];
	_ =	sdelay $0x1  }
0x8a: {  	s1 =	srdreg.scid  }
0x8b: {  	s0 =	sand.u32 $0x1, s1  }
0x8c: {  	s17 =	sshll.u32 s0, $0xA;
	s2 =	sadd.s32 s3, s2  }
0x8d: {  	s2 =	sadd.s32 s2, s17  }
0x8e: {  	[smem:$0x3FC2] =	sst s2  }
0x8f: {  	_ = 	snop  }
0x90: {  	s2 =	sld [smem:$0x3FC9]  }
0x91: {  	s18 =	sld [smem:$0x3FC8]  }
0x92: {  	s4 =	sld [smem:$0x3FC4]  }
0x93: {  	s5 =	sld [smem:$0x3FD0];
	(tm) =	ssettm $0x1  }
0x94: {  	s6 =	sld [smem:$0x3FFB];
	_ =	sdelay $0x3  }
0x95: {  	_ =	strace s6  }
0x96: {  	s6 =	sld [smem:$0x3FFC];
	_ =	sdelay $0x3  }
0x97: {  	_ =	strace s6  }
0x98: {  	s6 =	sld [smem:$0x3FFD];
	_ =	sdelay $0x3  }
0x99: {  	_ =	strace s6  }
0x9a: {  	_ =	strace $0x8FFFFFFF  }
0x9b: {  	s19 =	sld [smem:$0x3FDB];
	_ =	sdelay $0x1  }
0x9c: {  	s7 =	simm.s32 $_scs_section_size  }
0x9d: {  	s8 =	simm.s32 $_size__tile_overlayer_lowered;
	s9 =	simm.s32 $_tile_overlayer_lowered  }
0x9e: {  	s22 =	simm.s32 $0x1BFF;
	s21 =	sshll.u32 s9, $0x1;
	s6 =	sadd.s32 s7, s19  }
0x9f: {  	s10 =	simm.s32 $0x0;
	s20 =	sshll.u32 s8, $0x1;
	s8 =	sadd.s32 s21, s6  }
0xa0: {  	[timem:s10], [sflag:s22] =	dma.local [hbm:s8], s20  }
0xa1: {  	_ =	swait.ge [sflag:s22], s20  }
0xa2: {  	s7 =	ssub.s32 $0x0, s20;
	[sflag:s22] =	ssyncset.done $0x0  }
0xa3: {  	[sflag:s22] =	ssyncadd.s32 s7;
	_ =	sdelay $0x1  }
0xa4: {  	s23 =	simm.s32 $0x1B8B  }
0xa5: {  	_ =	swait.ge [sflag:s23], $0x1  }
0xa6: {  	[sflag:s23] =	ssyncset.done $0x0  }
0xa7: {  	s25 =	simm.s32 $0x1B8E;
	s24 =	sld [smem:$0x3FFE];
	[sflag:s23] =	ssyncadd.s32 $0xFFFFFFFF  }
0xa8: {  	s26 =	simm.s32 $execute0_lowered;
	[smem:$0x3FD2] =	sst s25  }
0xa9: {  	s8 =	sshll.u32 s26, $0x1;
	_ =	strace $0x80000046;
	[dreg:$0x1] =	wrdreg $0xFFFFFFFF  }
0xaa: {  	s28 =	simm.s32 $_size_execute0_lowered;
	s6 =	sadd.s32 s6, s8;
	[dreg:$0x0] =	wrdreg $0x0  }
0xab: {  	s8 =	sshll.u32 s28, $0x1;
	[dreg:$0x2] =	wrdreg s6  }
0xac: {  	[dreg:$0x3] =	wrdreg s8  }
0xad: {  	[dreg:$0x4] =	wrdreg $0xC0  }
0xae: {  	_ =	task [dreg:s10], $0x5FFFF  }
0xaf: {  	[dreg:$0x1] =	wrdreg $0xFFFFFFFF  }
0xb0: {  	[dreg:$0x0] =	wrdreg $0x60  }
0xb1: {  	[dreg:$0x2] =	wrdreg s2  }
0xb2: {  	[dreg:$0x3] =	wrdreg s18  }
0xb3: {  	[dreg:$0x4] =	wrdreg s24  }
0xb4: {  	[dreg:$0x5] =	wrdreg s4  }
0xb5: {  	[dreg:$0x6] =	wrdreg s5  }
0xb6: {  	[dreg:$0x7] =	wrdreg $0x0  }
0xb7: {  	[dreg:$0x8] =	wrdreg $0x9  }
0xb8: {  	_ =	task.clear_ibuf [dreg:s10], $0x9FFFF;
	_ =	strace $0x90000046  }
0xb9: {  	s29 =	simm.s32 $0x9;
	_ =	strace $0x80000048  }
0xba: {  	_ =	swait.ge [sflag:s29], $0x1  }
0xbb: {  	[sflag:s29] =	ssyncadd.s32 $0xFFFFFFFF  }
0xbc: {  	_ =	strace $0x90000048  }
0xbd: {  	_ =	sfence  }
0xbe: {  	s30 =	sld [smem:$0x0];
	_ =	sdelay $0x2  }
0xbf: {  	s31 =	sshll.u32 s1, $0xD;
	s1 =	sshrl.u32 s1, $0x2  }
0xc0: {  	s3 =	sand.u32 $0x4000, s31;
	s1 =	sadd.s32 s1, s30  }
0xc1: {  	s0 =	sor.u32 s3, s0;
	s1 =	sshll.u32 s1, $0x11  }
0xc2: {  	s0 =	sor.u32 s1, s0  }
0xc3: {  	s0 =	sadd.s32 $0x8F2B, s0  }
0xc4: {  	[sflag:s0] =	ssyncadd.remote.s32 $0x1  }
0xc5: {  	_ =	sfence.sel $0xFFFF  }
0xc6: {  	[dreg:$0x0] =	wrdreg $0xFFFFFFFF;
	(pc) =	sbr.abs _section_cstart, $3  }
0xc7: {  	[dreg:$0x1] =	wrdreg $0xFFFFFFFF  }
0xc8: {  	_ =	task.clear_ibuf [dreg:s10], $0x2FFFF;
	_ =	strace $0x9FFFFFFF  }
0xc9: {  	(tm) =	ssettm $0x7FFFFFFF  }
tec
execute0_lowered:
.L_overlay_start_1:
0x0: {  	(tag) =	ssettag $0x1  }
0x1: {  	s3 =	rddreg [dreg:$0x0]  }
0x2: {  	s4 =	rddreg [dreg:$0x1]  }
0x3: {  	s0 =	srdreg.scid;
	s15 =	rddreg [dreg:$0x3]  }
0x4: {  	s7 =	stileid.u32;
	s1 =	simm.s32 $0x0;
	s29 =	rddreg [dreg:$0x5]  }
0x5: {  	s5 =	sand.u32 $0x1, s0;
	s2 =	smul.u32 $0x1900, s7;
	s7 =	sshll.u32 s7, $0x1  }
0x6: {  	[smem:$0x7FF] =	sst s1;
	s0 =	ssub.s32 $0x2, s5;
	s5 =	sor.u32 s5, s7  }
0x7: {  	s6 =	sshrl.u32 s0, $0x1;
	s13 =	sshrl.u32 s2, $0x3;
	s8 =	smul.u32 $0x19000, s5  }
0x8: {  	s5 =	sadd.s32 $0x19000, s2;
	s7 =	sadd.s32 $0x4B000, s2;
	s20 =	smin.u32 s2, $0x11940  }
0x9: {  	s0 =	ssub.s32 s0, s6;
	s14 =	sadd.s32 s15, s13;
	s9 =	sshrl.u32 s5, $0x3  }
0xa: {  	s6 =	sadd.s32 $0x32000, s2;
	s10 =	sshrl.u32 s7, $0x3;
	[dreg:$0x7] =	wrdreg s14  }
0xb: {  	s9 =	sadd.s32 s15, s9;
	s16 =	sshrl.u32 s6, $0x3;
	s14 =	sshrl.u32 s8, $0x3  }
0xc: {  	s17 =	sadd.s32 s15, s10;
	s8 =	sadd.s32 $0x64000, s2;
	[dreg:$0x8] =	wrdreg s9  }
0xd: {  	s10 =	sadd.s32 $0x96000, s2;
	s9 =	sadd.s32 s15, s16;
	[dreg:$0xa] =	wrdreg s17  }
0xe: {  	s11 =	sshrl.u32 s8, $0x3;
	s13 =	sshrl.u32 s10, $0x3;
	s23 =	sadd.s32 $0x320, s14  }
0xf: {  	s25 =	sadd.s32 $0x640, s14;
	[dreg:$0x9] =	wrdreg s9;
	s11 =	sadd.s32 s15, s11  }
0x10: {  	s9 =	sadd.s32 $0x7D000, s2;
	s19 =	sadd.s32 s15, s13;
	[dreg:$0xb] =	wrdreg s11  }
0x11: {  	s13 =	sadd.s32 $0xE1000, s20;
	s24 =	sadd.s32 s4, s23;
	[dreg:$0xd] =	wrdreg s19  }
0x12: {  	s26 =	sadd.s32 s4, s25;
	s30 =	sadd.s32 s3, s25;
	[dreg:$0x11] =	wrdreg s24  }
0x13: {  	s12 =	sshrl.u32 s9, $0x3;
	s11 =	sadd.s32 $0xAF000, s2;
	[dreg:$0x14] =	wrdreg s26  }
0x14: {  	[dreg:$0x15] =	wrdreg s30;
	s18 =	sadd.s32 s15, s12;
	s16 =	sshrl.u32 s11, $0x3  }
0x15: {  	s12 =	sadd.s32 $0xC8000, s2;
	[dreg:$0xc] =	wrdreg s18;
	s16 =	sadd.s32 s15, s16  }
0x16: {  	s17 =	sshrl.u32 s12, $0x3;
	s18 =	sadd.s32 s3, s23;
	[dreg:$0xe] =	wrdreg s16  }
0x17: {  	s22 =	sshrl.u32 s13, $0x3;
	s21 =	sadd.s32 s15, s17;
	[dreg:$0x12] =	wrdreg s18  }
0x18: {  	s15 =	sadd.s32 s15, s22;
	[dreg:$0xf] =	wrdreg s21  }
0x19: {  	s18 =	sadd.s32 $0x960, s14;
	[dreg:$0x10] =	wrdreg s15  }
0x1a: {  	s15 =	rddreg [dreg:$0x4];
	s19 =	sadd.s32 s4, s18  }
0x1b: {  	s20 =	sadd.s32 s3, s18;
	[dreg:$0x17] =	wrdreg s19  }
0x1c: {  	s16 =	sadd.s32 s15, s23;
	[dreg:$0x18] =	wrdreg s20  }
0x1d: {  	s21 =	sadd.s32 $0xC80, s14;
	s17 =	sadd.s32 s15, s25;
	[dreg:$0x13] =	wrdreg s16  }
0x1e: {  	s22 =	sadd.s32 s4, s21;
	[dreg:$0x16] =	wrdreg s17  }
0x1f: {  	s30 =	sadd.s32 $0x12C0, s14;
	s24 =	sadd.s32 s3, s21;
	[dreg:$0x1a] =	wrdreg s22  }
0x20: {  	s19 =	sadd.s32 s3, s30;
	[dreg:$0x1b] =	wrdreg s24  }
0x21: {  	s16 =	sadd.s32 s15, s18;
	[smem:$0x7D2] =	sst s19  }
0x22: {  	s23 =	sadd.s32 $0xFA0, s14;
	s17 =	sadd.s32 s15, s21;
	[dreg:$0x19] =	wrdreg s16  }
0x23: {  	s25 =	sadd.s32 s4, s23;
	[dreg:$0x1c] =	wrdreg s17  }
0x24: {  	s26 =	sadd.s32 s3, s23;
	[dreg:$0x1d] =	wrdreg s25  }
0x25: {  	s20 =	sadd.s32 $0x15E0, s14;
	s18 =	sadd.s32 s4, s30;
	[dreg:$0x1e] =	wrdreg s26  }
0x26: {  	s21 =	sadd.s32 s4, s20;
	[smem:$0x7D1] =	sst s18  }
0x27: {  	s16 =	sadd.s32 s15, s23;
	[smem:$0x7D4] =	sst s21  }
0x28: {  	s23 =	sadd.s32 s3, s20;
	[dreg:$0x1f] =	wrdreg s16  }
0x29: {  	s22 =	sadd.s32 $0x1900, s14;
	s17 =	sadd.s32 s15, s20;
	[smem:$0x7D5] =	sst s23  }
0x2a: {  	s24 =	sadd.s32 s4, s22;
	[smem:$0x7D6] =	sst s17  }
0x2b: {  	s19 =	sadd.s32 $0x1F40, s14;
	s25 =	sadd.s32 s3, s22;
	[smem:$0x7D7] =	sst s24  }
0x2c: {  	s20 =	sadd.s32 s4, s19;
	[smem:$0x7D8] =	sst s25  }
0x2d: {  	s26 =	sadd.s32 $0x1C20, s14;
	s16 =	sadd.s32 s15, s30;
	[smem:$0x7DD] =	sst s20  }
0x2e: {  	s30 =	sadd.s32 s4, s26;
	[smem:$0x7D3] =	sst s16  }
0x2f: {  	s18 =	sadd.s32 s3, s26;
	[smem:$0x7DA] =	sst s30  }
0x30: {  	s21 =	sadd.s32 $0x2260, s14;
	s17 =	sadd.s32 s15, s19;
	[smem:$0x7DB] =	sst s18  }
0x31: {  	s23 =	sadd.s32 s4, s21;
	[smem:$0x7DF] =	sst s17  }
0x32: {  	s24 =	sadd.s32 s3, s21;
	[smem:$0x7E0] =	sst s23  }
0x33: {  	[smem:$0x7E1] =	sst s24  }
0x34: {  	s16 =	sadd.s32 s15, s22;
	s24 =	rddreg [dreg:$0x2]  }
0x35: {  	s25 =	sadd.s32 $0x2580, s14;
	s22 =	sadd.s32 s3, s19;
	[smem:$0x7D9] =	sst s16  }
0x36: {  	s30 =	sadd.s32 s3, s25;
	[smem:$0x7DE] =	sst s22  }
0x37: {  	s17 =	sadd.s32 s4, s14;
	[smem:$0x7E4] =	sst s30  }
0x38: {  	s18 =	sadd.s32 s3, s14;
	[smem:$0x7E6] =	sst s17  }
0x39: {  	s19 =	sadd.s32 s15, s14;
	[smem:$0x7E7] =	sst s18  }
0x3a: {  	s16 =	sadd.s32 s15, s26;
	[smem:$0x7E8] =	sst s19  }
0x3b: {  	s20 =	sadd.s32 $0x28A0, s14;
	s26 =	sadd.s32 s4, s25;
	[smem:$0x7DC] =	sst s16  }
0x3c: {  	s22 =	sadd.s32 s4, s20;
	[smem:$0x7E3] =	sst s26  }
0x3d: {  	s30 =	sadd.s32 s15, s20;
	[smem:$0x7E9] =	sst s22  }
0x3e: {  	s16 =	sadd.s32 s15, s21;
	[smem:$0x7EF] =	sst s30  }
0x3f: {  	s21 =	sadd.s32 $0x2BC0, s14;
	[smem:$0x7E2] =	sst s16;
	s16 =	sadd.s32 s15, s25  }
0x40: {  	s14 =	sadd.s32 $0x2EE0, s14;
	s23 =	sadd.s32 s4, s21;
	[smem:$0x7E5] =	sst s16  }
0x41: {  	s4 =	sadd.s32 s4, s14;
	[smem:$0x7EA] =	sst s23  }
0x42: {  	s25 =	sadd.s32 s3, s20;
	[smem:$0x7EB] =	sst s4  }
0x43: {  	s26 =	sadd.s32 s3, s21;
	[smem:$0x7EC] =	sst s25  }
0x44: {  	s3 =	sadd.s32 s3, s14;
	[smem:$0x7ED] =	sst s26  }
0x45: {  	s17 =	sadd.s32 s15, s14;
	[smem:$0x7EE] =	sst s3  }
0x46: {  	s16 =	sadd.s32 s15, s21;
	[smem:$0x7F1] =	sst s17  }
0x47: {  	s28 =	simm.s32 $0xB;
	s18 =	sadd.s32 $0x400, s24;
	[smem:$0x7F0] =	sst s16  }
0x48: {  	s2 =	sadd.s32 s2, s29;
	_ =	strace $0x80000047;
	[smem:$0x7F2] =	sst s18  }
0x49: {  	s31 =	simm.s32 $0x3;
	s19 =	sadd.s32 s5, s29;
	[smem:$0x7F3] =	sst s2  }
0x4a: {  	s0 =	smax.u32 s0, $0x1;
	s20 =	sadd.s32 s6, s29;
	[smem:$0x7F4] =	sst s19  }
0x4b: {  	s24 =	sadd.s32 s10, s29;
	s21 =	sadd.s32 s7, s29;
	[smem:$0x7F5] =	sst s20  }
0x4c: {  	s10 =	simm.s32 $0xA;
	s22 =	sadd.s32 s8, s29;
	[smem:$0x7F6] =	sst s21  }
0x4d: {  	s30 =	sadd.s32 s13, s29;
	s23 =	sadd.s32 s9, s29;
	[smem:$0x7F7] =	sst s22  }
0x4e: {  	s13 =	simm.s32 $0x18AA8;
	s8 =	simm.s32 $0x5;
	[smem:$0x7F8] =	sst s23  }
0x4f: {  	s14 =	simm.s32 $0x1BCA8;
	s25 =	sadd.s32 s11, s29;
	[smem:$0x7F9] =	sst s24  }
0x50: {  	s6 =	simm.s32 $0x1C928;
	s26 =	sadd.s32 s12, s29;
	[smem:$0x7FA] =	sst s25  }
0x51: {  	s15 =	simm.s32 $0x1A3A8;
	s3 =	simm.s32 $0x19728;
	[smem:$0x7FB] =	sst s26  }
0x52: {  	s4 =	simm.s32 $0x4;
	s7 =	simm.s32 $0x7;
	[smem:$0x7FC] =	sst s30  }
0x53: {  	s11 =	simm.s32 $0x0;
	s16 =	simm.s32 $0xF4A8;
	[smem:$0x7FD] =	sst s0  }
0x54: {  	s18 =	simm.s32 $0x126A8;
	s20 =	simm.s32 $0x158A8;
	s22 =	simm.s32 $0x6  }
0x55: {  	s23 =	simm.s32 $0x1D5A8;
	s24 =	simm.s32 $0x9;
	s25 =	simm.s32 $0x1  }
0x56: {  	s26 =	simm.s32 $0x8;
	s0 =	simm.s32 $0xC80;
	s2 =	simm.s32 $0x10128  }
.LBB2_1:
0x57: {  	s5 =	rddreg [dreg:$0x7]  }
0x58: {  	s12 =	rddreg [dreg:$0x8]  }
0x59: {  	[tilespmem:s13], [sflag:$0x6] =	stream.linear.gather [hbm4b:s5+s1], $0x1900, $0x38;
	[tilespmem:$0x1EEA8] =	vst v63  }
0x5a: {  	s17 =	rddreg [dreg:$0x9]  }
0x5b: {  	[tilespmem:s14], [sflag:$0x9] =	stream.linear.gather [hbm4b:s12+s1], $0x1900, $0x38;
	[tilespmem:$0x1EEA8] =	vst v63  }
0x5c: {  	s19 =	sld [smem:$0x7F2]  }
0x5d: {  	[tilespmem:s15], [sflag:$0x8] =	stream.linear.gather [hbm4b:s17+s1], $0x1900, $0x38;
	[tilespmem:$0x1EEA8] =	vst v63  }
0x5e: {  	s9 =	simm.s32 $0xF428;
	s21 =	sld [smem:$0x7E6]  }
0x5f: {  	[tilespmem:s9], [sflag:$0x2] =	stream.linear.gather [hbm4b:s19+s1], $0x80, $0x38;
	[tilespmem:$0x1EEA8] =	vst v63  }
0x60: {  	s9 =	sld [smem:$0x7E7]  }
0x61: {  	[tilespmem:s16], [sflag:$0x3] =	stream.linear.gather [hbm4b:s21+s1], $0x1900, $0x38;
	[tilespmem:$0x1EEA8] =	vst v63  }
0x62: {  	s12 =	simm.s32 $0x10DA8  }
0x63: {  	[tilespmem:s12], [sflag:$0x3] =	stream.linear.gather [hbm4b:s9+s1], $0x1900, $0x38;
	[tilespmem:$0x1EEA8] =	vst v63  }
0x64: {  	s17 =	rddreg [dreg:$0x11]  }
0x65: {  	[tilespmem:s18], [sflag:$0x4] =	stream.linear.gather [hbm4b:s17+s1], $0x1900, $0x38;
	[tilespmem:$0x1EEA8] =	vst v63  }
0x66: {  	s19 =	rddreg [dreg:$0x12];
	s21 =	simm.s32 $0x13FA8  }
0x67: {  	[tilespmem:s21], [sflag:$0x4] =	stream.linear.gather [hbm4b:s19+s1], $0x1900, $0x38;
	[tilespmem:$0x1EEA8] =	vst v63  }
0x68: {  	s12 =	rddreg [dreg:$0x14]  }
0x69: {  	[tilespmem:s20], [sflag:$0x5] =	stream.linear.gather [hbm4b:s12+s1], $0x1900, $0x38;
	[tilespmem:$0x1EEA8] =	vst v63  }
0x6a: {  	s17 =	rddreg [dreg:$0x15];
	s19 =	simm.s32 $0x171A8  }
0x6b: {  	[tilespmem:s19], [sflag:$0x5] =	stream.linear.gather [hbm4b:s17+s1], $0x1900, $0x38;
	[tilespmem:$0x1EEA8] =	vst v63  }
0x6c: {  	_ =	swait.ge [sflag:s22], $0x1900  }
0x6d: {  	s21 =	sld [smem:$0x7F3]  }
0x6e: {  	[sflag:s22] =	ssyncset.done $0x0  }
0x6f: {  	[sflag:s22] =	ssyncadd.s32 $0xFFFFE700  }
0x70: {  	[spmem:s21] =	stream.linear.scatter [tilespmem:s13], [sflag:$0x1], $0x1900, $0x38;
	[tilespmem:$0x1EEA8] =	vst v63  }
0x71: {  	s9 =	rddreg [dreg:$0xa]  }
0x72: {  	[tilespmem:s23], [sflag:$0xB] =	stream.linear.gather [hbm4b:s9+s1], $0x1900, $0x38;
	[tilespmem:$0x1EEA8] =	vst v63  }
0x73: {  	_ =	swait.ge [sflag:s24], $0x1900  }
0x74: {  	s12 =	sld [smem:$0x7F4]  }
0x75: {  	[sflag:s24] =	ssyncset.done $0x0  }
0x76: {  	[sflag:s24] =	ssyncadd.s32 $0xFFFFE700  }
0x77: {  	[spmem:s12] =	stream.linear.scatter [tilespmem:s14], [sflag:$0x1], $0x1900, $0x38;
	[tilespmem:$0x1EEA8] =	vst v63  }
0x78: {  	_ =	swait.ge [sflag:s25], $0x1900  }
0x79: {  	[sflag:s25] =	ssyncset.done $0x0  }
0x7a: {  	s17 =	rddreg [dreg:$0xb];
	[sflag:s25] =	ssyncadd.s32 $0xFFFFE700  }
0x7b: {  	[tilespmem:s13], [sflag:$0x6] =	stream.linear.gather [hbm4b:s17+s1], $0x1900, $0x38;
	[tilespmem:$0x1EEA8] =	vst v63  }
0x7c: {  	_ =	swait.ge [sflag:s26], $0x1900  }
0x7d: {  	s19 =	sld [smem:$0x7F5]  }
0x7e: {  	[sflag:s26] =	ssyncset.done $0x0  }
0x7f: {  	[sflag:s26] =	ssyncadd.s32 $0xFFFFE700  }
0x80: {  	[spmem:s19] =	stream.linear.scatter [tilespmem:s15], [sflag:$0x1], $0x1900, $0x38;
	[tilespmem:$0x1EEA8] =	vst v63  }
0x81: {  	_ =	swait.ge [sflag:s25], $0x1900  }
0x82: {  	[sflag:s25] =	ssyncset.done $0x0  }
0x83: {  	s21 =	rddreg [dreg:$0xc];
	[sflag:s25] =	ssyncadd.s32 $0xFFFFE700  }
0x84: {  	[tilespmem:s14], [sflag:$0x9] =	stream.linear.gather [hbm4b:s21+s1], $0x1900, $0x38;
	[tilespmem:$0x1EEA8] =	vst v63  }
0x85: {  	_ =	swait.ge [sflag:s28], $0x1900  }
0x86: {  	s9 =	sld [smem:$0x7F6]  }
0x87: {  	[sflag:s28] =	ssyncset.done $0x0  }
0x88: {  	[sflag:s28] =	ssyncadd.s32 $0xFFFFE700  }
0x89: {  	[spmem:s9] =	stream.linear.scatter [tilespmem:s23], [sflag:$0x1], $0x1900, $0x38;
	[tilespmem:$0x1EEA8] =	vst v63  }
0x8a: {  	_ =	swait.ge [sflag:s25], $0x1900  }
0x8b: {  	[sflag:s25] =	ssyncset.done $0x0  }
0x8c: {  	s12 =	rddreg [dreg:$0xd];
	[sflag:s25] =	ssyncadd.s32 $0xFFFFE700  }
0x8d: {  	[tilespmem:s15], [sflag:$0x8] =	stream.linear.gather [hbm4b:s12+s1], $0x1900, $0x38;
	[tilespmem:$0x1EEA8] =	vst v63  }
0x8e: {  	_ =	swait.ge [sflag:s22], $0x1900  }
0x8f: {  	s17 =	sld [smem:$0x7F7]  }
0x90: {  	[sflag:s22] =	ssyncset.done $0x0  }
0x91: {  	[sflag:s22] =	ssyncadd.s32 $0xFFFFE700  }
0x92: {  	[spmem:s17] =	stream.linear.scatter [tilespmem:s13], [sflag:$0x1], $0x1900, $0x38;
	[tilespmem:$0x1EEA8] =	vst v63  }
0x93: {  	_ =	swait.ge [sflag:s25], $0x1900  }
0x94: {  	[sflag:s25] =	ssyncset.done $0x0  }
0x95: {  	s19 =	rddreg [dreg:$0xe];
	[sflag:s25] =	ssyncadd.s32 $0xFFFFE700  }
0x96: {  	[tilespmem:s23], [sflag:$0xB] =	stream.linear.gather [hbm4b:s19+s1], $0x1900, $0x38;
	[tilespmem:$0x1EEA8] =	vst v63  }
0x97: {  	_ =	swait.ge [sflag:s24], $0x1900  }
0x98: {  	s21 =	sld [smem:$0x7F8]  }
0x99: {  	[sflag:s24] =	ssyncset.done $0x0  }
0x9a: {  	[sflag:s24] =	ssyncadd.s32 $0xFFFFE700  }
0x9b: {  	[spmem:s21] =	stream.linear.scatter [tilespmem:s14], [sflag:$0x1], $0x1900, $0x38;
	[tilespmem:$0x1EEA8] =	vst v63  }
0x9c: {  	_ =	swait.ge [sflag:s25], $0x1900  }
0x9d: {  	[sflag:s25] =	ssyncset.done $0x0  }
0x9e: {  	s9 =	rddreg [dreg:$0xf];
	[sflag:s25] =	ssyncadd.s32 $0xFFFFE700  }
0x9f: {  	[tilespmem:s13], [sflag:$0x6] =	stream.linear.gather [hbm4b:s9+s1], $0x1900, $0x38;
	[tilespmem:$0x1EEA8] =	vst v63  }
0xa0: {  	_ =	swait.ge [sflag:s26], $0x1900  }
0xa1: {  	s12 =	sld [smem:$0x7F9]  }
0xa2: {  	[sflag:s26] =	ssyncset.done $0x0  }
0xa3: {  	[sflag:s26] =	ssyncadd.s32 $0xFFFFE700  }
0xa4: {  	[spmem:s12] =	stream.linear.scatter [tilespmem:s15], [sflag:$0x1], $0x1900, $0x38;
	[tilespmem:$0x1EEA8] =	vst v63  }
0xa5: {  	_ =	swait.ge [sflag:s25], $0x1900  }
0xa6: {  	[sflag:s25] =	ssyncset.done $0x0  }
0xa7: {  	s17 =	rddreg [dreg:$0x10];
	[sflag:s25] =	ssyncadd.s32 $0xFFFFE700  }
0xa8: {  	[tilespmem:s14], [sflag:$0x9] =	stream.linear.gather [hbm4b:s17+s1], $0x1900, $0x38;
	[tilespmem:$0x1EEA8] =	vst v63  }
0xa9: {  	_ =	swait.ge [sflag:s28], $0x1900  }
0xaa: {  	s19 =	sld [smem:$0x7FA]  }
0xab: {  	[sflag:s28] =	ssyncset.done $0x0  }
0xac: {  	[sflag:s28] =	ssyncadd.s32 $0xFFFFE700  }
0xad: {  	[spmem:s19] =	stream.linear.scatter [tilespmem:s23], [sflag:$0x1], $0x1900, $0x38;
	[tilespmem:$0x1EEA8] =	vst v63  }
0xae: {  	_ =	swait.ge [sflag:s22], $0x1900  }
0xaf: {  	s21 =	sld [smem:$0x7FB]  }
0xb0: {  	[sflag:s22] =	ssyncset.done $0x0  }
0xb1: {  	[sflag:s22] =	ssyncadd.s32 $0xFFFFE700  }
0xb2: {  	[spmem:s21] =	stream.linear.scatter [tilespmem:s13], [sflag:$0x1], $0x1900, $0x38;
	[tilespmem:$0x1EEA8] =	vst v63  }
0xb3: {  	_ =	swait.ge [sflag:s24], $0x1900  }
0xb4: {  	s9 =	sld [smem:$0x7FC]  }
0xb5: {  	[sflag:s24] =	ssyncset.done $0x0  }
0xb6: {  	[sflag:s24] =	ssyncadd.s32 $0xFFFFE700  }
0xb7: {  	[spmem:s9] =	stream.linear.scatter [tilespmem:s14], [sflag:$0x1], $0x1900, $0x38;
	[tilespmem:$0x1EEA8] =	vst v63  }
0xb8: {  	_ =	swait.ge [sflag:s25], $0x1900  }
0xb9: {  	[sflag:s25] =	ssyncset.done $0x0  }
0xba: {  	[sflag:s25] =	ssyncadd.s32 $0xFFFFE700  }
0xbb: {  	_ =	swait.ge [sflag:s25], $0x1900  }
0xbc: {  	[sflag:s25] =	ssyncset.done $0x0  }
0xbd: {  	[sflag:s25] =	ssyncadd.s32 $0xFFFFE700  }
0xbe: {  	_ =	swait.ge [sflag:s25], $0x1900  }
0xbf: {  	[sflag:s25] =	ssyncset.done $0x0  }
0xc0: {  	[sflag:s25] =	ssyncadd.s32 $0xFFFFE700  }
0xc1: {  	_ =	swait.ge [sflag:s25], $0x1900  }
0xc2: {  	[sflag:s25] =	ssyncset.done $0x0  }
0xc3: {  	[sflag:s25] =	ssyncadd.s32 $0xFFFFE700  }
0xc4: {  	s12 =	simm.s32 $0x2;
	[bflag:$0x0] =	sbarrier.arrive $0xFFFF  }
0xc5: {  	_ =	swait.ge [sflag:s12], $0x80  }
0xc6: {  	[sflag:s12] =	ssyncset.done $0x0  }
0xc7: {  	[sflag:s12] =	ssyncadd.s32 $0xFFFFFF80  }
0xc8: {  	v2 =	vld [tilespmem:$0xF428]  }
0xc9: {  	v1 =	vld [tilespmem:$0xF438]  }
0xca: {  	v0 =	vld [tilespmem:$0xF448];
	_ =	swait.ge [sflag:s31], $0x1900  }
0xcb: {  	[sflag:s31] =	ssyncset.done $0x0  }
0xcc: {  	[sflag:s31] =	ssyncadd.s32 $0xFFFFE700  }
0xcd: {  	_ =	swait.ge [sflag:s31], $0x1900  }
0xce: {  	[sflag:s31] =	ssyncset.done $0x0  }
0xcf: {  	[sflag:s31] =	ssyncadd.s32 $0xFFFFE700  }
0xd0: {  	[tilespmem:s13], [sflag:$0x6] =	stream.indirect.gather [spmem:s29], $0x1, s16, s0, $0xb8;
	[tilespmem:$0x1EEA8] =	vst v63  }
0xd1: {  	_ = 	snop  }
0xd2: {  	[tilespmem:s3], [sflag:$0x7] =	stream.indirect.gather [spmem:s29], $0x1, s2, s0, $0xb8;
	[tilespmem:$0x1EEA8] =	vst v63  }
0xd3: {  	_ =	swait.ge [sflag:s4], $0x1900  }
0xd4: {  	[sflag:s4] =	ssyncset.done $0x0  }
0xd5: {  	[sflag:s4] =	ssyncadd.s32 $0xFFFFE700  }
0xd6: {  	_ =	swait.ge [sflag:s4], $0x1900  }
0xd7: {  	[sflag:s4] =	ssyncset.done $0x0  }
0xd8: {  	[sflag:s4] =	ssyncadd.s32 $0xFFFFE700  }
0xd9: {  	[tilespmem:s14], [sflag:$0x9] =	stream.indirect.gather [spmem:s29], $0x1, s18, s0, $0xb8;
	[tilespmem:$0x1EEA8] =	vst v63  }
0xda: {  	s17 =	simm.s32 $0x13328  }
0xdb: {  	[tilespmem:s6], [sflag:$0xA] =	stream.indirect.gather [spmem:s29], $0x1, s17, s0, $0xb8;
	[tilespmem:$0x1EEA8] =	vst v63  }
0xdc: {  	_ =	swait.ge [sflag:s22], $0xC80  }
0xdd: {  	[sflag:s22] =	ssyncset.done $0x0  }
0xde: {  	[sflag:s22] =	ssyncadd.s32 $0xFFFFF380  }
0xdf: {  	_ =	swait.ge [sflag:s7], $0xC80  }
0xe0: {  	[sflag:s7] =	ssyncset.done $0x0  }
0xe1: {  	s19 =	simm.s32 $0x18AC8;
	[sflag:s7] =	ssyncadd.s32 $0xFFFFF380  }
0xe2: {  	v3 =	vld [tilespmem:s19+$0xFFFFFFE0]  }
0xe3: {  	v4 =	vld [tilespmem:s19+$0x10]  }
0xe4: {  	v5 =	vld [tilespmem:s19+$0xFFFFFFF0]  }
0xe5: {  	s21 =	simm.s32 $0x10DC8;
	v6 =	vld [tilespmem:s19+$0x0]  }
0xe6: {  	v7 =	vld [tilespmem:s21+$0xFFFFFFE0]  }
0xe7: {  	v8 =	vld [tilespmem:s21+$0xFFFFFFF0]  }
0xe8: {  	v9 =	vld [tilespmem:s21+$0x0]  }
0xe9: {  	s9 =	simm.s32 $0x18B08;
	v10 =	vld [tilespmem:s21+$0x10]  }
0xea: {  	v11 =	vld [tilespmem:s9+$0xFFFFFFE0]  }
0xeb: {  	v12 =	vld [tilespmem:s9+$0xFFFFFFF0]  }
0xec: {  	s12 =	simm.s32 $0x10E08;
	v13 =	vld [tilespmem:s9+$0x0]  }
0xed: {  	s17 =	simm.s32 $0x18B48;
	v14 =	vld [tilespmem:s12+$0xFFFFFFE0];
	v3 =	vsub.f32 v7, v3  }
0xee: {  	v15 =	vld [tilespmem:s17+$0xFFFFFFE0]  }
0xef: {  	v17 =	vld [tilespmem:s17+$0x10];
	v4 =	vsub.f32 v10, v4;
	v3 =	vmul.f32 v3, v2  }
0xf0: {  	v7 =	vld [tilespmem:s9+$0x10];
	v5 =	vsub.f32 v8, v5  }
0xf1: {  	v6 =	vsub.f32 v9, v6;
	v9 =	vld [tilespmem:s12+$0x0];
	v4 =	vmul.f32 v4, v2;
	v3 =	vadd.f32 v3, v1  }
0xf2: {  	s19 =	simm.s32 $0x10E48;
	v10 =	vld [tilespmem:s12+$0x10];
	v11 =	vsub.f32 v14, v11;
	v5 =	vmul.f32 v5, v2  }
0xf3: {  	v16 =	vld [tilespmem:s19+$0xFFFFFFE0];
	v4 =	vadd.f32 v4, v1;
	v3 =	vmul.f32 $1.442695020e+00, v3  }
0xf4: {  	v8 =	vld [tilespmem:s12+$0xFFFFFFF0];
	v11 =	vmul.f32 v11, v2;
	v5 =	vadd.f32 v5, v1  }
0xf5: {  	v14 =	vld [tilespmem:s17+$0xFFFFFFF0];
	v4 =	vmul.f32 $1.442695020e+00, v4;
	(erf) = vpow2.f32 v3  }
0xf6: {  	v6 =	vmul.f32 v6, v2;
	v9 =	vsub.f32 v9, v13;
	v5 =	vmul.f32 $1.442695020e+00, v5;
	v3 =	vld [tilespmem:s19+$0xFFFFFFF0]  }
0xf7: {  	v13 =	vld [tilespmem:s19+$0x0];
	(erf) = vpow2.f32 v4;
	v4 =	vsub.f32 v10, v7;
	v7 =	vadd.f32 v11, v1  }
0xf8: {  	s12 =	simm.s32 $0x10E88;
	v6 =	vadd.f32 v6, v1;
	v10 =	vsub.f32 v16, v15;
	v11 =	vld [tilespmem:s19+$0x10];
	(erf) = vpow2.f32 v5  }
0xf9: {  	s21 =	simm.s32 $0x18B88;
	v15 =	vld [tilespmem:s12+$0xFFFFFFF0];
	v4 =	vmul.f32 v4, v2;
	v7 =	vmul.f32 $1.442695020e+00, v7  }
0xfa: {  	v6 =	vmul.f32 $1.442695020e+00, v6;
	v5 =	vsub.f32 v8, v12;
	v8 =	vld [tilespmem:s21+$0xFFFFFFE0];
	v10 =	vmul.f32 v10, v2  }
0xfb: {  	v3 =	vsub.f32 v3, v14;
	v4 =	vadd.f32 v4, v1;
	v14 =	vld [tilespmem:s12+$0xFFFFFFE0];
	(erf) = vpow2.f32 v7  }
0xfc: {  	v5 =	vmul.f32 v5, v2;
	v10 =	vadd.f32 v10, v1;
	(erf) = vpow2.f32 v6;
	v6 =	vld [tilespmem:s17+$0x0]  }
0xfd: {  	v9 =	vmul.f32 v9, v2;
	v12 =	vld [tilespmem:s21+$0xFFFFFFF0];
	v4 =	vmul.f32 $1.442695020e+00, v4  }
0xfe: {  	v5 =	vadd.f32 v5, v1;
	v3 =	vmul.f32 v3, v2;
	v10 =	vmul.f32 $1.442695020e+00, v10;
	v7 =	vpop (erf)  }
0xff: {  	(erf) = vpow2.f32 v4;
	v4 =	vsub.f32 v11, v17;
	v7 =	vadd.f32 $1.000000000e+00, v7  }
0x100: {  	v5 =	vmul.f32 $1.442695020e+00, v5;
	v3 =	vadd.f32 v3, v1;
	v16 =	vpop (erf);
	v8 =	vsub.f32 v14, v8  }
0x101: {  	v11 =	vld [tilespmem:s21+$0x10];
	v14 =	vpop (erf);
	v4 =	vmul.f32 v4, v2;
	v6 =	vsub.f32 v13, v6;
	(erf) = vrcp.f32 v7  }
0x102: {  	s9 =	simm.s32 $0x18BC8;
	v7 =	vsub.f32 v15, v12;
	v12 =	vld [tilespmem:s12+$0x10];
	v14 =	vadd.f32 $1.000000000e+00, v14;
	(erf) = vpow2.f32 v5  }
0x103: {  	v3 =	vmul.f32 $1.442695020e+00, v3;
	v15 =	vadd.f32 $1.000000000e+00, v16;
	v16 =	vld [tilespmem:s9+$0xFFFFFFF0];
	v5 =	vadd.f32 v9, v1  }
0x104: {  	s19 =	simm.s32 $0x10EC8;
	v8 =	vmul.f32 v8, v2;
	v9 =	vld [tilespmem:s9+$0xFFFFFFE0];
	v4 =	vadd.f32 v4, v1;
	v6 =	vmul.f32 v6, v2  }
0x105: {  	(erf) = vrcp.f32 v14;
	v14 =	vld [tilespmem:s19+$0xFFFFFFF0];
	v5 =	vmul.f32 $1.442695020e+00, v5  }
0x106: {  	v13 =	vpop (erf);
	v4 =	vmul.f32 $1.442695020e+00, v4;
	(erf) = vpow2.f32 v10;
	v10 =	vld [tilespmem:s19+$0xFFFFFFE0]  }
0x107: {  	v7 =	vmul.f32 v7, v2;
	v8 =	vadd.f32 v8, v1;
	(erf) = vrcp.f32 v15  }
0x108: {  	v18 =	vld [tilespmem:s12+$0x0];
	v17 =	vpop (erf);
	v13 =	vadd.f32 $1.000000000e+00, v13;
	v6 =	vadd.f32 v6, v1;
	(erf) = vpow2.f32 v5  }
0x109: {  	v8 =	vmul.f32 $1.442695020e+00, v8;
	v15 =	vadd.f32 $1.000000000e+00, v17;
	v5 =	vld [tilespmem:s21+$0x0];
	v11 =	vsub.f32 v12, v11;
	v17 =	vpop (erf)  }
0x10a: {  	v19 =	vld [tilespmem:s19+$0x10];
	v23 =	vmul.f32 $1.442695020e+00, v6;
	(erf) = vpow2.f32 v4;
	v14 =	vsub.f32 v14, v16;
	v4 =	vpop (erf)  }
0x10b: {  	v12 =	vld [tilespmem:s9+$0x10];
	(erf) = vrcp.f32 v13;
	v11 =	vmul.f32 v11, v2;
	v9 =	vsub.f32 v10, v9;
	v10 =	vpop (erf)  }
0x10c: {  	s17 =	simm.s32 $0x18C08;
	(erf) = vrcp.f32 v15;
	v14 =	vmul.f32 v14, v2;
	v10 =	vadd.f32 $1.000000000e+00, v10  }
0x10d: {  	v20 =	vld [tilespmem:s17+$0xFFFFFFE0];
	v21 =	vmul.f32 v4, v0;
	(erf) = vpow2.f32 v3  }
0x10e: {  	v22 =	vld [tilespmem:s17+$0xFFFFFFF0];
	s21 =	simm.s32 $0x10F08;
	v3 =	vadd.f32 $1.000000000e+00, v17;
	v5 =	vsub.f32 v18, v5;
	v13 =	vpop (erf);
	(erf) = vrcp.f32 v10  }
0x10f: {  	v25 =	vld [tilespmem:s21+$0xFFFFFFF0];
	v11 =	vadd.f32 v11, v1;
	v9 =	vmul.f32 v9, v2;
	v17 =	vpop (erf);
	(erf) = vpow2.f32 v8  }
0x110: {  	v18 =	vld [tilespmem:s21+$0xFFFFFFE0];
	v19 =	vsub.f32 v19, v12;
	v24 =	vpop (erf);
	(erf) = vrcp.f32 v3;
	v3 =	vmul.f32 v5, v2  }
0x111: {  	v11 =	vmul.f32 $1.442695020e+00, v11;
	v9 =	vadd.f32 v9, v1;
	v8 =	vadd.f32 v7, v1;
	v6 =	vpop (erf);
	v7 =	vld [tilespmem:s19+$0x0]  }
0x112: {  	v13 =	vmul.f32 v13, v0;
	v26 =	vadd.f32 $1.000000000e+00, v17;
	v16 =	vadd.f32 $1.000000000e+00, v6;
	v6 =	vld [tilespmem:s17+$0x10]  }
0x113: {  	v10 =	vmul.f32 $1.442695020e+00, v9;
	v9 =	vadd.f32 v14, v1;
	s19 =	simm.s32 $0x1A3C8;
	v15 =	vpop (erf);
	v5 =	vld [tilespmem:s17+$0x0];
	(erf) = vpow2.f32 v23  }
0x114: {  	v4 =	vld [tilespmem:s9+$0x0];
	[tilespmem:s19+$0xFFFFFFF0] =	vst v13;
	v23 =	vmul.f32 v24, v0;
	v14 =	vadd.f32 v3, v1;
	(erf) = vpow2.f32 v11;
	v3 =	vpop (erf)  }
0x115: {  	s30 =	simm.s32 $0x1A408;
	s5 =	simm.s32 $0x140;
	s12 =	simm.s32 $0x1A448;
	v13 =	vsub.f32 v25, v22;
	[tilespmem:s19+$0xFFFFFFE0] =	vst v21;
	v17 =	vmul.f32 $1.442695020e+00, v8;
	v8 =	vld [tilespmem:s21+$0x0];
	v3 =	vmul.f32 v3, v0;
	v12 =	vpop (erf)  }
0x116: {  	s9 =	simm.s32 $0x18C48;
	v18 =	vsub.f32 v18, v20;
	s17 =	simm.s32 $0x10F48;
	v11 =	vld [tilespmem:s21+$0x10];
	s21 =	simm.s32 $0x1A448;
	[tilespmem:s19+$0x10] =	vst v23;
	(erf) = vrcp.f32 v26;
	v20 =	vpop (erf);
	v12 =	vmul.f32 v12, v0  }
.LBB2_2:
0x117: {  	v21 =	vld [tilespmem:s9+$0xFFFFFFE0];
	s5 =	sadd.s32 $0x40, s5;
	v19 =	vmul.f32 v19, v2;
	v20 =	vadd.f32 $1.000000000e+00, v20;
	s12 =	sadd.s32 $0x40, s12;
	v22 =	vpop (erf);
	(erf) = vrcp.f32 v16  }
0x118: {  	v15 =	vadd.f32 $1.000000000e+00, v15;
	p0 =	slt.u32 s5, $0x18C0;
	v16 =	vmul.f32 v18, v2;
	(erf) = vpow2.f32 v17;
	[tilespmem:s19+$0x0] =	vst v12;
	v12 =	vmovc v6;
	v6 =	vld [tilespmem:s9+$0x10];
	v17 =	vmovc v5;
	s19 =	smov.u32 s30;
	s30 =	smov.u32 s21  }
0x119: {  	v13 =	vmul.f32 v13, v2;
	s21 =	smov.u32 s12;
	v18 =	vld [tilespmem:s9+$0xFFFFFFF0];
	v19 =	vadd.f32 v19, v1;
	v23 =	vpop (erf);
	(erf) = vrcp.f32 v20  }
0x11a: {  	v14 =	vmul.f32 $1.442695020e+00, v14;
	v20 =	vmul.f32 v22, v0;
	v5 =	vld [tilespmem:s9+$0x0];
	v27 =	vadd.f32 v16, v1;
	v22 =	vpop (erf)  }
0x11b: {  	v25 =	vsub.f32 v7, v4;
	v7 =	vmovc v8;
	v4 =	vmovc v17;
	v24 =	vld [tilespmem:s17+$0xFFFFFFF0];
	v19 =	vmul.f32 $1.442695020e+00, v19;
	(erf) = vpow2.f32 v10  }
0x11c: {  	v17 =	vmov v9;
	v26 =	vld [tilespmem:s17+$0xFFFFFFE0];
	v10 =	vmul.f32 $1.442695020e+00, v27;
	v16 =	vpop (erf);
	(erf) = vrcp.f32 v15;
	[tilespmem:s19+$0xFFFFFFF0] =	vst v20  }
.Ltmp0:
0x11d: {  	v9 =	vadd.f32 v13, v1;
	v13 =	vmul.f32 v25, v2;
	v8 =	vld [tilespmem:s17+$0x0];
	v15 =	vpop (erf);
	v16 =	vadd.f32 $1.000000000e+00, v16;
	(pc) =	sbr.rel @p0 .LBB2_2-.Ltmp0, $4  }
0x11e: {  	v25 =	vadd.f32 $1.000000000e+00, v23;
	v22 =	vmul.f32 v22, v0;
	v23 =	vmovc v3;
	(erf) = vpow2.f32 v14  }
0x11f: {  	v17 =	vmul.f32 $1.442695020e+00, v17;
	v14 =	vadd.f32 v13, v1;
	(erf) = vpow2.f32 v19;
	v3 =	vpop (erf)  }
0x120: {  	v19 =	vsub.f32 v11, v12;
	v13 =	vsub.f32 v24, v18;
	v3 =	vmul.f32 v3, v0;
	[tilespmem:s19+$0x10] =	vst v22;
	v12 =	vpop (erf)  }
0x121: {  	s9 =	sadd.s32 $0x40, s9;
	v18 =	vsub.f32 v26, v21;
	v11 =	vld [tilespmem:s17+$0x10];
	s17 =	sadd.s32 $0x40, s17;
	(erf) = vrcp.f32 v25;
	v20 =	vpop (erf);
	[tilespmem:s19+$0xFFFFFFE0] =	vst v23;
	v12 =	vmul.f32 v12, v0  }
0x122: {  	v19 =	vmul.f32 v19, v2  }
0x123: {  	(erf) = vrcp.f32 v16  }
0x124: {  	v20 =	vadd.f32 $1.000000000e+00, v20;
	v15 =	vadd.f32 $1.000000000e+00, v15;
	(erf) = vpow2.f32 v17  }
0x125: {  	v16 =	vpop (erf)  }
0x126: {  	v17 =	vadd.f32 v19, v1;
	(erf) = vrcp.f32 v20;
	v19 =	vpop (erf)  }
0x127: {  	v14 =	vmul.f32 $1.442695020e+00, v14;
	(erf) = vpow2.f32 v10;
	v10 =	vpop (erf)  }
0x128: {  	v17 =	vmul.f32 $1.442695020e+00, v17;
	(erf) = vrcp.f32 v15;
	v15 =	vpop (erf)  }
0x129: {  	v19 =	vadd.f32 $1.000000000e+00, v19;
	(erf) = vpow2.f32 v14;
	v14 =	vadd.f32 $1.000000000e+00, v15  }
0x12a: {  	v9 =	vmul.f32 $1.442695020e+00, v9;
	(erf) = vpow2.f32 v17;
	v15 =	vpop (erf)  }
0x12b: {  	v4 =	vsub.f32 v7, v4;
	v17 =	vmul.f32 v18, v2;
	(erf) = vrcp.f32 v19;
	v7 =	vpop (erf)  }
0x12c: {  	v6 =	vsub.f32 v11, v6;
	(erf) = vrcp.f32 v14;
	v11 =	vpop (erf)  }
0x12d: {  	v4 =	vmul.f32 v4, v2;
	(erf) = vpow2.f32 v9;
	v9 =	vadd.f32 v17, v1;
	v14 =	vpop (erf)  }
0x12e: {  	v6 =	vmul.f32 v6, v2;
	v14 =	vadd.f32 $1.000000000e+00, v14  }
0x12f: {  	v4 =	vadd.f32 v4, v1;
	v9 =	vmul.f32 $1.442695020e+00, v9  }
0x130: {  	v13 =	vmul.f32 v13, v2;
	v6 =	vadd.f32 v6, v1;
	v17 =	vpop (erf)  }
0x131: {  	v4 =	vmul.f32 $1.442695020e+00, v4;
	v15 =	vadd.f32 $1.000000000e+00, v15;
	v18 =	vpop (erf);
	(erf) = vrcp.f32 v14  }
0x132: {  	v6 =	vmul.f32 $1.442695020e+00, v6;
	v14 =	vpop (erf);
	(erf) = vpow2.f32 v9  }
0x133: {  	v5 =	vsub.f32 v8, v5;
	v9 =	vpop (erf);
	(erf) = vrcp.f32 v15;
	v15 =	vadd.f32 $1.000000000e+00, v18  }
0x134: {  	v8 =	vpop (erf)  }
0x135: {  	v13 =	vadd.f32 v13, v1;
	v5 =	vmul.f32 v5, v2;
	(erf) = vpow2.f32 v4;
	v4 =	vpop (erf)  }
0x136: {  	v9 =	vadd.f32 $1.000000000e+00, v9;
	(erf) = vpow2.f32 v6;
	v6 =	vpop (erf)  }
0x137: {  	v13 =	vmul.f32 $1.442695020e+00, v13;
	v5 =	vadd.f32 v5, v1;
	(erf) = vrcp.f32 v15;
	v15 =	vpop (erf)  }
0x138: {  	v8 =	vadd.f32 $1.000000000e+00, v8;
	(erf) = vrcp.f32 v9;
	v15 =	vadd.f32 $1.000000000e+00, v15  }
0x139: {  	v5 =	vmul.f32 $1.442695020e+00, v5;
	(erf) = vpow2.f32 v13  }
0x13a: {  	(erf) = vrcp.f32 v15  }
0x13b: {  	v9 =	vpop (erf);
	(erf) = vrcp.f32 v8  }
0x13c: {  	v8 =	vpop (erf);
	(erf) = vpow2.f32 v5  }
0x13d: {  	v15 =	vmul.f32 v16, v0;
	v5 =	vpop (erf)  }
0x13e: {  	v13 =	vpop (erf)  }
0x13f: {  	[tilespmem:s30+$0xFFFFFFE0] =	vst v3;
	v16 =	vpop (erf)  }
0x140: {  	[tilespmem:s19+$0x0] =	vst v12;
	v10 =	vmul.f32 v10, v0;
	v12 =	vpop (erf)  }
0x141: {  	v3 =	vmul.f32 v17, v0;
	[tilespmem:s30+$0xFFFFFFF0] =	vst v15;
	v8 =	vadd.f32 $1.000000000e+00, v8;
	v15 =	vpop (erf)  }
0x142: {  	[tilespmem:s30+$0x10] =	vst v10;
	v10 =	vmul.f32 v11, v0;
	v11 =	vadd.f32 $1.000000000e+00, v13;
	v13 =	vpop (erf)  }
0x143: {  	(erf) = vrcp.f32 v8;
	v8 =	vadd.f32 $1.000000000e+00, v13;
	v13 =	vpop (erf)  }
0x144: {  	[tilespmem:s30+$0x0] =	vst v10;
	v10 =	vmul.f32 v14, v0;
	v14 =	vpop (erf)  }
0x145: {  	[tilespmem:s21+$0xFFFFFFF0] =	vst v3;
	(erf) = vrcp.f32 v11;
	v11 =	vadd.f32 $1.000000000e+00, v16;
	v3 =	vpop (erf)  }
0x146: {  	(erf) = vrcp.f32 v8;
	v3 =	vadd.f32 $1.000000000e+00, v3  }
0x147: {  	v7 =	vmul.f32 v7, v0;
	(erf) = vrcp.f32 v11  }
0x148: {  	(erf) = vrcp.f32 v3;
	v3 =	vmul.f32 v4, v0  }
0x149: {  	s5 =	sadd.s32 $0x40, s12;
	[tilespmem:s21+$0xFFFFFFE0] =	vst v7;
	v5 =	vmul.f32 v5, v0;
	v4 =	vmul.f32 v15, v0  }
0x14a: {  	v6 =	vmul.f32 v6, v0;
	[tilespmem:s5+$0xFFFFFFE0] =	vst v3;
	v3 =	vmul.f32 v13, v0  }
0x14b: {  	[tilespmem:s5+$0x0] =	vst v4;
	v4 =	vmul.f32 v14, v0  }
0x14c: {  	[tilespmem:s21+$0x0] =	vst v6  }
0x14d: {  	s9 =	sadd.s32 $0x40, s5;
	[tilespmem:s5+$0x10] =	vst v5;
	v5 =	vpop (erf)  }
0x14e: {  	v6 =	vmul.f32 v12, v0;
	[tilespmem:s9+$0xFFFFFFF0] =	vst v3;
	v3 =	vpop (erf)  }
0x14f: {  	v7 =	vmul.f32 v9, v0;
	[tilespmem:s9+$0x10] =	vst v4;
	v4 =	vpop (erf)  }
0x150: {  	[tilespmem:s21+$0x10] =	vst v10;
	v4 =	vmul.f32 v4, v0  }
0x151: {  	[tilespmem:s5+$0xFFFFFFF0] =	vst v7;
	v3 =	vmul.f32 v3, v0  }
0x152: {  	[tilespmem:s9+$0xFFFFFFE0] =	vst v6;
	v6 =	vpop (erf)  }
0x153: {  	s12 =	sadd.s32 $0x40, s9;
	[tilespmem:s9+$0x0] =	vst v3;
	v3 =	vmul.f32 v6, v0  }
0x154: {  	v5 =	vmul.f32 v5, v0;
	[tilespmem:s12+$0xFFFFFFF0] =	vst v4;
	v4 =	vpop (erf)  }
0x155: {  	[tilespmem:s12+$0x10] =	vst v3;
	v3 =	vmul.f32 v4, v0  }
0x156: {  	[tilespmem:s12+$0xFFFFFFE0] =	vst v5  }
0x157: {  	[tilespmem:s12+$0x0] =	vst v3  }
0x158: {  	s5 =	sld [smem:$0x7E8];
	_ =	sdelay $0x2  }
0x159: {  	[hbm4b:s5+s1] =	stream.linear.scatter [tilespmem:s15], [sflag:$0x8], $0x1900, $0x38;
	[tilespmem:$0x1EEA8] =	vst v63  }
0x15a: {  	s17 =	rddreg [dreg:$0x17]  }
0x15b: {  	[tilespmem:s16], [sflag:$0x3] =	stream.linear.gather [hbm4b:s17+s1], $0x1900, $0x38;
	[tilespmem:$0x1EEA8] =	vst v63  }
0x15c: {  	s21 =	simm.s32 $0x10DA8;
	s19 =	rddreg [dreg:$0x18]  }
0x15d: {  	[tilespmem:s21], [sflag:$0x3] =	stream.linear.gather [hbm4b:s19+s1], $0x1900, $0x38;
	[tilespmem:$0x1EEA8] =	vst v63  }
0x15e: {  	_ =	swait.ge [sflag:s8], $0x1900  }
0x15f: {  	[sflag:s8] =	ssyncset.done $0x0  }
0x160: {  	[sflag:s8] =	ssyncadd.s32 $0xFFFFE700  }
0x161: {  	_ =	swait.ge [sflag:s8], $0x1900  }
0x162: {  	[sflag:s8] =	ssyncset.done $0x0  }
0x163: {  	[sflag:s8] =	ssyncadd.s32 $0xFFFFE700  }
0x164: {  	[tilespmem:s13], [sflag:$0x6] =	stream.indirect.gather [spmem:s29], $0x1, s20, s0, $0xb8;
	[tilespmem:$0x1EEA8] =	vst v63  }
0x165: {  	s9 =	simm.s32 $0x16528  }
0x166: {  	[tilespmem:s3], [sflag:$0x7] =	stream.indirect.gather [spmem:s29], $0x1, s9, s0, $0xb8;
	[tilespmem:$0x1EEA8] =	vst v63  }
0x167: {  	_ =	swait.ge [sflag:s24], $0xC80  }
0x168: {  	[sflag:s24] =	ssyncset.done $0x0  }
0x169: {  	[sflag:s24] =	ssyncadd.s32 $0xFFFFF380  }
0x16a: {  	_ =	swait.ge [sflag:s10], $0xC80  }
0x16b: {  	[sflag:s10] =	ssyncset.done $0x0  }
0x16c: {  	s12 =	simm.s32 $0x1BCC8;
	[sflag:s10] =	ssyncadd.s32 $0xFFFFF380  }
0x16d: {  	v3 =	vld [tilespmem:s12+$0xFFFFFFE0]  }
0x16e: {  	v4 =	vld [tilespmem:s12+$0x10]  }
0x16f: {  	v5 =	vld [tilespmem:s12+$0xFFFFFFF0]  }
0x170: {  	s17 =	simm.s32 $0x13FC8;
	v6 =	vld [tilespmem:s12+$0x0]  }
0x171: {  	v7 =	vld [tilespmem:s17+$0xFFFFFFE0]  }
0x172: {  	v8 =	vld [tilespmem:s17+$0xFFFFFFF0]  }
0x173: {  	v9 =	vld [tilespmem:s17+$0x0]  }
0x174: {  	s19 =	simm.s32 $0x1BD08;
	v10 =	vld [tilespmem:s17+$0x10]  }
0x175: {  	v11 =	vld [tilespmem:s19+$0xFFFFFFE0]  }
0x176: {  	v12 =	vld [tilespmem:s19+$0xFFFFFFF0]  }
0x177: {  	s21 =	simm.s32 $0x14008;
	v13 =	vld [tilespmem:s19+$0x0]  }
0x178: {  	s5 =	simm.s32 $0x14048;
	v14 =	vld [tilespmem:s21+$0xFFFFFFE0];
	v3 =	vsub.f32 v7, v3  }
0x179: {  	s17 =	simm.s32 $0x1BD48;
	v16 =	vld [tilespmem:s5+$0xFFFFFFE0]  }
0x17a: {  	v15 =	vld [tilespmem:s17+$0xFFFFFFE0];
	v4 =	vsub.f32 v10, v4;
	v3 =	vmul.f32 v3, v2  }
0x17b: {  	v7 =	vld [tilespmem:s19+$0x10];
	v5 =	vsub.f32 v8, v5  }
0x17c: {  	v6 =	vsub.f32 v9, v6;
	v9 =	vld [tilespmem:s21+$0x0];
	v4 =	vmul.f32 v4, v2;
	v3 =	vadd.f32 v3, v1  }
0x17d: {  	v10 =	vld [tilespmem:s21+$0x10];
	v11 =	vsub.f32 v14, v11;
	v5 =	vmul.f32 v5, v2  }
0x17e: {  	v17 =	vld [tilespmem:s17+$0x10];
	v4 =	vadd.f32 v4, v1;
	v3 =	vmul.f32 $1.442695020e+00, v3  }
0x17f: {  	v8 =	vld [tilespmem:s21+$0xFFFFFFF0];
	v11 =	vmul.f32 v11, v2;
	v5 =	vadd.f32 v5, v1  }
0x180: {  	v14 =	vld [tilespmem:s17+$0xFFFFFFF0];
	v4 =	vmul.f32 $1.442695020e+00, v4;
	(erf) = vpow2.f32 v3  }
0x181: {  	v6 =	vmul.f32 v6, v2;
	v9 =	vsub.f32 v9, v13;
	v5 =	vmul.f32 $1.442695020e+00, v5;
	v3 =	vld [tilespmem:s5+$0xFFFFFFF0]  }
0x182: {  	v13 =	vld [tilespmem:s5+$0x0];
	(erf) = vpow2.f32 v4;
	v4 =	vsub.f32 v10, v7;
	v7 =	vadd.f32 v11, v1  }
0x183: {  	s21 =	simm.s32 $0x14088;
	v6 =	vadd.f32 v6, v1;
	v10 =	vsub.f32 v16, v15;
	v11 =	vld [tilespmem:s5+$0x10];
	(erf) = vpow2.f32 v5  }
0x184: {  	s12 =	simm.s32 $0x1BD88;
	v15 =	vld [tilespmem:s21+$0xFFFFFFF0];
	v4 =	vmul.f32 v4, v2;
	v7 =	vmul.f32 $1.442695020e+00, v7  }
0x185: {  	v6 =	vmul.f32 $1.442695020e+00, v6;
	v5 =	vsub.f32 v8, v12;
	v8 =	vld [tilespmem:s12+$0xFFFFFFE0];
	v10 =	vmul.f32 v10, v2  }
0x186: {  	v3 =	vsub.f32 v3, v14;
	v4 =	vadd.f32 v4, v1;
	v14 =	vld [tilespmem:s21+$0xFFFFFFE0];
	(erf) = vpow2.f32 v7  }
0x187: {  	v5 =	vmul.f32 v5, v2;
	v10 =	vadd.f32 v10, v1;
	(erf) = vpow2.f32 v6;
	v6 =	vld [tilespmem:s17+$0x0]  }
0x188: {  	v9 =	vmul.f32 v9, v2;
	v12 =	vld [tilespmem:s12+$0xFFFFFFF0];
	v4 =	vmul.f32 $1.442695020e+00, v4  }
0x189: {  	v5 =	vadd.f32 v5, v1;
	v3 =	vmul.f32 v3, v2;
	v10 =	vmul.f32 $1.442695020e+00, v10;
	v7 =	vpop (erf)  }
0x18a: {  	(erf) = vpow2.f32 v4;
	v4 =	vsub.f32 v11, v17;
	v7 =	vadd.f32 $1.000000000e+00, v7  }
0x18b: {  	v5 =	vmul.f32 $1.442695020e+00, v5;
	v3 =	vadd.f32 v3, v1;
	v16 =	vpop (erf);
	v8 =	vsub.f32 v14, v8  }
0x18c: {  	v11 =	vld [tilespmem:s12+$0x10];
	v14 =	vpop (erf);
	v4 =	vmul.f32 v4, v2;
	v6 =	vsub.f32 v13, v6;
	(erf) = vrcp.f32 v7  }
0x18d: {  	s9 =	simm.s32 $0x1BDC8;
	v7 =	vsub.f32 v15, v12;
	v12 =	vld [tilespmem:s21+$0x10];
	v14 =	vadd.f32 $1.000000000e+00, v14;
	(erf) = vpow2.f32 v5  }
0x18e: {  	v3 =	vmul.f32 $1.442695020e+00, v3;
	v15 =	vadd.f32 $1.000000000e+00, v16;
	v16 =	vld [tilespmem:s9+$0xFFFFFFF0];
	v5 =	vadd.f32 v9, v1  }
0x18f: {  	s19 =	simm.s32 $0x140C8;
	v8 =	vmul.f32 v8, v2;
	v9 =	vld [tilespmem:s9+$0xFFFFFFE0];
	v4 =	vadd.f32 v4, v1;
	v6 =	vmul.f32 v6, v2  }
0x190: {  	(erf) = vrcp.f32 v14;
	v14 =	vld [tilespmem:s19+$0xFFFFFFF0];
	v5 =	vmul.f32 $1.442695020e+00, v5  }
0x191: {  	v4 =	vmul.f32 $1.442695020e+00, v4;
	(erf) = vpow2.f32 v10;
	v10 =	vld [tilespmem:s19+$0xFFFFFFE0]  }
0x192: {  	v7 =	vmul.f32 v7, v2;
	v13 =	vpop (erf);
	v8 =	vadd.f32 v8, v1;
	(erf) = vrcp.f32 v15  }
0x193: {  	v18 =	vld [tilespmem:s21+$0x0];
	v17 =	vpop (erf);
	v13 =	vadd.f32 $1.000000000e+00, v13;
	v6 =	vadd.f32 v6, v1;
	(erf) = vpow2.f32 v5  }
0x194: {  	v8 =	vmul.f32 $1.442695020e+00, v8;
	v15 =	vadd.f32 $1.000000000e+00, v17;
	v5 =	vld [tilespmem:s12+$0x0];
	v11 =	vsub.f32 v12, v11;
	v17 =	vpop (erf)  }
0x195: {  	v19 =	vld [tilespmem:s19+$0x10];
	v23 =	vmul.f32 $1.442695020e+00, v6;
	(erf) = vpow2.f32 v4;
	v14 =	vsub.f32 v14, v16;
	v4 =	vpop (erf)  }
0x196: {  	v12 =	vld [tilespmem:s9+$0x10];
	(erf) = vrcp.f32 v13;
	v11 =	vmul.f32 v11, v2;
	v9 =	vsub.f32 v10, v9;
	v10 =	vpop (erf)  }
0x197: {  	s17 =	simm.s32 $0x1BE08;
	(erf) = vrcp.f32 v15;
	v14 =	vmul.f32 v14, v2;
	v10 =	vadd.f32 $1.000000000e+00, v10  }
0x198: {  	v20 =	vld [tilespmem:s17+$0xFFFFFFE0];
	v21 =	vmul.f32 v4, v0;
	(erf) = vpow2.f32 v3  }
0x199: {  	v22 =	vld [tilespmem:s17+$0xFFFFFFF0];
	s21 =	simm.s32 $0x14108;
	v3 =	vadd.f32 $1.000000000e+00, v17;
	v5 =	vsub.f32 v18, v5;
	v13 =	vpop (erf);
	(erf) = vrcp.f32 v10  }
0x19a: {  	v25 =	vld [tilespmem:s21+$0xFFFFFFF0];
	v11 =	vadd.f32 v11, v1;
	v9 =	vmul.f32 v9, v2;
	v17 =	vpop (erf);
	(erf) = vpow2.f32 v8  }
0x19b: {  	v18 =	vld [tilespmem:s21+$0xFFFFFFE0];
	v19 =	vsub.f32 v19, v12;
	v24 =	vpop (erf);
	(erf) = vrcp.f32 v3;
	v3 =	vmul.f32 v5, v2  }
0x19c: {  	v11 =	vmul.f32 $1.442695020e+00, v11;
	v9 =	vadd.f32 v9, v1;
	v8 =	vadd.f32 v7, v1;
	v6 =	vpop (erf);
	v7 =	vld [tilespmem:s19+$0x0]  }
0x19d: {  	v13 =	vmul.f32 v13, v0;
	v26 =	vadd.f32 $1.000000000e+00, v17;
	v16 =	vadd.f32 $1.000000000e+00, v6;
	v6 =	vld [tilespmem:s17+$0x10]  }
0x19e: {  	v10 =	vmul.f32 $1.442695020e+00, v9;
	v9 =	vadd.f32 v14, v1;
	s19 =	simm.s32 $0x1D5C8;
	v15 =	vpop (erf);
	v5 =	vld [tilespmem:s17+$0x0];
	(erf) = vpow2.f32 v23  }
0x19f: {  	v4 =	vld [tilespmem:s9+$0x0];
	[tilespmem:s19+$0xFFFFFFF0] =	vst v13;
	v23 =	vmul.f32 v24, v0;
	v14 =	vadd.f32 v3, v1;
	(erf) = vpow2.f32 v11;
	v3 =	vpop (erf)  }
0x1a0: {  	s30 =	simm.s32 $0x1D608;
	s5 =	simm.s32 $0x140;
	s12 =	simm.s32 $0x1D648;
	v13 =	vsub.f32 v25, v22;
	[tilespmem:s19+$0xFFFFFFE0] =	vst v21;
	v17 =	vmul.f32 $1.442695020e+00, v8;
	v8 =	vld [tilespmem:s21+$0x0];
	v3 =	vmul.f32 v3, v0;
	v12 =	vpop (erf)  }
0x1a1: {  	s9 =	simm.s32 $0x1BE48;
	v18 =	vsub.f32 v18, v20;
	s17 =	simm.s32 $0x14148;
	v11 =	vld [tilespmem:s21+$0x10];
	s21 =	simm.s32 $0x1D648;
	[tilespmem:s19+$0x10] =	vst v23;
	(erf) = vrcp.f32 v26;
	v20 =	vpop (erf);
	v12 =	vmul.f32 v12, v0  }
.LBB2_4:
0x1a2: {  	v21 =	vld [tilespmem:s9+$0xFFFFFFE0];
	s5 =	sadd.s32 $0x40, s5;
	v19 =	vmul.f32 v19, v2;
	v20 =	vadd.f32 $1.000000000e+00, v20;
	s12 =	sadd.s32 $0x40, s12;
	v22 =	vpop (erf);
	(erf) = vrcp.f32 v16  }
0x1a3: {  	v15 =	vadd.f32 $1.000000000e+00, v15;
	p0 =	slt.u32 s5, $0x18C0;
	v16 =	vmul.f32 v18, v2;
	(erf) = vpow2.f32 v17;
	[tilespmem:s19+$0x0] =	vst v12;
	v12 =	vmovc v6;
	v6 =	vld [tilespmem:s9+$0x10];
	v17 =	vmovc v5;
	s19 =	smov.u32 s30;
	s30 =	smov.u32 s21  }
0x1a4: {  	v13 =	vmul.f32 v13, v2;
	s21 =	smov.u32 s12;
	v18 =	vld [tilespmem:s9+$0xFFFFFFF0];
	v19 =	vadd.f32 v19, v1;
	v23 =	vpop (erf);
	(erf) = vrcp.f32 v20  }
0x1a5: {  	v14 =	vmul.f32 $1.442695020e+00, v14;
	v20 =	vmul.f32 v22, v0;
	v5 =	vld [tilespmem:s9+$0x0];
	v27 =	vadd.f32 v16, v1;
	v22 =	vpop (erf)  }
0x1a6: {  	v25 =	vsub.f32 v7, v4;
	v7 =	vmovc v8;
	v4 =	vmovc v17;
	v24 =	vld [tilespmem:s17+$0xFFFFFFF0];
	v19 =	vmul.f32 $1.442695020e+00, v19;
	(erf) = vpow2.f32 v10  }
0x1a7: {  	v17 =	vmov v9;
	v26 =	vld [tilespmem:s17+$0xFFFFFFE0];
	v10 =	vmul.f32 $1.442695020e+00, v27;
	v16 =	vpop (erf);
	(erf) = vrcp.f32 v15;
	[tilespmem:s19+$0xFFFFFFF0] =	vst v20  }
.Ltmp1:
0x1a8: {  	v9 =	vadd.f32 v13, v1;
	v13 =	vmul.f32 v25, v2;
	v8 =	vld [tilespmem:s17+$0x0];
	v15 =	vpop (erf);
	v16 =	vadd.f32 $1.000000000e+00, v16;
	(pc) =	sbr.rel @p0 .LBB2_4-.Ltmp1, $4  }
0x1a9: {  	v25 =	vadd.f32 $1.000000000e+00, v23;
	v22 =	vmul.f32 v22, v0;
	v23 =	vmovc v3;
	(erf) = vpow2.f32 v14  }
0x1aa: {  	v17 =	vmul.f32 $1.442695020e+00, v17;
	v14 =	vadd.f32 v13, v1;
	(erf) = vpow2.f32 v19;
	v3 =	vpop (erf)  }
0x1ab: {  	v19 =	vsub.f32 v11, v12;
	v13 =	vsub.f32 v24, v18;
	v3 =	vmul.f32 v3, v0;
	[tilespmem:s19+$0x10] =	vst v22;
	v12 =	vpop (erf)  }
0x1ac: {  	s9 =	sadd.s32 $0x40, s9;
	v18 =	vsub.f32 v26, v21;
	v11 =	vld [tilespmem:s17+$0x10];
	s17 =	sadd.s32 $0x40, s17;
	(erf) = vrcp.f32 v25;
	v20 =	vpop (erf);
	[tilespmem:s19+$0xFFFFFFE0] =	vst v23;
	v12 =	vmul.f32 v12, v0  }
0x1ad: {  	v19 =	vmul.f32 v19, v2  }
0x1ae: {  	(erf) = vrcp.f32 v16  }
0x1af: {  	v20 =	vadd.f32 $1.000000000e+00, v20;
	v15 =	vadd.f32 $1.000000000e+00, v15;
	(erf) = vpow2.f32 v17  }
0x1b0: {  	v16 =	vpop (erf)  }
0x1b1: {  	v17 =	vadd.f32 v19, v1;
	(erf) = vrcp.f32 v20;
	v19 =	vpop (erf)  }
0x1b2: {  	v14 =	vmul.f32 $1.442695020e+00, v14;
	(erf) = vpow2.f32 v10;
	v10 =	vpop (erf)  }
0x1b3: {  	v17 =	vmul.f32 $1.442695020e+00, v17;
	(erf) = vrcp.f32 v15;
	v15 =	vpop (erf)  }
0x1b4: {  	v19 =	vadd.f32 $1.000000000e+00, v19;
	(erf) = vpow2.f32 v14;
	v14 =	vadd.f32 $1.000000000e+00, v15  }
0x1b5: {  	v9 =	vmul.f32 $1.442695020e+00, v9;
	(erf) = vpow2.f32 v17;
	v15 =	vpop (erf)  }
0x1b6: {  	v4 =	vsub.f32 v7, v4;
	v17 =	vmul.f32 v18, v2;
	(erf) = vrcp.f32 v19;
	v7 =	vpop (erf)  }
0x1b7: {  	v6 =	vsub.f32 v11, v6;
	(erf) = vrcp.f32 v14;
	v11 =	vpop (erf)  }
0x1b8: {  	v4 =	vmul.f32 v4, v2;
	(erf) = vpow2.f32 v9;
	v9 =	vadd.f32 v17, v1;
	v14 =	vpop (erf)  }
0x1b9: {  	v6 =	vmul.f32 v6, v2;
	v14 =	vadd.f32 $1.000000000e+00, v14  }
0x1ba: {  	v4 =	vadd.f32 v4, v1;
	v9 =	vmul.f32 $1.442695020e+00, v9  }
0x1bb: {  	v13 =	vmul.f32 v13, v2;
	v6 =	vadd.f32 v6, v1;
	v17 =	vpop (erf)  }
0x1bc: {  	v4 =	vmul.f32 $1.442695020e+00, v4;
	v15 =	vadd.f32 $1.000000000e+00, v15;
	v18 =	vpop (erf);
	(erf) = vrcp.f32 v14  }
0x1bd: {  	v6 =	vmul.f32 $1.442695020e+00, v6;
	v14 =	vpop (erf);
	(erf) = vpow2.f32 v9  }
0x1be: {  	v5 =	vsub.f32 v8, v5;
	v9 =	vpop (erf);
	(erf) = vrcp.f32 v15;
	v15 =	vadd.f32 $1.000000000e+00, v18  }
0x1bf: {  	v8 =	vpop (erf)  }
0x1c0: {  	v13 =	vadd.f32 v13, v1;
	v5 =	vmul.f32 v5, v2;
	(erf) = vpow2.f32 v4;
	v4 =	vpop (erf)  }
0x1c1: {  	v9 =	vadd.f32 $1.000000000e+00, v9;
	(erf) = vpow2.f32 v6;
	v6 =	vpop (erf)  }
0x1c2: {  	v13 =	vmul.f32 $1.442695020e+00, v13;
	v5 =	vadd.f32 v5, v1;
	(erf) = vrcp.f32 v15;
	v15 =	vpop (erf)  }
0x1c3: {  	v8 =	vadd.f32 $1.000000000e+00, v8;
	(erf) = vrcp.f32 v9;
	v15 =	vadd.f32 $1.000000000e+00, v15  }
0x1c4: {  	v5 =	vmul.f32 $1.442695020e+00, v5;
	(erf) = vpow2.f32 v13  }
0x1c5: {  	(erf) = vrcp.f32 v15  }
0x1c6: {  	v9 =	vpop (erf);
	(erf) = vrcp.f32 v8  }
0x1c7: {  	v8 =	vpop (erf);
	(erf) = vpow2.f32 v5  }
0x1c8: {  	v15 =	vmul.f32 v16, v0;
	v5 =	vpop (erf)  }
0x1c9: {  	v13 =	vpop (erf)  }
0x1ca: {  	[tilespmem:s30+$0xFFFFFFE0] =	vst v3;
	v16 =	vpop (erf)  }
0x1cb: {  	[tilespmem:s19+$0x0] =	vst v12;
	v10 =	vmul.f32 v10, v0;
	v12 =	vpop (erf)  }
0x1cc: {  	v3 =	vmul.f32 v17, v0;
	[tilespmem:s30+$0xFFFFFFF0] =	vst v15;
	v8 =	vadd.f32 $1.000000000e+00, v8;
	v15 =	vpop (erf)  }
0x1cd: {  	[tilespmem:s30+$0x10] =	vst v10;
	v10 =	vmul.f32 v11, v0;
	v11 =	vadd.f32 $1.000000000e+00, v13;
	v13 =	vpop (erf)  }
0x1ce: {  	(erf) = vrcp.f32 v8;
	v8 =	vadd.f32 $1.000000000e+00, v13;
	v13 =	vpop (erf)  }
0x1cf: {  	[tilespmem:s30+$0x0] =	vst v10;
	v10 =	vmul.f32 v14, v0;
	v14 =	vpop (erf)  }
0x1d0: {  	[tilespmem:s21+$0xFFFFFFF0] =	vst v3;
	(erf) = vrcp.f32 v11;
	v11 =	vadd.f32 $1.000000000e+00, v16;
	v3 =	vpop (erf)  }
0x1d1: {  	(erf) = vrcp.f32 v8;
	v3 =	vadd.f32 $1.000000000e+00, v3  }
0x1d2: {  	v7 =	vmul.f32 v7, v0;
	(erf) = vrcp.f32 v11  }
0x1d3: {  	(erf) = vrcp.f32 v3;
	v3 =	vmul.f32 v4, v0  }
0x1d4: {  	s5 =	sadd.s32 $0x40, s12;
	[tilespmem:s21+$0xFFFFFFE0] =	vst v7;
	v5 =	vmul.f32 v5, v0;
	v4 =	vmul.f32 v15, v0  }
0x1d5: {  	v6 =	vmul.f32 v6, v0;
	[tilespmem:s5+$0xFFFFFFE0] =	vst v3;
	v3 =	vmul.f32 v13, v0  }
0x1d6: {  	[tilespmem:s5+$0x0] =	vst v4;
	v4 =	vmul.f32 v14, v0  }
0x1d7: {  	[tilespmem:s21+$0x0] =	vst v6  }
0x1d8: {  	s9 =	sadd.s32 $0x40, s5;
	[tilespmem:s5+$0x10] =	vst v5;
	v5 =	vpop (erf)  }
0x1d9: {  	v6 =	vmul.f32 v12, v0;
	[tilespmem:s9+$0xFFFFFFF0] =	vst v3;
	v3 =	vpop (erf)  }
0x1da: {  	v7 =	vmul.f32 v9, v0;
	[tilespmem:s9+$0x10] =	vst v4;
	v4 =	vpop (erf)  }
0x1db: {  	[tilespmem:s21+$0x10] =	vst v10;
	v4 =	vmul.f32 v4, v0  }
0x1dc: {  	[tilespmem:s5+$0xFFFFFFF0] =	vst v7;
	v3 =	vmul.f32 v3, v0  }
0x1dd: {  	[tilespmem:s9+$0xFFFFFFE0] =	vst v6;
	v6 =	vpop (erf)  }
0x1de: {  	s12 =	sadd.s32 $0x40, s9;
	[tilespmem:s9+$0x0] =	vst v3;
	v3 =	vmul.f32 v6, v0  }
0x1df: {  	v5 =	vmul.f32 v5, v0;
	[tilespmem:s12+$0xFFFFFFF0] =	vst v4;
	v4 =	vpop (erf)  }
0x1e0: {  	[tilespmem:s12+$0x10] =	vst v3;
	v3 =	vmul.f32 v4, v0  }
0x1e1: {  	[tilespmem:s12+$0xFFFFFFE0] =	vst v5  }
0x1e2: {  	[tilespmem:s12+$0x0] =	vst v3  }
0x1e3: {  	s5 =	rddreg [dreg:$0x13]  }
0x1e4: {  	[hbm4b:s5+s1] =	stream.linear.scatter [tilespmem:s23], [sflag:$0xB], $0x1900, $0x38;
	[tilespmem:$0x1EEA8] =	vst v63  }
0x1e5: {  	s17 =	rddreg [dreg:$0x1a]  }
0x1e6: {  	[tilespmem:s18], [sflag:$0x4] =	stream.linear.gather [hbm4b:s17+s1], $0x1900, $0x38;
	[tilespmem:$0x1EEA8] =	vst v63  }
0x1e7: {  	s21 =	simm.s32 $0x13FA8;
	s19 =	rddreg [dreg:$0x1b]  }
0x1e8: {  	[tilespmem:s21], [sflag:$0x4] =	stream.linear.gather [hbm4b:s19+s1], $0x1900, $0x38;
	[tilespmem:$0x1EEA8] =	vst v63  }
0x1e9: {  	_ =	swait.ge [sflag:s31], $0x1900  }
0x1ea: {  	[sflag:s31] =	ssyncset.done $0x0  }
0x1eb: {  	[sflag:s31] =	ssyncadd.s32 $0xFFFFE700  }
0x1ec: {  	_ =	swait.ge [sflag:s31], $0x1900  }
0x1ed: {  	[sflag:s31] =	ssyncset.done $0x0  }
0x1ee: {  	[sflag:s31] =	ssyncadd.s32 $0xFFFFE700  }
0x1ef: {  	[tilespmem:s14], [sflag:$0x9] =	stream.indirect.gather [spmem:s29], $0x1, s16, s0, $0xb8;
	[tilespmem:$0x1EEA8] =	vst v63  }
0x1f0: {  	_ = 	snop  }
0x1f1: {  	[tilespmem:s6], [sflag:$0xA] =	stream.indirect.gather [spmem:s29], $0x1, s2, s0, $0xb8;
	[tilespmem:$0x1EEA8] =	vst v63  }
0x1f2: {  	_ =	swait.ge [sflag:s22], $0xC80  }
0x1f3: {  	[sflag:s22] =	ssyncset.done $0x0  }
0x1f4: {  	[sflag:s22] =	ssyncadd.s32 $0xFFFFF380  }
0x1f5: {  	_ =	swait.ge [sflag:s7], $0xC80  }
0x1f6: {  	[sflag:s7] =	ssyncset.done $0x0  }
0x1f7: {  	[sflag:s7] =	ssyncadd.s32 $0xFFFFF380  }
0x1f8: {  	_ =	swait.ge [sflag:s26], $0x1900  }
0x1f9: {  	[sflag:s26] =	ssyncset.done $0x0  }
0x1fa: {  	s12 =	simm.s32 $0x18AC8;
	[sflag:s26] =	ssyncadd.s32 $0xFFFFE700  }
0x1fb: {  	v3 =	vld [tilespmem:s12+$0xFFFFFFE0]  }
0x1fc: {  	v4 =	vld [tilespmem:s12+$0x10]  }
0x1fd: {  	v5 =	vld [tilespmem:s12+$0xFFFFFFF0]  }
0x1fe: {  	s17 =	simm.s32 $0x171C8;
	v6 =	vld [tilespmem:s12+$0x0]  }
0x1ff: {  	v7 =	vld [tilespmem:s17+$0xFFFFFFE0]  }
0x200: {  	v8 =	vld [tilespmem:s17+$0xFFFFFFF0]  }
0x201: {  	v9 =	vld [tilespmem:s17+$0x0]  }
0x202: {  	s19 =	simm.s32 $0x18B08;
	v10 =	vld [tilespmem:s17+$0x10]  }
0x203: {  	v11 =	vld [tilespmem:s19+$0xFFFFFFE0]  }
0x204: {  	v12 =	vld [tilespmem:s19+$0xFFFFFFF0]  }
0x205: {  	s21 =	simm.s32 $0x17208;
	v13 =	vld [tilespmem:s19+$0x0]  }
0x206: {  	s5 =	simm.s32 $0x17248;
	v14 =	vld [tilespmem:s21+$0xFFFFFFE0];
	v3 =	vsub.f32 v7, v3  }
0x207: {  	s17 =	simm.s32 $0x18B48;
	v16 =	vld [tilespmem:s5+$0xFFFFFFE0]  }
0x208: {  	v15 =	vld [tilespmem:s17+$0xFFFFFFE0];
	v4 =	vsub.f32 v10, v4;
	v3 =	vmul.f32 v3, v2  }
0x209: {  	v7 =	vld [tilespmem:s19+$0x10];
	v5 =	vsub.f32 v8, v5  }
0x20a: {  	v6 =	vsub.f32 v9, v6;
	v9 =	vld [tilespmem:s21+$0x0];
	v4 =	vmul.f32 v4, v2;
	v3 =	vadd.f32 v3, v1  }
0x20b: {  	v10 =	vld [tilespmem:s21+$0x10];
	v11 =	vsub.f32 v14, v11;
	v5 =	vmul.f32 v5, v2  }
0x20c: {  	v17 =	vld [tilespmem:s17+$0x10];
	v4 =	vadd.f32 v4, v1;
	v3 =	vmul.f32 $1.442695020e+00, v3  }
0x20d: {  	v8 =	vld [tilespmem:s21+$0xFFFFFFF0];
	v11 =	vmul.f32 v11, v2;
	v5 =	vadd.f32 v5, v1  }
0x20e: {  	v14 =	vld [tilespmem:s17+$0xFFFFFFF0];
	v4 =	vmul.f32 $1.442695020e+00, v4;
	(erf) = vpow2.f32 v3  }
0x20f: {  	v6 =	vmul.f32 v6, v2;
	v9 =	vsub.f32 v9, v13;
	v5 =	vmul.f32 $1.442695020e+00, v5;
	v3 =	vld [tilespmem:s5+$0xFFFFFFF0]  }
0x210: {  	v13 =	vld [tilespmem:s5+$0x0];
	(erf) = vpow2.f32 v4;
	v4 =	vsub.f32 v10, v7;
	v7 =	vadd.f32 v11, v1  }
0x211: {  	s21 =	simm.s32 $0x17288;
	v6 =	vadd.f32 v6, v1;
	v10 =	vsub.f32 v16, v15;
	v11 =	vld [tilespmem:s5+$0x10];
	(erf) = vpow2.f32 v5  }
0x212: {  	s12 =	simm.s32 $0x18B88;
	v15 =	vld [tilespmem:s21+$0xFFFFFFF0];
	v4 =	vmul.f32 v4, v2;
	v7 =	vmul.f32 $1.442695020e+00, v7  }
0x213: {  	v6 =	vmul.f32 $1.442695020e+00, v6;
	v5 =	vsub.f32 v8, v12;
	v8 =	vld [tilespmem:s12+$0xFFFFFFE0];
	v10 =	vmul.f32 v10, v2  }
0x214: {  	v3 =	vsub.f32 v3, v14;
	v4 =	vadd.f32 v4, v1;
	v14 =	vld [tilespmem:s21+$0xFFFFFFE0];
	(erf) = vpow2.f32 v7  }
0x215: {  	v5 =	vmul.f32 v5, v2;
	v10 =	vadd.f32 v10, v1;
	(erf) = vpow2.f32 v6;
	v6 =	vld [tilespmem:s17+$0x0]  }
0x216: {  	v9 =	vmul.f32 v9, v2;
	v12 =	vld [tilespmem:s12+$0xFFFFFFF0];
	v4 =	vmul.f32 $1.442695020e+00, v4  }
0x217: {  	v5 =	vadd.f32 v5, v1;
	v3 =	vmul.f32 v3, v2;
	v10 =	vmul.f32 $1.442695020e+00, v10;
	v7 =	vpop (erf)  }
0x218: {  	(erf) = vpow2.f32 v4;
	v4 =	vsub.f32 v11, v17;
	v7 =	vadd.f32 $1.000000000e+00, v7  }
0x219: {  	v5 =	vmul.f32 $1.442695020e+00, v5;
	v3 =	vadd.f32 v3, v1;
	v16 =	vpop (erf);
	v8 =	vsub.f32 v14, v8  }
0x21a: {  	v11 =	vld [tilespmem:s12+$0x10];
	v14 =	vpop (erf);
	v4 =	vmul.f32 v4, v2;
	v6 =	vsub.f32 v13, v6;
	(erf) = vrcp.f32 v7  }
0x21b: {  	s9 =	simm.s32 $0x18BC8;
	v7 =	vsub.f32 v15, v12;
	v12 =	vld [tilespmem:s21+$0x10];
	v14 =	vadd.f32 $1.000000000e+00, v14;
	(erf) = vpow2.f32 v5  }
0x21c: {  	v3 =	vmul.f32 $1.442695020e+00, v3;
	v15 =	vadd.f32 $1.000000000e+00, v16;
	v16 =	vld [tilespmem:s9+$0xFFFFFFF0];
	v5 =	vadd.f32 v9, v1  }
0x21d: {  	s19 =	simm.s32 $0x172C8;
	v8 =	vmul.f32 v8, v2;
	v9 =	vld [tilespmem:s9+$0xFFFFFFE0];
	v4 =	vadd.f32 v4, v1;
	v6 =	vmul.f32 v6, v2  }
0x21e: {  	(erf) = vrcp.f32 v14;
	v14 =	vld [tilespmem:s19+$0xFFFFFFF0];
	v5 =	vmul.f32 $1.442695020e+00, v5  }
0x21f: {  	v4 =	vmul.f32 $1.442695020e+00, v4;
	(erf) = vpow2.f32 v10;
	v10 =	vld [tilespmem:s19+$0xFFFFFFE0]  }
0x220: {  	v7 =	vmul.f32 v7, v2;
	v13 =	vpop (erf);
	v8 =	vadd.f32 v8, v1;
	(erf) = vrcp.f32 v15  }
0x221: {  	v18 =	vld [tilespmem:s21+$0x0];
	v17 =	vpop (erf);
	v13 =	vadd.f32 $1.000000000e+00, v13;
	v6 =	vadd.f32 v6, v1;
	(erf) = vpow2.f32 v5  }
0x222: {  	v8 =	vmul.f32 $1.442695020e+00, v8;
	v15 =	vadd.f32 $1.000000000e+00, v17;
	v5 =	vld [tilespmem:s12+$0x0];
	v11 =	vsub.f32 v12, v11;
	v17 =	vpop (erf)  }
0x223: {  	v19 =	vld [tilespmem:s19+$0x10];
	v23 =	vmul.f32 $1.442695020e+00, v6;
	(erf) = vpow2.f32 v4;
	v14 =	vsub.f32 v14, v16;
	v4 =	vpop (erf)  }
0x224: {  	v12 =	vld [tilespmem:s9+$0x10];
	(erf) = vrcp.f32 v13;
	v11 =	vmul.f32 v11, v2;
	v9 =	vsub.f32 v10, v9;
	v10 =	vpop (erf)  }
0x225: {  	s17 =	simm.s32 $0x18C08;
	(erf) = vrcp.f32 v15;
	v14 =	vmul.f32 v14, v2;
	v10 =	vadd.f32 $1.000000000e+00, v10  }
0x226: {  	v20 =	vld [tilespmem:s17+$0xFFFFFFE0];
	v21 =	vmul.f32 v4, v0;
	(erf) = vpow2.f32 v3  }
0x227: {  	v22 =	vld [tilespmem:s17+$0xFFFFFFF0];
	s21 =	simm.s32 $0x17308;
	v3 =	vadd.f32 $1.000000000e+00, v17;
	v5 =	vsub.f32 v18, v5;
	v13 =	vpop (erf);
	(erf) = vrcp.f32 v10  }
0x228: {  	v25 =	vld [tilespmem:s21+$0xFFFFFFF0];
	v11 =	vadd.f32 v11, v1;
	v9 =	vmul.f32 v9, v2;
	v17 =	vpop (erf);
	(erf) = vpow2.f32 v8  }
0x229: {  	v18 =	vld [tilespmem:s21+$0xFFFFFFE0];
	v19 =	vsub.f32 v19, v12;
	v24 =	vpop (erf);
	(erf) = vrcp.f32 v3;
	v3 =	vmul.f32 v5, v2  }
0x22a: {  	v11 =	vmul.f32 $1.442695020e+00, v11;
	v9 =	vadd.f32 v9, v1;
	v8 =	vadd.f32 v7, v1;
	v6 =	vpop (erf);
	v7 =	vld [tilespmem:s19+$0x0]  }
0x22b: {  	v13 =	vmul.f32 v13, v0;
	v26 =	vadd.f32 $1.000000000e+00, v17;
	v16 =	vadd.f32 $1.000000000e+00, v6;
	v6 =	vld [tilespmem:s17+$0x10]  }
0x22c: {  	v10 =	vmul.f32 $1.442695020e+00, v9;
	v9 =	vadd.f32 v14, v1;
	s19 =	simm.s32 $0x1A3C8;
	v15 =	vpop (erf);
	v5 =	vld [tilespmem:s17+$0x0];
	(erf) = vpow2.f32 v23  }
0x22d: {  	v4 =	vld [tilespmem:s9+$0x0];
	[tilespmem:s19+$0xFFFFFFF0] =	vst v13;
	v23 =	vmul.f32 v24, v0;
	v14 =	vadd.f32 v3, v1;
	(erf) = vpow2.f32 v11;
	v3 =	vpop (erf)  }
0x22e: {  	s30 =	simm.s32 $0x1A408;
	s5 =	simm.s32 $0x140;
	s12 =	simm.s32 $0x1A448;
	v13 =	vsub.f32 v25, v22;
	[tilespmem:s19+$0xFFFFFFE0] =	vst v21;
	v17 =	vmul.f32 $1.442695020e+00, v8;
	v8 =	vld [tilespmem:s21+$0x0];
	v3 =	vmul.f32 v3, v0;
	v12 =	vpop (erf)  }
0x22f: {  	s9 =	simm.s32 $0x18C48;
	v18 =	vsub.f32 v18, v20;
	s17 =	simm.s32 $0x17348;
	v11 =	vld [tilespmem:s21+$0x10];
	s21 =	simm.s32 $0x1A448;
	[tilespmem:s19+$0x10] =	vst v23;
	(erf) = vrcp.f32 v26;
	v20 =	vpop (erf);
	v12 =	vmul.f32 v12, v0  }
.LBB2_6:
0x230: {  	v21 =	vld [tilespmem:s9+$0xFFFFFFE0];
	s5 =	sadd.s32 $0x40, s5;
	v19 =	vmul.f32 v19, v2;
	v20 =	vadd.f32 $1.000000000e+00, v20;
	s12 =	sadd.s32 $0x40, s12;
	v22 =	vpop (erf);
	(erf) = vrcp.f32 v16  }
0x231: {  	v15 =	vadd.f32 $1.000000000e+00, v15;
	p0 =	slt.u32 s5, $0x18C0;
	v16 =	vmul.f32 v18, v2;
	(erf) = vpow2.f32 v17;
	[tilespmem:s19+$0x0] =	vst v12;
	v12 =	vmovc v6;
	v6 =	vld [tilespmem:s9+$0x10];
	v17 =	vmovc v5;
	s19 =	smov.u32 s30;
	s30 =	smov.u32 s21  }
0x232: {  	v13 =	vmul.f32 v13, v2;
	s21 =	smov.u32 s12;
	v18 =	vld [tilespmem:s9+$0xFFFFFFF0];
	v19 =	vadd.f32 v19, v1;
	v23 =	vpop (erf);
	(erf) = vrcp.f32 v20  }
0x233: {  	v14 =	vmul.f32 $1.442695020e+00, v14;
	v20 =	vmul.f32 v22, v0;
	v5 =	vld [tilespmem:s9+$0x0];
	v27 =	vadd.f32 v16, v1;
	v22 =	vpop (erf)  }
0x234: {  	v25 =	vsub.f32 v7, v4;
	v7 =	vmovc v8;
	v4 =	vmovc v17;
	v24 =	vld [tilespmem:s17+$0xFFFFFFF0];
	v19 =	vmul.f32 $1.442695020e+00, v19;
	(erf) = vpow2.f32 v10  }
0x235: {  	v17 =	vmov v9;
	v26 =	vld [tilespmem:s17+$0xFFFFFFE0];
	v10 =	vmul.f32 $1.442695020e+00, v27;
	v16 =	vpop (erf);
	(erf) = vrcp.f32 v15;
	[tilespmem:s19+$0xFFFFFFF0] =	vst v20  }
.Ltmp2:
0x236: {  	v9 =	vadd.f32 v13, v1;
	v13 =	vmul.f32 v25, v2;
	v8 =	vld [tilespmem:s17+$0x0];
	v15 =	vpop (erf);
	v16 =	vadd.f32 $1.000000000e+00, v16;
	(pc) =	sbr.rel @p0 .LBB2_6-.Ltmp2, $4  }
0x237: {  	v25 =	vadd.f32 $1.000000000e+00, v23;
	v22 =	vmul.f32 v22, v0;
	v23 =	vmovc v3;
	(erf) = vpow2.f32 v14  }
0x238: {  	v17 =	vmul.f32 $1.442695020e+00, v17;
	v14 =	vadd.f32 v13, v1;
	(erf) = vpow2.f32 v19;
	v3 =	vpop (erf)  }
0x239: {  	v19 =	vsub.f32 v11, v12;
	v13 =	vsub.f32 v24, v18;
	v3 =	vmul.f32 v3, v0;
	[tilespmem:s19+$0x10] =	vst v22;
	v12 =	vpop (erf)  }
0x23a: {  	s9 =	sadd.s32 $0x40, s9;
	v18 =	vsub.f32 v26, v21;
	v11 =	vld [tilespmem:s17+$0x10];
	s17 =	sadd.s32 $0x40, s17;
	(erf) = vrcp.f32 v25;
	v20 =	vpop (erf);
	[tilespmem:s19+$0xFFFFFFE0] =	vst v23;
	v12 =	vmul.f32 v12, v0  }
0x23b: {  	v19 =	vmul.f32 v19, v2  }
0x23c: {  	(erf) = vrcp.f32 v16  }
0x23d: {  	v20 =	vadd.f32 $1.000000000e+00, v20;
	v15 =	vadd.f32 $1.000000000e+00, v15;
	(erf) = vpow2.f32 v17  }
0x23e: {  	v16 =	vpop (erf)  }
0x23f: {  	v17 =	vadd.f32 v19, v1;
	(erf) = vrcp.f32 v20;
	v19 =	vpop (erf)  }
0x240: {  	v14 =	vmul.f32 $1.442695020e+00, v14;
	(erf) = vpow2.f32 v10;
	v10 =	vpop (erf)  }
0x241: {  	v17 =	vmul.f32 $1.442695020e+00, v17;
	(erf) = vrcp.f32 v15;
	v15 =	vpop (erf)  }
0x242: {  	v19 =	vadd.f32 $1.000000000e+00, v19;
	(erf) = vpow2.f32 v14;
	v14 =	vadd.f32 $1.000000000e+00, v15  }
0x243: {  	v9 =	vmul.f32 $1.442695020e+00, v9;
	(erf) = vpow2.f32 v17;
	v15 =	vpop (erf)  }
0x244: {  	v4 =	vsub.f32 v7, v4;
	v17 =	vmul.f32 v18, v2;
	(erf) = vrcp.f32 v19;
	v7 =	vpop (erf)  }
0x245: {  	v6 =	vsub.f32 v11, v6;
	(erf) = vrcp.f32 v14;
	v11 =	vpop (erf)  }
0x246: {  	v4 =	vmul.f32 v4, v2;
	(erf) = vpow2.f32 v9;
	v9 =	vadd.f32 v17, v1;
	v14 =	vpop (erf)  }
0x247: {  	v6 =	vmul.f32 v6, v2;
	v14 =	vadd.f32 $1.000000000e+00, v14  }
0x248: {  	v4 =	vadd.f32 v4, v1;
	v9 =	vmul.f32 $1.442695020e+00, v9  }
0x249: {  	v13 =	vmul.f32 v13, v2;
	v6 =	vadd.f32 v6, v1;
	v17 =	vpop (erf)  }
0x24a: {  	v4 =	vmul.f32 $1.442695020e+00, v4;
	v15 =	vadd.f32 $1.000000000e+00, v15;
	v18 =	vpop (erf);
	(erf) = vrcp.f32 v14  }
0x24b: {  	v6 =	vmul.f32 $1.442695020e+00, v6;
	v14 =	vpop (erf);
	(erf) = vpow2.f32 v9  }
0x24c: {  	v5 =	vsub.f32 v8, v5;
	v9 =	vpop (erf);
	(erf) = vrcp.f32 v15;
	v15 =	vadd.f32 $1.000000000e+00, v18  }
0x24d: {  	v8 =	vpop (erf)  }
0x24e: {  	v13 =	vadd.f32 v13, v1;
	v5 =	vmul.f32 v5, v2;
	(erf) = vpow2.f32 v4;
	v4 =	vpop (erf)  }
0x24f: {  	v9 =	vadd.f32 $1.000000000e+00, v9;
	(erf) = vpow2.f32 v6;
	v6 =	vpop (erf)  }
0x250: {  	v13 =	vmul.f32 $1.442695020e+00, v13;
	v5 =	vadd.f32 v5, v1;
	(erf) = vrcp.f32 v15;
	v15 =	vpop (erf)  }
0x251: {  	v8 =	vadd.f32 $1.000000000e+00, v8;
	(erf) = vrcp.f32 v9;
	v15 =	vadd.f32 $1.000000000e+00, v15  }
0x252: {  	v5 =	vmul.f32 $1.442695020e+00, v5;
	(erf) = vpow2.f32 v13  }
0x253: {  	(erf) = vrcp.f32 v15  }
0x254: {  	v9 =	vpop (erf);
	(erf) = vrcp.f32 v8  }
0x255: {  	v8 =	vpop (erf);
	(erf) = vpow2.f32 v5  }
0x256: {  	v15 =	vmul.f32 v16, v0;
	v5 =	vpop (erf)  }
0x257: {  	v13 =	vpop (erf)  }
0x258: {  	[tilespmem:s30+$0xFFFFFFE0] =	vst v3;
	v16 =	vpop (erf)  }
0x259: {  	[tilespmem:s19+$0x0] =	vst v12;
	v10 =	vmul.f32 v10, v0;
	v12 =	vpop (erf)  }
0x25a: {  	v3 =	vmul.f32 v17, v0;
	[tilespmem:s30+$0xFFFFFFF0] =	vst v15;
	v8 =	vadd.f32 $1.000000000e+00, v8;
	v15 =	vpop (erf)  }
0x25b: {  	[tilespmem:s30+$0x10] =	vst v10;
	v10 =	vmul.f32 v11, v0;
	v11 =	vadd.f32 $1.000000000e+00, v13;
	v13 =	vpop (erf)  }
0x25c: {  	(erf) = vrcp.f32 v8;
	v8 =	vadd.f32 $1.000000000e+00, v13;
	v13 =	vpop (erf)  }
0x25d: {  	[tilespmem:s30+$0x0] =	vst v10;
	v10 =	vmul.f32 v14, v0;
	v14 =	vpop (erf)  }
0x25e: {  	[tilespmem:s21+$0xFFFFFFF0] =	vst v3;
	(erf) = vrcp.f32 v11;
	v11 =	vadd.f32 $1.000000000e+00, v16;
	v3 =	vpop (erf)  }
0x25f: {  	(erf) = vrcp.f32 v8;
	v3 =	vadd.f32 $1.000000000e+00, v3  }
0x260: {  	v7 =	vmul.f32 v7, v0;
	(erf) = vrcp.f32 v11  }
0x261: {  	(erf) = vrcp.f32 v3;
	v3 =	vmul.f32 v4, v0  }
0x262: {  	s5 =	sadd.s32 $0x40, s12;
	[tilespmem:s21+$0xFFFFFFE0] =	vst v7;
	v5 =	vmul.f32 v5, v0;
	v4 =	vmul.f32 v15, v0  }
0x263: {  	v6 =	vmul.f32 v6, v0;
	[tilespmem:s5+$0xFFFFFFE0] =	vst v3;
	v3 =	vmul.f32 v13, v0  }
0x264: {  	[tilespmem:s5+$0x0] =	vst v4;
	v4 =	vmul.f32 v14, v0  }
0x265: {  	[tilespmem:s21+$0x0] =	vst v6  }
0x266: {  	s9 =	sadd.s32 $0x40, s5;
	[tilespmem:s5+$0x10] =	vst v5;
	v5 =	vpop (erf)  }
0x267: {  	v6 =	vmul.f32 v12, v0;
	[tilespmem:s9+$0xFFFFFFF0] =	vst v3;
	v3 =	vpop (erf)  }
0x268: {  	v7 =	vmul.f32 v9, v0;
	[tilespmem:s9+$0x10] =	vst v4;
	v4 =	vpop (erf)  }
0x269: {  	[tilespmem:s21+$0x10] =	vst v10;
	v4 =	vmul.f32 v4, v0  }
0x26a: {  	[tilespmem:s5+$0xFFFFFFF0] =	vst v7;
	v3 =	vmul.f32 v3, v0  }
0x26b: {  	[tilespmem:s9+$0xFFFFFFE0] =	vst v6;
	v6 =	vpop (erf)  }
0x26c: {  	s12 =	sadd.s32 $0x40, s9;
	[tilespmem:s9+$0x0] =	vst v3;
	v3 =	vmul.f32 v6, v0  }
0x26d: {  	v5 =	vmul.f32 v5, v0;
	[tilespmem:s12+$0xFFFFFFF0] =	vst v4;
	v4 =	vpop (erf)  }
0x26e: {  	[tilespmem:s12+$0x10] =	vst v3;
	v3 =	vmul.f32 v4, v0  }
0x26f: {  	[tilespmem:s12+$0xFFFFFFE0] =	vst v5  }
0x270: {  	[tilespmem:s12+$0x0] =	vst v3  }
0x271: {  	s5 =	rddreg [dreg:$0x16]  }
0x272: {  	[hbm4b:s5+s1] =	stream.linear.scatter [tilespmem:s15], [sflag:$0x8], $0x1900, $0x38;
	[tilespmem:$0x1EEA8] =	vst v63  }
0x273: {  	s17 =	rddreg [dreg:$0x1d]  }
0x274: {  	[tilespmem:s20], [sflag:$0x5] =	stream.linear.gather [hbm4b:s17+s1], $0x1900, $0x38;
	[tilespmem:$0x1EEA8] =	vst v63  }
0x275: {  	s21 =	simm.s32 $0x171A8;
	s19 =	rddreg [dreg:$0x1e]  }
0x276: {  	[tilespmem:s21], [sflag:$0x5] =	stream.linear.gather [hbm4b:s19+s1], $0x1900, $0x38;
	[tilespmem:$0x1EEA8] =	vst v63  }
0x277: {  	_ =	swait.ge [sflag:s4], $0x1900  }
0x278: {  	[sflag:s4] =	ssyncset.done $0x0  }
0x279: {  	[sflag:s4] =	ssyncadd.s32 $0xFFFFE700  }
0x27a: {  	_ =	swait.ge [sflag:s4], $0x1900  }
0x27b: {  	[sflag:s4] =	ssyncset.done $0x0  }
0x27c: {  	[sflag:s4] =	ssyncadd.s32 $0xFFFFE700  }
0x27d: {  	[tilespmem:s13], [sflag:$0x6] =	stream.indirect.gather [spmem:s29], $0x1, s18, s0, $0xb8;
	[tilespmem:$0x1EEA8] =	vst v63  }
0x27e: {  	s9 =	simm.s32 $0x13328  }
0x27f: {  	[tilespmem:s3], [sflag:$0x7] =	stream.indirect.gather [spmem:s29], $0x1, s9, s0, $0xb8;
	[tilespmem:$0x1EEA8] =	vst v63  }
0x280: {  	_ =	swait.ge [sflag:s24], $0xC80  }
0x281: {  	[sflag:s24] =	ssyncset.done $0x0  }
0x282: {  	[sflag:s24] =	ssyncadd.s32 $0xFFFFF380  }
0x283: {  	_ =	swait.ge [sflag:s10], $0xC80  }
0x284: {  	[sflag:s10] =	ssyncset.done $0x0  }
0x285: {  	[sflag:s10] =	ssyncadd.s32 $0xFFFFF380  }
0x286: {  	_ =	swait.ge [sflag:s28], $0x1900  }
0x287: {  	[sflag:s28] =	ssyncset.done $0x0  }
0x288: {  	s12 =	simm.s32 $0x1BCC8;
	[sflag:s28] =	ssyncadd.s32 $0xFFFFE700  }
0x289: {  	v3 =	vld [tilespmem:s12+$0xFFFFFFE0]  }
0x28a: {  	v4 =	vld [tilespmem:s12+$0x10]  }
0x28b: {  	v5 =	vld [tilespmem:s12+$0xFFFFFFF0]  }
0x28c: {  	s17 =	simm.s32 $0x10DC8;
	v6 =	vld [tilespmem:s12+$0x0]  }
0x28d: {  	v7 =	vld [tilespmem:s17+$0xFFFFFFE0]  }
0x28e: {  	v8 =	vld [tilespmem:s17+$0xFFFFFFF0]  }
0x28f: {  	v9 =	vld [tilespmem:s17+$0x0]  }
0x290: {  	s19 =	simm.s32 $0x1BD08;
	v10 =	vld [tilespmem:s17+$0x10]  }
0x291: {  	v11 =	vld [tilespmem:s19+$0xFFFFFFE0]  }
0x292: {  	v12 =	vld [tilespmem:s19+$0xFFFFFFF0]  }
0x293: {  	s21 =	simm.s32 $0x10E08;
	v13 =	vld [tilespmem:s19+$0x0]  }
0x294: {  	s5 =	simm.s32 $0x10E48;
	v14 =	vld [tilespmem:s21+$0xFFFFFFE0];
	v3 =	vsub.f32 v7, v3  }
0x295: {  	s17 =	simm.s32 $0x1BD48;
	v16 =	vld [tilespmem:s5+$0xFFFFFFE0]  }
0x296: {  	v15 =	vld [tilespmem:s17+$0xFFFFFFE0];
	v4 =	vsub.f32 v10, v4;
	v3 =	vmul.f32 v3, v2  }
0x297: {  	v7 =	vld [tilespmem:s19+$0x10];
	v5 =	vsub.f32 v8, v5  }
0x298: {  	v6 =	vsub.f32 v9, v6;
	v9 =	vld [tilespmem:s21+$0x0];
	v4 =	vmul.f32 v4, v2;
	v3 =	vadd.f32 v3, v1  }
0x299: {  	v10 =	vld [tilespmem:s21+$0x10];
	v11 =	vsub.f32 v14, v11;
	v5 =	vmul.f32 v5, v2  }
0x29a: {  	v17 =	vld [tilespmem:s17+$0x10];
	v4 =	vadd.f32 v4, v1;
	v3 =	vmul.f32 $1.442695020e+00, v3  }
0x29b: {  	v8 =	vld [tilespmem:s21+$0xFFFFFFF0];
	v11 =	vmul.f32 v11, v2;
	v5 =	vadd.f32 v5, v1  }
0x29c: {  	v14 =	vld [tilespmem:s17+$0xFFFFFFF0];
	v4 =	vmul.f32 $1.442695020e+00, v4;
	(erf) = vpow2.f32 v3  }
0x29d: {  	v6 =	vmul.f32 v6, v2;
	v9 =	vsub.f32 v9, v13;
	v5 =	vmul.f32 $1.442695020e+00, v5;
	v3 =	vld [tilespmem:s5+$0xFFFFFFF0]  }
0x29e: {  	v13 =	vld [tilespmem:s5+$0x0];
	(erf) = vpow2.f32 v4;
	v4 =	vsub.f32 v10, v7;
	v7 =	vadd.f32 v11, v1  }
0x29f: {  	s21 =	simm.s32 $0x10E88;
	v6 =	vadd.f32 v6, v1;
	v10 =	vsub.f32 v16, v15;
	v11 =	vld [tilespmem:s5+$0x10];
	(erf) = vpow2.f32 v5  }
0x2a0: {  	s12 =	simm.s32 $0x1BD88;
	v15 =	vld [tilespmem:s21+$0xFFFFFFF0];
	v4 =	vmul.f32 v4, v2;
	v7 =	vmul.f32 $1.442695020e+00, v7  }
0x2a1: {  	v6 =	vmul.f32 $1.442695020e+00, v6;
	v5 =	vsub.f32 v8, v12;
	v8 =	vld [tilespmem:s12+$0xFFFFFFE0];
	v10 =	vmul.f32 v10, v2  }
0x2a2: {  	v3 =	vsub.f32 v3, v14;
	v4 =	vadd.f32 v4, v1;
	v14 =	vld [tilespmem:s21+$0xFFFFFFE0];
	(erf) = vpow2.f32 v7  }
0x2a3: {  	v5 =	vmul.f32 v5, v2;
	v10 =	vadd.f32 v10, v1;
	(erf) = vpow2.f32 v6;
	v6 =	vld [tilespmem:s17+$0x0]  }
0x2a4: {  	v9 =	vmul.f32 v9, v2;
	v12 =	vld [tilespmem:s12+$0xFFFFFFF0];
	v4 =	vmul.f32 $1.442695020e+00, v4  }
0x2a5: {  	v5 =	vadd.f32 v5, v1;
	v3 =	vmul.f32 v3, v2;
	v10 =	vmul.f32 $1.442695020e+00, v10;
	v7 =	vpop (erf)  }
0x2a6: {  	(erf) = vpow2.f32 v4;
	v4 =	vsub.f32 v11, v17;
	v7 =	vadd.f32 $1.000000000e+00, v7  }
0x2a7: {  	v5 =	vmul.f32 $1.442695020e+00, v5;
	v3 =	vadd.f32 v3, v1;
	v16 =	vpop (erf);
	v8 =	vsub.f32 v14, v8  }
0x2a8: {  	v11 =	vld [tilespmem:s12+$0x10];
	v14 =	vpop (erf);
	v4 =	vmul.f32 v4, v2;
	v6 =	vsub.f32 v13, v6;
	(erf) = vrcp.f32 v7  }
0x2a9: {  	s9 =	simm.s32 $0x1BDC8;
	v7 =	vsub.f32 v15, v12;
	v12 =	vld [tilespmem:s21+$0x10];
	v14 =	vadd.f32 $1.000000000e+00, v14;
	(erf) = vpow2.f32 v5  }
0x2aa: {  	v3 =	vmul.f32 $1.442695020e+00, v3;
	v15 =	vadd.f32 $1.000000000e+00, v16;
	v16 =	vld [tilespmem:s9+$0xFFFFFFF0];
	v5 =	vadd.f32 v9, v1  }
0x2ab: {  	s19 =	simm.s32 $0x10EC8;
	v8 =	vmul.f32 v8, v2;
	v9 =	vld [tilespmem:s9+$0xFFFFFFE0];
	v4 =	vadd.f32 v4, v1;
	v6 =	vmul.f32 v6, v2  }
0x2ac: {  	(erf) = vrcp.f32 v14;
	v14 =	vld [tilespmem:s19+$0xFFFFFFF0];
	v5 =	vmul.f32 $1.442695020e+00, v5  }
0x2ad: {  	v4 =	vmul.f32 $1.442695020e+00, v4;
	(erf) = vpow2.f32 v10;
	v10 =	vld [tilespmem:s19+$0xFFFFFFE0]  }
0x2ae: {  	v7 =	vmul.f32 v7, v2;
	v13 =	vpop (erf);
	v8 =	vadd.f32 v8, v1;
	(erf) = vrcp.f32 v15  }
0x2af: {  	v18 =	vld [tilespmem:s21+$0x0];
	v17 =	vpop (erf);
	v13 =	vadd.f32 $1.000000000e+00, v13;
	v6 =	vadd.f32 v6, v1;
	(erf) = vpow2.f32 v5  }
0x2b0: {  	v8 =	vmul.f32 $1.442695020e+00, v8;
	v15 =	vadd.f32 $1.000000000e+00, v17;
	v5 =	vld [tilespmem:s12+$0x0];
	v11 =	vsub.f32 v12, v11;
	v17 =	vpop (erf)  }
0x2b1: {  	v19 =	vld [tilespmem:s19+$0x10];
	v23 =	vmul.f32 $1.442695020e+00, v6;
	(erf) = vpow2.f32 v4;
	v14 =	vsub.f32 v14, v16;
	v4 =	vpop (erf)  }
0x2b2: {  	v12 =	vld [tilespmem:s9+$0x10];
	(erf) = vrcp.f32 v13;
	v11 =	vmul.f32 v11, v2;
	v9 =	vsub.f32 v10, v9;
	v10 =	vpop (erf)  }
0x2b3: {  	s17 =	simm.s32 $0x1BE08;
	(erf) = vrcp.f32 v15;
	v14 =	vmul.f32 v14, v2;
	v10 =	vadd.f32 $1.000000000e+00, v10  }
0x2b4: {  	v20 =	vld [tilespmem:s17+$0xFFFFFFE0];
	v21 =	vmul.f32 v4, v0;
	(erf) = vpow2.f32 v3  }
0x2b5: {  	v22 =	vld [tilespmem:s17+$0xFFFFFFF0];
	s21 =	simm.s32 $0x10F08;
	v3 =	vadd.f32 $1.000000000e+00, v17;
	v5 =	vsub.f32 v18, v5;
	v13 =	vpop (erf);
	(erf) = vrcp.f32 v10  }
0x2b6: {  	v25 =	vld [tilespmem:s21+$0xFFFFFFF0];
	v11 =	vadd.f32 v11, v1;
	v9 =	vmul.f32 v9, v2;
	v17 =	vpop (erf);
	(erf) = vpow2.f32 v8  }
0x2b7: {  	v18 =	vld [tilespmem:s21+$0xFFFFFFE0];
	v19 =	vsub.f32 v19, v12;
	v24 =	vpop (erf);
	(erf) = vrcp.f32 v3;
	v3 =	vmul.f32 v5, v2  }
0x2b8: {  	v11 =	vmul.f32 $1.442695020e+00, v11;
	v9 =	vadd.f32 v9, v1;
	v8 =	vadd.f32 v7, v1;
	v6 =	vpop (erf);
	v7 =	vld [tilespmem:s19+$0x0]  }
0x2b9: {  	v13 =	vmul.f32 v13, v0;
	v26 =	vadd.f32 $1.000000000e+00, v17;
	v16 =	vadd.f32 $1.000000000e+00, v6;
	v6 =	vld [tilespmem:s17+$0x10]  }
0x2ba: {  	v10 =	vmul.f32 $1.442695020e+00, v9;
	v9 =	vadd.f32 v14, v1;
	s19 =	simm.s32 $0x1D5C8;
	v15 =	vpop (erf);
	v5 =	vld [tilespmem:s17+$0x0];
	(erf) = vpow2.f32 v23  }
0x2bb: {  	v4 =	vld [tilespmem:s9+$0x0];
	[tilespmem:s19+$0xFFFFFFF0] =	vst v13;
	v23 =	vmul.f32 v24, v0;
	v14 =	vadd.f32 v3, v1;
	(erf) = vpow2.f32 v11;
	v3 =	vpop (erf)  }
0x2bc: {  	s30 =	simm.s32 $0x1D608;
	s5 =	simm.s32 $0x140;
	s12 =	simm.s32 $0x1D648;
	v13 =	vsub.f32 v25, v22;
	[tilespmem:s19+$0xFFFFFFE0] =	vst v21;
	v17 =	vmul.f32 $1.442695020e+00, v8;
	v8 =	vld [tilespmem:s21+$0x0];
	v3 =	vmul.f32 v3, v0;
	v12 =	vpop (erf)  }
0x2bd: {  	s9 =	simm.s32 $0x1BE48;
	v18 =	vsub.f32 v18, v20;
	s17 =	simm.s32 $0x10F48;
	v11 =	vld [tilespmem:s21+$0x10];
	s21 =	simm.s32 $0x1D648;
	[tilespmem:s19+$0x10] =	vst v23;
	(erf) = vrcp.f32 v26;
	v20 =	vpop (erf);
	v12 =	vmul.f32 v12, v0  }
.LBB2_8:
0x2be: {  	v21 =	vld [tilespmem:s9+$0xFFFFFFE0];
	s5 =	sadd.s32 $0x40, s5;
	v19 =	vmul.f32 v19, v2;
	v20 =	vadd.f32 $1.000000000e+00, v20;
	s12 =	sadd.s32 $0x40, s12;
	v22 =	vpop (erf);
	(erf) = vrcp.f32 v16  }
0x2bf: {  	v15 =	vadd.f32 $1.000000000e+00, v15;
	p0 =	slt.u32 s5, $0x18C0;
	v16 =	vmul.f32 v18, v2;
	(erf) = vpow2.f32 v17;
	[tilespmem:s19+$0x0] =	vst v12;
	v12 =	vmovc v6;
	v6 =	vld [tilespmem:s9+$0x10];
	v17 =	vmovc v5;
	s19 =	smov.u32 s30;
	s30 =	smov.u32 s21  }
0x2c0: {  	v13 =	vmul.f32 v13, v2;
	s21 =	smov.u32 s12;
	v18 =	vld [tilespmem:s9+$0xFFFFFFF0];
	v19 =	vadd.f32 v19, v1;
	v23 =	vpop (erf);
	(erf) = vrcp.f32 v20  }
0x2c1: {  	v14 =	vmul.f32 $1.442695020e+00, v14;
	v20 =	vmul.f32 v22, v0;
	v5 =	vld [tilespmem:s9+$0x0];
	v27 =	vadd.f32 v16, v1;
	v22 =	vpop (erf)  }
0x2c2: {  	v25 =	vsub.f32 v7, v4;
	v7 =	vmovc v8;
	v4 =	vmovc v17;
	v24 =	vld [tilespmem:s17+$0xFFFFFFF0];
	v19 =	vmul.f32 $1.442695020e+00, v19;
	(erf) = vpow2.f32 v10  }
0x2c3: {  	v17 =	vmov v9;
	v26 =	vld [tilespmem:s17+$0xFFFFFFE0];
	v10 =	vmul.f32 $1.442695020e+00, v27;
	v16 =	vpop (erf);
	(erf) = vrcp.f32 v15;
	[tilespmem:s19+$0xFFFFFFF0] =	vst v20  }
.Ltmp3:
0x2c4: {  	v9 =	vadd.f32 v13, v1;
	v13 =	vmul.f32 v25, v2;
	v8 =	vld [tilespmem:s17+$0x0];
	v15 =	vpop (erf);
	v16 =	vadd.f32 $1.000000000e+00, v16;
	(pc) =	sbr.rel @p0 .LBB2_8-.Ltmp3, $4  }
0x2c5: {  	v25 =	vadd.f32 $1.000000000e+00, v23;
	v22 =	vmul.f32 v22, v0;
	v23 =	vmovc v3;
	(erf) = vpow2.f32 v14  }
0x2c6: {  	v17 =	vmul.f32 $1.442695020e+00, v17;
	v14 =	vadd.f32 v13, v1;
	(erf) = vpow2.f32 v19;
	v3 =	vpop (erf)  }
0x2c7: {  	v19 =	vsub.f32 v11, v12;
	v13 =	vsub.f32 v24, v18;
	v3 =	vmul.f32 v3, v0;
	[tilespmem:s19+$0x10] =	vst v22;
	v12 =	vpop (erf)  }
0x2c8: {  	s9 =	sadd.s32 $0x40, s9;
	v18 =	vsub.f32 v26, v21;
	v11 =	vld [tilespmem:s17+$0x10];
	s17 =	sadd.s32 $0x40, s17;
	(erf) = vrcp.f32 v25;
	v20 =	vpop (erf);
	[tilespmem:s19+$0xFFFFFFE0] =	vst v23;
	v12 =	vmul.f32 v12, v0  }
0x2c9: {  	v19 =	vmul.f32 v19, v2  }
0x2ca: {  	(erf) = vrcp.f32 v16  }
0x2cb: {  	v20 =	vadd.f32 $1.000000000e+00, v20;
	v15 =	vadd.f32 $1.000000000e+00, v15;
	(erf) = vpow2.f32 v17  }
0x2cc: {  	v16 =	vpop (erf)  }
0x2cd: {  	v17 =	vadd.f32 v19, v1;
	(erf) = vrcp.f32 v20;
	v19 =	vpop (erf)  }
0x2ce: {  	v14 =	vmul.f32 $1.442695020e+00, v14;
	(erf) = vpow2.f32 v10;
	v10 =	vpop (erf)  }
0x2cf: {  	v17 =	vmul.f32 $1.442695020e+00, v17;
	(erf) = vrcp.f32 v15;
	v15 =	vpop (erf)  }
0x2d0: {  	v19 =	vadd.f32 $1.000000000e+00, v19;
	(erf) = vpow2.f32 v14;
	v14 =	vadd.f32 $1.000000000e+00, v15  }
0x2d1: {  	v9 =	vmul.f32 $1.442695020e+00, v9;
	(erf) = vpow2.f32 v17;
	v15 =	vpop (erf)  }
0x2d2: {  	v4 =	vsub.f32 v7, v4;
	v17 =	vmul.f32 v18, v2;
	(erf) = vrcp.f32 v19;
	v7 =	vpop (erf)  }
0x2d3: {  	v6 =	vsub.f32 v11, v6;
	(erf) = vrcp.f32 v14;
	v11 =	vpop (erf)  }
0x2d4: {  	v4 =	vmul.f32 v4, v2;
	(erf) = vpow2.f32 v9;
	v9 =	vadd.f32 v17, v1;
	v14 =	vpop (erf)  }
0x2d5: {  	v6 =	vmul.f32 v6, v2;
	v14 =	vadd.f32 $1.000000000e+00, v14  }
0x2d6: {  	v4 =	vadd.f32 v4, v1;
	v9 =	vmul.f32 $1.442695020e+00, v9  }
0x2d7: {  	v13 =	vmul.f32 v13, v2;
	v6 =	vadd.f32 v6, v1;
	v17 =	vpop (erf)  }
0x2d8: {  	v4 =	vmul.f32 $1.442695020e+00, v4;
	v15 =	vadd.f32 $1.000000000e+00, v15;
	v18 =	vpop (erf);
	(erf) = vrcp.f32 v14  }
0x2d9: {  	v6 =	vmul.f32 $1.442695020e+00, v6;
	v14 =	vpop (erf);
	(erf) = vpow2.f32 v9  }
0x2da: {  	v5 =	vsub.f32 v8, v5;
	v9 =	vpop (erf);
	(erf) = vrcp.f32 v15;
	v15 =	vadd.f32 $1.000000000e+00, v18  }
0x2db: {  	v8 =	vpop (erf)  }
0x2dc: {  	v13 =	vadd.f32 v13, v1;
	v5 =	vmul.f32 v5, v2;
	(erf) = vpow2.f32 v4;
	v4 =	vpop (erf)  }
0x2dd: {  	v9 =	vadd.f32 $1.000000000e+00, v9;
	(erf) = vpow2.f32 v6;
	v6 =	vpop (erf)  }
0x2de: {  	v13 =	vmul.f32 $1.442695020e+00, v13;
	v5 =	vadd.f32 v5, v1;
	(erf) = vrcp.f32 v15;
	v15 =	vpop (erf)  }
0x2df: {  	v8 =	vadd.f32 $1.000000000e+00, v8;
	(erf) = vrcp.f32 v9;
	v15 =	vadd.f32 $1.000000000e+00, v15  }
0x2e0: {  	v5 =	vmul.f32 $1.442695020e+00, v5;
	(erf) = vpow2.f32 v13  }
0x2e1: {  	(erf) = vrcp.f32 v15  }
0x2e2: {  	v9 =	vpop (erf);
	(erf) = vrcp.f32 v8  }
0x2e3: {  	v8 =	vpop (erf);
	(erf) = vpow2.f32 v5  }
0x2e4: {  	v15 =	vmul.f32 v16, v0;
	v5 =	vpop (erf)  }
0x2e5: {  	v13 =	vpop (erf)  }
0x2e6: {  	[tilespmem:s30+$0xFFFFFFE0] =	vst v3;
	v16 =	vpop (erf)  }
0x2e7: {  	[tilespmem:s19+$0x0] =	vst v12;
	v10 =	vmul.f32 v10, v0;
	v12 =	vpop (erf)  }
0x2e8: {  	v3 =	vmul.f32 v17, v0;
	[tilespmem:s30+$0xFFFFFFF0] =	vst v15;
	v8 =	vadd.f32 $1.000000000e+00, v8;
	v15 =	vpop (erf)  }
0x2e9: {  	[tilespmem:s30+$0x10] =	vst v10;
	v10 =	vmul.f32 v11, v0;
	v11 =	vadd.f32 $1.000000000e+00, v13;
	v13 =	vpop (erf)  }
0x2ea: {  	(erf) = vrcp.f32 v8;
	v8 =	vadd.f32 $1.000000000e+00, v13;
	v13 =	vpop (erf)  }
0x2eb: {  	[tilespmem:s30+$0x0] =	vst v10;
	v10 =	vmul.f32 v14, v0;
	v14 =	vpop (erf)  }
0x2ec: {  	[tilespmem:s21+$0xFFFFFFF0] =	vst v3;
	(erf) = vrcp.f32 v11;
	v11 =	vadd.f32 $1.000000000e+00, v16;
	v3 =	vpop (erf)  }
0x2ed: {  	(erf) = vrcp.f32 v8;
	v3 =	vadd.f32 $1.000000000e+00, v3  }
0x2ee: {  	v7 =	vmul.f32 v7, v0;
	(erf) = vrcp.f32 v11  }
0x2ef: {  	(erf) = vrcp.f32 v3;
	v3 =	vmul.f32 v4, v0  }
0x2f0: {  	s5 =	sadd.s32 $0x40, s12;
	[tilespmem:s21+$0xFFFFFFE0] =	vst v7;
	v5 =	vmul.f32 v5, v0;
	v4 =	vmul.f32 v15, v0  }
0x2f1: {  	v6 =	vmul.f32 v6, v0;
	[tilespmem:s5+$0xFFFFFFE0] =	vst v3;
	v3 =	vmul.f32 v13, v0  }
0x2f2: {  	[tilespmem:s5+$0x0] =	vst v4;
	v4 =	vmul.f32 v14, v0  }
0x2f3: {  	[tilespmem:s21+$0x0] =	vst v6  }
0x2f4: {  	s9 =	sadd.s32 $0x40, s5;
	[tilespmem:s5+$0x10] =	vst v5;
	v5 =	vpop (erf)  }
0x2f5: {  	v6 =	vmul.f32 v12, v0;
	[tilespmem:s9+$0xFFFFFFF0] =	vst v3;
	v3 =	vpop (erf)  }
0x2f6: {  	v7 =	vmul.f32 v9, v0;
	[tilespmem:s9+$0x10] =	vst v4;
	v4 =	vpop (erf)  }
0x2f7: {  	[tilespmem:s21+$0x10] =	vst v10;
	v4 =	vmul.f32 v4, v0  }
0x2f8: {  	[tilespmem:s5+$0xFFFFFFF0] =	vst v7;
	v3 =	vmul.f32 v3, v0  }
0x2f9: {  	[tilespmem:s9+$0xFFFFFFE0] =	vst v6;
	v6 =	vpop (erf)  }
0x2fa: {  	s12 =	sadd.s32 $0x40, s9;
	[tilespmem:s9+$0x0] =	vst v3;
	v3 =	vmul.f32 v6, v0  }
0x2fb: {  	v5 =	vmul.f32 v5, v0;
	[tilespmem:s12+$0xFFFFFFF0] =	vst v4;
	v4 =	vpop (erf)  }
0x2fc: {  	[tilespmem:s12+$0x10] =	vst v3;
	v3 =	vmul.f32 v4, v0  }
0x2fd: {  	[tilespmem:s12+$0xFFFFFFE0] =	vst v5  }
0x2fe: {  	[tilespmem:s12+$0x0] =	vst v3  }
0x2ff: {  	s5 =	rddreg [dreg:$0x19]  }
0x300: {  	s17 =	sld [smem:$0x7D1]  }
0x301: {  	[hbm4b:s5+s1] =	stream.linear.scatter [tilespmem:s23], [sflag:$0xB], $0x1900, $0x38;
	[tilespmem:$0x1EEA8] =	vst v63  }
0x302: {  	s19 =	sld [smem:$0x7D2]  }
0x303: {  	[tilespmem:s16], [sflag:$0x3] =	stream.linear.gather [hbm4b:s17+s1], $0x1900, $0x38;
	[tilespmem:$0x1EEA8] =	vst v63  }
0x304: {  	s21 =	simm.s32 $0x10DA8  }
0x305: {  	[tilespmem:s21], [sflag:$0x3] =	stream.linear.gather [hbm4b:s19+s1], $0x1900, $0x38;
	[tilespmem:$0x1EEA8] =	vst v63  }
0x306: {  	_ =	swait.ge [sflag:s8], $0x1900  }
0x307: {  	[sflag:s8] =	ssyncset.done $0x0  }
0x308: {  	[sflag:s8] =	ssyncadd.s32 $0xFFFFE700  }
0x309: {  	_ =	swait.ge [sflag:s8], $0x1900  }
0x30a: {  	[sflag:s8] =	ssyncset.done $0x0  }
0x30b: {  	[sflag:s8] =	ssyncadd.s32 $0xFFFFE700  }
0x30c: {  	[tilespmem:s14], [sflag:$0x9] =	stream.indirect.gather [spmem:s29], $0x1, s20, s0, $0xb8;
	[tilespmem:$0x1EEA8] =	vst v63  }
0x30d: {  	s9 =	simm.s32 $0x16528  }
0x30e: {  	[tilespmem:s6], [sflag:$0xA] =	stream.indirect.gather [spmem:s29], $0x1, s9, s0, $0xb8;
	[tilespmem:$0x1EEA8] =	vst v63  }
0x30f: {  	_ =	swait.ge [sflag:s22], $0xC80  }
0x310: {  	[sflag:s22] =	ssyncset.done $0x0  }
0x311: {  	[sflag:s22] =	ssyncadd.s32 $0xFFFFF380  }
0x312: {  	_ =	swait.ge [sflag:s7], $0xC80  }
0x313: {  	[sflag:s7] =	ssyncset.done $0x0  }
0x314: {  	[sflag:s7] =	ssyncadd.s32 $0xFFFFF380  }
0x315: {  	_ =	swait.ge [sflag:s26], $0x1900  }
0x316: {  	[sflag:s26] =	ssyncset.done $0x0  }
0x317: {  	s12 =	simm.s32 $0x18AC8;
	[sflag:s26] =	ssyncadd.s32 $0xFFFFE700  }
0x318: {  	v3 =	vld [tilespmem:s12+$0xFFFFFFE0]  }
0x319: {  	v4 =	vld [tilespmem:s12+$0x10]  }
0x31a: {  	v5 =	vld [tilespmem:s12+$0xFFFFFFF0]  }
0x31b: {  	s17 =	simm.s32 $0x13FC8;
	v6 =	vld [tilespmem:s12+$0x0]  }
0x31c: {  	v7 =	vld [tilespmem:s17+$0xFFFFFFE0]  }
0x31d: {  	v8 =	vld [tilespmem:s17+$0xFFFFFFF0]  }
0x31e: {  	v9 =	vld [tilespmem:s17+$0x0]  }
0x31f: {  	s19 =	simm.s32 $0x18B08;
	v10 =	vld [tilespmem:s17+$0x10]  }
0x320: {  	v11 =	vld [tilespmem:s19+$0xFFFFFFE0]  }
0x321: {  	v12 =	vld [tilespmem:s19+$0xFFFFFFF0]  }
0x322: {  	s21 =	simm.s32 $0x14008;
	v13 =	vld [tilespmem:s19+$0x0]  }
0x323: {  	s5 =	simm.s32 $0x14048;
	v14 =	vld [tilespmem:s21+$0xFFFFFFE0];
	v3 =	vsub.f32 v7, v3  }
0x324: {  	s17 =	simm.s32 $0x18B48;
	v16 =	vld [tilespmem:s5+$0xFFFFFFE0]  }
0x325: {  	v15 =	vld [tilespmem:s17+$0xFFFFFFE0];
	v4 =	vsub.f32 v10, v4;
	v3 =	vmul.f32 v3, v2  }
0x326: {  	v7 =	vld [tilespmem:s19+$0x10];
	v5 =	vsub.f32 v8, v5  }
0x327: {  	v6 =	vsub.f32 v9, v6;
	v9 =	vld [tilespmem:s21+$0x0];
	v4 =	vmul.f32 v4, v2;
	v3 =	vadd.f32 v3, v1  }
0x328: {  	v10 =	vld [tilespmem:s21+$0x10];
	v11 =	vsub.f32 v14, v11;
	v5 =	vmul.f32 v5, v2  }
0x329: {  	v17 =	vld [tilespmem:s17+$0x10];
	v4 =	vadd.f32 v4, v1;
	v3 =	vmul.f32 $1.442695020e+00, v3  }
0x32a: {  	v8 =	vld [tilespmem:s21+$0xFFFFFFF0];
	v11 =	vmul.f32 v11, v2;
	v5 =	vadd.f32 v5, v1  }
0x32b: {  	v14 =	vld [tilespmem:s17+$0xFFFFFFF0];
	v4 =	vmul.f32 $1.442695020e+00, v4;
	(erf) = vpow2.f32 v3  }
0x32c: {  	v6 =	vmul.f32 v6, v2;
	v9 =	vsub.f32 v9, v13;
	v5 =	vmul.f32 $1.442695020e+00, v5;
	v3 =	vld [tilespmem:s5+$0xFFFFFFF0]  }
0x32d: {  	v13 =	vld [tilespmem:s5+$0x0];
	(erf) = vpow2.f32 v4;
	v4 =	vsub.f32 v10, v7;
	v7 =	vadd.f32 v11, v1  }
0x32e: {  	s21 =	simm.s32 $0x14088;
	v6 =	vadd.f32 v6, v1;
	v10 =	vsub.f32 v16, v15;
	v11 =	vld [tilespmem:s5+$0x10];
	(erf) = vpow2.f32 v5  }
0x32f: {  	s12 =	simm.s32 $0x18B88;
	v15 =	vld [tilespmem:s21+$0xFFFFFFF0];
	v4 =	vmul.f32 v4, v2;
	v7 =	vmul.f32 $1.442695020e+00, v7  }
0x330: {  	v6 =	vmul.f32 $1.442695020e+00, v6;
	v5 =	vsub.f32 v8, v12;
	v8 =	vld [tilespmem:s12+$0xFFFFFFE0];
	v10 =	vmul.f32 v10, v2  }
0x331: {  	v3 =	vsub.f32 v3, v14;
	v4 =	vadd.f32 v4, v1;
	v14 =	vld [tilespmem:s21+$0xFFFFFFE0];
	(erf) = vpow2.f32 v7  }
0x332: {  	v5 =	vmul.f32 v5, v2;
	v10 =	vadd.f32 v10, v1;
	(erf) = vpow2.f32 v6;
	v6 =	vld [tilespmem:s17+$0x0]  }
0x333: {  	v9 =	vmul.f32 v9, v2;
	v12 =	vld [tilespmem:s12+$0xFFFFFFF0];
	v4 =	vmul.f32 $1.442695020e+00, v4  }
0x334: {  	v5 =	vadd.f32 v5, v1;
	v3 =	vmul.f32 v3, v2;
	v10 =	vmul.f32 $1.442695020e+00, v10;
	v7 =	vpop (erf)  }
0x335: {  	(erf) = vpow2.f32 v4;
	v4 =	vsub.f32 v11, v17;
	v7 =	vadd.f32 $1.000000000e+00, v7  }
0x336: {  	v5 =	vmul.f32 $1.442695020e+00, v5;
	v3 =	vadd.f32 v3, v1;
	v16 =	vpop (erf);
	v8 =	vsub.f32 v14, v8  }
0x337: {  	v11 =	vld [tilespmem:s12+$0x10];
	v14 =	vpop (erf);
	v4 =	vmul.f32 v4, v2;
	v6 =	vsub.f32 v13, v6;
	(erf) = vrcp.f32 v7  }
0x338: {  	s9 =	simm.s32 $0x18BC8;
	v7 =	vsub.f32 v15, v12;
	v12 =	vld [tilespmem:s21+$0x10];
	v14 =	vadd.f32 $1.000000000e+00, v14;
	(erf) = vpow2.f32 v5  }
0x339: {  	v3 =	vmul.f32 $1.442695020e+00, v3;
	v15 =	vadd.f32 $1.000000000e+00, v16;
	v16 =	vld [tilespmem:s9+$0xFFFFFFF0];
	v5 =	vadd.f32 v9, v1  }
0x33a: {  	s19 =	simm.s32 $0x140C8;
	v8 =	vmul.f32 v8, v2;
	v9 =	vld [tilespmem:s9+$0xFFFFFFE0];
	v4 =	vadd.f32 v4, v1;
	v6 =	vmul.f32 v6, v2  }
0x33b: {  	(erf) = vrcp.f32 v14;
	v14 =	vld [tilespmem:s19+$0xFFFFFFF0];
	v5 =	vmul.f32 $1.442695020e+00, v5  }
0x33c: {  	v4 =	vmul.f32 $1.442695020e+00, v4;
	(erf) = vpow2.f32 v10;
	v10 =	vld [tilespmem:s19+$0xFFFFFFE0]  }
0x33d: {  	v7 =	vmul.f32 v7, v2;
	v13 =	vpop (erf);
	v8 =	vadd.f32 v8, v1;
	(erf) = vrcp.f32 v15  }
0x33e: {  	v18 =	vld [tilespmem:s21+$0x0];
	v17 =	vpop (erf);
	v13 =	vadd.f32 $1.000000000e+00, v13;
	v6 =	vadd.f32 v6, v1;
	(erf) = vpow2.f32 v5  }
0x33f: {  	v8 =	vmul.f32 $1.442695020e+00, v8;
	v15 =	vadd.f32 $1.000000000e+00, v17;
	v5 =	vld [tilespmem:s12+$0x0];
	v11 =	vsub.f32 v12, v11;
	v17 =	vpop (erf)  }
0x340: {  	v19 =	vld [tilespmem:s19+$0x10];
	v23 =	vmul.f32 $1.442695020e+00, v6;
	(erf) = vpow2.f32 v4;
	v14 =	vsub.f32 v14, v16;
	v4 =	vpop (erf)  }
0x341: {  	v12 =	vld [tilespmem:s9+$0x10];
	(erf) = vrcp.f32 v13;
	v11 =	vmul.f32 v11, v2;
	v9 =	vsub.f32 v10, v9;
	v10 =	vpop (erf)  }
0x342: {  	s17 =	simm.s32 $0x18C08;
	(erf) = vrcp.f32 v15;
	v14 =	vmul.f32 v14, v2;
	v10 =	vadd.f32 $1.000000000e+00, v10  }
0x343: {  	v20 =	vld [tilespmem:s17+$0xFFFFFFE0];
	v21 =	vmul.f32 v4, v0;
	(erf) = vpow2.f32 v3  }
0x344: {  	v22 =	vld [tilespmem:s17+$0xFFFFFFF0];
	s21 =	simm.s32 $0x14108;
	v3 =	vadd.f32 $1.000000000e+00, v17;
	v5 =	vsub.f32 v18, v5;
	v13 =	vpop (erf);
	(erf) = vrcp.f32 v10  }
0x345: {  	v25 =	vld [tilespmem:s21+$0xFFFFFFF0];
	v11 =	vadd.f32 v11, v1;
	v9 =	vmul.f32 v9, v2;
	v17 =	vpop (erf);
	(erf) = vpow2.f32 v8  }
0x346: {  	v18 =	vld [tilespmem:s21+$0xFFFFFFE0];
	v19 =	vsub.f32 v19, v12;
	v24 =	vpop (erf);
	(erf) = vrcp.f32 v3;
	v3 =	vmul.f32 v5, v2  }
0x347: {  	v11 =	vmul.f32 $1.442695020e+00, v11;
	v9 =	vadd.f32 v9, v1;
	v8 =	vadd.f32 v7, v1;
	v6 =	vpop (erf);
	v7 =	vld [tilespmem:s19+$0x0]  }
0x348: {  	v13 =	vmul.f32 v13, v0;
	v26 =	vadd.f32 $1.000000000e+00, v17;
	v16 =	vadd.f32 $1.000000000e+00, v6;
	v6 =	vld [tilespmem:s17+$0x10]  }
0x349: {  	v10 =	vmul.f32 $1.442695020e+00, v9;
	v9 =	vadd.f32 v14, v1;
	s19 =	simm.s32 $0x1A3C8;
	v15 =	vpop (erf);
	v5 =	vld [tilespmem:s17+$0x0];
	(erf) = vpow2.f32 v23  }
0x34a: {  	v4 =	vld [tilespmem:s9+$0x0];
	[tilespmem:s19+$0xFFFFFFF0] =	vst v13;
	v23 =	vmul.f32 v24, v0;
	v14 =	vadd.f32 v3, v1;
	(erf) = vpow2.f32 v11;
	v3 =	vpop (erf)  }
0x34b: {  	s30 =	simm.s32 $0x1A408;
	s5 =	simm.s32 $0x140;
	s12 =	simm.s32 $0x1A448;
	v13 =	vsub.f32 v25, v22;
	[tilespmem:s19+$0xFFFFFFE0] =	vst v21;
	v17 =	vmul.f32 $1.442695020e+00, v8;
	v8 =	vld [tilespmem:s21+$0x0];
	v3 =	vmul.f32 v3, v0;
	v12 =	vpop (erf)  }
0x34c: {  	s9 =	simm.s32 $0x18C48;
	v18 =	vsub.f32 v18, v20;
	s17 =	simm.s32 $0x14148;
	v11 =	vld [tilespmem:s21+$0x10];
	s21 =	simm.s32 $0x1A448;
	[tilespmem:s19+$0x10] =	vst v23;
	(erf) = vrcp.f32 v26;
	v20 =	vpop (erf);
	v12 =	vmul.f32 v12, v0  }
.LBB2_10:
0x34d: {  	v21 =	vld [tilespmem:s9+$0xFFFFFFE0];
	s5 =	sadd.s32 $0x40, s5;
	v19 =	vmul.f32 v19, v2;
	v20 =	vadd.f32 $1.000000000e+00, v20;
	s12 =	sadd.s32 $0x40, s12;
	v22 =	vpop (erf);
	(erf) = vrcp.f32 v16  }
0x34e: {  	v15 =	vadd.f32 $1.000000000e+00, v15;
	p0 =	slt.u32 s5, $0x18C0;
	v16 =	vmul.f32 v18, v2;
	(erf) = vpow2.f32 v17;
	[tilespmem:s19+$0x0] =	vst v12;
	v12 =	vmovc v6;
	v6 =	vld [tilespmem:s9+$0x10];
	v17 =	vmovc v5;
	s19 =	smov.u32 s30;
	s30 =	smov.u32 s21  }
0x34f: {  	v13 =	vmul.f32 v13, v2;
	s21 =	smov.u32 s12;
	v18 =	vld [tilespmem:s9+$0xFFFFFFF0];
	v19 =	vadd.f32 v19, v1;
	v23 =	vpop (erf);
	(erf) = vrcp.f32 v20  }
0x350: {  	v14 =	vmul.f32 $1.442695020e+00, v14;
	v20 =	vmul.f32 v22, v0;
	v5 =	vld [tilespmem:s9+$0x0];
	v27 =	vadd.f32 v16, v1;
	v22 =	vpop (erf)  }
0x351: {  	v25 =	vsub.f32 v7, v4;
	v7 =	vmovc v8;
	v4 =	vmovc v17;
	v24 =	vld [tilespmem:s17+$0xFFFFFFF0];
	v19 =	vmul.f32 $1.442695020e+00, v19;
	(erf) = vpow2.f32 v10  }
0x352: {  	v17 =	vmov v9;
	v26 =	vld [tilespmem:s17+$0xFFFFFFE0];
	v10 =	vmul.f32 $1.442695020e+00, v27;
	v16 =	vpop (erf);
	(erf) = vrcp.f32 v15;
	[tilespmem:s19+$0xFFFFFFF0] =	vst v20  }
.Ltmp4:
0x353: {  	v9 =	vadd.f32 v13, v1;
	v13 =	vmul.f32 v25, v2;
	v8 =	vld [tilespmem:s17+$0x0];
	v15 =	vpop (erf);
	v16 =	vadd.f32 $1.000000000e+00, v16;
	(pc) =	sbr.rel @p0 .LBB2_10-.Ltmp4, $4  }
0x354: {  	v25 =	vadd.f32 $1.000000000e+00, v23;
	v22 =	vmul.f32 v22, v0;
	v23 =	vmovc v3;
	(erf) = vpow2.f32 v14  }
0x355: {  	v17 =	vmul.f32 $1.442695020e+00, v17;
	v14 =	vadd.f32 v13, v1;
	(erf) = vpow2.f32 v19;
	v3 =	vpop (erf)  }
0x356: {  	v19 =	vsub.f32 v11, v12;
	v13 =	vsub.f32 v24, v18;
	v3 =	vmul.f32 v3, v0;
	[tilespmem:s19+$0x10] =	vst v22;
	v12 =	vpop (erf)  }
0x357: {  	s9 =	sadd.s32 $0x40, s9;
	v18 =	vsub.f32 v26, v21;
	v11 =	vld [tilespmem:s17+$0x10];
	s17 =	sadd.s32 $0x40, s17;
	(erf) = vrcp.f32 v25;
	v20 =	vpop (erf);
	[tilespmem:s19+$0xFFFFFFE0] =	vst v23;
	v12 =	vmul.f32 v12, v0  }
0x358: {  	v19 =	vmul.f32 v19, v2  }
0x359: {  	(erf) = vrcp.f32 v16  }
0x35a: {  	v20 =	vadd.f32 $1.000000000e+00, v20;
	v15 =	vadd.f32 $1.000000000e+00, v15;
	(erf) = vpow2.f32 v17  }
0x35b: {  	v16 =	vpop (erf)  }
0x35c: {  	v17 =	vadd.f32 v19, v1;
	(erf) = vrcp.f32 v20;
	v19 =	vpop (erf)  }
0x35d: {  	v14 =	vmul.f32 $1.442695020e+00, v14;
	(erf) = vpow2.f32 v10;
	v10 =	vpop (erf)  }
0x35e: {  	v17 =	vmul.f32 $1.442695020e+00, v17;
	(erf) = vrcp.f32 v15;
	v15 =	vpop (erf)  }
0x35f: {  	v19 =	vadd.f32 $1.000000000e+00, v19;
	(erf) = vpow2.f32 v14;
	v14 =	vadd.f32 $1.000000000e+00, v15  }
0x360: {  	v9 =	vmul.f32 $1.442695020e+00, v9;
	(erf) = vpow2.f32 v17;
	v15 =	vpop (erf)  }
0x361: {  	v4 =	vsub.f32 v7, v4;
	v17 =	vmul.f32 v18, v2;
	(erf) = vrcp.f32 v19;
	v7 =	vpop (erf)  }
0x362: {  	v6 =	vsub.f32 v11, v6;
	(erf) = vrcp.f32 v14;
	v11 =	vpop (erf)  }
0x363: {  	v4 =	vmul.f32 v4, v2;
	(erf) = vpow2.f32 v9;
	v9 =	vadd.f32 v17, v1;
	v14 =	vpop (erf)  }
0x364: {  	v6 =	vmul.f32 v6, v2;
	v14 =	vadd.f32 $1.000000000e+00, v14  }
0x365: {  	v4 =	vadd.f32 v4, v1;
	v9 =	vmul.f32 $1.442695020e+00, v9  }
0x366: {  	v13 =	vmul.f32 v13, v2;
	v6 =	vadd.f32 v6, v1;
	v17 =	vpop (erf)  }
0x367: {  	v4 =	vmul.f32 $1.442695020e+00, v4;
	v15 =	vadd.f32 $1.000000000e+00, v15;
	v18 =	vpop (erf);
	(erf) = vrcp.f32 v14  }
0x368: {  	v6 =	vmul.f32 $1.442695020e+00, v6;
	v14 =	vpop (erf);
	(erf) = vpow2.f32 v9  }
0x369: {  	v5 =	vsub.f32 v8, v5;
	v9 =	vpop (erf);
	(erf) = vrcp.f32 v15;
	v15 =	vadd.f32 $1.000000000e+00, v18  }
0x36a: {  	v8 =	vpop (erf)  }
0x36b: {  	v13 =	vadd.f32 v13, v1;
	v5 =	vmul.f32 v5, v2;
	(erf) = vpow2.f32 v4;
	v4 =	vpop (erf)  }
0x36c: {  	v9 =	vadd.f32 $1.000000000e+00, v9;
	(erf) = vpow2.f32 v6;
	v6 =	vpop (erf)  }
0x36d: {  	v13 =	vmul.f32 $1.442695020e+00, v13;
	v5 =	vadd.f32 v5, v1;
	(erf) = vrcp.f32 v15;
	v15 =	vpop (erf)  }
0x36e: {  	v8 =	vadd.f32 $1.000000000e+00, v8;
	(erf) = vrcp.f32 v9;
	v15 =	vadd.f32 $1.000000000e+00, v15  }
0x36f: {  	v5 =	vmul.f32 $1.442695020e+00, v5;
	(erf) = vpow2.f32 v13  }
0x370: {  	(erf) = vrcp.f32 v15  }
0x371: {  	v9 =	vpop (erf);
	(erf) = vrcp.f32 v8  }
0x372: {  	v8 =	vpop (erf);
	(erf) = vpow2.f32 v5  }
0x373: {  	v15 =	vmul.f32 v16, v0;
	v5 =	vpop (erf)  }
0x374: {  	v13 =	vpop (erf)  }
0x375: {  	[tilespmem:s30+$0xFFFFFFE0] =	vst v3;
	v16 =	vpop (erf)  }
0x376: {  	[tilespmem:s19+$0x0] =	vst v12;
	v10 =	vmul.f32 v10, v0;
	v12 =	vpop (erf)  }
0x377: {  	v3 =	vmul.f32 v17, v0;
	[tilespmem:s30+$0xFFFFFFF0] =	vst v15;
	v8 =	vadd.f32 $1.000000000e+00, v8;
	v15 =	vpop (erf)  }
0x378: {  	[tilespmem:s30+$0x10] =	vst v10;
	v10 =	vmul.f32 v11, v0;
	v11 =	vadd.f32 $1.000000000e+00, v13;
	v13 =	vpop (erf)  }
0x379: {  	(erf) = vrcp.f32 v8;
	v8 =	vadd.f32 $1.000000000e+00, v13;
	v13 =	vpop (erf)  }
0x37a: {  	[tilespmem:s30+$0x0] =	vst v10;
	v10 =	vmul.f32 v14, v0;
	v14 =	vpop (erf)  }
0x37b: {  	[tilespmem:s21+$0xFFFFFFF0] =	vst v3;
	(erf) = vrcp.f32 v11;
	v11 =	vadd.f32 $1.000000000e+00, v16;
	v3 =	vpop (erf)  }
0x37c: {  	(erf) = vrcp.f32 v8;
	v3 =	vadd.f32 $1.000000000e+00, v3  }
0x37d: {  	v7 =	vmul.f32 v7, v0;
	(erf) = vrcp.f32 v11  }
0x37e: {  	(erf) = vrcp.f32 v3;
	v3 =	vmul.f32 v4, v0  }
0x37f: {  	s5 =	sadd.s32 $0x40, s12;
	[tilespmem:s21+$0xFFFFFFE0] =	vst v7;
	v5 =	vmul.f32 v5, v0;
	v4 =	vmul.f32 v15, v0  }
0x380: {  	v6 =	vmul.f32 v6, v0;
	[tilespmem:s5+$0xFFFFFFE0] =	vst v3;
	v3 =	vmul.f32 v13, v0  }
0x381: {  	[tilespmem:s5+$0x0] =	vst v4;
	v4 =	vmul.f32 v14, v0  }
0x382: {  	[tilespmem:s21+$0x0] =	vst v6  }
0x383: {  	s9 =	sadd.s32 $0x40, s5;
	[tilespmem:s5+$0x10] =	vst v5;
	v5 =	vpop (erf)  }
0x384: {  	v6 =	vmul.f32 v12, v0;
	[tilespmem:s9+$0xFFFFFFF0] =	vst v3;
	v3 =	vpop (erf)  }
0x385: {  	v7 =	vmul.f32 v9, v0;
	[tilespmem:s9+$0x10] =	vst v4;
	v4 =	vpop (erf)  }
0x386: {  	[tilespmem:s21+$0x10] =	vst v10;
	v4 =	vmul.f32 v4, v0  }
0x387: {  	[tilespmem:s5+$0xFFFFFFF0] =	vst v7;
	v3 =	vmul.f32 v3, v0  }
0x388: {  	[tilespmem:s9+$0xFFFFFFE0] =	vst v6;
	v6 =	vpop (erf)  }
0x389: {  	s12 =	sadd.s32 $0x40, s9;
	[tilespmem:s9+$0x0] =	vst v3;
	v3 =	vmul.f32 v6, v0  }
0x38a: {  	v5 =	vmul.f32 v5, v0;
	[tilespmem:s12+$0xFFFFFFF0] =	vst v4;
	v4 =	vpop (erf)  }
0x38b: {  	[tilespmem:s12+$0x10] =	vst v3;
	v3 =	vmul.f32 v4, v0  }
0x38c: {  	[tilespmem:s12+$0xFFFFFFE0] =	vst v5  }
0x38d: {  	[tilespmem:s12+$0x0] =	vst v3  }
0x38e: {  	s5 =	rddreg [dreg:$0x1c]  }
0x38f: {  	s17 =	sld [smem:$0x7D4]  }
0x390: {  	[hbm4b:s5+s1] =	stream.linear.scatter [tilespmem:s15], [sflag:$0x8], $0x1900, $0x38;
	[tilespmem:$0x1EEA8] =	vst v63  }
0x391: {  	s19 =	sld [smem:$0x7D5]  }
0x392: {  	[tilespmem:s18], [sflag:$0x4] =	stream.linear.gather [hbm4b:s17+s1], $0x1900, $0x38;
	[tilespmem:$0x1EEA8] =	vst v63  }
0x393: {  	s21 =	simm.s32 $0x13FA8  }
0x394: {  	[tilespmem:s21], [sflag:$0x4] =	stream.linear.gather [hbm4b:s19+s1], $0x1900, $0x38;
	[tilespmem:$0x1EEA8] =	vst v63  }
0x395: {  	_ =	swait.ge [sflag:s31], $0x1900  }
0x396: {  	[sflag:s31] =	ssyncset.done $0x0  }
0x397: {  	[sflag:s31] =	ssyncadd.s32 $0xFFFFE700  }
0x398: {  	_ =	swait.ge [sflag:s31], $0x1900  }
0x399: {  	[sflag:s31] =	ssyncset.done $0x0  }
0x39a: {  	[sflag:s31] =	ssyncadd.s32 $0xFFFFE700  }
0x39b: {  	[tilespmem:s13], [sflag:$0x6] =	stream.indirect.gather [spmem:s29], $0x1, s16, s0, $0xb8;
	[tilespmem:$0x1EEA8] =	vst v63  }
0x39c: {  	_ = 	snop  }
0x39d: {  	[tilespmem:s3], [sflag:$0x7] =	stream.indirect.gather [spmem:s29], $0x1, s2, s0, $0xb8;
	[tilespmem:$0x1EEA8] =	vst v63  }
0x39e: {  	_ =	swait.ge [sflag:s24], $0xC80  }
0x39f: {  	[sflag:s24] =	ssyncset.done $0x0  }
0x3a0: {  	[sflag:s24] =	ssyncadd.s32 $0xFFFFF380  }
0x3a1: {  	_ =	swait.ge [sflag:s10], $0xC80  }
0x3a2: {  	[sflag:s10] =	ssyncset.done $0x0  }
0x3a3: {  	[sflag:s10] =	ssyncadd.s32 $0xFFFFF380  }
0x3a4: {  	_ =	swait.ge [sflag:s28], $0x1900  }
0x3a5: {  	[sflag:s28] =	ssyncset.done $0x0  }
0x3a6: {  	s12 =	simm.s32 $0x1BCC8;
	[sflag:s28] =	ssyncadd.s32 $0xFFFFE700  }
0x3a7: {  	v3 =	vld [tilespmem:s12+$0xFFFFFFE0]  }
0x3a8: {  	v4 =	vld [tilespmem:s12+$0x10]  }
0x3a9: {  	v5 =	vld [tilespmem:s12+$0xFFFFFFF0]  }
0x3aa: {  	s17 =	simm.s32 $0x171C8;
	v6 =	vld [tilespmem:s12+$0x0]  }
0x3ab: {  	v7 =	vld [tilespmem:s17+$0xFFFFFFE0]  }
0x3ac: {  	v8 =	vld [tilespmem:s17+$0xFFFFFFF0]  }
0x3ad: {  	v9 =	vld [tilespmem:s17+$0x0]  }
0x3ae: {  	s19 =	simm.s32 $0x1BD08;
	v10 =	vld [tilespmem:s17+$0x10]  }
0x3af: {  	v11 =	vld [tilespmem:s19+$0xFFFFFFE0]  }
0x3b0: {  	v12 =	vld [tilespmem:s19+$0xFFFFFFF0]  }
0x3b1: {  	s21 =	simm.s32 $0x17208;
	v13 =	vld [tilespmem:s19+$0x0]  }
0x3b2: {  	s5 =	simm.s32 $0x17248;
	v14 =	vld [tilespmem:s21+$0xFFFFFFE0];
	v3 =	vsub.f32 v7, v3  }
0x3b3: {  	s17 =	simm.s32 $0x1BD48;
	v16 =	vld [tilespmem:s5+$0xFFFFFFE0]  }
0x3b4: {  	v15 =	vld [tilespmem:s17+$0xFFFFFFE0];
	v4 =	vsub.f32 v10, v4;
	v3 =	vmul.f32 v3, v2  }
0x3b5: {  	v7 =	vld [tilespmem:s19+$0x10];
	v5 =	vsub.f32 v8, v5  }
0x3b6: {  	v6 =	vsub.f32 v9, v6;
	v9 =	vld [tilespmem:s21+$0x0];
	v4 =	vmul.f32 v4, v2;
	v3 =	vadd.f32 v3, v1  }
0x3b7: {  	v10 =	vld [tilespmem:s21+$0x10];
	v11 =	vsub.f32 v14, v11;
	v5 =	vmul.f32 v5, v2  }
0x3b8: {  	v17 =	vld [tilespmem:s17+$0x10];
	v4 =	vadd.f32 v4, v1;
	v3 =	vmul.f32 $1.442695020e+00, v3  }
0x3b9: {  	v8 =	vld [tilespmem:s21+$0xFFFFFFF0];
	v11 =	vmul.f32 v11, v2;
	v5 =	vadd.f32 v5, v1  }
0x3ba: {  	v14 =	vld [tilespmem:s17+$0xFFFFFFF0];
	v4 =	vmul.f32 $1.442695020e+00, v4;
	(erf) = vpow2.f32 v3  }
0x3bb: {  	v6 =	vmul.f32 v6, v2;
	v9 =	vsub.f32 v9, v13;
	v5 =	vmul.f32 $1.442695020e+00, v5;
	v3 =	vld [tilespmem:s5+$0xFFFFFFF0]  }
0x3bc: {  	v13 =	vld [tilespmem:s5+$0x0];
	(erf) = vpow2.f32 v4;
	v4 =	vsub.f32 v10, v7;
	v7 =	vadd.f32 v11, v1  }
0x3bd: {  	s21 =	simm.s32 $0x17288;
	v6 =	vadd.f32 v6, v1;
	v10 =	vsub.f32 v16, v15;
	v11 =	vld [tilespmem:s5+$0x10];
	(erf) = vpow2.f32 v5  }
0x3be: {  	s12 =	simm.s32 $0x1BD88;
	v15 =	vld [tilespmem:s21+$0xFFFFFFF0];
	v4 =	vmul.f32 v4, v2;
	v7 =	vmul.f32 $1.442695020e+00, v7  }
0x3bf: {  	v6 =	vmul.f32 $1.442695020e+00, v6;
	v5 =	vsub.f32 v8, v12;
	v8 =	vld [tilespmem:s12+$0xFFFFFFE0];
	v10 =	vmul.f32 v10, v2  }
0x3c0: {  	v3 =	vsub.f32 v3, v14;
	v4 =	vadd.f32 v4, v1;
	v14 =	vld [tilespmem:s21+$0xFFFFFFE0];
	(erf) = vpow2.f32 v7  }
0x3c1: {  	v5 =	vmul.f32 v5, v2;
	v10 =	vadd.f32 v10, v1;
	(erf) = vpow2.f32 v6;
	v6 =	vld [tilespmem:s17+$0x0]  }
0x3c2: {  	v9 =	vmul.f32 v9, v2;
	v12 =	vld [tilespmem:s12+$0xFFFFFFF0];
	v4 =	vmul.f32 $1.442695020e+00, v4  }
0x3c3: {  	v5 =	vadd.f32 v5, v1;
	v3 =	vmul.f32 v3, v2;
	v10 =	vmul.f32 $1.442695020e+00, v10;
	v7 =	vpop (erf)  }
0x3c4: {  	(erf) = vpow2.f32 v4;
	v4 =	vsub.f32 v11, v17;
	v7 =	vadd.f32 $1.000000000e+00, v7  }
0x3c5: {  	v5 =	vmul.f32 $1.442695020e+00, v5;
	v3 =	vadd.f32 v3, v1;
	v16 =	vpop (erf);
	v8 =	vsub.f32 v14, v8  }
0x3c6: {  	v11 =	vld [tilespmem:s12+$0x10];
	v14 =	vpop (erf);
	v4 =	vmul.f32 v4, v2;
	v6 =	vsub.f32 v13, v6;
	(erf) = vrcp.f32 v7  }
0x3c7: {  	s9 =	simm.s32 $0x1BDC8;
	v7 =	vsub.f32 v15, v12;
	v12 =	vld [tilespmem:s21+$0x10];
	v14 =	vadd.f32 $1.000000000e+00, v14;
	(erf) = vpow2.f32 v5  }
0x3c8: {  	v3 =	vmul.f32 $1.442695020e+00, v3;
	v15 =	vadd.f32 $1.000000000e+00, v16;
	v16 =	vld [tilespmem:s9+$0xFFFFFFF0];
	v5 =	vadd.f32 v9, v1  }
0x3c9: {  	s19 =	simm.s32 $0x172C8;
	v8 =	vmul.f32 v8, v2;
	v9 =	vld [tilespmem:s9+$0xFFFFFFE0];
	v4 =	vadd.f32 v4, v1;
	v6 =	vmul.f32 v6, v2  }
0x3ca: {  	(erf) = vrcp.f32 v14;
	v14 =	vld [tilespmem:s19+$0xFFFFFFF0];
	v5 =	vmul.f32 $1.442695020e+00, v5  }
0x3cb: {  	v4 =	vmul.f32 $1.442695020e+00, v4;
	(erf) = vpow2.f32 v10;
	v10 =	vld [tilespmem:s19+$0xFFFFFFE0]  }
0x3cc: {  	v7 =	vmul.f32 v7, v2;
	v13 =	vpop (erf);
	v8 =	vadd.f32 v8, v1;
	(erf) = vrcp.f32 v15  }
0x3cd: {  	v18 =	vld [tilespmem:s21+$0x0];
	v17 =	vpop (erf);
	v13 =	vadd.f32 $1.000000000e+00, v13;
	v6 =	vadd.f32 v6, v1;
	(erf) = vpow2.f32 v5  }
0x3ce: {  	v8 =	vmul.f32 $1.442695020e+00, v8;
	v15 =	vadd.f32 $1.000000000e+00, v17;
	v5 =	vld [tilespmem:s12+$0x0];
	v11 =	vsub.f32 v12, v11;
	v17 =	vpop (erf)  }
0x3cf: {  	v19 =	vld [tilespmem:s19+$0x10];
	v23 =	vmul.f32 $1.442695020e+00, v6;
	(erf) = vpow2.f32 v4;
	v14 =	vsub.f32 v14, v16;
	v4 =	vpop (erf)  }
0x3d0: {  	v12 =	vld [tilespmem:s9+$0x10];
	(erf) = vrcp.f32 v13;
	v11 =	vmul.f32 v11, v2;
	v9 =	vsub.f32 v10, v9;
	v10 =	vpop (erf)  }
0x3d1: {  	s17 =	simm.s32 $0x1BE08;
	(erf) = vrcp.f32 v15;
	v14 =	vmul.f32 v14, v2;
	v10 =	vadd.f32 $1.000000000e+00, v10  }
0x3d2: {  	v20 =	vld [tilespmem:s17+$0xFFFFFFE0];
	v21 =	vmul.f32 v4, v0;
	(erf) = vpow2.f32 v3  }
0x3d3: {  	v22 =	vld [tilespmem:s17+$0xFFFFFFF0];
	s21 =	simm.s32 $0x17308;
	v3 =	vadd.f32 $1.000000000e+00, v17;
	v5 =	vsub.f32 v18, v5;
	v13 =	vpop (erf);
	(erf) = vrcp.f32 v10  }
0x3d4: {  	v25 =	vld [tilespmem:s21+$0xFFFFFFF0];
	v11 =	vadd.f32 v11, v1;
	v9 =	vmul.f32 v9, v2;
	v17 =	vpop (erf);
	(erf) = vpow2.f32 v8  }
0x3d5: {  	v18 =	vld [tilespmem:s21+$0xFFFFFFE0];
	v19 =	vsub.f32 v19, v12;
	v24 =	vpop (erf);
	(erf) = vrcp.f32 v3;
	v3 =	vmul.f32 v5, v2  }
0x3d6: {  	v11 =	vmul.f32 $1.442695020e+00, v11;
	v9 =	vadd.f32 v9, v1;
	v8 =	vadd.f32 v7, v1;
	v6 =	vpop (erf);
	v7 =	vld [tilespmem:s19+$0x0]  }
0x3d7: {  	v13 =	vmul.f32 v13, v0;
	v26 =	vadd.f32 $1.000000000e+00, v17;
	v16 =	vadd.f32 $1.000000000e+00, v6;
	v6 =	vld [tilespmem:s17+$0x10]  }
0x3d8: {  	v10 =	vmul.f32 $1.442695020e+00, v9;
	v9 =	vadd.f32 v14, v1;
	s19 =	simm.s32 $0x1D5C8;
	v15 =	vpop (erf);
	v5 =	vld [tilespmem:s17+$0x0];
	(erf) = vpow2.f32 v23  }
0x3d9: {  	v4 =	vld [tilespmem:s9+$0x0];
	[tilespmem:s19+$0xFFFFFFF0] =	vst v13;
	v23 =	vmul.f32 v24, v0;
	v14 =	vadd.f32 v3, v1;
	(erf) = vpow2.f32 v11;
	v3 =	vpop (erf)  }
0x3da: {  	s30 =	simm.s32 $0x1D608;
	s5 =	simm.s32 $0x140;
	s12 =	simm.s32 $0x1D648;
	v13 =	vsub.f32 v25, v22;
	[tilespmem:s19+$0xFFFFFFE0] =	vst v21;
	v17 =	vmul.f32 $1.442695020e+00, v8;
	v8 =	vld [tilespmem:s21+$0x0];
	v3 =	vmul.f32 v3, v0;
	v12 =	vpop (erf)  }
0x3db: {  	s9 =	simm.s32 $0x1BE48;
	v18 =	vsub.f32 v18, v20;
	s17 =	simm.s32 $0x17348;
	v11 =	vld [tilespmem:s21+$0x10];
	s21 =	simm.s32 $0x1D648;
	[tilespmem:s19+$0x10] =	vst v23;
	(erf) = vrcp.f32 v26;
	v20 =	vpop (erf);
	v12 =	vmul.f32 v12, v0  }
.LBB2_12:
0x3dc: {  	v21 =	vld [tilespmem:s9+$0xFFFFFFE0];
	s5 =	sadd.s32 $0x40, s5;
	v19 =	vmul.f32 v19, v2;
	v20 =	vadd.f32 $1.000000000e+00, v20;
	s12 =	sadd.s32 $0x40, s12;
	v22 =	vpop (erf);
	(erf) = vrcp.f32 v16  }
0x3dd: {  	v15 =	vadd.f32 $1.000000000e+00, v15;
	p0 =	slt.u32 s5, $0x18C0;
	v16 =	vmul.f32 v18, v2;
	(erf) = vpow2.f32 v17;
	[tilespmem:s19+$0x0] =	vst v12;
	v12 =	vmovc v6;
	v6 =	vld [tilespmem:s9+$0x10];
	v17 =	vmovc v5;
	s19 =	smov.u32 s30;
	s30 =	smov.u32 s21  }
0x3de: {  	v13 =	vmul.f32 v13, v2;
	s21 =	smov.u32 s12;
	v18 =	vld [tilespmem:s9+$0xFFFFFFF0];
	v19 =	vadd.f32 v19, v1;
	v23 =	vpop (erf);
	(erf) = vrcp.f32 v20  }
0x3df: {  	v14 =	vmul.f32 $1.442695020e+00, v14;
	v20 =	vmul.f32 v22, v0;
	v5 =	vld [tilespmem:s9+$0x0];
	v27 =	vadd.f32 v16, v1;
	v22 =	vpop (erf)  }
0x3e0: {  	v25 =	vsub.f32 v7, v4;
	v7 =	vmovc v8;
	v4 =	vmovc v17;
	v24 =	vld [tilespmem:s17+$0xFFFFFFF0];
	v19 =	vmul.f32 $1.442695020e+00, v19;
	(erf) = vpow2.f32 v10  }
0x3e1: {  	v17 =	vmov v9;
	v26 =	vld [tilespmem:s17+$0xFFFFFFE0];
	v10 =	vmul.f32 $1.442695020e+00, v27;
	v16 =	vpop (erf);
	(erf) = vrcp.f32 v15;
	[tilespmem:s19+$0xFFFFFFF0] =	vst v20  }
.Ltmp5:
0x3e2: {  	v9 =	vadd.f32 v13, v1;
	v13 =	vmul.f32 v25, v2;
	v8 =	vld [tilespmem:s17+$0x0];
	v15 =	vpop (erf);
	v16 =	vadd.f32 $1.000000000e+00, v16;
	(pc) =	sbr.rel @p0 .LBB2_12-.Ltmp5, $4  }
0x3e3: {  	v25 =	vadd.f32 $1.000000000e+00, v23;
	v22 =	vmul.f32 v22, v0;
	v23 =	vmovc v3;
	(erf) = vpow2.f32 v14  }
0x3e4: {  	v17 =	vmul.f32 $1.442695020e+00, v17;
	v14 =	vadd.f32 v13, v1;
	(erf) = vpow2.f32 v19;
	v3 =	vpop (erf)  }
0x3e5: {  	v19 =	vsub.f32 v11, v12;
	v13 =	vsub.f32 v24, v18;
	v3 =	vmul.f32 v3, v0;
	[tilespmem:s19+$0x10] =	vst v22;
	v12 =	vpop (erf)  }
0x3e6: {  	s9 =	sadd.s32 $0x40, s9;
	v18 =	vsub.f32 v26, v21;
	v11 =	vld [tilespmem:s17+$0x10];
	s17 =	sadd.s32 $0x40, s17;
	(erf) = vrcp.f32 v25;
	v20 =	vpop (erf);
	[tilespmem:s19+$0xFFFFFFE0] =	vst v23;
	v12 =	vmul.f32 v12, v0  }
0x3e7: {  	v19 =	vmul.f32 v19, v2  }
0x3e8: {  	(erf) = vrcp.f32 v16  }
0x3e9: {  	v20 =	vadd.f32 $1.000000000e+00, v20;
	v15 =	vadd.f32 $1.000000000e+00, v15;
	(erf) = vpow2.f32 v17  }
0x3ea: {  	v16 =	vpop (erf)  }
0x3eb: {  	v17 =	vadd.f32 v19, v1;
	(erf) = vrcp.f32 v20;
	v19 =	vpop (erf)  }
0x3ec: {  	v14 =	vmul.f32 $1.442695020e+00, v14;
	(erf) = vpow2.f32 v10;
	v10 =	vpop (erf)  }
0x3ed: {  	v17 =	vmul.f32 $1.442695020e+00, v17;
	(erf) = vrcp.f32 v15;
	v15 =	vpop (erf)  }
0x3ee: {  	v19 =	vadd.f32 $1.000000000e+00, v19;
	(erf) = vpow2.f32 v14;
	v14 =	vadd.f32 $1.000000000e+00, v15  }
0x3ef: {  	v9 =	vmul.f32 $1.442695020e+00, v9;
	(erf) = vpow2.f32 v17;
	v15 =	vpop (erf)  }
0x3f0: {  	v4 =	vsub.f32 v7, v4;
	v17 =	vmul.f32 v18, v2;
	(erf) = vrcp.f32 v19;
	v7 =	vpop (erf)  }
0x3f1: {  	v6 =	vsub.f32 v11, v6;
	(erf) = vrcp.f32 v14;
	v11 =	vpop (erf)  }
0x3f2: {  	v4 =	vmul.f32 v4, v2;
	(erf) = vpow2.f32 v9;
	v9 =	vadd.f32 v17, v1;
	v14 =	vpop (erf)  }
0x3f3: {  	v6 =	vmul.f32 v6, v2;
	v14 =	vadd.f32 $1.000000000e+00, v14  }
0x3f4: {  	v4 =	vadd.f32 v4, v1;
	v9 =	vmul.f32 $1.442695020e+00, v9  }
0x3f5: {  	v13 =	vmul.f32 v13, v2;
	v6 =	vadd.f32 v6, v1;
	v17 =	vpop (erf)  }
0x3f6: {  	v4 =	vmul.f32 $1.442695020e+00, v4;
	v15 =	vadd.f32 $1.000000000e+00, v15;
	v18 =	vpop (erf);
	(erf) = vrcp.f32 v14  }
0x3f7: {  	v6 =	vmul.f32 $1.442695020e+00, v6;
	v14 =	vpop (erf);
	(erf) = vpow2.f32 v9  }
0x3f8: {  	v5 =	vsub.f32 v8, v5;
	v9 =	vpop (erf);
	(erf) = vrcp.f32 v15;
	v15 =	vadd.f32 $1.000000000e+00, v18  }
0x3f9: {  	v8 =	vpop (erf)  }
0x3fa: {  	v13 =	vadd.f32 v13, v1;
	v5 =	vmul.f32 v5, v2;
	(erf) = vpow2.f32 v4;
	v4 =	vpop (erf)  }
0x3fb: {  	v9 =	vadd.f32 $1.000000000e+00, v9;
	(erf) = vpow2.f32 v6;
	v6 =	vpop (erf)  }
0x3fc: {  	v13 =	vmul.f32 $1.442695020e+00, v13;
	v5 =	vadd.f32 v5, v1;
	(erf) = vrcp.f32 v15;
	v15 =	vpop (erf)  }
0x3fd: {  	v8 =	vadd.f32 $1.000000000e+00, v8;
	(erf) = vrcp.f32 v9;
	v15 =	vadd.f32 $1.000000000e+00, v15  }
0x3fe: {  	v5 =	vmul.f32 $1.442695020e+00, v5;
	(erf) = vpow2.f32 v13  }
0x3ff: {  	(erf) = vrcp.f32 v15  }
0x400: {  	v9 =	vpop (erf);
	(erf) = vrcp.f32 v8  }
0x401: {  	v8 =	vpop (erf);
	(erf) = vpow2.f32 v5  }
0x402: {  	v15 =	vmul.f32 v16, v0;
	v5 =	vpop (erf)  }
0x403: {  	v13 =	vpop (erf)  }
0x404: {  	[tilespmem:s30+$0xFFFFFFE0] =	vst v3;
	v16 =	vpop (erf)  }
0x405: {  	[tilespmem:s19+$0x0] =	vst v12;
	v10 =	vmul.f32 v10, v0;
	v12 =	vpop (erf)  }
0x406: {  	v3 =	vmul.f32 v17, v0;
	[tilespmem:s30+$0xFFFFFFF0] =	vst v15;
	v8 =	vadd.f32 $1.000000000e+00, v8;
	v15 =	vpop (erf)  }
0x407: {  	[tilespmem:s30+$0x10] =	vst v10;
	v10 =	vmul.f32 v11, v0;
	v11 =	vadd.f32 $1.000000000e+00, v13;
	v13 =	vpop (erf)  }
0x408: {  	(erf) = vrcp.f32 v8;
	v8 =	vadd.f32 $1.000000000e+00, v13;
	v13 =	vpop (erf)  }
0x409: {  	[tilespmem:s30+$0x0] =	vst v10;
	v10 =	vmul.f32 v14, v0;
	v14 =	vpop (erf)  }
0x40a: {  	[tilespmem:s21+$0xFFFFFFF0] =	vst v3;
	(erf) = vrcp.f32 v11;
	v11 =	vadd.f32 $1.000000000e+00, v16;
	v3 =	vpop (erf)  }
0x40b: {  	(erf) = vrcp.f32 v8;
	v3 =	vadd.f32 $1.000000000e+00, v3  }
0x40c: {  	v7 =	vmul.f32 v7, v0;
	(erf) = vrcp.f32 v11  }
0x40d: {  	(erf) = vrcp.f32 v3;
	v3 =	vmul.f32 v4, v0  }
0x40e: {  	s5 =	sadd.s32 $0x40, s12;
	[tilespmem:s21+$0xFFFFFFE0] =	vst v7;
	v5 =	vmul.f32 v5, v0;
	v4 =	vmul.f32 v15, v0  }
0x40f: {  	v6 =	vmul.f32 v6, v0;
	[tilespmem:s5+$0xFFFFFFE0] =	vst v3;
	v3 =	vmul.f32 v13, v0  }
0x410: {  	[tilespmem:s5+$0x0] =	vst v4;
	v4 =	vmul.f32 v14, v0  }
0x411: {  	[tilespmem:s21+$0x0] =	vst v6  }
0x412: {  	s9 =	sadd.s32 $0x40, s5;
	[tilespmem:s5+$0x10] =	vst v5;
	v5 =	vpop (erf)  }
0x413: {  	v6 =	vmul.f32 v12, v0;
	[tilespmem:s9+$0xFFFFFFF0] =	vst v3;
	v3 =	vpop (erf)  }
0x414: {  	v7 =	vmul.f32 v9, v0;
	[tilespmem:s9+$0x10] =	vst v4;
	v4 =	vpop (erf)  }
0x415: {  	[tilespmem:s21+$0x10] =	vst v10;
	v4 =	vmul.f32 v4, v0  }
0x416: {  	[tilespmem:s5+$0xFFFFFFF0] =	vst v7;
	v3 =	vmul.f32 v3, v0  }
0x417: {  	[tilespmem:s9+$0xFFFFFFE0] =	vst v6;
	v6 =	vpop (erf)  }
0x418: {  	s12 =	sadd.s32 $0x40, s9;
	[tilespmem:s9+$0x0] =	vst v3;
	v3 =	vmul.f32 v6, v0  }
0x419: {  	v5 =	vmul.f32 v5, v0;
	[tilespmem:s12+$0xFFFFFFF0] =	vst v4;
	v4 =	vpop (erf)  }
0x41a: {  	[tilespmem:s12+$0x10] =	vst v3;
	v3 =	vmul.f32 v4, v0  }
0x41b: {  	[tilespmem:s12+$0xFFFFFFE0] =	vst v5  }
0x41c: {  	[tilespmem:s12+$0x0] =	vst v3  }
0x41d: {  	s5 =	rddreg [dreg:$0x1f]  }
0x41e: {  	s17 =	sld [smem:$0x7D7]  }
0x41f: {  	[hbm4b:s5+s1] =	stream.linear.scatter [tilespmem:s23], [sflag:$0xB], $0x1900, $0x38;
	[tilespmem:$0x1EEA8] =	vst v63  }
0x420: {  	s19 =	sld [smem:$0x7D8]  }
0x421: {  	[tilespmem:s20], [sflag:$0x5] =	stream.linear.gather [hbm4b:s17+s1], $0x1900, $0x38;
	[tilespmem:$0x1EEA8] =	vst v63  }
0x422: {  	s21 =	simm.s32 $0x171A8  }
0x423: {  	[tilespmem:s21], [sflag:$0x5] =	stream.linear.gather [hbm4b:s19+s1], $0x1900, $0x38;
	[tilespmem:$0x1EEA8] =	vst v63  }
0x424: {  	_ =	swait.ge [sflag:s4], $0x1900  }
0x425: {  	[sflag:s4] =	ssyncset.done $0x0  }
0x426: {  	[sflag:s4] =	ssyncadd.s32 $0xFFFFE700  }
0x427: {  	_ =	swait.ge [sflag:s4], $0x1900  }
0x428: {  	[sflag:s4] =	ssyncset.done $0x0  }
0x429: {  	[sflag:s4] =	ssyncadd.s32 $0xFFFFE700  }
0x42a: {  	[tilespmem:s14], [sflag:$0x9] =	stream.indirect.gather [spmem:s29], $0x1, s18, s0, $0xb8;
	[tilespmem:$0x1EEA8] =	vst v63  }
0x42b: {  	s9 =	simm.s32 $0x13328  }
0x42c: {  	[tilespmem:s6], [sflag:$0xA] =	stream.indirect.gather [spmem:s29], $0x1, s9, s0, $0xb8;
	[tilespmem:$0x1EEA8] =	vst v63  }
0x42d: {  	_ =	swait.ge [sflag:s22], $0xC80  }
0x42e: {  	[sflag:s22] =	ssyncset.done $0x0  }
0x42f: {  	[sflag:s22] =	ssyncadd.s32 $0xFFFFF380  }
0x430: {  	_ =	swait.ge [sflag:s7], $0xC80  }
0x431: {  	[sflag:s7] =	ssyncset.done $0x0  }
0x432: {  	[sflag:s7] =	ssyncadd.s32 $0xFFFFF380  }
0x433: {  	_ =	swait.ge [sflag:s26], $0x1900  }
0x434: {  	[sflag:s26] =	ssyncset.done $0x0  }
0x435: {  	s12 =	simm.s32 $0x18AC8;
	[sflag:s26] =	ssyncadd.s32 $0xFFFFE700  }
0x436: {  	v3 =	vld [tilespmem:s12+$0xFFFFFFE0]  }
0x437: {  	v4 =	vld [tilespmem:s12+$0x10]  }
0x438: {  	v5 =	vld [tilespmem:s12+$0xFFFFFFF0]  }
0x439: {  	s17 =	simm.s32 $0x10DC8;
	v6 =	vld [tilespmem:s12+$0x0]  }
0x43a: {  	v7 =	vld [tilespmem:s17+$0xFFFFFFE0]  }
0x43b: {  	v8 =	vld [tilespmem:s17+$0xFFFFFFF0]  }
0x43c: {  	v9 =	vld [tilespmem:s17+$0x0]  }
0x43d: {  	s19 =	simm.s32 $0x18B08;
	v10 =	vld [tilespmem:s17+$0x10]  }
0x43e: {  	v11 =	vld [tilespmem:s19+$0xFFFFFFE0]  }
0x43f: {  	v12 =	vld [tilespmem:s19+$0xFFFFFFF0]  }
0x440: {  	s21 =	simm.s32 $0x10E08;
	v13 =	vld [tilespmem:s19+$0x0]  }
0x441: {  	s5 =	simm.s32 $0x10E48;
	v14 =	vld [tilespmem:s21+$0xFFFFFFE0];
	v3 =	vsub.f32 v7, v3  }
0x442: {  	s17 =	simm.s32 $0x18B48;
	v16 =	vld [tilespmem:s5+$0xFFFFFFE0]  }
0x443: {  	v15 =	vld [tilespmem:s17+$0xFFFFFFE0];
	v4 =	vsub.f32 v10, v4;
	v3 =	vmul.f32 v3, v2  }
0x444: {  	v7 =	vld [tilespmem:s19+$0x10];
	v5 =	vsub.f32 v8, v5  }
0x445: {  	v6 =	vsub.f32 v9, v6;
	v9 =	vld [tilespmem:s21+$0x0];
	v4 =	vmul.f32 v4, v2;
	v3 =	vadd.f32 v3, v1  }
0x446: {  	v10 =	vld [tilespmem:s21+$0x10];
	v11 =	vsub.f32 v14, v11;
	v5 =	vmul.f32 v5, v2  }
0x447: {  	v17 =	vld [tilespmem:s17+$0x10];
	v4 =	vadd.f32 v4, v1;
	v3 =	vmul.f32 $1.442695020e+00, v3  }
0x448: {  	v8 =	vld [tilespmem:s21+$0xFFFFFFF0];
	v11 =	vmul.f32 v11, v2;
	v5 =	vadd.f32 v5, v1  }
0x449: {  	v14 =	vld [tilespmem:s17+$0xFFFFFFF0];
	v4 =	vmul.f32 $1.442695020e+00, v4;
	(erf) = vpow2.f32 v3  }
0x44a: {  	v6 =	vmul.f32 v6, v2;
	v9 =	vsub.f32 v9, v13;
	v5 =	vmul.f32 $1.442695020e+00, v5;
	v3 =	vld [tilespmem:s5+$0xFFFFFFF0]  }
0x44b: {  	v13 =	vld [tilespmem:s5+$0x0];
	(erf) = vpow2.f32 v4;
	v4 =	vsub.f32 v10, v7;
	v7 =	vadd.f32 v11, v1  }
0x44c: {  	s21 =	simm.s32 $0x10E88;
	v6 =	vadd.f32 v6, v1;
	v10 =	vsub.f32 v16, v15;
	v11 =	vld [tilespmem:s5+$0x10];
	(erf) = vpow2.f32 v5  }
0x44d: {  	s12 =	simm.s32 $0x18B88;
	v15 =	vld [tilespmem:s21+$0xFFFFFFF0];
	v4 =	vmul.f32 v4, v2;
	v7 =	vmul.f32 $1.442695020e+00, v7  }
0x44e: {  	v6 =	vmul.f32 $1.442695020e+00, v6;
	v5 =	vsub.f32 v8, v12;
	v8 =	vld [tilespmem:s12+$0xFFFFFFE0];
	v10 =	vmul.f32 v10, v2  }
0x44f: {  	v3 =	vsub.f32 v3, v14;
	v4 =	vadd.f32 v4, v1;
	v14 =	vld [tilespmem:s21+$0xFFFFFFE0];
	(erf) = vpow2.f32 v7  }
0x450: {  	v5 =	vmul.f32 v5, v2;
	v10 =	vadd.f32 v10, v1;
	(erf) = vpow2.f32 v6;
	v6 =	vld [tilespmem:s17+$0x0]  }
0x451: {  	v9 =	vmul.f32 v9, v2;
	v12 =	vld [tilespmem:s12+$0xFFFFFFF0];
	v4 =	vmul.f32 $1.442695020e+00, v4  }
0x452: {  	v5 =	vadd.f32 v5, v1;
	v3 =	vmul.f32 v3, v2;
	v10 =	vmul.f32 $1.442695020e+00, v10;
	v7 =	vpop (erf)  }
0x453: {  	(erf) = vpow2.f32 v4;
	v4 =	vsub.f32 v11, v17;
	v7 =	vadd.f32 $1.000000000e+00, v7  }
0x454: {  	v5 =	vmul.f32 $1.442695020e+00, v5;
	v3 =	vadd.f32 v3, v1;
	v16 =	vpop (erf);
	v8 =	vsub.f32 v14, v8  }
0x455: {  	v11 =	vld [tilespmem:s12+$0x10];
	v14 =	vpop (erf);
	v4 =	vmul.f32 v4, v2;
	v6 =	vsub.f32 v13, v6;
	(erf) = vrcp.f32 v7  }
0x456: {  	s9 =	simm.s32 $0x18BC8;
	v7 =	vsub.f32 v15, v12;
	v12 =	vld [tilespmem:s21+$0x10];
	v14 =	vadd.f32 $1.000000000e+00, v14;
	(erf) = vpow2.f32 v5  }
0x457: {  	v3 =	vmul.f32 $1.442695020e+00, v3;
	v15 =	vadd.f32 $1.000000000e+00, v16;
	v16 =	vld [tilespmem:s9+$0xFFFFFFF0];
	v5 =	vadd.f32 v9, v1  }
0x458: {  	s19 =	simm.s32 $0x10EC8;
	v8 =	vmul.f32 v8, v2;
	v9 =	vld [tilespmem:s9+$0xFFFFFFE0];
	v4 =	vadd.f32 v4, v1;
	v6 =	vmul.f32 v6, v2  }
0x459: {  	(erf) = vrcp.f32 v14;
	v14 =	vld [tilespmem:s19+$0xFFFFFFF0];
	v5 =	vmul.f32 $1.442695020e+00, v5  }
0x45a: {  	v4 =	vmul.f32 $1.442695020e+00, v4;
	(erf) = vpow2.f32 v10;
	v10 =	vld [tilespmem:s19+$0xFFFFFFE0]  }
0x45b: {  	v7 =	vmul.f32 v7, v2;
	v13 =	vpop (erf);
	v8 =	vadd.f32 v8, v1;
	(erf) = vrcp.f32 v15  }
0x45c: {  	v18 =	vld [tilespmem:s21+$0x0];
	v17 =	vpop (erf);
	v13 =	vadd.f32 $1.000000000e+00, v13;
	v6 =	vadd.f32 v6, v1;
	(erf) = vpow2.f32 v5  }
0x45d: {  	v8 =	vmul.f32 $1.442695020e+00, v8;
	v15 =	vadd.f32 $1.000000000e+00, v17;
	v5 =	vld [tilespmem:s12+$0x0];
	v11 =	vsub.f32 v12, v11;
	v17 =	vpop (erf)  }
0x45e: {  	v19 =	vld [tilespmem:s19+$0x10];
	v23 =	vmul.f32 $1.442695020e+00, v6;
	(erf) = vpow2.f32 v4;
	v14 =	vsub.f32 v14, v16;
	v4 =	vpop (erf)  }
0x45f: {  	v12 =	vld [tilespmem:s9+$0x10];
	(erf) = vrcp.f32 v13;
	v11 =	vmul.f32 v11, v2;
	v9 =	vsub.f32 v10, v9;
	v10 =	vpop (erf)  }
0x460: {  	s17 =	simm.s32 $0x18C08;
	(erf) = vrcp.f32 v15;
	v14 =	vmul.f32 v14, v2;
	v10 =	vadd.f32 $1.000000000e+00, v10  }
0x461: {  	v20 =	vld [tilespmem:s17+$0xFFFFFFE0];
	v21 =	vmul.f32 v4, v0;
	(erf) = vpow2.f32 v3  }
0x462: {  	v22 =	vld [tilespmem:s17+$0xFFFFFFF0];
	s21 =	simm.s32 $0x10F08;
	v3 =	vadd.f32 $1.000000000e+00, v17;
	v5 =	vsub.f32 v18, v5;
	v13 =	vpop (erf);
	(erf) = vrcp.f32 v10  }
0x463: {  	v25 =	vld [tilespmem:s21+$0xFFFFFFF0];
	v11 =	vadd.f32 v11, v1;
	v9 =	vmul.f32 v9, v2;
	v17 =	vpop (erf);
	(erf) = vpow2.f32 v8  }
0x464: {  	v18 =	vld [tilespmem:s21+$0xFFFFFFE0];
	v19 =	vsub.f32 v19, v12;
	v24 =	vpop (erf);
	(erf) = vrcp.f32 v3;
	v3 =	vmul.f32 v5, v2  }
0x465: {  	v11 =	vmul.f32 $1.442695020e+00, v11;
	v9 =	vadd.f32 v9, v1;
	v8 =	vadd.f32 v7, v1;
	v6 =	vpop (erf);
	v7 =	vld [tilespmem:s19+$0x0]  }
0x466: {  	v13 =	vmul.f32 v13, v0;
	v26 =	vadd.f32 $1.000000000e+00, v17;
	v16 =	vadd.f32 $1.000000000e+00, v6;
	v6 =	vld [tilespmem:s17+$0x10]  }
0x467: {  	v10 =	vmul.f32 $1.442695020e+00, v9;
	v9 =	vadd.f32 v14, v1;
	s19 =	simm.s32 $0x1A3C8;
	v15 =	vpop (erf);
	v5 =	vld [tilespmem:s17+$0x0];
	(erf) = vpow2.f32 v23  }
0x468: {  	v4 =	vld [tilespmem:s9+$0x0];
	[tilespmem:s19+$0xFFFFFFF0] =	vst v13;
	v23 =	vmul.f32 v24, v0;
	v14 =	vadd.f32 v3, v1;
	(erf) = vpow2.f32 v11;
	v3 =	vpop (erf)  }
0x469: {  	s30 =	simm.s32 $0x1A408;
	s5 =	simm.s32 $0x140;
	s12 =	simm.s32 $0x1A448;
	v13 =	vsub.f32 v25, v22;
	[tilespmem:s19+$0xFFFFFFE0] =	vst v21;
	v17 =	vmul.f32 $1.442695020e+00, v8;
	v8 =	vld [tilespmem:s21+$0x0];
	v3 =	vmul.f32 v3, v0;
	v12 =	vpop (erf)  }
0x46a: {  	s9 =	simm.s32 $0x18C48;
	v18 =	vsub.f32 v18, v20;
	s17 =	simm.s32 $0x10F48;
	v11 =	vld [tilespmem:s21+$0x10];
	s21 =	simm.s32 $0x1A448;
	[tilespmem:s19+$0x10] =	vst v23;
	(erf) = vrcp.f32 v26;
	v20 =	vpop (erf);
	v12 =	vmul.f32 v12, v0  }
.LBB2_14:
0x46b: {  	v21 =	vld [tilespmem:s9+$0xFFFFFFE0];
	s5 =	sadd.s32 $0x40, s5;
	v19 =	vmul.f32 v19, v2;
	v20 =	vadd.f32 $1.000000000e+00, v20;
	s12 =	sadd.s32 $0x40, s12;
	v22 =	vpop (erf);
	(erf) = vrcp.f32 v16  }
0x46c: {  	v15 =	vadd.f32 $1.000000000e+00, v15;
	p0 =	slt.u32 s5, $0x18C0;
	v16 =	vmul.f32 v18, v2;
	(erf) = vpow2.f32 v17;
	[tilespmem:s19+$0x0] =	vst v12;
	v12 =	vmovc v6;
	v6 =	vld [tilespmem:s9+$0x10];
	v17 =	vmovc v5;
	s19 =	smov.u32 s30;
	s30 =	smov.u32 s21  }
0x46d: {  	v13 =	vmul.f32 v13, v2;
	s21 =	smov.u32 s12;
	v18 =	vld [tilespmem:s9+$0xFFFFFFF0];
	v19 =	vadd.f32 v19, v1;
	v23 =	vpop (erf);
	(erf) = vrcp.f32 v20  }
0x46e: {  	v14 =	vmul.f32 $1.442695020e+00, v14;
	v20 =	vmul.f32 v22, v0;
	v5 =	vld [tilespmem:s9+$0x0];
	v27 =	vadd.f32 v16, v1;
	v22 =	vpop (erf)  }
0x46f: {  	v25 =	vsub.f32 v7, v4;
	v7 =	vmovc v8;
	v4 =	vmovc v17;
	v24 =	vld [tilespmem:s17+$0xFFFFFFF0];
	v19 =	vmul.f32 $1.442695020e+00, v19;
	(erf) = vpow2.f32 v10  }
0x470: {  	v17 =	vmov v9;
	v26 =	vld [tilespmem:s17+$0xFFFFFFE0];
	v10 =	vmul.f32 $1.442695020e+00, v27;
	v16 =	vpop (erf);
	(erf) = vrcp.f32 v15;
	[tilespmem:s19+$0xFFFFFFF0] =	vst v20  }
.Ltmp6:
0x471: {  	v9 =	vadd.f32 v13, v1;
	v13 =	vmul.f32 v25, v2;
	v8 =	vld [tilespmem:s17+$0x0];
	v15 =	vpop (erf);
	v16 =	vadd.f32 $1.000000000e+00, v16;
	(pc) =	sbr.rel @p0 .LBB2_14-.Ltmp6, $4  }
0x472: {  	v25 =	vadd.f32 $1.000000000e+00, v23;
	v22 =	vmul.f32 v22, v0;
	v23 =	vmovc v3;
	(erf) = vpow2.f32 v14  }
0x473: {  	v17 =	vmul.f32 $1.442695020e+00, v17;
	v14 =	vadd.f32 v13, v1;
	(erf) = vpow2.f32 v19;
	v3 =	vpop (erf)  }
0x474: {  	v19 =	vsub.f32 v11, v12;
	v13 =	vsub.f32 v24, v18;
	v3 =	vmul.f32 v3, v0;
	[tilespmem:s19+$0x10] =	vst v22;
	v12 =	vpop (erf)  }
0x475: {  	s9 =	sadd.s32 $0x40, s9;
	v18 =	vsub.f32 v26, v21;
	v11 =	vld [tilespmem:s17+$0x10];
	s17 =	sadd.s32 $0x40, s17;
	(erf) = vrcp.f32 v25;
	v20 =	vpop (erf);
	[tilespmem:s19+$0xFFFFFFE0] =	vst v23;
	v12 =	vmul.f32 v12, v0  }
0x476: {  	v19 =	vmul.f32 v19, v2  }
0x477: {  	(erf) = vrcp.f32 v16  }
0x478: {  	v20 =	vadd.f32 $1.000000000e+00, v20;
	v15 =	vadd.f32 $1.000000000e+00, v15;
	(erf) = vpow2.f32 v17  }
0x479: {  	v16 =	vpop (erf)  }
0x47a: {  	v17 =	vadd.f32 v19, v1;
	(erf) = vrcp.f32 v20;
	v19 =	vpop (erf)  }
0x47b: {  	v14 =	vmul.f32 $1.442695020e+00, v14;
	(erf) = vpow2.f32 v10;
	v10 =	vpop (erf)  }
0x47c: {  	v17 =	vmul.f32 $1.442695020e+00, v17;
	(erf) = vrcp.f32 v15;
	v15 =	vpop (erf)  }
0x47d: {  	v19 =	vadd.f32 $1.000000000e+00, v19;
	(erf) = vpow2.f32 v14;
	v14 =	vadd.f32 $1.000000000e+00, v15  }
0x47e: {  	v9 =	vmul.f32 $1.442695020e+00, v9;
	(erf) = vpow2.f32 v17;
	v15 =	vpop (erf)  }
0x47f: {  	v4 =	vsub.f32 v7, v4;
	v17 =	vmul.f32 v18, v2;
	(erf) = vrcp.f32 v19;
	v7 =	vpop (erf)  }
0x480: {  	v6 =	vsub.f32 v11, v6;
	(erf) = vrcp.f32 v14;
	v11 =	vpop (erf)  }
0x481: {  	v4 =	vmul.f32 v4, v2;
	(erf) = vpow2.f32 v9;
	v9 =	vadd.f32 v17, v1;
	v14 =	vpop (erf)  }
0x482: {  	v6 =	vmul.f32 v6, v2;
	v14 =	vadd.f32 $1.000000000e+00, v14  }
0x483: {  	v4 =	vadd.f32 v4, v1;
	v9 =	vmul.f32 $1.442695020e+00, v9  }
0x484: {  	v13 =	vmul.f32 v13, v2;
	v6 =	vadd.f32 v6, v1;
	v17 =	vpop (erf)  }
0x485: {  	v4 =	vmul.f32 $1.442695020e+00, v4;
	v15 =	vadd.f32 $1.000000000e+00, v15;
	v18 =	vpop (erf);
	(erf) = vrcp.f32 v14  }
0x486: {  	v6 =	vmul.f32 $1.442695020e+00, v6;
	v14 =	vpop (erf);
	(erf) = vpow2.f32 v9  }
0x487: {  	v5 =	vsub.f32 v8, v5;
	v9 =	vpop (erf);
	(erf) = vrcp.f32 v15;
	v15 =	vadd.f32 $1.000000000e+00, v18  }
0x488: {  	v8 =	vpop (erf)  }
0x489: {  	v13 =	vadd.f32 v13, v1;
	v5 =	vmul.f32 v5, v2;
	(erf) = vpow2.f32 v4;
	v4 =	vpop (erf)  }
0x48a: {  	v9 =	vadd.f32 $1.000000000e+00, v9;
	(erf) = vpow2.f32 v6;
	v6 =	vpop (erf)  }
0x48b: {  	v13 =	vmul.f32 $1.442695020e+00, v13;
	v5 =	vadd.f32 v5, v1;
	(erf) = vrcp.f32 v15;
	v15 =	vpop (erf)  }
0x48c: {  	v8 =	vadd.f32 $1.000000000e+00, v8;
	(erf) = vrcp.f32 v9;
	v15 =	vadd.f32 $1.000000000e+00, v15  }
0x48d: {  	v5 =	vmul.f32 $1.442695020e+00, v5;
	(erf) = vpow2.f32 v13  }
0x48e: {  	(erf) = vrcp.f32 v15  }
0x48f: {  	v9 =	vpop (erf);
	(erf) = vrcp.f32 v8  }
0x490: {  	v8 =	vpop (erf);
	(erf) = vpow2.f32 v5  }
0x491: {  	v15 =	vmul.f32 v16, v0;
	v5 =	vpop (erf)  }
0x492: {  	v13 =	vpop (erf)  }
0x493: {  	[tilespmem:s30+$0xFFFFFFE0] =	vst v3;
	v16 =	vpop (erf)  }
0x494: {  	[tilespmem:s19+$0x0] =	vst v12;
	v10 =	vmul.f32 v10, v0;
	v12 =	vpop (erf)  }
0x495: {  	v3 =	vmul.f32 v17, v0;
	[tilespmem:s30+$0xFFFFFFF0] =	vst v15;
	v8 =	vadd.f32 $1.000000000e+00, v8;
	v15 =	vpop (erf)  }
0x496: {  	[tilespmem:s30+$0x10] =	vst v10;
	v10 =	vmul.f32 v11, v0;
	v11 =	vadd.f32 $1.000000000e+00, v13;
	v13 =	vpop (erf)  }
0x497: {  	(erf) = vrcp.f32 v8;
	v8 =	vadd.f32 $1.000000000e+00, v13;
	v13 =	vpop (erf)  }
0x498: {  	[tilespmem:s30+$0x0] =	vst v10;
	v10 =	vmul.f32 v14, v0;
	v14 =	vpop (erf)  }
0x499: {  	[tilespmem:s21+$0xFFFFFFF0] =	vst v3;
	(erf) = vrcp.f32 v11;
	v11 =	vadd.f32 $1.000000000e+00, v16;
	v3 =	vpop (erf)  }
0x49a: {  	(erf) = vrcp.f32 v8;
	v3 =	vadd.f32 $1.000000000e+00, v3  }
0x49b: {  	v7 =	vmul.f32 v7, v0;
	(erf) = vrcp.f32 v11  }
0x49c: {  	(erf) = vrcp.f32 v3;
	v3 =	vmul.f32 v4, v0  }
0x49d: {  	s5 =	sadd.s32 $0x40, s12;
	[tilespmem:s21+$0xFFFFFFE0] =	vst v7;
	v5 =	vmul.f32 v5, v0;
	v4 =	vmul.f32 v15, v0  }
0x49e: {  	v6 =	vmul.f32 v6, v0;
	[tilespmem:s5+$0xFFFFFFE0] =	vst v3;
	v3 =	vmul.f32 v13, v0  }
0x49f: {  	[tilespmem:s5+$0x0] =	vst v4;
	v4 =	vmul.f32 v14, v0  }
0x4a0: {  	[tilespmem:s21+$0x0] =	vst v6  }
0x4a1: {  	s9 =	sadd.s32 $0x40, s5;
	[tilespmem:s5+$0x10] =	vst v5;
	v5 =	vpop (erf)  }
0x4a2: {  	v6 =	vmul.f32 v12, v0;
	[tilespmem:s9+$0xFFFFFFF0] =	vst v3;
	v3 =	vpop (erf)  }
0x4a3: {  	v7 =	vmul.f32 v9, v0;
	[tilespmem:s9+$0x10] =	vst v4;
	v4 =	vpop (erf)  }
0x4a4: {  	[tilespmem:s21+$0x10] =	vst v10;
	v4 =	vmul.f32 v4, v0  }
0x4a5: {  	[tilespmem:s5+$0xFFFFFFF0] =	vst v7;
	v3 =	vmul.f32 v3, v0  }
0x4a6: {  	[tilespmem:s9+$0xFFFFFFE0] =	vst v6;
	v6 =	vpop (erf)  }
0x4a7: {  	s12 =	sadd.s32 $0x40, s9;
	[tilespmem:s9+$0x0] =	vst v3;
	v3 =	vmul.f32 v6, v0  }
0x4a8: {  	v5 =	vmul.f32 v5, v0;
	[tilespmem:s12+$0xFFFFFFF0] =	vst v4;
	v4 =	vpop (erf)  }
0x4a9: {  	[tilespmem:s12+$0x10] =	vst v3;
	v3 =	vmul.f32 v4, v0  }
0x4aa: {  	[tilespmem:s12+$0xFFFFFFE0] =	vst v5  }
0x4ab: {  	[tilespmem:s12+$0x0] =	vst v3  }
0x4ac: {  	s5 =	sld [smem:$0x7D3];
	_ =	sdelay $0x1  }
0x4ad: {  	s17 =	sld [smem:$0x7DA]  }
0x4ae: {  	[hbm4b:s5+s1] =	stream.linear.scatter [tilespmem:s15], [sflag:$0x8], $0x1900, $0x38;
	[tilespmem:$0x1EEA8] =	vst v63  }
0x4af: {  	s19 =	sld [smem:$0x7DB]  }
0x4b0: {  	[tilespmem:s16], [sflag:$0x3] =	stream.linear.gather [hbm4b:s17+s1], $0x1900, $0x38;
	[tilespmem:$0x1EEA8] =	vst v63  }
0x4b1: {  	s21 =	simm.s32 $0x10DA8  }
0x4b2: {  	[tilespmem:s21], [sflag:$0x3] =	stream.linear.gather [hbm4b:s19+s1], $0x1900, $0x38;
	[tilespmem:$0x1EEA8] =	vst v63  }
0x4b3: {  	_ =	swait.ge [sflag:s8], $0x1900  }
0x4b4: {  	[sflag:s8] =	ssyncset.done $0x0  }
0x4b5: {  	[sflag:s8] =	ssyncadd.s32 $0xFFFFE700  }
0x4b6: {  	_ =	swait.ge [sflag:s8], $0x1900  }
0x4b7: {  	[sflag:s8] =	ssyncset.done $0x0  }
0x4b8: {  	[sflag:s8] =	ssyncadd.s32 $0xFFFFE700  }
0x4b9: {  	[tilespmem:s13], [sflag:$0x6] =	stream.indirect.gather [spmem:s29], $0x1, s20, s0, $0xb8;
	[tilespmem:$0x1EEA8] =	vst v63  }
0x4ba: {  	s9 =	simm.s32 $0x16528  }
0x4bb: {  	[tilespmem:s3], [sflag:$0x7] =	stream.indirect.gather [spmem:s29], $0x1, s9, s0, $0xb8;
	[tilespmem:$0x1EEA8] =	vst v63  }
0x4bc: {  	_ =	swait.ge [sflag:s24], $0xC80  }
0x4bd: {  	[sflag:s24] =	ssyncset.done $0x0  }
0x4be: {  	[sflag:s24] =	ssyncadd.s32 $0xFFFFF380  }
0x4bf: {  	_ =	swait.ge [sflag:s10], $0xC80  }
0x4c0: {  	[sflag:s10] =	ssyncset.done $0x0  }
0x4c1: {  	[sflag:s10] =	ssyncadd.s32 $0xFFFFF380  }
0x4c2: {  	_ =	swait.ge [sflag:s28], $0x1900  }
0x4c3: {  	[sflag:s28] =	ssyncset.done $0x0  }
0x4c4: {  	s12 =	simm.s32 $0x1BCC8;
	[sflag:s28] =	ssyncadd.s32 $0xFFFFE700  }
0x4c5: {  	v3 =	vld [tilespmem:s12+$0xFFFFFFE0]  }
0x4c6: {  	v4 =	vld [tilespmem:s12+$0x10]  }
0x4c7: {  	v5 =	vld [tilespmem:s12+$0xFFFFFFF0]  }
0x4c8: {  	s17 =	simm.s32 $0x13FC8;
	v6 =	vld [tilespmem:s12+$0x0]  }
0x4c9: {  	v7 =	vld [tilespmem:s17+$0xFFFFFFE0]  }
0x4ca: {  	v8 =	vld [tilespmem:s17+$0xFFFFFFF0]  }
0x4cb: {  	v9 =	vld [tilespmem:s17+$0x0]  }
0x4cc: {  	s19 =	simm.s32 $0x1BD08;
	v10 =	vld [tilespmem:s17+$0x10]  }
0x4cd: {  	v11 =	vld [tilespmem:s19+$0xFFFFFFE0]  }
0x4ce: {  	v12 =	vld [tilespmem:s19+$0xFFFFFFF0]  }
0x4cf: {  	s21 =	simm.s32 $0x14008;
	v13 =	vld [tilespmem:s19+$0x0]  }
0x4d0: {  	s5 =	simm.s32 $0x14048;
	v14 =	vld [tilespmem:s21+$0xFFFFFFE0];
	v3 =	vsub.f32 v7, v3  }
0x4d1: {  	s17 =	simm.s32 $0x1BD48;
	v16 =	vld [tilespmem:s5+$0xFFFFFFE0]  }
0x4d2: {  	v15 =	vld [tilespmem:s17+$0xFFFFFFE0];
	v4 =	vsub.f32 v10, v4;
	v3 =	vmul.f32 v3, v2  }
0x4d3: {  	v7 =	vld [tilespmem:s19+$0x10];
	v5 =	vsub.f32 v8, v5  }
0x4d4: {  	v6 =	vsub.f32 v9, v6;
	v9 =	vld [tilespmem:s21+$0x0];
	v4 =	vmul.f32 v4, v2;
	v3 =	vadd.f32 v3, v1  }
0x4d5: {  	v10 =	vld [tilespmem:s21+$0x10];
	v11 =	vsub.f32 v14, v11;
	v5 =	vmul.f32 v5, v2  }
0x4d6: {  	v17 =	vld [tilespmem:s17+$0x10];
	v4 =	vadd.f32 v4, v1;
	v3 =	vmul.f32 $1.442695020e+00, v3  }
0x4d7: {  	v8 =	vld [tilespmem:s21+$0xFFFFFFF0];
	v11 =	vmul.f32 v11, v2;
	v5 =	vadd.f32 v5, v1  }
0x4d8: {  	v14 =	vld [tilespmem:s17+$0xFFFFFFF0];
	v4 =	vmul.f32 $1.442695020e+00, v4;
	(erf) = vpow2.f32 v3  }
0x4d9: {  	v6 =	vmul.f32 v6, v2;
	v9 =	vsub.f32 v9, v13;
	v5 =	vmul.f32 $1.442695020e+00, v5;
	v3 =	vld [tilespmem:s5+$0xFFFFFFF0]  }
0x4da: {  	v13 =	vld [tilespmem:s5+$0x0];
	(erf) = vpow2.f32 v4;
	v4 =	vsub.f32 v10, v7;
	v7 =	vadd.f32 v11, v1  }
0x4db: {  	s21 =	simm.s32 $0x14088;
	v6 =	vadd.f32 v6, v1;
	v10 =	vsub.f32 v16, v15;
	v11 =	vld [tilespmem:s5+$0x10];
	(erf) = vpow2.f32 v5  }
0x4dc: {  	s12 =	simm.s32 $0x1BD88;
	v15 =	vld [tilespmem:s21+$0xFFFFFFF0];
	v4 =	vmul.f32 v4, v2;
	v7 =	vmul.f32 $1.442695020e+00, v7  }
0x4dd: {  	v6 =	vmul.f32 $1.442695020e+00, v6;
	v5 =	vsub.f32 v8, v12;
	v8 =	vld [tilespmem:s12+$0xFFFFFFE0];
	v10 =	vmul.f32 v10, v2  }
0x4de: {  	v3 =	vsub.f32 v3, v14;
	v4 =	vadd.f32 v4, v1;
	v14 =	vld [tilespmem:s21+$0xFFFFFFE0];
	(erf) = vpow2.f32 v7  }
0x4df: {  	v5 =	vmul.f32 v5, v2;
	v10 =	vadd.f32 v10, v1;
	(erf) = vpow2.f32 v6;
	v6 =	vld [tilespmem:s17+$0x0]  }
0x4e0: {  	v9 =	vmul.f32 v9, v2;
	v12 =	vld [tilespmem:s12+$0xFFFFFFF0];
	v4 =	vmul.f32 $1.442695020e+00, v4  }
0x4e1: {  	v5 =	vadd.f32 v5, v1;
	v3 =	vmul.f32 v3, v2;
	v10 =	vmul.f32 $1.442695020e+00, v10;
	v7 =	vpop (erf)  }
0x4e2: {  	(erf) = vpow2.f32 v4;
	v4 =	vsub.f32 v11, v17;
	v7 =	vadd.f32 $1.000000000e+00, v7  }
0x4e3: {  	v5 =	vmul.f32 $1.442695020e+00, v5;
	v3 =	vadd.f32 v3, v1;
	v16 =	vpop (erf);
	v8 =	vsub.f32 v14, v8  }
0x4e4: {  	v11 =	vld [tilespmem:s12+$0x10];
	v14 =	vpop (erf);
	v4 =	vmul.f32 v4, v2;
	v6 =	vsub.f32 v13, v6;
	(erf) = vrcp.f32 v7  }
0x4e5: {  	s9 =	simm.s32 $0x1BDC8;
	v7 =	vsub.f32 v15, v12;
	v12 =	vld [tilespmem:s21+$0x10];
	v14 =	vadd.f32 $1.000000000e+00, v14;
	(erf) = vpow2.f32 v5  }
0x4e6: {  	v3 =	vmul.f32 $1.442695020e+00, v3;
	v15 =	vadd.f32 $1.000000000e+00, v16;
	v16 =	vld [tilespmem:s9+$0xFFFFFFF0];
	v5 =	vadd.f32 v9, v1  }
0x4e7: {  	s19 =	simm.s32 $0x140C8;
	v8 =	vmul.f32 v8, v2;
	v9 =	vld [tilespmem:s9+$0xFFFFFFE0];
	v4 =	vadd.f32 v4, v1;
	v6 =	vmul.f32 v6, v2  }
0x4e8: {  	(erf) = vrcp.f32 v14;
	v14 =	vld [tilespmem:s19+$0xFFFFFFF0];
	v5 =	vmul.f32 $1.442695020e+00, v5  }
0x4e9: {  	v4 =	vmul.f32 $1.442695020e+00, v4;
	(erf) = vpow2.f32 v10;
	v10 =	vld [tilespmem:s19+$0xFFFFFFE0]  }
0x4ea: {  	v7 =	vmul.f32 v7, v2;
	v13 =	vpop (erf);
	v8 =	vadd.f32 v8, v1;
	(erf) = vrcp.f32 v15  }
0x4eb: {  	v18 =	vld [tilespmem:s21+$0x0];
	v17 =	vpop (erf);
	v13 =	vadd.f32 $1.000000000e+00, v13;
	v6 =	vadd.f32 v6, v1;
	(erf) = vpow2.f32 v5  }
0x4ec: {  	v8 =	vmul.f32 $1.442695020e+00, v8;
	v15 =	vadd.f32 $1.000000000e+00, v17;
	v5 =	vld [tilespmem:s12+$0x0];
	v11 =	vsub.f32 v12, v11;
	v17 =	vpop (erf)  }
0x4ed: {  	v19 =	vld [tilespmem:s19+$0x10];
	v23 =	vmul.f32 $1.442695020e+00, v6;
	(erf) = vpow2.f32 v4;
	v14 =	vsub.f32 v14, v16;
	v4 =	vpop (erf)  }
0x4ee: {  	v12 =	vld [tilespmem:s9+$0x10];
	(erf) = vrcp.f32 v13;
	v11 =	vmul.f32 v11, v2;
	v9 =	vsub.f32 v10, v9;
	v10 =	vpop (erf)  }
0x4ef: {  	s17 =	simm.s32 $0x1BE08;
	(erf) = vrcp.f32 v15;
	v14 =	vmul.f32 v14, v2;
	v10 =	vadd.f32 $1.000000000e+00, v10  }
0x4f0: {  	v20 =	vld [tilespmem:s17+$0xFFFFFFE0];
	v21 =	vmul.f32 v4, v0;
	(erf) = vpow2.f32 v3  }
0x4f1: {  	v22 =	vld [tilespmem:s17+$0xFFFFFFF0];
	s21 =	simm.s32 $0x14108;
	v3 =	vadd.f32 $1.000000000e+00, v17;
	v5 =	vsub.f32 v18, v5;
	v13 =	vpop (erf);
	(erf) = vrcp.f32 v10  }
0x4f2: {  	v25 =	vld [tilespmem:s21+$0xFFFFFFF0];
	v11 =	vadd.f32 v11, v1;
	v9 =	vmul.f32 v9, v2;
	v17 =	vpop (erf);
	(erf) = vpow2.f32 v8  }
0x4f3: {  	v18 =	vld [tilespmem:s21+$0xFFFFFFE0];
	v19 =	vsub.f32 v19, v12;
	v24 =	vpop (erf);
	(erf) = vrcp.f32 v3;
	v3 =	vmul.f32 v5, v2  }
0x4f4: {  	v11 =	vmul.f32 $1.442695020e+00, v11;
	v9 =	vadd.f32 v9, v1;
	v8 =	vadd.f32 v7, v1;
	v6 =	vpop (erf);
	v7 =	vld [tilespmem:s19+$0x0]  }
0x4f5: {  	v13 =	vmul.f32 v13, v0;
	v26 =	vadd.f32 $1.000000000e+00, v17;
	v16 =	vadd.f32 $1.000000000e+00, v6;
	v6 =	vld [tilespmem:s17+$0x10]  }
0x4f6: {  	v10 =	vmul.f32 $1.442695020e+00, v9;
	v9 =	vadd.f32 v14, v1;
	s19 =	simm.s32 $0x1D5C8;
	v15 =	vpop (erf);
	v5 =	vld [tilespmem:s17+$0x0];
	(erf) = vpow2.f32 v23  }
0x4f7: {  	v4 =	vld [tilespmem:s9+$0x0];
	[tilespmem:s19+$0xFFFFFFF0] =	vst v13;
	v23 =	vmul.f32 v24, v0;
	v14 =	vadd.f32 v3, v1;
	(erf) = vpow2.f32 v11;
	v3 =	vpop (erf)  }
0x4f8: {  	s30 =	simm.s32 $0x1D608;
	s5 =	simm.s32 $0x140;
	s12 =	simm.s32 $0x1D648;
	v13 =	vsub.f32 v25, v22;
	[tilespmem:s19+$0xFFFFFFE0] =	vst v21;
	v17 =	vmul.f32 $1.442695020e+00, v8;
	v8 =	vld [tilespmem:s21+$0x0];
	v3 =	vmul.f32 v3, v0;
	v12 =	vpop (erf)  }
0x4f9: {  	s9 =	simm.s32 $0x1BE48;
	v18 =	vsub.f32 v18, v20;
	s17 =	simm.s32 $0x14148;
	v11 =	vld [tilespmem:s21+$0x10];
	s21 =	simm.s32 $0x1D648;
	[tilespmem:s19+$0x10] =	vst v23;
	(erf) = vrcp.f32 v26;
	v20 =	vpop (erf);
	v12 =	vmul.f32 v12, v0  }
.LBB2_16:
0x4fa: {  	v21 =	vld [tilespmem:s9+$0xFFFFFFE0];
	s5 =	sadd.s32 $0x40, s5;
	v19 =	vmul.f32 v19, v2;
	v20 =	vadd.f32 $1.000000000e+00, v20;
	s12 =	sadd.s32 $0x40, s12;
	v22 =	vpop (erf);
	(erf) = vrcp.f32 v16  }
0x4fb: {  	v15 =	vadd.f32 $1.000000000e+00, v15;
	p0 =	slt.u32 s5, $0x18C0;
	v16 =	vmul.f32 v18, v2;
	(erf) = vpow2.f32 v17;
	[tilespmem:s19+$0x0] =	vst v12;
	v12 =	vmovc v6;
	v6 =	vld [tilespmem:s9+$0x10];
	v17 =	vmovc v5;
	s19 =	smov.u32 s30;
	s30 =	smov.u32 s21  }
0x4fc: {  	v13 =	vmul.f32 v13, v2;
	s21 =	smov.u32 s12;
	v18 =	vld [tilespmem:s9+$0xFFFFFFF0];
	v19 =	vadd.f32 v19, v1;
	v23 =	vpop (erf);
	(erf) = vrcp.f32 v20  }
0x4fd: {  	v14 =	vmul.f32 $1.442695020e+00, v14;
	v20 =	vmul.f32 v22, v0;
	v5 =	vld [tilespmem:s9+$0x0];
	v27 =	vadd.f32 v16, v1;
	v22 =	vpop (erf)  }
0x4fe: {  	v25 =	vsub.f32 v7, v4;
	v7 =	vmovc v8;
	v4 =	vmovc v17;
	v24 =	vld [tilespmem:s17+$0xFFFFFFF0];
	v19 =	vmul.f32 $1.442695020e+00, v19;
	(erf) = vpow2.f32 v10  }
0x4ff: {  	v17 =	vmov v9;
	v26 =	vld [tilespmem:s17+$0xFFFFFFE0];
	v10 =	vmul.f32 $1.442695020e+00, v27;
	v16 =	vpop (erf);
	(erf) = vrcp.f32 v15;
	[tilespmem:s19+$0xFFFFFFF0] =	vst v20  }
.Ltmp7:
0x500: {  	v9 =	vadd.f32 v13, v1;
	v13 =	vmul.f32 v25, v2;
	v8 =	vld [tilespmem:s17+$0x0];
	v15 =	vpop (erf);
	v16 =	vadd.f32 $1.000000000e+00, v16;
	(pc) =	sbr.rel @p0 .LBB2_16-.Ltmp7, $4  }
0x501: {  	v25 =	vadd.f32 $1.000000000e+00, v23;
	v22 =	vmul.f32 v22, v0;
	v23 =	vmovc v3;
	(erf) = vpow2.f32 v14  }
0x502: {  	v17 =	vmul.f32 $1.442695020e+00, v17;
	v14 =	vadd.f32 v13, v1;
	(erf) = vpow2.f32 v19;
	v3 =	vpop (erf)  }
0x503: {  	v19 =	vsub.f32 v11, v12;
	v13 =	vsub.f32 v24, v18;
	v3 =	vmul.f32 v3, v0;
	[tilespmem:s19+$0x10] =	vst v22;
	v12 =	vpop (erf)  }
0x504: {  	s9 =	sadd.s32 $0x40, s9;
	v18 =	vsub.f32 v26, v21;
	v11 =	vld [tilespmem:s17+$0x10];
	s17 =	sadd.s32 $0x40, s17;
	(erf) = vrcp.f32 v25;
	v20 =	vpop (erf);
	[tilespmem:s19+$0xFFFFFFE0] =	vst v23;
	v12 =	vmul.f32 v12, v0  }
0x505: {  	v19 =	vmul.f32 v19, v2  }
0x506: {  	(erf) = vrcp.f32 v16  }
0x507: {  	v20 =	vadd.f32 $1.000000000e+00, v20;
	v15 =	vadd.f32 $1.000000000e+00, v15;
	(erf) = vpow2.f32 v17  }
0x508: {  	v16 =	vpop (erf)  }
0x509: {  	v17 =	vadd.f32 v19, v1;
	(erf) = vrcp.f32 v20;
	v19 =	vpop (erf)  }
0x50a: {  	v14 =	vmul.f32 $1.442695020e+00, v14;
	(erf) = vpow2.f32 v10;
	v10 =	vpop (erf)  }
0x50b: {  	v17 =	vmul.f32 $1.442695020e+00, v17;
	(erf) = vrcp.f32 v15;
	v15 =	vpop (erf)  }
0x50c: {  	v19 =	vadd.f32 $1.000000000e+00, v19;
	(erf) = vpow2.f32 v14;
	v14 =	vadd.f32 $1.000000000e+00, v15  }
0x50d: {  	v9 =	vmul.f32 $1.442695020e+00, v9;
	(erf) = vpow2.f32 v17;
	v15 =	vpop (erf)  }
0x50e: {  	v4 =	vsub.f32 v7, v4;
	v17 =	vmul.f32 v18, v2;
	(erf) = vrcp.f32 v19;
	v7 =	vpop (erf)  }
0x50f: {  	v6 =	vsub.f32 v11, v6;
	(erf) = vrcp.f32 v14;
	v11 =	vpop (erf)  }
0x510: {  	v4 =	vmul.f32 v4, v2;
	(erf) = vpow2.f32 v9;
	v9 =	vadd.f32 v17, v1;
	v14 =	vpop (erf)  }
0x511: {  	v6 =	vmul.f32 v6, v2;
	v14 =	vadd.f32 $1.000000000e+00, v14  }
0x512: {  	v4 =	vadd.f32 v4, v1;
	v9 =	vmul.f32 $1.442695020e+00, v9  }
0x513: {  	v13 =	vmul.f32 v13, v2;
	v6 =	vadd.f32 v6, v1;
	v17 =	vpop (erf)  }
0x514: {  	v4 =	vmul.f32 $1.442695020e+00, v4;
	v15 =	vadd.f32 $1.000000000e+00, v15;
	v18 =	vpop (erf);
	(erf) = vrcp.f32 v14  }
0x515: {  	v6 =	vmul.f32 $1.442695020e+00, v6;
	v14 =	vpop (erf);
	(erf) = vpow2.f32 v9  }
0x516: {  	v5 =	vsub.f32 v8, v5;
	v9 =	vpop (erf);
	(erf) = vrcp.f32 v15;
	v15 =	vadd.f32 $1.000000000e+00, v18  }
0x517: {  	v8 =	vpop (erf)  }
0x518: {  	v13 =	vadd.f32 v13, v1;
	v5 =	vmul.f32 v5, v2;
	(erf) = vpow2.f32 v4;
	v4 =	vpop (erf)  }
0x519: {  	v9 =	vadd.f32 $1.000000000e+00, v9;
	(erf) = vpow2.f32 v6;
	v6 =	vpop (erf)  }
0x51a: {  	v13 =	vmul.f32 $1.442695020e+00, v13;
	v5 =	vadd.f32 v5, v1;
	(erf) = vrcp.f32 v15;
	v15 =	vpop (erf)  }
0x51b: {  	v8 =	vadd.f32 $1.000000000e+00, v8;
	(erf) = vrcp.f32 v9;
	v15 =	vadd.f32 $1.000000000e+00, v15  }
0x51c: {  	v5 =	vmul.f32 $1.442695020e+00, v5;
	(erf) = vpow2.f32 v13  }
0x51d: {  	(erf) = vrcp.f32 v15  }
0x51e: {  	v9 =	vpop (erf);
	(erf) = vrcp.f32 v8  }
0x51f: {  	v8 =	vpop (erf);
	(erf) = vpow2.f32 v5  }
0x520: {  	v15 =	vmul.f32 v16, v0;
	v5 =	vpop (erf)  }
0x521: {  	v13 =	vpop (erf)  }
0x522: {  	[tilespmem:s30+$0xFFFFFFE0] =	vst v3;
	v16 =	vpop (erf)  }
0x523: {  	[tilespmem:s19+$0x0] =	vst v12;
	v10 =	vmul.f32 v10, v0;
	v12 =	vpop (erf)  }
0x524: {  	v3 =	vmul.f32 v17, v0;
	[tilespmem:s30+$0xFFFFFFF0] =	vst v15;
	v8 =	vadd.f32 $1.000000000e+00, v8;
	v15 =	vpop (erf)  }
0x525: {  	[tilespmem:s30+$0x10] =	vst v10;
	v10 =	vmul.f32 v11, v0;
	v11 =	vadd.f32 $1.000000000e+00, v13;
	v13 =	vpop (erf)  }
0x526: {  	(erf) = vrcp.f32 v8;
	v8 =	vadd.f32 $1.000000000e+00, v13;
	v13 =	vpop (erf)  }
0x527: {  	[tilespmem:s30+$0x0] =	vst v10;
	v10 =	vmul.f32 v14, v0;
	v14 =	vpop (erf)  }
0x528: {  	[tilespmem:s21+$0xFFFFFFF0] =	vst v3;
	(erf) = vrcp.f32 v11;
	v11 =	vadd.f32 $1.000000000e+00, v16;
	v3 =	vpop (erf)  }
0x529: {  	(erf) = vrcp.f32 v8;
	v3 =	vadd.f32 $1.000000000e+00, v3  }
0x52a: {  	v7 =	vmul.f32 v7, v0;
	(erf) = vrcp.f32 v11  }
0x52b: {  	(erf) = vrcp.f32 v3;
	v3 =	vmul.f32 v4, v0  }
0x52c: {  	s5 =	sadd.s32 $0x40, s12;
	[tilespmem:s21+$0xFFFFFFE0] =	vst v7;
	v5 =	vmul.f32 v5, v0;
	v4 =	vmul.f32 v15, v0  }
0x52d: {  	v6 =	vmul.f32 v6, v0;
	[tilespmem:s5+$0xFFFFFFE0] =	vst v3;
	v3 =	vmul.f32 v13, v0  }
0x52e: {  	[tilespmem:s5+$0x0] =	vst v4;
	v4 =	vmul.f32 v14, v0  }
0x52f: {  	[tilespmem:s21+$0x0] =	vst v6  }
0x530: {  	s9 =	sadd.s32 $0x40, s5;
	[tilespmem:s5+$0x10] =	vst v5;
	v5 =	vpop (erf)  }
0x531: {  	v6 =	vmul.f32 v12, v0;
	[tilespmem:s9+$0xFFFFFFF0] =	vst v3;
	v3 =	vpop (erf)  }
0x532: {  	v7 =	vmul.f32 v9, v0;
	[tilespmem:s9+$0x10] =	vst v4;
	v4 =	vpop (erf)  }
0x533: {  	[tilespmem:s21+$0x10] =	vst v10;
	v4 =	vmul.f32 v4, v0  }
0x534: {  	[tilespmem:s5+$0xFFFFFFF0] =	vst v7;
	v3 =	vmul.f32 v3, v0  }
0x535: {  	[tilespmem:s9+$0xFFFFFFE0] =	vst v6;
	v6 =	vpop (erf)  }
0x536: {  	s12 =	sadd.s32 $0x40, s9;
	[tilespmem:s9+$0x0] =	vst v3;
	v3 =	vmul.f32 v6, v0  }
0x537: {  	v5 =	vmul.f32 v5, v0;
	[tilespmem:s12+$0xFFFFFFF0] =	vst v4;
	v4 =	vpop (erf)  }
0x538: {  	[tilespmem:s12+$0x10] =	vst v3;
	v3 =	vmul.f32 v4, v0  }
0x539: {  	[tilespmem:s12+$0xFFFFFFE0] =	vst v5  }
0x53a: {  	[tilespmem:s12+$0x0] =	vst v3  }
0x53b: {  	s5 =	sld [smem:$0x7D6];
	_ =	sdelay $0x1  }
0x53c: {  	s17 =	sld [smem:$0x7DD]  }
0x53d: {  	[hbm4b:s5+s1] =	stream.linear.scatter [tilespmem:s23], [sflag:$0xB], $0x1900, $0x38;
	[tilespmem:$0x1EEA8] =	vst v63  }
0x53e: {  	s19 =	sld [smem:$0x7DE]  }
0x53f: {  	[tilespmem:s18], [sflag:$0x4] =	stream.linear.gather [hbm4b:s17+s1], $0x1900, $0x38;
	[tilespmem:$0x1EEA8] =	vst v63  }
0x540: {  	s21 =	simm.s32 $0x13FA8  }
0x541: {  	[tilespmem:s21], [sflag:$0x4] =	stream.linear.gather [hbm4b:s19+s1], $0x1900, $0x38;
	[tilespmem:$0x1EEA8] =	vst v63  }
0x542: {  	_ =	swait.ge [sflag:s31], $0x1900  }
0x543: {  	[sflag:s31] =	ssyncset.done $0x0  }
0x544: {  	[sflag:s31] =	ssyncadd.s32 $0xFFFFE700  }
0x545: {  	_ =	swait.ge [sflag:s31], $0x1900  }
0x546: {  	[sflag:s31] =	ssyncset.done $0x0  }
0x547: {  	[sflag:s31] =	ssyncadd.s32 $0xFFFFE700  }
0x548: {  	[tilespmem:s14], [sflag:$0x9] =	stream.indirect.gather [spmem:s29], $0x1, s16, s0, $0xb8;
	[tilespmem:$0x1EEA8] =	vst v63  }
0x549: {  	_ = 	snop  }
0x54a: {  	[tilespmem:s6], [sflag:$0xA] =	stream.indirect.gather [spmem:s29], $0x1, s2, s0, $0xb8;
	[tilespmem:$0x1EEA8] =	vst v63  }
0x54b: {  	_ =	swait.ge [sflag:s22], $0xC80  }
0x54c: {  	[sflag:s22] =	ssyncset.done $0x0  }
0x54d: {  	[sflag:s22] =	ssyncadd.s32 $0xFFFFF380  }
0x54e: {  	_ =	swait.ge [sflag:s7], $0xC80  }
0x54f: {  	[sflag:s7] =	ssyncset.done $0x0  }
0x550: {  	[sflag:s7] =	ssyncadd.s32 $0xFFFFF380  }
0x551: {  	_ =	swait.ge [sflag:s26], $0x1900  }
0x552: {  	[sflag:s26] =	ssyncset.done $0x0  }
0x553: {  	s12 =	simm.s32 $0x18AC8;
	[sflag:s26] =	ssyncadd.s32 $0xFFFFE700  }
0x554: {  	v3 =	vld [tilespmem:s12+$0xFFFFFFE0]  }
0x555: {  	v4 =	vld [tilespmem:s12+$0x10]  }
0x556: {  	v5 =	vld [tilespmem:s12+$0xFFFFFFF0]  }
0x557: {  	s17 =	simm.s32 $0x171C8;
	v6 =	vld [tilespmem:s12+$0x0]  }
0x558: {  	v7 =	vld [tilespmem:s17+$0xFFFFFFE0]  }
0x559: {  	v8 =	vld [tilespmem:s17+$0xFFFFFFF0]  }
0x55a: {  	v9 =	vld [tilespmem:s17+$0x0]  }
0x55b: {  	s19 =	simm.s32 $0x18B08;
	v10 =	vld [tilespmem:s17+$0x10]  }
0x55c: {  	v11 =	vld [tilespmem:s19+$0xFFFFFFE0]  }
0x55d: {  	v12 =	vld [tilespmem:s19+$0xFFFFFFF0]  }
0x55e: {  	s21 =	simm.s32 $0x17208;
	v13 =	vld [tilespmem:s19+$0x0]  }
0x55f: {  	s5 =	simm.s32 $0x17248;
	v14 =	vld [tilespmem:s21+$0xFFFFFFE0];
	v3 =	vsub.f32 v7, v3  }
0x560: {  	s17 =	simm.s32 $0x18B48;
	v16 =	vld [tilespmem:s5+$0xFFFFFFE0]  }
0x561: {  	v15 =	vld [tilespmem:s17+$0xFFFFFFE0];
	v4 =	vsub.f32 v10, v4;
	v3 =	vmul.f32 v3, v2  }
0x562: {  	v7 =	vld [tilespmem:s19+$0x10];
	v5 =	vsub.f32 v8, v5  }
0x563: {  	v6 =	vsub.f32 v9, v6;
	v9 =	vld [tilespmem:s21+$0x0];
	v4 =	vmul.f32 v4, v2;
	v3 =	vadd.f32 v3, v1  }
0x564: {  	v10 =	vld [tilespmem:s21+$0x10];
	v11 =	vsub.f32 v14, v11;
	v5 =	vmul.f32 v5, v2  }
0x565: {  	v17 =	vld [tilespmem:s17+$0x10];
	v4 =	vadd.f32 v4, v1;
	v3 =	vmul.f32 $1.442695020e+00, v3  }
0x566: {  	v8 =	vld [tilespmem:s21+$0xFFFFFFF0];
	v11 =	vmul.f32 v11, v2;
	v5 =	vadd.f32 v5, v1  }
0x567: {  	v14 =	vld [tilespmem:s17+$0xFFFFFFF0];
	v4 =	vmul.f32 $1.442695020e+00, v4;
	(erf) = vpow2.f32 v3  }
0x568: {  	v6 =	vmul.f32 v6, v2;
	v9 =	vsub.f32 v9, v13;
	v5 =	vmul.f32 $1.442695020e+00, v5;
	v3 =	vld [tilespmem:s5+$0xFFFFFFF0]  }
0x569: {  	v13 =	vld [tilespmem:s5+$0x0];
	(erf) = vpow2.f32 v4;
	v4 =	vsub.f32 v10, v7;
	v7 =	vadd.f32 v11, v1  }
0x56a: {  	s21 =	simm.s32 $0x17288;
	v6 =	vadd.f32 v6, v1;
	v10 =	vsub.f32 v16, v15;
	v11 =	vld [tilespmem:s5+$0x10];
	(erf) = vpow2.f32 v5  }
0x56b: {  	s12 =	simm.s32 $0x18B88;
	v15 =	vld [tilespmem:s21+$0xFFFFFFF0];
	v4 =	vmul.f32 v4, v2;
	v7 =	vmul.f32 $1.442695020e+00, v7  }
0x56c: {  	v6 =	vmul.f32 $1.442695020e+00, v6;
	v5 =	vsub.f32 v8, v12;
	v8 =	vld [tilespmem:s12+$0xFFFFFFE0];
	v10 =	vmul.f32 v10, v2  }
0x56d: {  	v3 =	vsub.f32 v3, v14;
	v4 =	vadd.f32 v4, v1;
	v14 =	vld [tilespmem:s21+$0xFFFFFFE0];
	(erf) = vpow2.f32 v7  }
0x56e: {  	v5 =	vmul.f32 v5, v2;
	v10 =	vadd.f32 v10, v1;
	(erf) = vpow2.f32 v6;
	v6 =	vld [tilespmem:s17+$0x0]  }
0x56f: {  	v9 =	vmul.f32 v9, v2;
	v12 =	vld [tilespmem:s12+$0xFFFFFFF0];
	v4 =	vmul.f32 $1.442695020e+00, v4  }
0x570: {  	v5 =	vadd.f32 v5, v1;
	v3 =	vmul.f32 v3, v2;
	v10 =	vmul.f32 $1.442695020e+00, v10;
	v7 =	vpop (erf)  }
0x571: {  	(erf) = vpow2.f32 v4;
	v4 =	vsub.f32 v11, v17;
	v7 =	vadd.f32 $1.000000000e+00, v7  }
0x572: {  	v5 =	vmul.f32 $1.442695020e+00, v5;
	v3 =	vadd.f32 v3, v1;
	v16 =	vpop (erf);
	v8 =	vsub.f32 v14, v8  }
0x573: {  	v11 =	vld [tilespmem:s12+$0x10];
	v14 =	vpop (erf);
	v4 =	vmul.f32 v4, v2;
	v6 =	vsub.f32 v13, v6;
	(erf) = vrcp.f32 v7  }
0x574: {  	s9 =	simm.s32 $0x18BC8;
	v7 =	vsub.f32 v15, v12;
	v12 =	vld [tilespmem:s21+$0x10];
	v14 =	vadd.f32 $1.000000000e+00, v14;
	(erf) = vpow2.f32 v5  }
0x575: {  	v3 =	vmul.f32 $1.442695020e+00, v3;
	v15 =	vadd.f32 $1.000000000e+00, v16;
	v16 =	vld [tilespmem:s9+$0xFFFFFFF0];
	v5 =	vadd.f32 v9, v1  }
0x576: {  	s19 =	simm.s32 $0x172C8;
	v8 =	vmul.f32 v8, v2;
	v9 =	vld [tilespmem:s9+$0xFFFFFFE0];
	v4 =	vadd.f32 v4, v1;
	v6 =	vmul.f32 v6, v2  }
0x577: {  	(erf) = vrcp.f32 v14;
	v14 =	vld [tilespmem:s19+$0xFFFFFFF0];
	v5 =	vmul.f32 $1.442695020e+00, v5  }
0x578: {  	v4 =	vmul.f32 $1.442695020e+00, v4;
	(erf) = vpow2.f32 v10;
	v10 =	vld [tilespmem:s19+$0xFFFFFFE0]  }
0x579: {  	v7 =	vmul.f32 v7, v2;
	v13 =	vpop (erf);
	v8 =	vadd.f32 v8, v1;
	(erf) = vrcp.f32 v15  }
0x57a: {  	v18 =	vld [tilespmem:s21+$0x0];
	v17 =	vpop (erf);
	v13 =	vadd.f32 $1.000000000e+00, v13;
	v6 =	vadd.f32 v6, v1;
	(erf) = vpow2.f32 v5  }
0x57b: {  	v8 =	vmul.f32 $1.442695020e+00, v8;
	v15 =	vadd.f32 $1.000000000e+00, v17;
	v5 =	vld [tilespmem:s12+$0x0];
	v11 =	vsub.f32 v12, v11;
	v17 =	vpop (erf)  }
0x57c: {  	v19 =	vld [tilespmem:s19+$0x10];
	v23 =	vmul.f32 $1.442695020e+00, v6;
	(erf) = vpow2.f32 v4;
	v14 =	vsub.f32 v14, v16;
	v4 =	vpop (erf)  }
0x57d: {  	v12 =	vld [tilespmem:s9+$0x10];
	(erf) = vrcp.f32 v13;
	v11 =	vmul.f32 v11, v2;
	v9 =	vsub.f32 v10, v9;
	v10 =	vpop (erf)  }
0x57e: {  	s17 =	simm.s32 $0x18C08;
	(erf) = vrcp.f32 v15;
	v14 =	vmul.f32 v14, v2;
	v10 =	vadd.f32 $1.000000000e+00, v10  }
0x57f: {  	v20 =	vld [tilespmem:s17+$0xFFFFFFE0];
	v21 =	vmul.f32 v4, v0;
	(erf) = vpow2.f32 v3  }
0x580: {  	v22 =	vld [tilespmem:s17+$0xFFFFFFF0];
	s21 =	simm.s32 $0x17308;
	v3 =	vadd.f32 $1.000000000e+00, v17;
	v5 =	vsub.f32 v18, v5;
	v13 =	vpop (erf);
	(erf) = vrcp.f32 v10  }
0x581: {  	v25 =	vld [tilespmem:s21+$0xFFFFFFF0];
	v11 =	vadd.f32 v11, v1;
	v9 =	vmul.f32 v9, v2;
	v17 =	vpop (erf);
	(erf) = vpow2.f32 v8  }
0x582: {  	v18 =	vld [tilespmem:s21+$0xFFFFFFE0];
	v19 =	vsub.f32 v19, v12;
	v24 =	vpop (erf);
	(erf) = vrcp.f32 v3;
	v3 =	vmul.f32 v5, v2  }
0x583: {  	v11 =	vmul.f32 $1.442695020e+00, v11;
	v9 =	vadd.f32 v9, v1;
	v8 =	vadd.f32 v7, v1;
	v6 =	vpop (erf);
	v7 =	vld [tilespmem:s19+$0x0]  }
0x584: {  	v13 =	vmul.f32 v13, v0;
	v26 =	vadd.f32 $1.000000000e+00, v17;
	v16 =	vadd.f32 $1.000000000e+00, v6;
	v6 =	vld [tilespmem:s17+$0x10]  }
0x585: {  	v10 =	vmul.f32 $1.442695020e+00, v9;
	v9 =	vadd.f32 v14, v1;
	s19 =	simm.s32 $0x1A3C8;
	v15 =	vpop (erf);
	v5 =	vld [tilespmem:s17+$0x0];
	(erf) = vpow2.f32 v23  }
0x586: {  	v4 =	vld [tilespmem:s9+$0x0];
	[tilespmem:s19+$0xFFFFFFF0] =	vst v13;
	v23 =	vmul.f32 v24, v0;
	v14 =	vadd.f32 v3, v1;
	(erf) = vpow2.f32 v11;
	v3 =	vpop (erf)  }
0x587: {  	s30 =	simm.s32 $0x1A408;
	s5 =	simm.s32 $0x140;
	s12 =	simm.s32 $0x1A448;
	v13 =	vsub.f32 v25, v22;
	[tilespmem:s19+$0xFFFFFFE0] =	vst v21;
	v17 =	vmul.f32 $1.442695020e+00, v8;
	v8 =	vld [tilespmem:s21+$0x0];
	v3 =	vmul.f32 v3, v0;
	v12 =	vpop (erf)  }
0x588: {  	s9 =	simm.s32 $0x18C48;
	v18 =	vsub.f32 v18, v20;
	s17 =	simm.s32 $0x17348;
	v11 =	vld [tilespmem:s21+$0x10];
	s21 =	simm.s32 $0x1A448;
	[tilespmem:s19+$0x10] =	vst v23;
	(erf) = vrcp.f32 v26;
	v20 =	vpop (erf);
	v12 =	vmul.f32 v12, v0  }
.LBB2_18:
0x589: {  	v21 =	vld [tilespmem:s9+$0xFFFFFFE0];
	s5 =	sadd.s32 $0x40, s5;
	v19 =	vmul.f32 v19, v2;
	v20 =	vadd.f32 $1.000000000e+00, v20;
	s12 =	sadd.s32 $0x40, s12;
	v22 =	vpop (erf);
	(erf) = vrcp.f32 v16  }
0x58a: {  	v15 =	vadd.f32 $1.000000000e+00, v15;
	p0 =	slt.u32 s5, $0x18C0;
	v16 =	vmul.f32 v18, v2;
	(erf) = vpow2.f32 v17;
	[tilespmem:s19+$0x0] =	vst v12;
	v12 =	vmovc v6;
	v6 =	vld [tilespmem:s9+$0x10];
	v17 =	vmovc v5;
	s19 =	smov.u32 s30;
	s30 =	smov.u32 s21  }
0x58b: {  	v13 =	vmul.f32 v13, v2;
	s21 =	smov.u32 s12;
	v18 =	vld [tilespmem:s9+$0xFFFFFFF0];
	v19 =	vadd.f32 v19, v1;
	v23 =	vpop (erf);
	(erf) = vrcp.f32 v20  }
0x58c: {  	v14 =	vmul.f32 $1.442695020e+00, v14;
	v20 =	vmul.f32 v22, v0;
	v5 =	vld [tilespmem:s9+$0x0];
	v27 =	vadd.f32 v16, v1;
	v22 =	vpop (erf)  }
0x58d: {  	v25 =	vsub.f32 v7, v4;
	v7 =	vmovc v8;
	v4 =	vmovc v17;
	v24 =	vld [tilespmem:s17+$0xFFFFFFF0];
	v19 =	vmul.f32 $1.442695020e+00, v19;
	(erf) = vpow2.f32 v10  }
0x58e: {  	v17 =	vmov v9;
	v26 =	vld [tilespmem:s17+$0xFFFFFFE0];
	v10 =	vmul.f32 $1.442695020e+00, v27;
	v16 =	vpop (erf);
	(erf) = vrcp.f32 v15;
	[tilespmem:s19+$0xFFFFFFF0] =	vst v20  }
.Ltmp8:
0x58f: {  	v9 =	vadd.f32 v13, v1;
	v13 =	vmul.f32 v25, v2;
	v8 =	vld [tilespmem:s17+$0x0];
	v15 =	vpop (erf);
	v16 =	vadd.f32 $1.000000000e+00, v16;
	(pc) =	sbr.rel @p0 .LBB2_18-.Ltmp8, $4  }
0x590: {  	v25 =	vadd.f32 $1.000000000e+00, v23;
	v22 =	vmul.f32 v22, v0;
	v23 =	vmovc v3;
	(erf) = vpow2.f32 v14  }
0x591: {  	v17 =	vmul.f32 $1.442695020e+00, v17;
	v14 =	vadd.f32 v13, v1;
	(erf) = vpow2.f32 v19;
	v3 =	vpop (erf)  }
0x592: {  	v19 =	vsub.f32 v11, v12;
	v13 =	vsub.f32 v24, v18;
	v3 =	vmul.f32 v3, v0;
	[tilespmem:s19+$0x10] =	vst v22;
	v12 =	vpop (erf)  }
0x593: {  	s9 =	sadd.s32 $0x40, s9;
	v18 =	vsub.f32 v26, v21;
	v11 =	vld [tilespmem:s17+$0x10];
	s17 =	sadd.s32 $0x40, s17;
	(erf) = vrcp.f32 v25;
	v20 =	vpop (erf);
	[tilespmem:s19+$0xFFFFFFE0] =	vst v23;
	v12 =	vmul.f32 v12, v0  }
0x594: {  	v19 =	vmul.f32 v19, v2  }
0x595: {  	(erf) = vrcp.f32 v16  }
0x596: {  	v20 =	vadd.f32 $1.000000000e+00, v20;
	v15 =	vadd.f32 $1.000000000e+00, v15;
	(erf) = vpow2.f32 v17  }
0x597: {  	v16 =	vpop (erf)  }
0x598: {  	v17 =	vadd.f32 v19, v1;
	(erf) = vrcp.f32 v20;
	v19 =	vpop (erf)  }
0x599: {  	v14 =	vmul.f32 $1.442695020e+00, v14;
	(erf) = vpow2.f32 v10;
	v10 =	vpop (erf)  }
0x59a: {  	v17 =	vmul.f32 $1.442695020e+00, v17;
	(erf) = vrcp.f32 v15;
	v15 =	vpop (erf)  }
0x59b: {  	v19 =	vadd.f32 $1.000000000e+00, v19;
	(erf) = vpow2.f32 v14;
	v14 =	vadd.f32 $1.000000000e+00, v15  }
0x59c: {  	v9 =	vmul.f32 $1.442695020e+00, v9;
	(erf) = vpow2.f32 v17;
	v15 =	vpop (erf)  }
0x59d: {  	v4 =	vsub.f32 v7, v4;
	v17 =	vmul.f32 v18, v2;
	(erf) = vrcp.f32 v19;
	v7 =	vpop (erf)  }
0x59e: {  	v6 =	vsub.f32 v11, v6;
	(erf) = vrcp.f32 v14;
	v11 =	vpop (erf)  }
0x59f: {  	v4 =	vmul.f32 v4, v2;
	(erf) = vpow2.f32 v9;
	v9 =	vadd.f32 v17, v1;
	v14 =	vpop (erf)  }
0x5a0: {  	v6 =	vmul.f32 v6, v2;
	v14 =	vadd.f32 $1.000000000e+00, v14  }
0x5a1: {  	v4 =	vadd.f32 v4, v1;
	v9 =	vmul.f32 $1.442695020e+00, v9  }
0x5a2: {  	v13 =	vmul.f32 v13, v2;
	v6 =	vadd.f32 v6, v1;
	v17 =	vpop (erf)  }
0x5a3: {  	v4 =	vmul.f32 $1.442695020e+00, v4;
	v15 =	vadd.f32 $1.000000000e+00, v15;
	v18 =	vpop (erf);
	(erf) = vrcp.f32 v14  }
0x5a4: {  	v6 =	vmul.f32 $1.442695020e+00, v6;
	v14 =	vpop (erf);
	(erf) = vpow2.f32 v9  }
0x5a5: {  	v5 =	vsub.f32 v8, v5;
	v9 =	vpop (erf);
	(erf) = vrcp.f32 v15;
	v15 =	vadd.f32 $1.000000000e+00, v18  }
0x5a6: {  	v8 =	vpop (erf)  }
0x5a7: {  	v13 =	vadd.f32 v13, v1;
	v5 =	vmul.f32 v5, v2;
	(erf) = vpow2.f32 v4;
	v4 =	vpop (erf)  }
0x5a8: {  	v9 =	vadd.f32 $1.000000000e+00, v9;
	(erf) = vpow2.f32 v6;
	v6 =	vpop (erf)  }
0x5a9: {  	v13 =	vmul.f32 $1.442695020e+00, v13;
	v5 =	vadd.f32 v5, v1;
	(erf) = vrcp.f32 v15;
	v15 =	vpop (erf)  }
0x5aa: {  	v8 =	vadd.f32 $1.000000000e+00, v8;
	(erf) = vrcp.f32 v9;
	v15 =	vadd.f32 $1.000000000e+00, v15  }
0x5ab: {  	v5 =	vmul.f32 $1.442695020e+00, v5;
	(erf) = vpow2.f32 v13  }
0x5ac: {  	(erf) = vrcp.f32 v15  }
0x5ad: {  	v9 =	vpop (erf);
	(erf) = vrcp.f32 v8  }
0x5ae: {  	v8 =	vpop (erf);
	(erf) = vpow2.f32 v5  }
0x5af: {  	v15 =	vmul.f32 v16, v0;
	v5 =	vpop (erf)  }
0x5b0: {  	v13 =	vpop (erf)  }
0x5b1: {  	[tilespmem:s30+$0xFFFFFFE0] =	vst v3;
	v16 =	vpop (erf)  }
0x5b2: {  	[tilespmem:s19+$0x0] =	vst v12;
	v10 =	vmul.f32 v10, v0;
	v12 =	vpop (erf)  }
0x5b3: {  	v3 =	vmul.f32 v17, v0;
	[tilespmem:s30+$0xFFFFFFF0] =	vst v15;
	v8 =	vadd.f32 $1.000000000e+00, v8;
	v15 =	vpop (erf)  }
0x5b4: {  	[tilespmem:s30+$0x10] =	vst v10;
	v10 =	vmul.f32 v11, v0;
	v11 =	vadd.f32 $1.000000000e+00, v13;
	v13 =	vpop (erf)  }
0x5b5: {  	(erf) = vrcp.f32 v8;
	v8 =	vadd.f32 $1.000000000e+00, v13;
	v13 =	vpop (erf)  }
0x5b6: {  	[tilespmem:s30+$0x0] =	vst v10;
	v10 =	vmul.f32 v14, v0;
	v14 =	vpop (erf)  }
0x5b7: {  	[tilespmem:s21+$0xFFFFFFF0] =	vst v3;
	(erf) = vrcp.f32 v11;
	v11 =	vadd.f32 $1.000000000e+00, v16;
	v3 =	vpop (erf)  }
0x5b8: {  	(erf) = vrcp.f32 v8;
	v3 =	vadd.f32 $1.000000000e+00, v3  }
0x5b9: {  	v7 =	vmul.f32 v7, v0;
	(erf) = vrcp.f32 v11  }
0x5ba: {  	(erf) = vrcp.f32 v3;
	v3 =	vmul.f32 v4, v0  }
0x5bb: {  	s5 =	sadd.s32 $0x40, s12;
	[tilespmem:s21+$0xFFFFFFE0] =	vst v7;
	v5 =	vmul.f32 v5, v0;
	v4 =	vmul.f32 v15, v0  }
0x5bc: {  	v6 =	vmul.f32 v6, v0;
	[tilespmem:s5+$0xFFFFFFE0] =	vst v3;
	v3 =	vmul.f32 v13, v0  }
0x5bd: {  	[tilespmem:s5+$0x0] =	vst v4;
	v4 =	vmul.f32 v14, v0  }
0x5be: {  	[tilespmem:s21+$0x0] =	vst v6  }
0x5bf: {  	s9 =	sadd.s32 $0x40, s5;
	[tilespmem:s5+$0x10] =	vst v5;
	v5 =	vpop (erf)  }
0x5c0: {  	v6 =	vmul.f32 v12, v0;
	[tilespmem:s9+$0xFFFFFFF0] =	vst v3;
	v3 =	vpop (erf)  }
0x5c1: {  	v7 =	vmul.f32 v9, v0;
	[tilespmem:s9+$0x10] =	vst v4;
	v4 =	vpop (erf)  }
0x5c2: {  	[tilespmem:s21+$0x10] =	vst v10;
	v4 =	vmul.f32 v4, v0  }
0x5c3: {  	[tilespmem:s5+$0xFFFFFFF0] =	vst v7;
	v3 =	vmul.f32 v3, v0  }
0x5c4: {  	[tilespmem:s9+$0xFFFFFFE0] =	vst v6;
	v6 =	vpop (erf)  }
0x5c5: {  	s12 =	sadd.s32 $0x40, s9;
	[tilespmem:s9+$0x0] =	vst v3;
	v3 =	vmul.f32 v6, v0  }
0x5c6: {  	v5 =	vmul.f32 v5, v0;
	[tilespmem:s12+$0xFFFFFFF0] =	vst v4;
	v4 =	vpop (erf)  }
0x5c7: {  	[tilespmem:s12+$0x10] =	vst v3;
	v3 =	vmul.f32 v4, v0  }
0x5c8: {  	[tilespmem:s12+$0xFFFFFFE0] =	vst v5  }
0x5c9: {  	[tilespmem:s12+$0x0] =	vst v3  }
0x5ca: {  	s5 =	sld [smem:$0x7D9];
	_ =	sdelay $0x1  }
0x5cb: {  	s17 =	sld [smem:$0x7E0]  }
0x5cc: {  	[hbm4b:s5+s1] =	stream.linear.scatter [tilespmem:s15], [sflag:$0x8], $0x1900, $0x38;
	[tilespmem:$0x1EEA8] =	vst v63  }
0x5cd: {  	s19 =	sld [smem:$0x7E1]  }
0x5ce: {  	[tilespmem:s20], [sflag:$0x5] =	stream.linear.gather [hbm4b:s17+s1], $0x1900, $0x38;
	[tilespmem:$0x1EEA8] =	vst v63  }
0x5cf: {  	s21 =	simm.s32 $0x171A8  }
0x5d0: {  	[tilespmem:s21], [sflag:$0x5] =	stream.linear.gather [hbm4b:s19+s1], $0x1900, $0x38;
	[tilespmem:$0x1EEA8] =	vst v63  }
0x5d1: {  	_ =	swait.ge [sflag:s4], $0x1900  }
0x5d2: {  	[sflag:s4] =	ssyncset.done $0x0  }
0x5d3: {  	[sflag:s4] =	ssyncadd.s32 $0xFFFFE700  }
0x5d4: {  	_ =	swait.ge [sflag:s4], $0x1900  }
0x5d5: {  	[sflag:s4] =	ssyncset.done $0x0  }
0x5d6: {  	[sflag:s4] =	ssyncadd.s32 $0xFFFFE700  }
0x5d7: {  	[tilespmem:s13], [sflag:$0x6] =	stream.indirect.gather [spmem:s29], $0x1, s18, s0, $0xb8;
	[tilespmem:$0x1EEA8] =	vst v63  }
0x5d8: {  	s9 =	simm.s32 $0x13328  }
0x5d9: {  	[tilespmem:s3], [sflag:$0x7] =	stream.indirect.gather [spmem:s29], $0x1, s9, s0, $0xb8;
	[tilespmem:$0x1EEA8] =	vst v63  }
0x5da: {  	_ =	swait.ge [sflag:s24], $0xC80  }
0x5db: {  	[sflag:s24] =	ssyncset.done $0x0  }
0x5dc: {  	[sflag:s24] =	ssyncadd.s32 $0xFFFFF380  }
0x5dd: {  	_ =	swait.ge [sflag:s10], $0xC80  }
0x5de: {  	[sflag:s10] =	ssyncset.done $0x0  }
0x5df: {  	[sflag:s10] =	ssyncadd.s32 $0xFFFFF380  }
0x5e0: {  	_ =	swait.ge [sflag:s28], $0x1900  }
0x5e1: {  	[sflag:s28] =	ssyncset.done $0x0  }
0x5e2: {  	s12 =	simm.s32 $0x1BCC8;
	[sflag:s28] =	ssyncadd.s32 $0xFFFFE700  }
0x5e3: {  	v3 =	vld [tilespmem:s12+$0xFFFFFFE0]  }
0x5e4: {  	v4 =	vld [tilespmem:s12+$0x10]  }
0x5e5: {  	v5 =	vld [tilespmem:s12+$0xFFFFFFF0]  }
0x5e6: {  	s17 =	simm.s32 $0x10DC8;
	v6 =	vld [tilespmem:s12+$0x0]  }
0x5e7: {  	v7 =	vld [tilespmem:s17+$0xFFFFFFE0]  }
0x5e8: {  	v8 =	vld [tilespmem:s17+$0xFFFFFFF0]  }
0x5e9: {  	v9 =	vld [tilespmem:s17+$0x0]  }
0x5ea: {  	s19 =	simm.s32 $0x1BD08;
	v10 =	vld [tilespmem:s17+$0x10]  }
0x5eb: {  	v11 =	vld [tilespmem:s19+$0xFFFFFFE0]  }
0x5ec: {  	v12 =	vld [tilespmem:s19+$0xFFFFFFF0]  }
0x5ed: {  	s21 =	simm.s32 $0x10E08;
	v13 =	vld [tilespmem:s19+$0x0]  }
0x5ee: {  	s5 =	simm.s32 $0x10E48;
	v14 =	vld [tilespmem:s21+$0xFFFFFFE0];
	v3 =	vsub.f32 v7, v3  }
0x5ef: {  	s17 =	simm.s32 $0x1BD48;
	v16 =	vld [tilespmem:s5+$0xFFFFFFE0]  }
0x5f0: {  	v15 =	vld [tilespmem:s17+$0xFFFFFFE0];
	v4 =	vsub.f32 v10, v4;
	v3 =	vmul.f32 v3, v2  }
0x5f1: {  	v7 =	vld [tilespmem:s19+$0x10];
	v5 =	vsub.f32 v8, v5  }
0x5f2: {  	v6 =	vsub.f32 v9, v6;
	v9 =	vld [tilespmem:s21+$0x0];
	v4 =	vmul.f32 v4, v2;
	v3 =	vadd.f32 v3, v1  }
0x5f3: {  	v10 =	vld [tilespmem:s21+$0x10];
	v11 =	vsub.f32 v14, v11;
	v5 =	vmul.f32 v5, v2  }
0x5f4: {  	v17 =	vld [tilespmem:s17+$0x10];
	v4 =	vadd.f32 v4, v1;
	v3 =	vmul.f32 $1.442695020e+00, v3  }
0x5f5: {  	v8 =	vld [tilespmem:s21+$0xFFFFFFF0];
	v11 =	vmul.f32 v11, v2;
	v5 =	vadd.f32 v5, v1  }
0x5f6: {  	v14 =	vld [tilespmem:s17+$0xFFFFFFF0];
	v4 =	vmul.f32 $1.442695020e+00, v4;
	(erf) = vpow2.f32 v3  }
0x5f7: {  	v6 =	vmul.f32 v6, v2;
	v9 =	vsub.f32 v9, v13;
	v5 =	vmul.f32 $1.442695020e+00, v5;
	v3 =	vld [tilespmem:s5+$0xFFFFFFF0]  }
0x5f8: {  	v13 =	vld [tilespmem:s5+$0x0];
	(erf) = vpow2.f32 v4;
	v4 =	vsub.f32 v10, v7;
	v7 =	vadd.f32 v11, v1  }
0x5f9: {  	s21 =	simm.s32 $0x10E88;
	v6 =	vadd.f32 v6, v1;
	v10 =	vsub.f32 v16, v15;
	v11 =	vld [tilespmem:s5+$0x10];
	(erf) = vpow2.f32 v5  }
0x5fa: {  	s12 =	simm.s32 $0x1BD88;
	v15 =	vld [tilespmem:s21+$0xFFFFFFF0];
	v4 =	vmul.f32 v4, v2;
	v7 =	vmul.f32 $1.442695020e+00, v7  }
0x5fb: {  	v6 =	vmul.f32 $1.442695020e+00, v6;
	v5 =	vsub.f32 v8, v12;
	v8 =	vld [tilespmem:s12+$0xFFFFFFE0];
	v10 =	vmul.f32 v10, v2  }
0x5fc: {  	v3 =	vsub.f32 v3, v14;
	v4 =	vadd.f32 v4, v1;
	v14 =	vld [tilespmem:s21+$0xFFFFFFE0];
	(erf) = vpow2.f32 v7  }
0x5fd: {  	v5 =	vmul.f32 v5, v2;
	v10 =	vadd.f32 v10, v1;
	(erf) = vpow2.f32 v6;
	v6 =	vld [tilespmem:s17+$0x0]  }
0x5fe: {  	v9 =	vmul.f32 v9, v2;
	v12 =	vld [tilespmem:s12+$0xFFFFFFF0];
	v4 =	vmul.f32 $1.442695020e+00, v4  }
0x5ff: {  	v5 =	vadd.f32 v5, v1;
	v3 =	vmul.f32 v3, v2;
	v10 =	vmul.f32 $1.442695020e+00, v10;
	v7 =	vpop (erf)  }
0x600: {  	(erf) = vpow2.f32 v4;
	v4 =	vsub.f32 v11, v17;
	v7 =	vadd.f32 $1.000000000e+00, v7  }
0x601: {  	v5 =	vmul.f32 $1.442695020e+00, v5;
	v3 =	vadd.f32 v3, v1;
	v16 =	vpop (erf);
	v8 =	vsub.f32 v14, v8  }
0x602: {  	v11 =	vld [tilespmem:s12+$0x10];
	v14 =	vpop (erf);
	v4 =	vmul.f32 v4, v2;
	v6 =	vsub.f32 v13, v6;
	(erf) = vrcp.f32 v7  }
0x603: {  	s9 =	simm.s32 $0x1BDC8;
	v7 =	vsub.f32 v15, v12;
	v12 =	vld [tilespmem:s21+$0x10];
	v14 =	vadd.f32 $1.000000000e+00, v14;
	(erf) = vpow2.f32 v5  }
0x604: {  	v3 =	vmul.f32 $1.442695020e+00, v3;
	v15 =	vadd.f32 $1.000000000e+00, v16;
	v16 =	vld [tilespmem:s9+$0xFFFFFFF0];
	v5 =	vadd.f32 v9, v1  }
0x605: {  	s19 =	simm.s32 $0x10EC8;
	v8 =	vmul.f32 v8, v2;
	v9 =	vld [tilespmem:s9+$0xFFFFFFE0];
	v4 =	vadd.f32 v4, v1;
	v6 =	vmul.f32 v6, v2  }
0x606: {  	(erf) = vrcp.f32 v14;
	v14 =	vld [tilespmem:s19+$0xFFFFFFF0];
	v5 =	vmul.f32 $1.442695020e+00, v5  }
0x607: {  	v4 =	vmul.f32 $1.442695020e+00, v4;
	(erf) = vpow2.f32 v10;
	v10 =	vld [tilespmem:s19+$0xFFFFFFE0]  }
0x608: {  	v7 =	vmul.f32 v7, v2;
	v13 =	vpop (erf);
	v8 =	vadd.f32 v8, v1;
	(erf) = vrcp.f32 v15  }
0x609: {  	v18 =	vld [tilespmem:s21+$0x0];
	v17 =	vpop (erf);
	v13 =	vadd.f32 $1.000000000e+00, v13;
	v6 =	vadd.f32 v6, v1;
	(erf) = vpow2.f32 v5  }
0x60a: {  	v8 =	vmul.f32 $1.442695020e+00, v8;
	v15 =	vadd.f32 $1.000000000e+00, v17;
	v5 =	vld [tilespmem:s12+$0x0];
	v11 =	vsub.f32 v12, v11;
	v17 =	vpop (erf)  }
0x60b: {  	v19 =	vld [tilespmem:s19+$0x10];
	v23 =	vmul.f32 $1.442695020e+00, v6;
	(erf) = vpow2.f32 v4;
	v14 =	vsub.f32 v14, v16;
	v4 =	vpop (erf)  }
0x60c: {  	v12 =	vld [tilespmem:s9+$0x10];
	(erf) = vrcp.f32 v13;
	v11 =	vmul.f32 v11, v2;
	v9 =	vsub.f32 v10, v9;
	v10 =	vpop (erf)  }
0x60d: {  	s17 =	simm.s32 $0x1BE08;
	(erf) = vrcp.f32 v15;
	v14 =	vmul.f32 v14, v2;
	v10 =	vadd.f32 $1.000000000e+00, v10  }
0x60e: {  	v20 =	vld [tilespmem:s17+$0xFFFFFFE0];
	v21 =	vmul.f32 v4, v0;
	(erf) = vpow2.f32 v3  }
0x60f: {  	v22 =	vld [tilespmem:s17+$0xFFFFFFF0];
	s21 =	simm.s32 $0x10F08;
	v3 =	vadd.f32 $1.000000000e+00, v17;
	v5 =	vsub.f32 v18, v5;
	v13 =	vpop (erf);
	(erf) = vrcp.f32 v10  }
0x610: {  	v25 =	vld [tilespmem:s21+$0xFFFFFFF0];
	v11 =	vadd.f32 v11, v1;
	v9 =	vmul.f32 v9, v2;
	v17 =	vpop (erf);
	(erf) = vpow2.f32 v8  }
0x611: {  	v18 =	vld [tilespmem:s21+$0xFFFFFFE0];
	v19 =	vsub.f32 v19, v12;
	v24 =	vpop (erf);
	(erf) = vrcp.f32 v3;
	v3 =	vmul.f32 v5, v2  }
0x612: {  	v11 =	vmul.f32 $1.442695020e+00, v11;
	v9 =	vadd.f32 v9, v1;
	v8 =	vadd.f32 v7, v1;
	v6 =	vpop (erf);
	v7 =	vld [tilespmem:s19+$0x0]  }
0x613: {  	v13 =	vmul.f32 v13, v0;
	v26 =	vadd.f32 $1.000000000e+00, v17;
	v16 =	vadd.f32 $1.000000000e+00, v6;
	v6 =	vld [tilespmem:s17+$0x10]  }
0x614: {  	v10 =	vmul.f32 $1.442695020e+00, v9;
	v9 =	vadd.f32 v14, v1;
	s19 =	simm.s32 $0x1D5C8;
	v15 =	vpop (erf);
	v5 =	vld [tilespmem:s17+$0x0];
	(erf) = vpow2.f32 v23  }
0x615: {  	v4 =	vld [tilespmem:s9+$0x0];
	[tilespmem:s19+$0xFFFFFFF0] =	vst v13;
	v23 =	vmul.f32 v24, v0;
	v14 =	vadd.f32 v3, v1;
	(erf) = vpow2.f32 v11;
	v3 =	vpop (erf)  }
0x616: {  	s30 =	simm.s32 $0x1D608;
	s5 =	simm.s32 $0x140;
	s12 =	simm.s32 $0x1D648;
	v13 =	vsub.f32 v25, v22;
	[tilespmem:s19+$0xFFFFFFE0] =	vst v21;
	v17 =	vmul.f32 $1.442695020e+00, v8;
	v8 =	vld [tilespmem:s21+$0x0];
	v3 =	vmul.f32 v3, v0;
	v12 =	vpop (erf)  }
0x617: {  	s9 =	simm.s32 $0x1BE48;
	v18 =	vsub.f32 v18, v20;
	s17 =	simm.s32 $0x10F48;
	v11 =	vld [tilespmem:s21+$0x10];
	s21 =	simm.s32 $0x1D648;
	[tilespmem:s19+$0x10] =	vst v23;
	(erf) = vrcp.f32 v26;
	v20 =	vpop (erf);
	v12 =	vmul.f32 v12, v0  }
.LBB2_20:
0x618: {  	v21 =	vld [tilespmem:s9+$0xFFFFFFE0];
	s5 =	sadd.s32 $0x40, s5;
	v19 =	vmul.f32 v19, v2;
	v20 =	vadd.f32 $1.000000000e+00, v20;
	s12 =	sadd.s32 $0x40, s12;
	v22 =	vpop (erf);
	(erf) = vrcp.f32 v16  }
0x619: {  	v15 =	vadd.f32 $1.000000000e+00, v15;
	p0 =	slt.u32 s5, $0x18C0;
	v16 =	vmul.f32 v18, v2;
	(erf) = vpow2.f32 v17;
	[tilespmem:s19+$0x0] =	vst v12;
	v12 =	vmovc v6;
	v6 =	vld [tilespmem:s9+$0x10];
	v17 =	vmovc v5;
	s19 =	smov.u32 s30;
	s30 =	smov.u32 s21  }
0x61a: {  	v13 =	vmul.f32 v13, v2;
	s21 =	smov.u32 s12;
	v18 =	vld [tilespmem:s9+$0xFFFFFFF0];
	v19 =	vadd.f32 v19, v1;
	v23 =	vpop (erf);
	(erf) = vrcp.f32 v20  }
0x61b: {  	v14 =	vmul.f32 $1.442695020e+00, v14;
	v20 =	vmul.f32 v22, v0;
	v5 =	vld [tilespmem:s9+$0x0];
	v27 =	vadd.f32 v16, v1;
	v22 =	vpop (erf)  }
0x61c: {  	v25 =	vsub.f32 v7, v4;
	v7 =	vmovc v8;
	v4 =	vmovc v17;
	v24 =	vld [tilespmem:s17+$0xFFFFFFF0];
	v19 =	vmul.f32 $1.442695020e+00, v19;
	(erf) = vpow2.f32 v10  }
0x61d: {  	v17 =	vmov v9;
	v26 =	vld [tilespmem:s17+$0xFFFFFFE0];
	v10 =	vmul.f32 $1.442695020e+00, v27;
	v16 =	vpop (erf);
	(erf) = vrcp.f32 v15;
	[tilespmem:s19+$0xFFFFFFF0] =	vst v20  }
.Ltmp9:
0x61e: {  	v9 =	vadd.f32 v13, v1;
	v13 =	vmul.f32 v25, v2;
	v8 =	vld [tilespmem:s17+$0x0];
	v15 =	vpop (erf);
	v16 =	vadd.f32 $1.000000000e+00, v16;
	(pc) =	sbr.rel @p0 .LBB2_20-.Ltmp9, $4  }
0x61f: {  	v25 =	vadd.f32 $1.000000000e+00, v23;
	v22 =	vmul.f32 v22, v0;
	v23 =	vmovc v3;
	(erf) = vpow2.f32 v14  }
0x620: {  	v17 =	vmul.f32 $1.442695020e+00, v17;
	v14 =	vadd.f32 v13, v1;
	(erf) = vpow2.f32 v19;
	v3 =	vpop (erf)  }
0x621: {  	v19 =	vsub.f32 v11, v12;
	v13 =	vsub.f32 v24, v18;
	v3 =	vmul.f32 v3, v0;
	[tilespmem:s19+$0x10] =	vst v22;
	v12 =	vpop (erf)  }
0x622: {  	s9 =	sadd.s32 $0x40, s9;
	v18 =	vsub.f32 v26, v21;
	v11 =	vld [tilespmem:s17+$0x10];
	s17 =	sadd.s32 $0x40, s17;
	(erf) = vrcp.f32 v25;
	v20 =	vpop (erf);
	[tilespmem:s19+$0xFFFFFFE0] =	vst v23;
	v12 =	vmul.f32 v12, v0  }
0x623: {  	v19 =	vmul.f32 v19, v2  }
0x624: {  	(erf) = vrcp.f32 v16  }
0x625: {  	v20 =	vadd.f32 $1.000000000e+00, v20;
	v15 =	vadd.f32 $1.000000000e+00, v15;
	(erf) = vpow2.f32 v17  }
0x626: {  	v16 =	vpop (erf)  }
0x627: {  	v17 =	vadd.f32 v19, v1;
	(erf) = vrcp.f32 v20;
	v19 =	vpop (erf)  }
0x628: {  	v14 =	vmul.f32 $1.442695020e+00, v14;
	(erf) = vpow2.f32 v10;
	v10 =	vpop (erf)  }
0x629: {  	v17 =	vmul.f32 $1.442695020e+00, v17;
	(erf) = vrcp.f32 v15;
	v15 =	vpop (erf)  }
0x62a: {  	v19 =	vadd.f32 $1.000000000e+00, v19;
	(erf) = vpow2.f32 v14;
	v14 =	vadd.f32 $1.000000000e+00, v15  }
0x62b: {  	v9 =	vmul.f32 $1.442695020e+00, v9;
	(erf) = vpow2.f32 v17;
	v15 =	vpop (erf)  }
0x62c: {  	v4 =	vsub.f32 v7, v4;
	v17 =	vmul.f32 v18, v2;
	(erf) = vrcp.f32 v19;
	v7 =	vpop (erf)  }
0x62d: {  	v6 =	vsub.f32 v11, v6;
	(erf) = vrcp.f32 v14;
	v11 =	vpop (erf)  }
0x62e: {  	v4 =	vmul.f32 v4, v2;
	(erf) = vpow2.f32 v9;
	v9 =	vadd.f32 v17, v1;
	v14 =	vpop (erf)  }
0x62f: {  	v6 =	vmul.f32 v6, v2;
	v14 =	vadd.f32 $1.000000000e+00, v14  }
0x630: {  	v4 =	vadd.f32 v4, v1;
	v9 =	vmul.f32 $1.442695020e+00, v9  }
0x631: {  	v13 =	vmul.f32 v13, v2;
	v6 =	vadd.f32 v6, v1;
	v17 =	vpop (erf)  }
0x632: {  	v4 =	vmul.f32 $1.442695020e+00, v4;
	v15 =	vadd.f32 $1.000000000e+00, v15;
	v18 =	vpop (erf);
	(erf) = vrcp.f32 v14  }
0x633: {  	v6 =	vmul.f32 $1.442695020e+00, v6;
	v14 =	vpop (erf);
	(erf) = vpow2.f32 v9  }
0x634: {  	v5 =	vsub.f32 v8, v5;
	v9 =	vpop (erf);
	(erf) = vrcp.f32 v15;
	v15 =	vadd.f32 $1.000000000e+00, v18  }
0x635: {  	v8 =	vpop (erf)  }
0x636: {  	v13 =	vadd.f32 v13, v1;
	v5 =	vmul.f32 v5, v2;
	(erf) = vpow2.f32 v4;
	v4 =	vpop (erf)  }
0x637: {  	v9 =	vadd.f32 $1.000000000e+00, v9;
	(erf) = vpow2.f32 v6;
	v6 =	vpop (erf)  }
0x638: {  	v13 =	vmul.f32 $1.442695020e+00, v13;
	v5 =	vadd.f32 v5, v1;
	(erf) = vrcp.f32 v15;
	v15 =	vpop (erf)  }
0x639: {  	v8 =	vadd.f32 $1.000000000e+00, v8;
	(erf) = vrcp.f32 v9;
	v15 =	vadd.f32 $1.000000000e+00, v15  }
0x63a: {  	v5 =	vmul.f32 $1.442695020e+00, v5;
	(erf) = vpow2.f32 v13  }
0x63b: {  	(erf) = vrcp.f32 v15  }
0x63c: {  	v9 =	vpop (erf);
	(erf) = vrcp.f32 v8  }
0x63d: {  	v8 =	vpop (erf);
	(erf) = vpow2.f32 v5  }
0x63e: {  	v15 =	vmul.f32 v16, v0;
	v5 =	vpop (erf)  }
0x63f: {  	v13 =	vpop (erf)  }
0x640: {  	[tilespmem:s30+$0xFFFFFFE0] =	vst v3;
	v16 =	vpop (erf)  }
0x641: {  	[tilespmem:s19+$0x0] =	vst v12;
	v10 =	vmul.f32 v10, v0;
	v12 =	vpop (erf)  }
0x642: {  	v3 =	vmul.f32 v17, v0;
	[tilespmem:s30+$0xFFFFFFF0] =	vst v15;
	v8 =	vadd.f32 $1.000000000e+00, v8;
	v15 =	vpop (erf)  }
0x643: {  	[tilespmem:s30+$0x10] =	vst v10;
	v10 =	vmul.f32 v11, v0;
	v11 =	vadd.f32 $1.000000000e+00, v13;
	v13 =	vpop (erf)  }
0x644: {  	(erf) = vrcp.f32 v8;
	v8 =	vadd.f32 $1.000000000e+00, v13;
	v13 =	vpop (erf)  }
0x645: {  	[tilespmem:s30+$0x0] =	vst v10;
	v10 =	vmul.f32 v14, v0;
	v14 =	vpop (erf)  }
0x646: {  	[tilespmem:s21+$0xFFFFFFF0] =	vst v3;
	(erf) = vrcp.f32 v11;
	v11 =	vadd.f32 $1.000000000e+00, v16;
	v3 =	vpop (erf)  }
0x647: {  	(erf) = vrcp.f32 v8;
	v3 =	vadd.f32 $1.000000000e+00, v3  }
0x648: {  	v7 =	vmul.f32 v7, v0;
	(erf) = vrcp.f32 v11  }
0x649: {  	(erf) = vrcp.f32 v3;
	v3 =	vmul.f32 v4, v0  }
0x64a: {  	s5 =	sadd.s32 $0x40, s12;
	[tilespmem:s21+$0xFFFFFFE0] =	vst v7;
	v5 =	vmul.f32 v5, v0;
	v4 =	vmul.f32 v15, v0  }
0x64b: {  	v6 =	vmul.f32 v6, v0;
	[tilespmem:s5+$0xFFFFFFE0] =	vst v3;
	v3 =	vmul.f32 v13, v0  }
0x64c: {  	[tilespmem:s5+$0x0] =	vst v4;
	v4 =	vmul.f32 v14, v0  }
0x64d: {  	[tilespmem:s21+$0x0] =	vst v6  }
0x64e: {  	s9 =	sadd.s32 $0x40, s5;
	[tilespmem:s5+$0x10] =	vst v5;
	v5 =	vpop (erf)  }
0x64f: {  	v6 =	vmul.f32 v12, v0;
	[tilespmem:s9+$0xFFFFFFF0] =	vst v3;
	v3 =	vpop (erf)  }
0x650: {  	v7 =	vmul.f32 v9, v0;
	[tilespmem:s9+$0x10] =	vst v4;
	v4 =	vpop (erf)  }
0x651: {  	[tilespmem:s21+$0x10] =	vst v10;
	v4 =	vmul.f32 v4, v0  }
0x652: {  	[tilespmem:s5+$0xFFFFFFF0] =	vst v7;
	v3 =	vmul.f32 v3, v0  }
0x653: {  	[tilespmem:s9+$0xFFFFFFE0] =	vst v6;
	v6 =	vpop (erf)  }
0x654: {  	s12 =	sadd.s32 $0x40, s9;
	[tilespmem:s9+$0x0] =	vst v3;
	v3 =	vmul.f32 v6, v0  }
0x655: {  	v5 =	vmul.f32 v5, v0;
	[tilespmem:s12+$0xFFFFFFF0] =	vst v4;
	v4 =	vpop (erf)  }
0x656: {  	[tilespmem:s12+$0x10] =	vst v3;
	v3 =	vmul.f32 v4, v0  }
0x657: {  	[tilespmem:s12+$0xFFFFFFE0] =	vst v5  }
0x658: {  	[tilespmem:s12+$0x0] =	vst v3  }
0x659: {  	s5 =	sld [smem:$0x7DC];
	_ =	sdelay $0x1  }
0x65a: {  	s17 =	sld [smem:$0x7E3]  }
0x65b: {  	[hbm4b:s5+s1] =	stream.linear.scatter [tilespmem:s23], [sflag:$0xB], $0x1900, $0x38;
	[tilespmem:$0x1EEA8] =	vst v63  }
0x65c: {  	s19 =	sld [smem:$0x7E4]  }
0x65d: {  	[tilespmem:s16], [sflag:$0x3] =	stream.linear.gather [hbm4b:s17+s1], $0x1900, $0x38;
	[tilespmem:$0x1EEA8] =	vst v63  }
0x65e: {  	s21 =	simm.s32 $0x10DA8  }
0x65f: {  	[tilespmem:s21], [sflag:$0x3] =	stream.linear.gather [hbm4b:s19+s1], $0x1900, $0x38;
	[tilespmem:$0x1EEA8] =	vst v63  }
0x660: {  	_ =	swait.ge [sflag:s8], $0x1900  }
0x661: {  	[sflag:s8] =	ssyncset.done $0x0  }
0x662: {  	[sflag:s8] =	ssyncadd.s32 $0xFFFFE700  }
0x663: {  	_ =	swait.ge [sflag:s8], $0x1900  }
0x664: {  	[sflag:s8] =	ssyncset.done $0x0  }
0x665: {  	[sflag:s8] =	ssyncadd.s32 $0xFFFFE700  }
0x666: {  	[tilespmem:s14], [sflag:$0x9] =	stream.indirect.gather [spmem:s29], $0x1, s20, s0, $0xb8;
	[tilespmem:$0x1EEA8] =	vst v63  }
0x667: {  	s9 =	simm.s32 $0x16528  }
0x668: {  	[tilespmem:s6], [sflag:$0xA] =	stream.indirect.gather [spmem:s29], $0x1, s9, s0, $0xb8;
	[tilespmem:$0x1EEA8] =	vst v63  }
0x669: {  	_ =	swait.ge [sflag:s22], $0xC80  }
0x66a: {  	[sflag:s22] =	ssyncset.done $0x0  }
0x66b: {  	[sflag:s22] =	ssyncadd.s32 $0xFFFFF380  }
0x66c: {  	_ =	swait.ge [sflag:s7], $0xC80  }
0x66d: {  	[sflag:s7] =	ssyncset.done $0x0  }
0x66e: {  	[sflag:s7] =	ssyncadd.s32 $0xFFFFF380  }
0x66f: {  	_ =	swait.ge [sflag:s26], $0x1900  }
0x670: {  	[sflag:s26] =	ssyncset.done $0x0  }
0x671: {  	s12 =	simm.s32 $0x18AC8;
	[sflag:s26] =	ssyncadd.s32 $0xFFFFE700  }
0x672: {  	v3 =	vld [tilespmem:s12+$0xFFFFFFE0]  }
0x673: {  	v4 =	vld [tilespmem:s12+$0x10]  }
0x674: {  	v5 =	vld [tilespmem:s12+$0xFFFFFFF0]  }
0x675: {  	s17 =	simm.s32 $0x13FC8;
	v6 =	vld [tilespmem:s12+$0x0]  }
0x676: {  	v7 =	vld [tilespmem:s17+$0xFFFFFFE0]  }
0x677: {  	v8 =	vld [tilespmem:s17+$0xFFFFFFF0]  }
0x678: {  	v9 =	vld [tilespmem:s17+$0x0]  }
0x679: {  	s19 =	simm.s32 $0x18B08;
	v10 =	vld [tilespmem:s17+$0x10]  }
0x67a: {  	v11 =	vld [tilespmem:s19+$0xFFFFFFE0]  }
0x67b: {  	v12 =	vld [tilespmem:s19+$0xFFFFFFF0]  }
0x67c: {  	s21 =	simm.s32 $0x14008;
	v13 =	vld [tilespmem:s19+$0x0]  }
0x67d: {  	s5 =	simm.s32 $0x14048;
	v14 =	vld [tilespmem:s21+$0xFFFFFFE0];
	v3 =	vsub.f32 v7, v3  }
0x67e: {  	s17 =	simm.s32 $0x18B48;
	v16 =	vld [tilespmem:s5+$0xFFFFFFE0]  }
0x67f: {  	v15 =	vld [tilespmem:s17+$0xFFFFFFE0];
	v4 =	vsub.f32 v10, v4;
	v3 =	vmul.f32 v3, v2  }
0x680: {  	v7 =	vld [tilespmem:s19+$0x10];
	v5 =	vsub.f32 v8, v5  }
0x681: {  	v6 =	vsub.f32 v9, v6;
	v9 =	vld [tilespmem:s21+$0x0];
	v4 =	vmul.f32 v4, v2;
	v3 =	vadd.f32 v3, v1  }
0x682: {  	v10 =	vld [tilespmem:s21+$0x10];
	v11 =	vsub.f32 v14, v11;
	v5 =	vmul.f32 v5, v2  }
0x683: {  	v17 =	vld [tilespmem:s17+$0x10];
	v4 =	vadd.f32 v4, v1;
	v3 =	vmul.f32 $1.442695020e+00, v3  }
0x684: {  	v8 =	vld [tilespmem:s21+$0xFFFFFFF0];
	v11 =	vmul.f32 v11, v2;
	v5 =	vadd.f32 v5, v1  }
0x685: {  	v14 =	vld [tilespmem:s17+$0xFFFFFFF0];
	v4 =	vmul.f32 $1.442695020e+00, v4;
	(erf) = vpow2.f32 v3  }
0x686: {  	v6 =	vmul.f32 v6, v2;
	v9 =	vsub.f32 v9, v13;
	v5 =	vmul.f32 $1.442695020e+00, v5;
	v3 =	vld [tilespmem:s5+$0xFFFFFFF0]  }
0x687: {  	v13 =	vld [tilespmem:s5+$0x0];
	(erf) = vpow2.f32 v4;
	v4 =	vsub.f32 v10, v7;
	v7 =	vadd.f32 v11, v1  }
0x688: {  	s21 =	simm.s32 $0x14088;
	v6 =	vadd.f32 v6, v1;
	v10 =	vsub.f32 v16, v15;
	v11 =	vld [tilespmem:s5+$0x10];
	(erf) = vpow2.f32 v5  }
0x689: {  	s12 =	simm.s32 $0x18B88;
	v15 =	vld [tilespmem:s21+$0xFFFFFFF0];
	v4 =	vmul.f32 v4, v2;
	v7 =	vmul.f32 $1.442695020e+00, v7  }
0x68a: {  	v6 =	vmul.f32 $1.442695020e+00, v6;
	v5 =	vsub.f32 v8, v12;
	v8 =	vld [tilespmem:s12+$0xFFFFFFE0];
	v10 =	vmul.f32 v10, v2  }
0x68b: {  	v3 =	vsub.f32 v3, v14;
	v4 =	vadd.f32 v4, v1;
	v14 =	vld [tilespmem:s21+$0xFFFFFFE0];
	(erf) = vpow2.f32 v7  }
0x68c: {  	v5 =	vmul.f32 v5, v2;
	v10 =	vadd.f32 v10, v1;
	(erf) = vpow2.f32 v6;
	v6 =	vld [tilespmem:s17+$0x0]  }
0x68d: {  	v9 =	vmul.f32 v9, v2;
	v12 =	vld [tilespmem:s12+$0xFFFFFFF0];
	v4 =	vmul.f32 $1.442695020e+00, v4  }
0x68e: {  	v5 =	vadd.f32 v5, v1;
	v3 =	vmul.f32 v3, v2;
	v10 =	vmul.f32 $1.442695020e+00, v10;
	v7 =	vpop (erf)  }
0x68f: {  	(erf) = vpow2.f32 v4;
	v4 =	vsub.f32 v11, v17;
	v7 =	vadd.f32 $1.000000000e+00, v7  }
0x690: {  	v5 =	vmul.f32 $1.442695020e+00, v5;
	v3 =	vadd.f32 v3, v1;
	v16 =	vpop (erf);
	v8 =	vsub.f32 v14, v8  }
0x691: {  	v11 =	vld [tilespmem:s12+$0x10];
	v14 =	vpop (erf);
	v4 =	vmul.f32 v4, v2;
	v6 =	vsub.f32 v13, v6;
	(erf) = vrcp.f32 v7  }
0x692: {  	s9 =	simm.s32 $0x18BC8;
	v7 =	vsub.f32 v15, v12;
	v12 =	vld [tilespmem:s21+$0x10];
	v14 =	vadd.f32 $1.000000000e+00, v14;
	(erf) = vpow2.f32 v5  }
0x693: {  	v3 =	vmul.f32 $1.442695020e+00, v3;
	v15 =	vadd.f32 $1.000000000e+00, v16;
	v16 =	vld [tilespmem:s9+$0xFFFFFFF0];
	v5 =	vadd.f32 v9, v1  }
0x694: {  	s19 =	simm.s32 $0x140C8;
	v8 =	vmul.f32 v8, v2;
	v9 =	vld [tilespmem:s9+$0xFFFFFFE0];
	v4 =	vadd.f32 v4, v1;
	v6 =	vmul.f32 v6, v2  }
0x695: {  	(erf) = vrcp.f32 v14;
	v14 =	vld [tilespmem:s19+$0xFFFFFFF0];
	v5 =	vmul.f32 $1.442695020e+00, v5  }
0x696: {  	v4 =	vmul.f32 $1.442695020e+00, v4;
	(erf) = vpow2.f32 v10;
	v10 =	vld [tilespmem:s19+$0xFFFFFFE0]  }
0x697: {  	v7 =	vmul.f32 v7, v2;
	v13 =	vpop (erf);
	v8 =	vadd.f32 v8, v1;
	(erf) = vrcp.f32 v15  }
0x698: {  	v18 =	vld [tilespmem:s21+$0x0];
	v17 =	vpop (erf);
	v13 =	vadd.f32 $1.000000000e+00, v13;
	v6 =	vadd.f32 v6, v1;
	(erf) = vpow2.f32 v5  }
0x699: {  	v8 =	vmul.f32 $1.442695020e+00, v8;
	v15 =	vadd.f32 $1.000000000e+00, v17;
	v5 =	vld [tilespmem:s12+$0x0];
	v11 =	vsub.f32 v12, v11;
	v17 =	vpop (erf)  }
0x69a: {  	v19 =	vld [tilespmem:s19+$0x10];
	v23 =	vmul.f32 $1.442695020e+00, v6;
	(erf) = vpow2.f32 v4;
	v14 =	vsub.f32 v14, v16;
	v4 =	vpop (erf)  }
0x69b: {  	v12 =	vld [tilespmem:s9+$0x10];
	(erf) = vrcp.f32 v13;
	v11 =	vmul.f32 v11, v2;
	v9 =	vsub.f32 v10, v9;
	v10 =	vpop (erf)  }
0x69c: {  	s17 =	simm.s32 $0x18C08;
	(erf) = vrcp.f32 v15;
	v14 =	vmul.f32 v14, v2;
	v10 =	vadd.f32 $1.000000000e+00, v10  }
0x69d: {  	v20 =	vld [tilespmem:s17+$0xFFFFFFE0];
	v21 =	vmul.f32 v4, v0;
	(erf) = vpow2.f32 v3  }
0x69e: {  	v22 =	vld [tilespmem:s17+$0xFFFFFFF0];
	s21 =	simm.s32 $0x14108;
	v3 =	vadd.f32 $1.000000000e+00, v17;
	v5 =	vsub.f32 v18, v5;
	v13 =	vpop (erf);
	(erf) = vrcp.f32 v10  }
0x69f: {  	v25 =	vld [tilespmem:s21+$0xFFFFFFF0];
	v11 =	vadd.f32 v11, v1;
	v9 =	vmul.f32 v9, v2;
	v17 =	vpop (erf);
	(erf) = vpow2.f32 v8  }
0x6a0: {  	v18 =	vld [tilespmem:s21+$0xFFFFFFE0];
	v19 =	vsub.f32 v19, v12;
	v24 =	vpop (erf);
	(erf) = vrcp.f32 v3;
	v3 =	vmul.f32 v5, v2  }
0x6a1: {  	v11 =	vmul.f32 $1.442695020e+00, v11;
	v9 =	vadd.f32 v9, v1;
	v8 =	vadd.f32 v7, v1;
	v6 =	vpop (erf);
	v7 =	vld [tilespmem:s19+$0x0]  }
0x6a2: {  	v13 =	vmul.f32 v13, v0;
	v26 =	vadd.f32 $1.000000000e+00, v17;
	v16 =	vadd.f32 $1.000000000e+00, v6;
	v6 =	vld [tilespmem:s17+$0x10]  }
0x6a3: {  	v10 =	vmul.f32 $1.442695020e+00, v9;
	v9 =	vadd.f32 v14, v1;
	s19 =	simm.s32 $0x1A3C8;
	v15 =	vpop (erf);
	v5 =	vld [tilespmem:s17+$0x0];
	(erf) = vpow2.f32 v23  }
0x6a4: {  	v4 =	vld [tilespmem:s9+$0x0];
	[tilespmem:s19+$0xFFFFFFF0] =	vst v13;
	v23 =	vmul.f32 v24, v0;
	v14 =	vadd.f32 v3, v1;
	(erf) = vpow2.f32 v11;
	v3 =	vpop (erf)  }
0x6a5: {  	s30 =	simm.s32 $0x1A408;
	s5 =	simm.s32 $0x140;
	s12 =	simm.s32 $0x1A448;
	v13 =	vsub.f32 v25, v22;
	[tilespmem:s19+$0xFFFFFFE0] =	vst v21;
	v17 =	vmul.f32 $1.442695020e+00, v8;
	v8 =	vld [tilespmem:s21+$0x0];
	v3 =	vmul.f32 v3, v0;
	v12 =	vpop (erf)  }
0x6a6: {  	s9 =	simm.s32 $0x18C48;
	v18 =	vsub.f32 v18, v20;
	s17 =	simm.s32 $0x14148;
	v11 =	vld [tilespmem:s21+$0x10];
	s21 =	simm.s32 $0x1A448;
	[tilespmem:s19+$0x10] =	vst v23;
	(erf) = vrcp.f32 v26;
	v20 =	vpop (erf);
	v12 =	vmul.f32 v12, v0  }
.LBB2_22:
0x6a7: {  	v21 =	vld [tilespmem:s9+$0xFFFFFFE0];
	s5 =	sadd.s32 $0x40, s5;
	v19 =	vmul.f32 v19, v2;
	v20 =	vadd.f32 $1.000000000e+00, v20;
	s12 =	sadd.s32 $0x40, s12;
	v22 =	vpop (erf);
	(erf) = vrcp.f32 v16  }
0x6a8: {  	v15 =	vadd.f32 $1.000000000e+00, v15;
	p0 =	slt.u32 s5, $0x18C0;
	v16 =	vmul.f32 v18, v2;
	(erf) = vpow2.f32 v17;
	[tilespmem:s19+$0x0] =	vst v12;
	v12 =	vmovc v6;
	v6 =	vld [tilespmem:s9+$0x10];
	v17 =	vmovc v5;
	s19 =	smov.u32 s30;
	s30 =	smov.u32 s21  }
0x6a9: {  	v13 =	vmul.f32 v13, v2;
	s21 =	smov.u32 s12;
	v18 =	vld [tilespmem:s9+$0xFFFFFFF0];
	v19 =	vadd.f32 v19, v1;
	v23 =	vpop (erf);
	(erf) = vrcp.f32 v20  }
0x6aa: {  	v14 =	vmul.f32 $1.442695020e+00, v14;
	v20 =	vmul.f32 v22, v0;
	v5 =	vld [tilespmem:s9+$0x0];
	v27 =	vadd.f32 v16, v1;
	v22 =	vpop (erf)  }
0x6ab: {  	v25 =	vsub.f32 v7, v4;
	v7 =	vmovc v8;
	v4 =	vmovc v17;
	v24 =	vld [tilespmem:s17+$0xFFFFFFF0];
	v19 =	vmul.f32 $1.442695020e+00, v19;
	(erf) = vpow2.f32 v10  }
0x6ac: {  	v17 =	vmov v9;
	v26 =	vld [tilespmem:s17+$0xFFFFFFE0];
	v10 =	vmul.f32 $1.442695020e+00, v27;
	v16 =	vpop (erf);
	(erf) = vrcp.f32 v15;
	[tilespmem:s19+$0xFFFFFFF0] =	vst v20  }
.Ltmp10:
0x6ad: {  	v9 =	vadd.f32 v13, v1;
	v13 =	vmul.f32 v25, v2;
	v8 =	vld [tilespmem:s17+$0x0];
	v15 =	vpop (erf);
	v16 =	vadd.f32 $1.000000000e+00, v16;
	(pc) =	sbr.rel @p0 .LBB2_22-.Ltmp10, $4  }
0x6ae: {  	v25 =	vadd.f32 $1.000000000e+00, v23;
	v22 =	vmul.f32 v22, v0;
	v23 =	vmovc v3;
	(erf) = vpow2.f32 v14  }
0x6af: {  	v17 =	vmul.f32 $1.442695020e+00, v17;
	v14 =	vadd.f32 v13, v1;
	(erf) = vpow2.f32 v19;
	v3 =	vpop (erf)  }
0x6b0: {  	v19 =	vsub.f32 v11, v12;
	v13 =	vsub.f32 v24, v18;
	v3 =	vmul.f32 v3, v0;
	[tilespmem:s19+$0x10] =	vst v22;
	v12 =	vpop (erf)  }
0x6b1: {  	s9 =	sadd.s32 $0x40, s9;
	v18 =	vsub.f32 v26, v21;
	v11 =	vld [tilespmem:s17+$0x10];
	s17 =	sadd.s32 $0x40, s17;
	(erf) = vrcp.f32 v25;
	v20 =	vpop (erf);
	[tilespmem:s19+$0xFFFFFFE0] =	vst v23;
	v12 =	vmul.f32 v12, v0  }
0x6b2: {  	v19 =	vmul.f32 v19, v2  }
0x6b3: {  	(erf) = vrcp.f32 v16  }
0x6b4: {  	v20 =	vadd.f32 $1.000000000e+00, v20;
	v15 =	vadd.f32 $1.000000000e+00, v15;
	(erf) = vpow2.f32 v17  }
0x6b5: {  	v16 =	vpop (erf)  }
0x6b6: {  	v17 =	vadd.f32 v19, v1;
	(erf) = vrcp.f32 v20;
	v19 =	vpop (erf)  }
0x6b7: {  	v14 =	vmul.f32 $1.442695020e+00, v14;
	(erf) = vpow2.f32 v10;
	v10 =	vpop (erf)  }
0x6b8: {  	v17 =	vmul.f32 $1.442695020e+00, v17;
	(erf) = vrcp.f32 v15;
	v15 =	vpop (erf)  }
0x6b9: {  	v19 =	vadd.f32 $1.000000000e+00, v19;
	(erf) = vpow2.f32 v14;
	v14 =	vadd.f32 $1.000000000e+00, v15  }
0x6ba: {  	v9 =	vmul.f32 $1.442695020e+00, v9;
	(erf) = vpow2.f32 v17;
	v15 =	vpop (erf)  }
0x6bb: {  	v4 =	vsub.f32 v7, v4;
	v17 =	vmul.f32 v18, v2;
	(erf) = vrcp.f32 v19;
	v7 =	vpop (erf)  }
0x6bc: {  	v6 =	vsub.f32 v11, v6;
	(erf) = vrcp.f32 v14;
	v11 =	vpop (erf)  }
0x6bd: {  	v4 =	vmul.f32 v4, v2;
	(erf) = vpow2.f32 v9;
	v9 =	vadd.f32 v17, v1;
	v14 =	vpop (erf)  }
0x6be: {  	v6 =	vmul.f32 v6, v2;
	v14 =	vadd.f32 $1.000000000e+00, v14  }
0x6bf: {  	v4 =	vadd.f32 v4, v1;
	v9 =	vmul.f32 $1.442695020e+00, v9  }
0x6c0: {  	v13 =	vmul.f32 v13, v2;
	v6 =	vadd.f32 v6, v1;
	v17 =	vpop (erf)  }
0x6c1: {  	v4 =	vmul.f32 $1.442695020e+00, v4;
	v15 =	vadd.f32 $1.000000000e+00, v15;
	v18 =	vpop (erf);
	(erf) = vrcp.f32 v14  }
0x6c2: {  	v6 =	vmul.f32 $1.442695020e+00, v6;
	v14 =	vpop (erf);
	(erf) = vpow2.f32 v9  }
0x6c3: {  	v5 =	vsub.f32 v8, v5;
	v9 =	vpop (erf);
	(erf) = vrcp.f32 v15;
	v15 =	vadd.f32 $1.000000000e+00, v18  }
0x6c4: {  	v8 =	vpop (erf)  }
0x6c5: {  	v13 =	vadd.f32 v13, v1;
	v5 =	vmul.f32 v5, v2;
	(erf) = vpow2.f32 v4;
	v4 =	vpop (erf)  }
0x6c6: {  	v9 =	vadd.f32 $1.000000000e+00, v9;
	(erf) = vpow2.f32 v6;
	v6 =	vpop (erf)  }
0x6c7: {  	v13 =	vmul.f32 $1.442695020e+00, v13;
	v5 =	vadd.f32 v5, v1;
	(erf) = vrcp.f32 v15;
	v15 =	vpop (erf)  }
0x6c8: {  	v8 =	vadd.f32 $1.000000000e+00, v8;
	(erf) = vrcp.f32 v9;
	v15 =	vadd.f32 $1.000000000e+00, v15  }
0x6c9: {  	v5 =	vmul.f32 $1.442695020e+00, v5;
	(erf) = vpow2.f32 v13  }
0x6ca: {  	(erf) = vrcp.f32 v15  }
0x6cb: {  	v9 =	vpop (erf);
	(erf) = vrcp.f32 v8  }
0x6cc: {  	v8 =	vpop (erf);
	(erf) = vpow2.f32 v5  }
0x6cd: {  	v15 =	vmul.f32 v16, v0;
	v5 =	vpop (erf)  }
0x6ce: {  	v13 =	vpop (erf)  }
0x6cf: {  	[tilespmem:s30+$0xFFFFFFE0] =	vst v3;
	v16 =	vpop (erf)  }
0x6d0: {  	[tilespmem:s19+$0x0] =	vst v12;
	v10 =	vmul.f32 v10, v0;
	v12 =	vpop (erf)  }
0x6d1: {  	v3 =	vmul.f32 v17, v0;
	[tilespmem:s30+$0xFFFFFFF0] =	vst v15;
	v8 =	vadd.f32 $1.000000000e+00, v8;
	v15 =	vpop (erf)  }
0x6d2: {  	[tilespmem:s30+$0x10] =	vst v10;
	v10 =	vmul.f32 v11, v0;
	v11 =	vadd.f32 $1.000000000e+00, v13;
	v13 =	vpop (erf)  }
0x6d3: {  	(erf) = vrcp.f32 v8;
	v8 =	vadd.f32 $1.000000000e+00, v13;
	v13 =	vpop (erf)  }
0x6d4: {  	[tilespmem:s30+$0x0] =	vst v10;
	v10 =	vmul.f32 v14, v0;
	v14 =	vpop (erf)  }
0x6d5: {  	[tilespmem:s21+$0xFFFFFFF0] =	vst v3;
	(erf) = vrcp.f32 v11;
	v11 =	vadd.f32 $1.000000000e+00, v16;
	v3 =	vpop (erf)  }
0x6d6: {  	(erf) = vrcp.f32 v8;
	v3 =	vadd.f32 $1.000000000e+00, v3  }
0x6d7: {  	v7 =	vmul.f32 v7, v0;
	(erf) = vrcp.f32 v11  }
0x6d8: {  	(erf) = vrcp.f32 v3;
	v3 =	vmul.f32 v4, v0  }
0x6d9: {  	s5 =	sadd.s32 $0x40, s12;
	[tilespmem:s21+$0xFFFFFFE0] =	vst v7;
	v5 =	vmul.f32 v5, v0;
	v4 =	vmul.f32 v15, v0  }
0x6da: {  	v6 =	vmul.f32 v6, v0;
	[tilespmem:s5+$0xFFFFFFE0] =	vst v3;
	v3 =	vmul.f32 v13, v0  }
0x6db: {  	[tilespmem:s5+$0x0] =	vst v4;
	v4 =	vmul.f32 v14, v0  }
0x6dc: {  	[tilespmem:s21+$0x0] =	vst v6  }
0x6dd: {  	s9 =	sadd.s32 $0x40, s5;
	[tilespmem:s5+$0x10] =	vst v5;
	v5 =	vpop (erf)  }
0x6de: {  	v6 =	vmul.f32 v12, v0;
	[tilespmem:s9+$0xFFFFFFF0] =	vst v3;
	v3 =	vpop (erf)  }
0x6df: {  	v7 =	vmul.f32 v9, v0;
	[tilespmem:s9+$0x10] =	vst v4;
	v4 =	vpop (erf)  }
0x6e0: {  	[tilespmem:s21+$0x10] =	vst v10;
	v4 =	vmul.f32 v4, v0  }
0x6e1: {  	[tilespmem:s5+$0xFFFFFFF0] =	vst v7;
	v3 =	vmul.f32 v3, v0  }
0x6e2: {  	[tilespmem:s9+$0xFFFFFFE0] =	vst v6;
	v6 =	vpop (erf)  }
0x6e3: {  	s12 =	sadd.s32 $0x40, s9;
	[tilespmem:s9+$0x0] =	vst v3;
	v3 =	vmul.f32 v6, v0  }
0x6e4: {  	v5 =	vmul.f32 v5, v0;
	[tilespmem:s12+$0xFFFFFFF0] =	vst v4;
	v4 =	vpop (erf)  }
0x6e5: {  	[tilespmem:s12+$0x10] =	vst v3;
	v3 =	vmul.f32 v4, v0  }
0x6e6: {  	[tilespmem:s12+$0xFFFFFFE0] =	vst v5  }
0x6e7: {  	[tilespmem:s12+$0x0] =	vst v3  }
0x6e8: {  	s5 =	sld [smem:$0x7DF];
	_ =	sdelay $0x1  }
0x6e9: {  	s17 =	sld [smem:$0x7E9]  }
0x6ea: {  	[hbm4b:s5+s1] =	stream.linear.scatter [tilespmem:s15], [sflag:$0x8], $0x1900, $0x38;
	[tilespmem:$0x1EEA8] =	vst v63  }
0x6eb: {  	s19 =	sld [smem:$0x7EC]  }
0x6ec: {  	[tilespmem:s18], [sflag:$0x4] =	stream.linear.gather [hbm4b:s17+s1], $0x1900, $0x38;
	[tilespmem:$0x1EEA8] =	vst v63  }
0x6ed: {  	s21 =	simm.s32 $0x13FA8  }
0x6ee: {  	[tilespmem:s21], [sflag:$0x4] =	stream.linear.gather [hbm4b:s19+s1], $0x1900, $0x38;
	[tilespmem:$0x1EEA8] =	vst v63  }
0x6ef: {  	_ =	swait.ge [sflag:s31], $0x1900  }
0x6f0: {  	[sflag:s31] =	ssyncset.done $0x0  }
0x6f1: {  	[sflag:s31] =	ssyncadd.s32 $0xFFFFE700  }
0x6f2: {  	_ =	swait.ge [sflag:s31], $0x1900  }
0x6f3: {  	[sflag:s31] =	ssyncset.done $0x0  }
0x6f4: {  	[sflag:s31] =	ssyncadd.s32 $0xFFFFE700  }
0x6f5: {  	[tilespmem:s13], [sflag:$0x6] =	stream.indirect.gather [spmem:s29], $0x1, s16, s0, $0xb8;
	[tilespmem:$0x1EEA8] =	vst v63  }
0x6f6: {  	_ = 	snop  }
0x6f7: {  	[tilespmem:s3], [sflag:$0x7] =	stream.indirect.gather [spmem:s29], $0x1, s2, s0, $0xb8;
	[tilespmem:$0x1EEA8] =	vst v63  }
0x6f8: {  	_ =	swait.ge [sflag:s24], $0xC80  }
0x6f9: {  	[sflag:s24] =	ssyncset.done $0x0  }
0x6fa: {  	[sflag:s24] =	ssyncadd.s32 $0xFFFFF380  }
0x6fb: {  	_ =	swait.ge [sflag:s10], $0xC80  }
0x6fc: {  	[sflag:s10] =	ssyncset.done $0x0  }
0x6fd: {  	[sflag:s10] =	ssyncadd.s32 $0xFFFFF380  }
0x6fe: {  	_ =	swait.ge [sflag:s28], $0x1900  }
0x6ff: {  	[sflag:s28] =	ssyncset.done $0x0  }
0x700: {  	s12 =	simm.s32 $0x1BCC8;
	[sflag:s28] =	ssyncadd.s32 $0xFFFFE700  }
0x701: {  	v3 =	vld [tilespmem:s12+$0xFFFFFFE0]  }
0x702: {  	v4 =	vld [tilespmem:s12+$0x10]  }
0x703: {  	v5 =	vld [tilespmem:s12+$0xFFFFFFF0]  }
0x704: {  	s17 =	simm.s32 $0x171C8;
	v6 =	vld [tilespmem:s12+$0x0]  }
0x705: {  	v7 =	vld [tilespmem:s17+$0xFFFFFFE0]  }
0x706: {  	v8 =	vld [tilespmem:s17+$0xFFFFFFF0]  }
0x707: {  	v9 =	vld [tilespmem:s17+$0x0]  }
0x708: {  	s19 =	simm.s32 $0x1BD08;
	v10 =	vld [tilespmem:s17+$0x10]  }
0x709: {  	v11 =	vld [tilespmem:s19+$0xFFFFFFE0]  }
0x70a: {  	v12 =	vld [tilespmem:s19+$0xFFFFFFF0]  }
0x70b: {  	s21 =	simm.s32 $0x17208;
	v13 =	vld [tilespmem:s19+$0x0]  }
0x70c: {  	s5 =	simm.s32 $0x17248;
	v14 =	vld [tilespmem:s21+$0xFFFFFFE0];
	v3 =	vsub.f32 v7, v3  }
0x70d: {  	s17 =	simm.s32 $0x1BD48;
	v16 =	vld [tilespmem:s5+$0xFFFFFFE0]  }
0x70e: {  	v15 =	vld [tilespmem:s17+$0xFFFFFFE0];
	v4 =	vsub.f32 v10, v4;
	v3 =	vmul.f32 v3, v2  }
0x70f: {  	v7 =	vld [tilespmem:s19+$0x10];
	v5 =	vsub.f32 v8, v5  }
0x710: {  	v6 =	vsub.f32 v9, v6;
	v9 =	vld [tilespmem:s21+$0x0];
	v4 =	vmul.f32 v4, v2;
	v3 =	vadd.f32 v3, v1  }
0x711: {  	v10 =	vld [tilespmem:s21+$0x10];
	v11 =	vsub.f32 v14, v11;
	v5 =	vmul.f32 v5, v2  }
0x712: {  	v17 =	vld [tilespmem:s17+$0x10];
	v4 =	vadd.f32 v4, v1;
	v3 =	vmul.f32 $1.442695020e+00, v3  }
0x713: {  	v8 =	vld [tilespmem:s21+$0xFFFFFFF0];
	v11 =	vmul.f32 v11, v2;
	v5 =	vadd.f32 v5, v1  }
0x714: {  	v14 =	vld [tilespmem:s17+$0xFFFFFFF0];
	v4 =	vmul.f32 $1.442695020e+00, v4;
	(erf) = vpow2.f32 v3  }
0x715: {  	v6 =	vmul.f32 v6, v2;
	v9 =	vsub.f32 v9, v13;
	v5 =	vmul.f32 $1.442695020e+00, v5;
	v3 =	vld [tilespmem:s5+$0xFFFFFFF0]  }
0x716: {  	v13 =	vld [tilespmem:s5+$0x0];
	(erf) = vpow2.f32 v4;
	v4 =	vsub.f32 v10, v7;
	v7 =	vadd.f32 v11, v1  }
0x717: {  	s21 =	simm.s32 $0x17288;
	v6 =	vadd.f32 v6, v1;
	v10 =	vsub.f32 v16, v15;
	v11 =	vld [tilespmem:s5+$0x10];
	(erf) = vpow2.f32 v5  }
0x718: {  	s12 =	simm.s32 $0x1BD88;
	v15 =	vld [tilespmem:s21+$0xFFFFFFF0];
	v4 =	vmul.f32 v4, v2;
	v7 =	vmul.f32 $1.442695020e+00, v7  }
0x719: {  	v6 =	vmul.f32 $1.442695020e+00, v6;
	v5 =	vsub.f32 v8, v12;
	v8 =	vld [tilespmem:s12+$0xFFFFFFE0];
	v10 =	vmul.f32 v10, v2  }
0x71a: {  	v3 =	vsub.f32 v3, v14;
	v4 =	vadd.f32 v4, v1;
	v14 =	vld [tilespmem:s21+$0xFFFFFFE0];
	(erf) = vpow2.f32 v7  }
0x71b: {  	v5 =	vmul.f32 v5, v2;
	v10 =	vadd.f32 v10, v1;
	(erf) = vpow2.f32 v6;
	v6 =	vld [tilespmem:s17+$0x0]  }
0x71c: {  	v9 =	vmul.f32 v9, v2;
	v12 =	vld [tilespmem:s12+$0xFFFFFFF0];
	v4 =	vmul.f32 $1.442695020e+00, v4  }
0x71d: {  	v5 =	vadd.f32 v5, v1;
	v3 =	vmul.f32 v3, v2;
	v10 =	vmul.f32 $1.442695020e+00, v10;
	v7 =	vpop (erf)  }
0x71e: {  	(erf) = vpow2.f32 v4;
	v4 =	vsub.f32 v11, v17;
	v7 =	vadd.f32 $1.000000000e+00, v7  }
0x71f: {  	v5 =	vmul.f32 $1.442695020e+00, v5;
	v3 =	vadd.f32 v3, v1;
	v16 =	vpop (erf);
	v8 =	vsub.f32 v14, v8  }
0x720: {  	v11 =	vld [tilespmem:s12+$0x10];
	v14 =	vpop (erf);
	v4 =	vmul.f32 v4, v2;
	v6 =	vsub.f32 v13, v6;
	(erf) = vrcp.f32 v7  }
0x721: {  	s9 =	simm.s32 $0x1BDC8;
	v7 =	vsub.f32 v15, v12;
	v12 =	vld [tilespmem:s21+$0x10];
	v14 =	vadd.f32 $1.000000000e+00, v14;
	(erf) = vpow2.f32 v5  }
0x722: {  	v3 =	vmul.f32 $1.442695020e+00, v3;
	v15 =	vadd.f32 $1.000000000e+00, v16;
	v16 =	vld [tilespmem:s9+$0xFFFFFFF0];
	v5 =	vadd.f32 v9, v1  }
0x723: {  	s19 =	simm.s32 $0x172C8;
	v8 =	vmul.f32 v8, v2;
	v9 =	vld [tilespmem:s9+$0xFFFFFFE0];
	v4 =	vadd.f32 v4, v1;
	v6 =	vmul.f32 v6, v2  }
0x724: {  	(erf) = vrcp.f32 v14;
	v14 =	vld [tilespmem:s19+$0xFFFFFFF0];
	v5 =	vmul.f32 $1.442695020e+00, v5  }
0x725: {  	v4 =	vmul.f32 $1.442695020e+00, v4;
	(erf) = vpow2.f32 v10;
	v10 =	vld [tilespmem:s19+$0xFFFFFFE0]  }
0x726: {  	v7 =	vmul.f32 v7, v2;
	v13 =	vpop (erf);
	v8 =	vadd.f32 v8, v1;
	(erf) = vrcp.f32 v15  }
0x727: {  	v18 =	vld [tilespmem:s21+$0x0];
	v17 =	vpop (erf);
	v13 =	vadd.f32 $1.000000000e+00, v13;
	v6 =	vadd.f32 v6, v1;
	(erf) = vpow2.f32 v5  }
0x728: {  	v8 =	vmul.f32 $1.442695020e+00, v8;
	v15 =	vadd.f32 $1.000000000e+00, v17;
	v5 =	vld [tilespmem:s12+$0x0];
	v11 =	vsub.f32 v12, v11;
	v17 =	vpop (erf)  }
0x729: {  	v19 =	vld [tilespmem:s19+$0x10];
	v23 =	vmul.f32 $1.442695020e+00, v6;
	(erf) = vpow2.f32 v4;
	v14 =	vsub.f32 v14, v16;
	v4 =	vpop (erf)  }
0x72a: {  	v12 =	vld [tilespmem:s9+$0x10];
	(erf) = vrcp.f32 v13;
	v11 =	vmul.f32 v11, v2;
	v9 =	vsub.f32 v10, v9;
	v10 =	vpop (erf)  }
0x72b: {  	s17 =	simm.s32 $0x1BE08;
	(erf) = vrcp.f32 v15;
	v14 =	vmul.f32 v14, v2;
	v10 =	vadd.f32 $1.000000000e+00, v10  }
0x72c: {  	v20 =	vld [tilespmem:s17+$0xFFFFFFE0];
	v21 =	vmul.f32 v4, v0;
	(erf) = vpow2.f32 v3  }
0x72d: {  	v22 =	vld [tilespmem:s17+$0xFFFFFFF0];
	s21 =	simm.s32 $0x17308;
	v3 =	vadd.f32 $1.000000000e+00, v17;
	v5 =	vsub.f32 v18, v5;
	v13 =	vpop (erf);
	(erf) = vrcp.f32 v10  }
0x72e: {  	v25 =	vld [tilespmem:s21+$0xFFFFFFF0];
	v11 =	vadd.f32 v11, v1;
	v9 =	vmul.f32 v9, v2;
	v17 =	vpop (erf);
	(erf) = vpow2.f32 v8  }
0x72f: {  	v18 =	vld [tilespmem:s21+$0xFFFFFFE0];
	v19 =	vsub.f32 v19, v12;
	v24 =	vpop (erf);
	(erf) = vrcp.f32 v3;
	v3 =	vmul.f32 v5, v2  }
0x730: {  	v11 =	vmul.f32 $1.442695020e+00, v11;
	v9 =	vadd.f32 v9, v1;
	v8 =	vadd.f32 v7, v1;
	v6 =	vpop (erf);
	v7 =	vld [tilespmem:s19+$0x0]  }
0x731: {  	v13 =	vmul.f32 v13, v0;
	v26 =	vadd.f32 $1.000000000e+00, v17;
	v16 =	vadd.f32 $1.000000000e+00, v6;
	v6 =	vld [tilespmem:s17+$0x10]  }
0x732: {  	v10 =	vmul.f32 $1.442695020e+00, v9;
	v9 =	vadd.f32 v14, v1;
	s19 =	simm.s32 $0x1D5C8;
	v15 =	vpop (erf);
	v5 =	vld [tilespmem:s17+$0x0];
	(erf) = vpow2.f32 v23  }
0x733: {  	v4 =	vld [tilespmem:s9+$0x0];
	[tilespmem:s19+$0xFFFFFFF0] =	vst v13;
	v23 =	vmul.f32 v24, v0;
	v14 =	vadd.f32 v3, v1;
	(erf) = vpow2.f32 v11;
	v3 =	vpop (erf)  }
0x734: {  	s30 =	simm.s32 $0x1D608;
	s5 =	simm.s32 $0x140;
	s12 =	simm.s32 $0x1D648;
	v13 =	vsub.f32 v25, v22;
	[tilespmem:s19+$0xFFFFFFE0] =	vst v21;
	v17 =	vmul.f32 $1.442695020e+00, v8;
	v8 =	vld [tilespmem:s21+$0x0];
	v3 =	vmul.f32 v3, v0;
	v12 =	vpop (erf)  }
0x735: {  	s9 =	simm.s32 $0x1BE48;
	v18 =	vsub.f32 v18, v20;
	s17 =	simm.s32 $0x17348;
	v11 =	vld [tilespmem:s21+$0x10];
	s21 =	simm.s32 $0x1D648;
	[tilespmem:s19+$0x10] =	vst v23;
	(erf) = vrcp.f32 v26;
	v20 =	vpop (erf);
	v12 =	vmul.f32 v12, v0  }
.LBB2_24:
0x736: {  	v21 =	vld [tilespmem:s9+$0xFFFFFFE0];
	s5 =	sadd.s32 $0x40, s5;
	v19 =	vmul.f32 v19, v2;
	v20 =	vadd.f32 $1.000000000e+00, v20;
	s12 =	sadd.s32 $0x40, s12;
	v22 =	vpop (erf);
	(erf) = vrcp.f32 v16  }
0x737: {  	v15 =	vadd.f32 $1.000000000e+00, v15;
	p0 =	slt.u32 s5, $0x18C0;
	v16 =	vmul.f32 v18, v2;
	(erf) = vpow2.f32 v17;
	[tilespmem:s19+$0x0] =	vst v12;
	v12 =	vmovc v6;
	v6 =	vld [tilespmem:s9+$0x10];
	v17 =	vmovc v5;
	s19 =	smov.u32 s30;
	s30 =	smov.u32 s21  }
0x738: {  	v13 =	vmul.f32 v13, v2;
	s21 =	smov.u32 s12;
	v18 =	vld [tilespmem:s9+$0xFFFFFFF0];
	v19 =	vadd.f32 v19, v1;
	v23 =	vpop (erf);
	(erf) = vrcp.f32 v20  }
0x739: {  	v14 =	vmul.f32 $1.442695020e+00, v14;
	v20 =	vmul.f32 v22, v0;
	v5 =	vld [tilespmem:s9+$0x0];
	v27 =	vadd.f32 v16, v1;
	v22 =	vpop (erf)  }
0x73a: {  	v25 =	vsub.f32 v7, v4;
	v7 =	vmovc v8;
	v4 =	vmovc v17;
	v24 =	vld [tilespmem:s17+$0xFFFFFFF0];
	v19 =	vmul.f32 $1.442695020e+00, v19;
	(erf) = vpow2.f32 v10  }
0x73b: {  	v17 =	vmov v9;
	v26 =	vld [tilespmem:s17+$0xFFFFFFE0];
	v10 =	vmul.f32 $1.442695020e+00, v27;
	v16 =	vpop (erf);
	(erf) = vrcp.f32 v15;
	[tilespmem:s19+$0xFFFFFFF0] =	vst v20  }
.Ltmp11:
0x73c: {  	v9 =	vadd.f32 v13, v1;
	v13 =	vmul.f32 v25, v2;
	v8 =	vld [tilespmem:s17+$0x0];
	v15 =	vpop (erf);
	v16 =	vadd.f32 $1.000000000e+00, v16;
	(pc) =	sbr.rel @p0 .LBB2_24-.Ltmp11, $4  }
0x73d: {  	v25 =	vadd.f32 $1.000000000e+00, v23;
	v22 =	vmul.f32 v22, v0;
	v23 =	vmovc v3;
	(erf) = vpow2.f32 v14  }
0x73e: {  	v17 =	vmul.f32 $1.442695020e+00, v17;
	v14 =	vadd.f32 v13, v1;
	(erf) = vpow2.f32 v19;
	v3 =	vpop (erf)  }
0x73f: {  	v19 =	vsub.f32 v11, v12;
	v13 =	vsub.f32 v24, v18;
	v3 =	vmul.f32 v3, v0;
	[tilespmem:s19+$0x10] =	vst v22;
	v12 =	vpop (erf)  }
0x740: {  	s9 =	sadd.s32 $0x40, s9;
	v18 =	vsub.f32 v26, v21;
	v11 =	vld [tilespmem:s17+$0x10];
	s17 =	sadd.s32 $0x40, s17;
	(erf) = vrcp.f32 v25;
	v20 =	vpop (erf);
	[tilespmem:s19+$0xFFFFFFE0] =	vst v23;
	v12 =	vmul.f32 v12, v0  }
0x741: {  	v19 =	vmul.f32 v19, v2  }
0x742: {  	(erf) = vrcp.f32 v16  }
0x743: {  	v20 =	vadd.f32 $1.000000000e+00, v20;
	v15 =	vadd.f32 $1.000000000e+00, v15;
	(erf) = vpow2.f32 v17  }
0x744: {  	v16 =	vpop (erf)  }
0x745: {  	v17 =	vadd.f32 v19, v1;
	(erf) = vrcp.f32 v20;
	v19 =	vpop (erf)  }
0x746: {  	v14 =	vmul.f32 $1.442695020e+00, v14;
	(erf) = vpow2.f32 v10;
	v10 =	vpop (erf)  }
0x747: {  	v17 =	vmul.f32 $1.442695020e+00, v17;
	(erf) = vrcp.f32 v15;
	v15 =	vpop (erf)  }
0x748: {  	v19 =	vadd.f32 $1.000000000e+00, v19;
	(erf) = vpow2.f32 v14;
	v14 =	vadd.f32 $1.000000000e+00, v15  }
0x749: {  	v9 =	vmul.f32 $1.442695020e+00, v9;
	(erf) = vpow2.f32 v17;
	v15 =	vpop (erf)  }
0x74a: {  	v4 =	vsub.f32 v7, v4;
	v17 =	vmul.f32 v18, v2;
	(erf) = vrcp.f32 v19;
	v7 =	vpop (erf)  }
0x74b: {  	v6 =	vsub.f32 v11, v6;
	(erf) = vrcp.f32 v14;
	v11 =	vpop (erf)  }
0x74c: {  	v4 =	vmul.f32 v4, v2;
	(erf) = vpow2.f32 v9;
	v9 =	vadd.f32 v17, v1;
	v14 =	vpop (erf)  }
0x74d: {  	v6 =	vmul.f32 v6, v2;
	v14 =	vadd.f32 $1.000000000e+00, v14  }
0x74e: {  	v4 =	vadd.f32 v4, v1;
	v9 =	vmul.f32 $1.442695020e+00, v9  }
0x74f: {  	v13 =	vmul.f32 v13, v2;
	v6 =	vadd.f32 v6, v1;
	v17 =	vpop (erf)  }
0x750: {  	v4 =	vmul.f32 $1.442695020e+00, v4;
	v15 =	vadd.f32 $1.000000000e+00, v15;
	v18 =	vpop (erf);
	(erf) = vrcp.f32 v14  }
0x751: {  	v6 =	vmul.f32 $1.442695020e+00, v6;
	v14 =	vpop (erf);
	(erf) = vpow2.f32 v9  }
0x752: {  	v5 =	vsub.f32 v8, v5;
	v9 =	vpop (erf);
	(erf) = vrcp.f32 v15;
	v15 =	vadd.f32 $1.000000000e+00, v18  }
0x753: {  	v8 =	vpop (erf)  }
0x754: {  	v13 =	vadd.f32 v13, v1;
	v5 =	vmul.f32 v5, v2;
	(erf) = vpow2.f32 v4;
	v4 =	vpop (erf)  }
0x755: {  	v9 =	vadd.f32 $1.000000000e+00, v9;
	(erf) = vpow2.f32 v6;
	v6 =	vpop (erf)  }
0x756: {  	v13 =	vmul.f32 $1.442695020e+00, v13;
	v5 =	vadd.f32 v5, v1;
	(erf) = vrcp.f32 v15;
	v15 =	vpop (erf)  }
0x757: {  	v8 =	vadd.f32 $1.000000000e+00, v8;
	(erf) = vrcp.f32 v9;
	v15 =	vadd.f32 $1.000000000e+00, v15  }
0x758: {  	v5 =	vmul.f32 $1.442695020e+00, v5;
	(erf) = vpow2.f32 v13  }
0x759: {  	(erf) = vrcp.f32 v15  }
0x75a: {  	v9 =	vpop (erf);
	(erf) = vrcp.f32 v8  }
0x75b: {  	v8 =	vpop (erf);
	(erf) = vpow2.f32 v5  }
0x75c: {  	v15 =	vmul.f32 v16, v0;
	v5 =	vpop (erf)  }
0x75d: {  	v13 =	vpop (erf)  }
0x75e: {  	[tilespmem:s30+$0xFFFFFFE0] =	vst v3;
	v16 =	vpop (erf)  }
0x75f: {  	[tilespmem:s19+$0x0] =	vst v12;
	v10 =	vmul.f32 v10, v0;
	v12 =	vpop (erf)  }
0x760: {  	v3 =	vmul.f32 v17, v0;
	[tilespmem:s30+$0xFFFFFFF0] =	vst v15;
	v8 =	vadd.f32 $1.000000000e+00, v8;
	v15 =	vpop (erf)  }
0x761: {  	[tilespmem:s30+$0x10] =	vst v10;
	v10 =	vmul.f32 v11, v0;
	v11 =	vadd.f32 $1.000000000e+00, v13;
	v13 =	vpop (erf)  }
0x762: {  	(erf) = vrcp.f32 v8;
	v8 =	vadd.f32 $1.000000000e+00, v13;
	v13 =	vpop (erf)  }
0x763: {  	[tilespmem:s30+$0x0] =	vst v10;
	v10 =	vmul.f32 v14, v0;
	v14 =	vpop (erf)  }
0x764: {  	[tilespmem:s21+$0xFFFFFFF0] =	vst v3;
	(erf) = vrcp.f32 v11;
	v11 =	vadd.f32 $1.000000000e+00, v16;
	v3 =	vpop (erf)  }
0x765: {  	(erf) = vrcp.f32 v8;
	v3 =	vadd.f32 $1.000000000e+00, v3  }
0x766: {  	v7 =	vmul.f32 v7, v0;
	(erf) = vrcp.f32 v11  }
0x767: {  	(erf) = vrcp.f32 v3;
	v3 =	vmul.f32 v4, v0  }
0x768: {  	s5 =	sadd.s32 $0x40, s12;
	[tilespmem:s21+$0xFFFFFFE0] =	vst v7;
	v5 =	vmul.f32 v5, v0;
	v4 =	vmul.f32 v15, v0  }
0x769: {  	v6 =	vmul.f32 v6, v0;
	[tilespmem:s5+$0xFFFFFFE0] =	vst v3;
	v3 =	vmul.f32 v13, v0  }
0x76a: {  	[tilespmem:s5+$0x0] =	vst v4;
	v4 =	vmul.f32 v14, v0  }
0x76b: {  	[tilespmem:s21+$0x0] =	vst v6  }
0x76c: {  	s9 =	sadd.s32 $0x40, s5;
	[tilespmem:s5+$0x10] =	vst v5;
	v5 =	vpop (erf)  }
0x76d: {  	v6 =	vmul.f32 v12, v0;
	[tilespmem:s9+$0xFFFFFFF0] =	vst v3;
	v3 =	vpop (erf)  }
0x76e: {  	v7 =	vmul.f32 v9, v0;
	[tilespmem:s9+$0x10] =	vst v4;
	v4 =	vpop (erf)  }
0x76f: {  	[tilespmem:s21+$0x10] =	vst v10;
	v4 =	vmul.f32 v4, v0  }
0x770: {  	[tilespmem:s5+$0xFFFFFFF0] =	vst v7;
	v3 =	vmul.f32 v3, v0  }
0x771: {  	[tilespmem:s9+$0xFFFFFFE0] =	vst v6;
	v6 =	vpop (erf)  }
0x772: {  	s12 =	sadd.s32 $0x40, s9;
	[tilespmem:s9+$0x0] =	vst v3;
	v3 =	vmul.f32 v6, v0  }
0x773: {  	v5 =	vmul.f32 v5, v0;
	[tilespmem:s12+$0xFFFFFFF0] =	vst v4;
	v4 =	vpop (erf)  }
0x774: {  	[tilespmem:s12+$0x10] =	vst v3;
	v3 =	vmul.f32 v4, v0  }
0x775: {  	[tilespmem:s12+$0xFFFFFFE0] =	vst v5  }
0x776: {  	[tilespmem:s12+$0x0] =	vst v3  }
0x777: {  	s5 =	sld [smem:$0x7E2];
	_ =	sdelay $0x1  }
0x778: {  	s17 =	sld [smem:$0x7EA]  }
0x779: {  	[hbm4b:s5+s1] =	stream.linear.scatter [tilespmem:s23], [sflag:$0xB], $0x1900, $0x38;
	[tilespmem:$0x1EEA8] =	vst v63  }
0x77a: {  	s19 =	sld [smem:$0x7ED]  }
0x77b: {  	[tilespmem:s20], [sflag:$0x5] =	stream.linear.gather [hbm4b:s17+s1], $0x1900, $0x38;
	[tilespmem:$0x1EEA8] =	vst v63  }
0x77c: {  	s21 =	simm.s32 $0x171A8  }
0x77d: {  	[tilespmem:s21], [sflag:$0x5] =	stream.linear.gather [hbm4b:s19+s1], $0x1900, $0x38;
	[tilespmem:$0x1EEA8] =	vst v63  }
0x77e: {  	_ =	swait.ge [sflag:s4], $0x1900  }
0x77f: {  	[sflag:s4] =	ssyncset.done $0x0  }
0x780: {  	[sflag:s4] =	ssyncadd.s32 $0xFFFFE700  }
0x781: {  	_ =	swait.ge [sflag:s4], $0x1900  }
0x782: {  	[sflag:s4] =	ssyncset.done $0x0  }
0x783: {  	[sflag:s4] =	ssyncadd.s32 $0xFFFFE700  }
0x784: {  	[tilespmem:s14], [sflag:$0x9] =	stream.indirect.gather [spmem:s29], $0x1, s18, s0, $0xb8;
	[tilespmem:$0x1EEA8] =	vst v63  }
0x785: {  	s9 =	simm.s32 $0x13328  }
0x786: {  	[tilespmem:s6], [sflag:$0xA] =	stream.indirect.gather [spmem:s29], $0x1, s9, s0, $0xb8;
	[tilespmem:$0x1EEA8] =	vst v63  }
0x787: {  	_ =	swait.ge [sflag:s22], $0xC80  }
0x788: {  	[sflag:s22] =	ssyncset.done $0x0  }
0x789: {  	[sflag:s22] =	ssyncadd.s32 $0xFFFFF380  }
0x78a: {  	_ =	swait.ge [sflag:s7], $0xC80  }
0x78b: {  	[sflag:s7] =	ssyncset.done $0x0  }
0x78c: {  	[sflag:s7] =	ssyncadd.s32 $0xFFFFF380  }
0x78d: {  	_ =	swait.ge [sflag:s26], $0x1900  }
0x78e: {  	[sflag:s26] =	ssyncset.done $0x0  }
0x78f: {  	s12 =	simm.s32 $0x18AC8;
	[sflag:s26] =	ssyncadd.s32 $0xFFFFE700  }
0x790: {  	v3 =	vld [tilespmem:s12+$0xFFFFFFE0]  }
0x791: {  	v4 =	vld [tilespmem:s12+$0x10]  }
0x792: {  	v5 =	vld [tilespmem:s12+$0xFFFFFFF0]  }
0x793: {  	s17 =	simm.s32 $0x10DC8;
	v6 =	vld [tilespmem:s12+$0x0]  }
0x794: {  	v7 =	vld [tilespmem:s17+$0xFFFFFFE0]  }
0x795: {  	v8 =	vld [tilespmem:s17+$0xFFFFFFF0]  }
0x796: {  	v9 =	vld [tilespmem:s17+$0x0]  }
0x797: {  	s19 =	simm.s32 $0x18B08;
	v10 =	vld [tilespmem:s17+$0x10]  }
0x798: {  	v11 =	vld [tilespmem:s19+$0xFFFFFFE0]  }
0x799: {  	v12 =	vld [tilespmem:s19+$0xFFFFFFF0]  }
0x79a: {  	s21 =	simm.s32 $0x10E08;
	v13 =	vld [tilespmem:s19+$0x0]  }
0x79b: {  	s5 =	simm.s32 $0x10E48;
	v14 =	vld [tilespmem:s21+$0xFFFFFFE0];
	v3 =	vsub.f32 v7, v3  }
0x79c: {  	s17 =	simm.s32 $0x18B48;
	v16 =	vld [tilespmem:s5+$0xFFFFFFE0]  }
0x79d: {  	v15 =	vld [tilespmem:s17+$0xFFFFFFE0];
	v4 =	vsub.f32 v10, v4;
	v3 =	vmul.f32 v3, v2  }
0x79e: {  	v7 =	vld [tilespmem:s19+$0x10];
	v5 =	vsub.f32 v8, v5  }
0x79f: {  	v6 =	vsub.f32 v9, v6;
	v9 =	vld [tilespmem:s21+$0x0];
	v4 =	vmul.f32 v4, v2;
	v3 =	vadd.f32 v3, v1  }
0x7a0: {  	v10 =	vld [tilespmem:s21+$0x10];
	v11 =	vsub.f32 v14, v11;
	v5 =	vmul.f32 v5, v2  }
0x7a1: {  	v17 =	vld [tilespmem:s17+$0x10];
	v4 =	vadd.f32 v4, v1;
	v3 =	vmul.f32 $1.442695020e+00, v3  }
0x7a2: {  	v8 =	vld [tilespmem:s21+$0xFFFFFFF0];
	v11 =	vmul.f32 v11, v2;
	v5 =	vadd.f32 v5, v1  }
0x7a3: {  	v14 =	vld [tilespmem:s17+$0xFFFFFFF0];
	v4 =	vmul.f32 $1.442695020e+00, v4;
	(erf) = vpow2.f32 v3  }
0x7a4: {  	v6 =	vmul.f32 v6, v2;
	v9 =	vsub.f32 v9, v13;
	v5 =	vmul.f32 $1.442695020e+00, v5;
	v3 =	vld [tilespmem:s5+$0xFFFFFFF0]  }
0x7a5: {  	v13 =	vld [tilespmem:s5+$0x0];
	(erf) = vpow2.f32 v4;
	v4 =	vsub.f32 v10, v7;
	v7 =	vadd.f32 v11, v1  }
0x7a6: {  	s21 =	simm.s32 $0x10E88;
	v6 =	vadd.f32 v6, v1;
	v10 =	vsub.f32 v16, v15;
	v11 =	vld [tilespmem:s5+$0x10];
	(erf) = vpow2.f32 v5  }
0x7a7: {  	s12 =	simm.s32 $0x18B88;
	v15 =	vld [tilespmem:s21+$0xFFFFFFF0];
	v4 =	vmul.f32 v4, v2;
	v7 =	vmul.f32 $1.442695020e+00, v7  }
0x7a8: {  	v6 =	vmul.f32 $1.442695020e+00, v6;
	v5 =	vsub.f32 v8, v12;
	v8 =	vld [tilespmem:s12+$0xFFFFFFE0];
	v10 =	vmul.f32 v10, v2  }
0x7a9: {  	v3 =	vsub.f32 v3, v14;
	v4 =	vadd.f32 v4, v1;
	v14 =	vld [tilespmem:s21+$0xFFFFFFE0];
	(erf) = vpow2.f32 v7  }
0x7aa: {  	v5 =	vmul.f32 v5, v2;
	v10 =	vadd.f32 v10, v1;
	(erf) = vpow2.f32 v6;
	v6 =	vld [tilespmem:s17+$0x0]  }
0x7ab: {  	v9 =	vmul.f32 v9, v2;
	v12 =	vld [tilespmem:s12+$0xFFFFFFF0];
	v4 =	vmul.f32 $1.442695020e+00, v4  }
0x7ac: {  	v5 =	vadd.f32 v5, v1;
	v3 =	vmul.f32 v3, v2;
	v10 =	vmul.f32 $1.442695020e+00, v10;
	v7 =	vpop (erf)  }
0x7ad: {  	(erf) = vpow2.f32 v4;
	v4 =	vsub.f32 v11, v17;
	v7 =	vadd.f32 $1.000000000e+00, v7  }
0x7ae: {  	v5 =	vmul.f32 $1.442695020e+00, v5;
	v3 =	vadd.f32 v3, v1;
	v16 =	vpop (erf);
	v8 =	vsub.f32 v14, v8  }
0x7af: {  	v11 =	vld [tilespmem:s12+$0x10];
	v14 =	vpop (erf);
	v4 =	vmul.f32 v4, v2;
	v6 =	vsub.f32 v13, v6;
	(erf) = vrcp.f32 v7  }
0x7b0: {  	s9 =	simm.s32 $0x18BC8;
	v7 =	vsub.f32 v15, v12;
	v12 =	vld [tilespmem:s21+$0x10];
	v14 =	vadd.f32 $1.000000000e+00, v14;
	(erf) = vpow2.f32 v5  }
0x7b1: {  	v3 =	vmul.f32 $1.442695020e+00, v3;
	v15 =	vadd.f32 $1.000000000e+00, v16;
	v16 =	vld [tilespmem:s9+$0xFFFFFFF0];
	v5 =	vadd.f32 v9, v1  }
0x7b2: {  	s19 =	simm.s32 $0x10EC8;
	v8 =	vmul.f32 v8, v2;
	v9 =	vld [tilespmem:s9+$0xFFFFFFE0];
	v4 =	vadd.f32 v4, v1;
	v6 =	vmul.f32 v6, v2  }
0x7b3: {  	(erf) = vrcp.f32 v14;
	v14 =	vld [tilespmem:s19+$0xFFFFFFF0];
	v5 =	vmul.f32 $1.442695020e+00, v5  }
0x7b4: {  	v4 =	vmul.f32 $1.442695020e+00, v4;
	(erf) = vpow2.f32 v10;
	v10 =	vld [tilespmem:s19+$0xFFFFFFE0]  }
0x7b5: {  	v7 =	vmul.f32 v7, v2;
	v13 =	vpop (erf);
	v8 =	vadd.f32 v8, v1;
	(erf) = vrcp.f32 v15  }
0x7b6: {  	v18 =	vld [tilespmem:s21+$0x0];
	v17 =	vpop (erf);
	v13 =	vadd.f32 $1.000000000e+00, v13;
	v6 =	vadd.f32 v6, v1;
	(erf) = vpow2.f32 v5  }
0x7b7: {  	v8 =	vmul.f32 $1.442695020e+00, v8;
	v15 =	vadd.f32 $1.000000000e+00, v17;
	v5 =	vld [tilespmem:s12+$0x0];
	v11 =	vsub.f32 v12, v11;
	v17 =	vpop (erf)  }
0x7b8: {  	v19 =	vld [tilespmem:s19+$0x10];
	v23 =	vmul.f32 $1.442695020e+00, v6;
	(erf) = vpow2.f32 v4;
	v14 =	vsub.f32 v14, v16;
	v4 =	vpop (erf)  }
0x7b9: {  	v12 =	vld [tilespmem:s9+$0x10];
	(erf) = vrcp.f32 v13;
	v11 =	vmul.f32 v11, v2;
	v9 =	vsub.f32 v10, v9;
	v10 =	vpop (erf)  }
0x7ba: {  	s17 =	simm.s32 $0x18C08;
	(erf) = vrcp.f32 v15;
	v14 =	vmul.f32 v14, v2;
	v10 =	vadd.f32 $1.000000000e+00, v10  }
0x7bb: {  	v20 =	vld [tilespmem:s17+$0xFFFFFFE0];
	v21 =	vmul.f32 v4, v0;
	(erf) = vpow2.f32 v3  }
0x7bc: {  	v22 =	vld [tilespmem:s17+$0xFFFFFFF0];
	s21 =	simm.s32 $0x10F08;
	v3 =	vadd.f32 $1.000000000e+00, v17;
	v5 =	vsub.f32 v18, v5;
	v13 =	vpop (erf);
	(erf) = vrcp.f32 v10  }
0x7bd: {  	v25 =	vld [tilespmem:s21+$0xFFFFFFF0];
	v11 =	vadd.f32 v11, v1;
	v9 =	vmul.f32 v9, v2;
	v17 =	vpop (erf);
	(erf) = vpow2.f32 v8  }
0x7be: {  	v18 =	vld [tilespmem:s21+$0xFFFFFFE0];
	v19 =	vsub.f32 v19, v12;
	v24 =	vpop (erf);
	(erf) = vrcp.f32 v3;
	v3 =	vmul.f32 v5, v2  }
0x7bf: {  	v11 =	vmul.f32 $1.442695020e+00, v11;
	v9 =	vadd.f32 v9, v1;
	v8 =	vadd.f32 v7, v1;
	v6 =	vpop (erf);
	v7 =	vld [tilespmem:s19+$0x0]  }
0x7c0: {  	v13 =	vmul.f32 v13, v0;
	v26 =	vadd.f32 $1.000000000e+00, v17;
	v16 =	vadd.f32 $1.000000000e+00, v6;
	v6 =	vld [tilespmem:s17+$0x10]  }
0x7c1: {  	v10 =	vmul.f32 $1.442695020e+00, v9;
	v9 =	vadd.f32 v14, v1;
	s19 =	simm.s32 $0x1A3C8;
	v15 =	vpop (erf);
	v5 =	vld [tilespmem:s17+$0x0];
	(erf) = vpow2.f32 v23  }
0x7c2: {  	v4 =	vld [tilespmem:s9+$0x0];
	[tilespmem:s19+$0xFFFFFFF0] =	vst v13;
	v23 =	vmul.f32 v24, v0;
	v14 =	vadd.f32 v3, v1;
	(erf) = vpow2.f32 v11;
	v3 =	vpop (erf)  }
0x7c3: {  	s30 =	simm.s32 $0x1A408;
	s5 =	simm.s32 $0x140;
	s12 =	simm.s32 $0x1A448;
	v13 =	vsub.f32 v25, v22;
	[tilespmem:s19+$0xFFFFFFE0] =	vst v21;
	v17 =	vmul.f32 $1.442695020e+00, v8;
	v8 =	vld [tilespmem:s21+$0x0];
	v3 =	vmul.f32 v3, v0;
	v12 =	vpop (erf)  }
0x7c4: {  	s9 =	simm.s32 $0x18C48;
	v18 =	vsub.f32 v18, v20;
	s17 =	simm.s32 $0x10F48;
	v11 =	vld [tilespmem:s21+$0x10];
	s21 =	simm.s32 $0x1A448;
	[tilespmem:s19+$0x10] =	vst v23;
	(erf) = vrcp.f32 v26;
	v20 =	vpop (erf);
	v12 =	vmul.f32 v12, v0  }
.LBB2_26:
0x7c5: {  	v21 =	vld [tilespmem:s9+$0xFFFFFFE0];
	s5 =	sadd.s32 $0x40, s5;
	v19 =	vmul.f32 v19, v2;
	v20 =	vadd.f32 $1.000000000e+00, v20;
	s12 =	sadd.s32 $0x40, s12;
	v22 =	vpop (erf);
	(erf) = vrcp.f32 v16  }
0x7c6: {  	v15 =	vadd.f32 $1.000000000e+00, v15;
	p0 =	slt.u32 s5, $0x18C0;
	v16 =	vmul.f32 v18, v2;
	(erf) = vpow2.f32 v17;
	[tilespmem:s19+$0x0] =	vst v12;
	v12 =	vmovc v6;
	v6 =	vld [tilespmem:s9+$0x10];
	v17 =	vmovc v5;
	s19 =	smov.u32 s30;
	s30 =	smov.u32 s21  }
0x7c7: {  	v13 =	vmul.f32 v13, v2;
	s21 =	smov.u32 s12;
	v18 =	vld [tilespmem:s9+$0xFFFFFFF0];
	v19 =	vadd.f32 v19, v1;
	v23 =	vpop (erf);
	(erf) = vrcp.f32 v20  }
0x7c8: {  	v14 =	vmul.f32 $1.442695020e+00, v14;
	v20 =	vmul.f32 v22, v0;
	v5 =	vld [tilespmem:s9+$0x0];
	v27 =	vadd.f32 v16, v1;
	v22 =	vpop (erf)  }
0x7c9: {  	v25 =	vsub.f32 v7, v4;
	v7 =	vmovc v8;
	v4 =	vmovc v17;
	v24 =	vld [tilespmem:s17+$0xFFFFFFF0];
	v19 =	vmul.f32 $1.442695020e+00, v19;
	(erf) = vpow2.f32 v10  }
0x7ca: {  	v17 =	vmov v9;
	v26 =	vld [tilespmem:s17+$0xFFFFFFE0];
	v10 =	vmul.f32 $1.442695020e+00, v27;
	v16 =	vpop (erf);
	(erf) = vrcp.f32 v15;
	[tilespmem:s19+$0xFFFFFFF0] =	vst v20  }
.Ltmp12:
0x7cb: {  	v9 =	vadd.f32 v13, v1;
	v13 =	vmul.f32 v25, v2;
	v8 =	vld [tilespmem:s17+$0x0];
	v15 =	vpop (erf);
	v16 =	vadd.f32 $1.000000000e+00, v16;
	(pc) =	sbr.rel @p0 .LBB2_26-.Ltmp12, $4  }
0x7cc: {  	v25 =	vadd.f32 $1.000000000e+00, v23;
	v22 =	vmul.f32 v22, v0;
	v23 =	vmovc v3;
	(erf) = vpow2.f32 v14  }
0x7cd: {  	v17 =	vmul.f32 $1.442695020e+00, v17;
	v14 =	vadd.f32 v13, v1;
	(erf) = vpow2.f32 v19;
	v3 =	vpop (erf)  }
0x7ce: {  	v19 =	vsub.f32 v11, v12;
	v13 =	vsub.f32 v24, v18;
	v3 =	vmul.f32 v3, v0;
	[tilespmem:s19+$0x10] =	vst v22;
	v12 =	vpop (erf)  }
0x7cf: {  	s9 =	sadd.s32 $0x40, s9;
	v18 =	vsub.f32 v26, v21;
	v11 =	vld [tilespmem:s17+$0x10];
	s17 =	sadd.s32 $0x40, s17;
	(erf) = vrcp.f32 v25;
	v20 =	vpop (erf);
	[tilespmem:s19+$0xFFFFFFE0] =	vst v23;
	v12 =	vmul.f32 v12, v0  }
0x7d0: {  	v19 =	vmul.f32 v19, v2  }
0x7d1: {  	(erf) = vrcp.f32 v16  }
0x7d2: {  	v20 =	vadd.f32 $1.000000000e+00, v20;
	v15 =	vadd.f32 $1.000000000e+00, v15;
	(erf) = vpow2.f32 v17  }
0x7d3: {  	v16 =	vpop (erf)  }
0x7d4: {  	v17 =	vadd.f32 v19, v1;
	(erf) = vrcp.f32 v20;
	v19 =	vpop (erf)  }
0x7d5: {  	v14 =	vmul.f32 $1.442695020e+00, v14;
	(erf) = vpow2.f32 v10;
	v10 =	vpop (erf)  }
0x7d6: {  	v17 =	vmul.f32 $1.442695020e+00, v17;
	(erf) = vrcp.f32 v15;
	v15 =	vpop (erf)  }
0x7d7: {  	v19 =	vadd.f32 $1.000000000e+00, v19;
	(erf) = vpow2.f32 v14;
	v14 =	vadd.f32 $1.000000000e+00, v15  }
0x7d8: {  	v9 =	vmul.f32 $1.442695020e+00, v9;
	(erf) = vpow2.f32 v17;
	v15 =	vpop (erf)  }
0x7d9: {  	v4 =	vsub.f32 v7, v4;
	v17 =	vmul.f32 v18, v2;
	(erf) = vrcp.f32 v19;
	v7 =	vpop (erf)  }
0x7da: {  	v6 =	vsub.f32 v11, v6;
	(erf) = vrcp.f32 v14;
	v11 =	vpop (erf)  }
0x7db: {  	v4 =	vmul.f32 v4, v2;
	(erf) = vpow2.f32 v9;
	v9 =	vadd.f32 v17, v1;
	v14 =	vpop (erf)  }
0x7dc: {  	v6 =	vmul.f32 v6, v2;
	v14 =	vadd.f32 $1.000000000e+00, v14  }
0x7dd: {  	v4 =	vadd.f32 v4, v1;
	v9 =	vmul.f32 $1.442695020e+00, v9  }
0x7de: {  	v13 =	vmul.f32 v13, v2;
	v6 =	vadd.f32 v6, v1;
	v17 =	vpop (erf)  }
0x7df: {  	v4 =	vmul.f32 $1.442695020e+00, v4;
	v15 =	vadd.f32 $1.000000000e+00, v15;
	v18 =	vpop (erf);
	(erf) = vrcp.f32 v14  }
0x7e0: {  	v6 =	vmul.f32 $1.442695020e+00, v6;
	v14 =	vpop (erf);
	(erf) = vpow2.f32 v9  }
0x7e1: {  	v5 =	vsub.f32 v8, v5;
	v9 =	vpop (erf);
	(erf) = vrcp.f32 v15;
	v15 =	vadd.f32 $1.000000000e+00, v18  }
0x7e2: {  	v8 =	vpop (erf)  }
0x7e3: {  	v13 =	vadd.f32 v13, v1;
	v5 =	vmul.f32 v5, v2;
	(erf) = vpow2.f32 v4;
	v4 =	vpop (erf)  }
0x7e4: {  	v9 =	vadd.f32 $1.000000000e+00, v9;
	(erf) = vpow2.f32 v6;
	v6 =	vpop (erf)  }
0x7e5: {  	v13 =	vmul.f32 $1.442695020e+00, v13;
	v5 =	vadd.f32 v5, v1;
	(erf) = vrcp.f32 v15;
	v15 =	vpop (erf)  }
0x7e6: {  	v8 =	vadd.f32 $1.000000000e+00, v8;
	(erf) = vrcp.f32 v9;
	v15 =	vadd.f32 $1.000000000e+00, v15  }
0x7e7: {  	v5 =	vmul.f32 $1.442695020e+00, v5;
	(erf) = vpow2.f32 v13  }
0x7e8: {  	(erf) = vrcp.f32 v15  }
0x7e9: {  	v9 =	vpop (erf);
	(erf) = vrcp.f32 v8  }
0x7ea: {  	v8 =	vpop (erf);
	(erf) = vpow2.f32 v5  }
0x7eb: {  	v15 =	vmul.f32 v16, v0;
	v5 =	vpop (erf)  }
0x7ec: {  	v13 =	vpop (erf)  }
0x7ed: {  	[tilespmem:s30+$0xFFFFFFE0] =	vst v3;
	v16 =	vpop (erf)  }
0x7ee: {  	[tilespmem:s19+$0x0] =	vst v12;
	v10 =	vmul.f32 v10, v0;
	v12 =	vpop (erf)  }
0x7ef: {  	v3 =	vmul.f32 v17, v0;
	[tilespmem:s30+$0xFFFFFFF0] =	vst v15;
	v8 =	vadd.f32 $1.000000000e+00, v8;
	v15 =	vpop (erf)  }
0x7f0: {  	[tilespmem:s30+$0x10] =	vst v10;
	v10 =	vmul.f32 v11, v0;
	v11 =	vadd.f32 $1.000000000e+00, v13;
	v13 =	vpop (erf)  }
0x7f1: {  	(erf) = vrcp.f32 v8;
	v8 =	vadd.f32 $1.000000000e+00, v13;
	v13 =	vpop (erf)  }
0x7f2: {  	[tilespmem:s30+$0x0] =	vst v10;
	v10 =	vmul.f32 v14, v0;
	v14 =	vpop (erf)  }
0x7f3: {  	[tilespmem:s21+$0xFFFFFFF0] =	vst v3;
	(erf) = vrcp.f32 v11;
	v11 =	vadd.f32 $1.000000000e+00, v16;
	v3 =	vpop (erf)  }
0x7f4: {  	(erf) = vrcp.f32 v8;
	v3 =	vadd.f32 $1.000000000e+00, v3  }
0x7f5: {  	v7 =	vmul.f32 v7, v0;
	(erf) = vrcp.f32 v11  }
0x7f6: {  	(erf) = vrcp.f32 v3;
	v3 =	vmul.f32 v4, v0  }
0x7f7: {  	s5 =	sadd.s32 $0x40, s12;
	[tilespmem:s21+$0xFFFFFFE0] =	vst v7;
	v5 =	vmul.f32 v5, v0;
	v4 =	vmul.f32 v15, v0  }
0x7f8: {  	v6 =	vmul.f32 v6, v0;
	[tilespmem:s5+$0xFFFFFFE0] =	vst v3;
	v3 =	vmul.f32 v13, v0  }
0x7f9: {  	[tilespmem:s5+$0x0] =	vst v4;
	v4 =	vmul.f32 v14, v0  }
0x7fa: {  	[tilespmem:s21+$0x0] =	vst v6  }
0x7fb: {  	s9 =	sadd.s32 $0x40, s5;
	[tilespmem:s5+$0x10] =	vst v5;
	v5 =	vpop (erf)  }
0x7fc: {  	v6 =	vmul.f32 v12, v0;
	[tilespmem:s9+$0xFFFFFFF0] =	vst v3;
	v3 =	vpop (erf)  }
0x7fd: {  	v7 =	vmul.f32 v9, v0;
	[tilespmem:s9+$0x10] =	vst v4;
	v4 =	vpop (erf)  }
0x7fe: {  	[tilespmem:s21+$0x10] =	vst v10;
	v4 =	vmul.f32 v4, v0  }
0x7ff: {  	[tilespmem:s5+$0xFFFFFFF0] =	vst v7;
	v3 =	vmul.f32 v3, v0  }
0x800: {  	[tilespmem:s9+$0xFFFFFFE0] =	vst v6;
	v6 =	vpop (erf)  }
0x801: {  	s12 =	sadd.s32 $0x40, s9;
	[tilespmem:s9+$0x0] =	vst v3;
	v3 =	vmul.f32 v6, v0  }
0x802: {  	v5 =	vmul.f32 v5, v0;
	[tilespmem:s12+$0xFFFFFFF0] =	vst v4;
	v4 =	vpop (erf)  }
0x803: {  	[tilespmem:s12+$0x10] =	vst v3;
	v3 =	vmul.f32 v4, v0  }
0x804: {  	[tilespmem:s12+$0xFFFFFFE0] =	vst v5  }
0x805: {  	[tilespmem:s12+$0x0] =	vst v3  }
0x806: {  	s5 =	sld [smem:$0x7E5];
	_ =	sdelay $0x1  }
0x807: {  	s17 =	sld [smem:$0x7EB]  }
0x808: {  	[hbm4b:s5+s1] =	stream.linear.scatter [tilespmem:s15], [sflag:$0x8], $0x1900, $0x38;
	[tilespmem:$0x1EEA8] =	vst v63  }
0x809: {  	s19 =	sld [smem:$0x7EE]  }
0x80a: {  	[tilespmem:s16], [sflag:$0x3] =	stream.linear.gather [hbm4b:s17+s1], $0x1900, $0x38;
	[tilespmem:$0x1EEA8] =	vst v63  }
0x80b: {  	s21 =	simm.s32 $0x10DA8  }
0x80c: {  	[tilespmem:s21], [sflag:$0x3] =	stream.linear.gather [hbm4b:s19+s1], $0x1900, $0x38;
	[tilespmem:$0x1EEA8] =	vst v63  }
0x80d: {  	_ =	swait.ge [sflag:s8], $0x1900  }
0x80e: {  	[sflag:s8] =	ssyncset.done $0x0  }
0x80f: {  	[sflag:s8] =	ssyncadd.s32 $0xFFFFE700  }
0x810: {  	_ =	swait.ge [sflag:s8], $0x1900  }
0x811: {  	[sflag:s8] =	ssyncset.done $0x0  }
0x812: {  	[sflag:s8] =	ssyncadd.s32 $0xFFFFE700  }
0x813: {  	[tilespmem:s13], [sflag:$0x6] =	stream.indirect.gather [spmem:s29], $0x1, s20, s0, $0xb8;
	[tilespmem:$0x1EEA8] =	vst v63  }
0x814: {  	s9 =	simm.s32 $0x16528  }
0x815: {  	[tilespmem:s3], [sflag:$0x7] =	stream.indirect.gather [spmem:s29], $0x1, s9, s0, $0xb8;
	[tilespmem:$0x1EEA8] =	vst v63  }
0x816: {  	_ =	swait.ge [sflag:s24], $0xC80  }
0x817: {  	[sflag:s24] =	ssyncset.done $0x0  }
0x818: {  	[sflag:s24] =	ssyncadd.s32 $0xFFFFF380  }
0x819: {  	_ =	swait.ge [sflag:s10], $0xC80  }
0x81a: {  	[sflag:s10] =	ssyncset.done $0x0  }
0x81b: {  	[sflag:s10] =	ssyncadd.s32 $0xFFFFF380  }
0x81c: {  	_ =	swait.ge [sflag:s28], $0x1900  }
0x81d: {  	[sflag:s28] =	ssyncset.done $0x0  }
0x81e: {  	s12 =	simm.s32 $0x1BCC8;
	[sflag:s28] =	ssyncadd.s32 $0xFFFFE700  }
0x81f: {  	v3 =	vld [tilespmem:s12+$0xFFFFFFE0]  }
0x820: {  	v4 =	vld [tilespmem:s12+$0x10]  }
0x821: {  	v5 =	vld [tilespmem:s12+$0xFFFFFFF0]  }
0x822: {  	s17 =	simm.s32 $0x13FC8;
	v6 =	vld [tilespmem:s12+$0x0]  }
0x823: {  	v7 =	vld [tilespmem:s17+$0xFFFFFFE0]  }
0x824: {  	v8 =	vld [tilespmem:s17+$0xFFFFFFF0]  }
0x825: {  	v9 =	vld [tilespmem:s17+$0x0]  }
0x826: {  	s19 =	simm.s32 $0x1BD08;
	v10 =	vld [tilespmem:s17+$0x10]  }
0x827: {  	v11 =	vld [tilespmem:s19+$0xFFFFFFE0]  }
0x828: {  	v12 =	vld [tilespmem:s19+$0xFFFFFFF0]  }
0x829: {  	s21 =	simm.s32 $0x14008;
	v13 =	vld [tilespmem:s19+$0x0]  }
0x82a: {  	s5 =	simm.s32 $0x14048;
	v14 =	vld [tilespmem:s21+$0xFFFFFFE0];
	v3 =	vsub.f32 v7, v3  }
0x82b: {  	s17 =	simm.s32 $0x1BD48;
	v16 =	vld [tilespmem:s5+$0xFFFFFFE0]  }
0x82c: {  	v15 =	vld [tilespmem:s17+$0xFFFFFFE0];
	v4 =	vsub.f32 v10, v4;
	v3 =	vmul.f32 v3, v2  }
0x82d: {  	v7 =	vld [tilespmem:s19+$0x10];
	v5 =	vsub.f32 v8, v5  }
0x82e: {  	v6 =	vsub.f32 v9, v6;
	v9 =	vld [tilespmem:s21+$0x0];
	v4 =	vmul.f32 v4, v2;
	v3 =	vadd.f32 v3, v1  }
0x82f: {  	v10 =	vld [tilespmem:s21+$0x10];
	v11 =	vsub.f32 v14, v11;
	v5 =	vmul.f32 v5, v2  }
0x830: {  	v17 =	vld [tilespmem:s17+$0x10];
	v4 =	vadd.f32 v4, v1;
	v3 =	vmul.f32 $1.442695020e+00, v3  }
0x831: {  	v8 =	vld [tilespmem:s21+$0xFFFFFFF0];
	v11 =	vmul.f32 v11, v2;
	v5 =	vadd.f32 v5, v1  }
0x832: {  	v14 =	vld [tilespmem:s17+$0xFFFFFFF0];
	v4 =	vmul.f32 $1.442695020e+00, v4;
	(erf) = vpow2.f32 v3  }
0x833: {  	v6 =	vmul.f32 v6, v2;
	v9 =	vsub.f32 v9, v13;
	v5 =	vmul.f32 $1.442695020e+00, v5;
	v3 =	vld [tilespmem:s5+$0xFFFFFFF0]  }
0x834: {  	v13 =	vld [tilespmem:s5+$0x0];
	(erf) = vpow2.f32 v4;
	v4 =	vsub.f32 v10, v7;
	v7 =	vadd.f32 v11, v1  }
0x835: {  	s21 =	simm.s32 $0x14088;
	v6 =	vadd.f32 v6, v1;
	v10 =	vsub.f32 v16, v15;
	v11 =	vld [tilespmem:s5+$0x10];
	(erf) = vpow2.f32 v5  }
0x836: {  	s12 =	simm.s32 $0x1BD88;
	v15 =	vld [tilespmem:s21+$0xFFFFFFF0];
	v4 =	vmul.f32 v4, v2;
	v7 =	vmul.f32 $1.442695020e+00, v7  }
0x837: {  	v6 =	vmul.f32 $1.442695020e+00, v6;
	v5 =	vsub.f32 v8, v12;
	v8 =	vld [tilespmem:s12+$0xFFFFFFE0];
	v10 =	vmul.f32 v10, v2  }
0x838: {  	v3 =	vsub.f32 v3, v14;
	v4 =	vadd.f32 v4, v1;
	v14 =	vld [tilespmem:s21+$0xFFFFFFE0];
	(erf) = vpow2.f32 v7  }
0x839: {  	v5 =	vmul.f32 v5, v2;
	v10 =	vadd.f32 v10, v1;
	(erf) = vpow2.f32 v6;
	v6 =	vld [tilespmem:s17+$0x0]  }
0x83a: {  	v9 =	vmul.f32 v9, v2;
	v12 =	vld [tilespmem:s12+$0xFFFFFFF0];
	v4 =	vmul.f32 $1.442695020e+00, v4  }
0x83b: {  	v5 =	vadd.f32 v5, v1;
	v3 =	vmul.f32 v3, v2;
	v10 =	vmul.f32 $1.442695020e+00, v10;
	v7 =	vpop (erf)  }
0x83c: {  	(erf) = vpow2.f32 v4;
	v4 =	vsub.f32 v11, v17;
	v7 =	vadd.f32 $1.000000000e+00, v7  }
0x83d: {  	v5 =	vmul.f32 $1.442695020e+00, v5;
	v3 =	vadd.f32 v3, v1;
	v16 =	vpop (erf);
	v8 =	vsub.f32 v14, v8  }
0x83e: {  	v11 =	vld [tilespmem:s12+$0x10];
	v14 =	vpop (erf);
	v4 =	vmul.f32 v4, v2;
	v6 =	vsub.f32 v13, v6;
	(erf) = vrcp.f32 v7  }
0x83f: {  	s9 =	simm.s32 $0x1BDC8;
	v7 =	vsub.f32 v15, v12;
	v12 =	vld [tilespmem:s21+$0x10];
	v14 =	vadd.f32 $1.000000000e+00, v14;
	(erf) = vpow2.f32 v5  }
0x840: {  	v3 =	vmul.f32 $1.442695020e+00, v3;
	v15 =	vadd.f32 $1.000000000e+00, v16;
	v16 =	vld [tilespmem:s9+$0xFFFFFFF0];
	v5 =	vadd.f32 v9, v1  }
0x841: {  	s19 =	simm.s32 $0x140C8;
	v8 =	vmul.f32 v8, v2;
	v9 =	vld [tilespmem:s9+$0xFFFFFFE0];
	v4 =	vadd.f32 v4, v1;
	v6 =	vmul.f32 v6, v2  }
0x842: {  	(erf) = vrcp.f32 v14;
	v14 =	vld [tilespmem:s19+$0xFFFFFFF0];
	v5 =	vmul.f32 $1.442695020e+00, v5  }
0x843: {  	v4 =	vmul.f32 $1.442695020e+00, v4;
	(erf) = vpow2.f32 v10;
	v10 =	vld [tilespmem:s19+$0xFFFFFFE0]  }
0x844: {  	v7 =	vmul.f32 v7, v2;
	v13 =	vpop (erf);
	v8 =	vadd.f32 v8, v1;
	(erf) = vrcp.f32 v15  }
0x845: {  	v18 =	vld [tilespmem:s21+$0x0];
	v17 =	vpop (erf);
	v13 =	vadd.f32 $1.000000000e+00, v13;
	v6 =	vadd.f32 v6, v1;
	(erf) = vpow2.f32 v5  }
0x846: {  	v8 =	vmul.f32 $1.442695020e+00, v8;
	v15 =	vadd.f32 $1.000000000e+00, v17;
	v5 =	vld [tilespmem:s12+$0x0];
	v11 =	vsub.f32 v12, v11;
	v17 =	vpop (erf)  }
0x847: {  	v19 =	vld [tilespmem:s19+$0x10];
	v23 =	vmul.f32 $1.442695020e+00, v6;
	(erf) = vpow2.f32 v4;
	v14 =	vsub.f32 v14, v16;
	v4 =	vpop (erf)  }
0x848: {  	v12 =	vld [tilespmem:s9+$0x10];
	(erf) = vrcp.f32 v13;
	v11 =	vmul.f32 v11, v2;
	v9 =	vsub.f32 v10, v9;
	v10 =	vpop (erf)  }
0x849: {  	s17 =	simm.s32 $0x1BE08;
	(erf) = vrcp.f32 v15;
	v14 =	vmul.f32 v14, v2;
	v10 =	vadd.f32 $1.000000000e+00, v10  }
0x84a: {  	v20 =	vld [tilespmem:s17+$0xFFFFFFE0];
	v21 =	vmul.f32 v4, v0;
	(erf) = vpow2.f32 v3  }
0x84b: {  	v22 =	vld [tilespmem:s17+$0xFFFFFFF0];
	s21 =	simm.s32 $0x14108;
	v3 =	vadd.f32 $1.000000000e+00, v17;
	v5 =	vsub.f32 v18, v5;
	v13 =	vpop (erf);
	(erf) = vrcp.f32 v10  }
0x84c: {  	v25 =	vld [tilespmem:s21+$0xFFFFFFF0];
	v11 =	vadd.f32 v11, v1;
	v9 =	vmul.f32 v9, v2;
	v17 =	vpop (erf);
	(erf) = vpow2.f32 v8  }
0x84d: {  	v18 =	vld [tilespmem:s21+$0xFFFFFFE0];
	v19 =	vsub.f32 v19, v12;
	v24 =	vpop (erf);
	(erf) = vrcp.f32 v3;
	v3 =	vmul.f32 v5, v2  }
0x84e: {  	v11 =	vmul.f32 $1.442695020e+00, v11;
	v9 =	vadd.f32 v9, v1;
	v8 =	vadd.f32 v7, v1;
	v6 =	vpop (erf);
	v7 =	vld [tilespmem:s19+$0x0]  }
0x84f: {  	v13 =	vmul.f32 v13, v0;
	v26 =	vadd.f32 $1.000000000e+00, v17;
	v16 =	vadd.f32 $1.000000000e+00, v6;
	v6 =	vld [tilespmem:s17+$0x10]  }
0x850: {  	v10 =	vmul.f32 $1.442695020e+00, v9;
	v9 =	vadd.f32 v14, v1;
	s19 =	simm.s32 $0x1D5C8;
	v15 =	vpop (erf);
	v5 =	vld [tilespmem:s17+$0x0];
	(erf) = vpow2.f32 v23  }
0x851: {  	v4 =	vld [tilespmem:s9+$0x0];
	[tilespmem:s19+$0xFFFFFFF0] =	vst v13;
	v23 =	vmul.f32 v24, v0;
	v14 =	vadd.f32 v3, v1;
	(erf) = vpow2.f32 v11;
	v3 =	vpop (erf)  }
0x852: {  	s30 =	simm.s32 $0x1D608;
	s5 =	simm.s32 $0x140;
	s12 =	simm.s32 $0x1D648;
	v13 =	vsub.f32 v25, v22;
	[tilespmem:s19+$0xFFFFFFE0] =	vst v21;
	v17 =	vmul.f32 $1.442695020e+00, v8;
	v8 =	vld [tilespmem:s21+$0x0];
	v3 =	vmul.f32 v3, v0;
	v12 =	vpop (erf)  }
0x853: {  	s9 =	simm.s32 $0x1BE48;
	v18 =	vsub.f32 v18, v20;
	s17 =	simm.s32 $0x14148;
	v11 =	vld [tilespmem:s21+$0x10];
	s21 =	simm.s32 $0x1D648;
	[tilespmem:s19+$0x10] =	vst v23;
	(erf) = vrcp.f32 v26;
	v20 =	vpop (erf);
	v12 =	vmul.f32 v12, v0  }
.LBB2_28:
0x854: {  	v21 =	vld [tilespmem:s9+$0xFFFFFFE0];
	s5 =	sadd.s32 $0x40, s5;
	v19 =	vmul.f32 v19, v2;
	v20 =	vadd.f32 $1.000000000e+00, v20;
	s12 =	sadd.s32 $0x40, s12;
	v22 =	vpop (erf);
	(erf) = vrcp.f32 v16  }
0x855: {  	v15 =	vadd.f32 $1.000000000e+00, v15;
	p0 =	slt.u32 s5, $0x18C0;
	v16 =	vmul.f32 v18, v2;
	(erf) = vpow2.f32 v17;
	[tilespmem:s19+$0x0] =	vst v12;
	v12 =	vmovc v6;
	v6 =	vld [tilespmem:s9+$0x10];
	v17 =	vmovc v5;
	s19 =	smov.u32 s30;
	s30 =	smov.u32 s21  }
0x856: {  	v13 =	vmul.f32 v13, v2;
	s21 =	smov.u32 s12;
	v18 =	vld [tilespmem:s9+$0xFFFFFFF0];
	v19 =	vadd.f32 v19, v1;
	v23 =	vpop (erf);
	(erf) = vrcp.f32 v20  }
0x857: {  	v14 =	vmul.f32 $1.442695020e+00, v14;
	v20 =	vmul.f32 v22, v0;
	v5 =	vld [tilespmem:s9+$0x0];
	v27 =	vadd.f32 v16, v1;
	v22 =	vpop (erf)  }
0x858: {  	v25 =	vsub.f32 v7, v4;
	v7 =	vmovc v8;
	v4 =	vmovc v17;
	v24 =	vld [tilespmem:s17+$0xFFFFFFF0];
	v19 =	vmul.f32 $1.442695020e+00, v19;
	(erf) = vpow2.f32 v10  }
0x859: {  	v17 =	vmov v9;
	v26 =	vld [tilespmem:s17+$0xFFFFFFE0];
	v10 =	vmul.f32 $1.442695020e+00, v27;
	v16 =	vpop (erf);
	(erf) = vrcp.f32 v15;
	[tilespmem:s19+$0xFFFFFFF0] =	vst v20  }
.Ltmp13:
0x85a: {  	v9 =	vadd.f32 v13, v1;
	v13 =	vmul.f32 v25, v2;
	v8 =	vld [tilespmem:s17+$0x0];
	v15 =	vpop (erf);
	v16 =	vadd.f32 $1.000000000e+00, v16;
	(pc) =	sbr.rel @p0 .LBB2_28-.Ltmp13, $4  }
0x85b: {  	v25 =	vadd.f32 $1.000000000e+00, v23;
	v22 =	vmul.f32 v22, v0;
	v23 =	vmovc v3;
	(erf) = vpow2.f32 v14  }
0x85c: {  	v17 =	vmul.f32 $1.442695020e+00, v17;
	v14 =	vadd.f32 v13, v1;
	(erf) = vpow2.f32 v19;
	v3 =	vpop (erf)  }
0x85d: {  	v19 =	vsub.f32 v11, v12;
	v13 =	vsub.f32 v24, v18;
	v3 =	vmul.f32 v3, v0;
	[tilespmem:s19+$0x10] =	vst v22;
	v12 =	vpop (erf)  }
0x85e: {  	s9 =	sadd.s32 $0x40, s9;
	v18 =	vsub.f32 v26, v21;
	v11 =	vld [tilespmem:s17+$0x10];
	s17 =	sadd.s32 $0x40, s17;
	(erf) = vrcp.f32 v25;
	v20 =	vpop (erf);
	[tilespmem:s19+$0xFFFFFFE0] =	vst v23;
	v12 =	vmul.f32 v12, v0  }
0x85f: {  	v19 =	vmul.f32 v19, v2  }
0x860: {  	(erf) = vrcp.f32 v16  }
0x861: {  	v20 =	vadd.f32 $1.000000000e+00, v20;
	v15 =	vadd.f32 $1.000000000e+00, v15;
	(erf) = vpow2.f32 v17  }
0x862: {  	v16 =	vpop (erf)  }
0x863: {  	v17 =	vadd.f32 v19, v1;
	(erf) = vrcp.f32 v20;
	v19 =	vpop (erf)  }
0x864: {  	v14 =	vmul.f32 $1.442695020e+00, v14;
	(erf) = vpow2.f32 v10;
	v10 =	vpop (erf)  }
0x865: {  	v17 =	vmul.f32 $1.442695020e+00, v17;
	(erf) = vrcp.f32 v15;
	v15 =	vpop (erf)  }
0x866: {  	v19 =	vadd.f32 $1.000000000e+00, v19;
	(erf) = vpow2.f32 v14;
	v14 =	vadd.f32 $1.000000000e+00, v15  }
0x867: {  	v9 =	vmul.f32 $1.442695020e+00, v9;
	(erf) = vpow2.f32 v17;
	v15 =	vpop (erf)  }
0x868: {  	v4 =	vsub.f32 v7, v4;
	v17 =	vmul.f32 v18, v2;
	(erf) = vrcp.f32 v19;
	v7 =	vpop (erf)  }
0x869: {  	v6 =	vsub.f32 v11, v6;
	(erf) = vrcp.f32 v14;
	v11 =	vpop (erf)  }
0x86a: {  	v4 =	vmul.f32 v4, v2;
	(erf) = vpow2.f32 v9;
	v9 =	vadd.f32 v17, v1;
	v14 =	vpop (erf)  }
0x86b: {  	v6 =	vmul.f32 v6, v2;
	v14 =	vadd.f32 $1.000000000e+00, v14  }
0x86c: {  	v4 =	vadd.f32 v4, v1;
	v9 =	vmul.f32 $1.442695020e+00, v9  }
0x86d: {  	v13 =	vmul.f32 v13, v2;
	v6 =	vadd.f32 v6, v1;
	v17 =	vpop (erf)  }
0x86e: {  	v4 =	vmul.f32 $1.442695020e+00, v4;
	v15 =	vadd.f32 $1.000000000e+00, v15;
	v18 =	vpop (erf);
	(erf) = vrcp.f32 v14  }
0x86f: {  	v6 =	vmul.f32 $1.442695020e+00, v6;
	v14 =	vpop (erf);
	(erf) = vpow2.f32 v9  }
0x870: {  	v5 =	vsub.f32 v8, v5;
	v9 =	vpop (erf);
	(erf) = vrcp.f32 v15;
	v15 =	vadd.f32 $1.000000000e+00, v18  }
0x871: {  	v8 =	vpop (erf)  }
0x872: {  	v13 =	vadd.f32 v13, v1;
	v5 =	vmul.f32 v5, v2;
	(erf) = vpow2.f32 v4;
	v4 =	vpop (erf)  }
0x873: {  	v9 =	vadd.f32 $1.000000000e+00, v9;
	(erf) = vpow2.f32 v6;
	v6 =	vpop (erf)  }
0x874: {  	v13 =	vmul.f32 $1.442695020e+00, v13;
	v5 =	vadd.f32 v5, v1;
	(erf) = vrcp.f32 v15;
	v15 =	vpop (erf)  }
0x875: {  	v8 =	vadd.f32 $1.000000000e+00, v8;
	(erf) = vrcp.f32 v9;
	v15 =	vadd.f32 $1.000000000e+00, v15  }
0x876: {  	v5 =	vmul.f32 $1.442695020e+00, v5;
	(erf) = vpow2.f32 v13  }
0x877: {  	(erf) = vrcp.f32 v15  }
0x878: {  	v9 =	vpop (erf);
	(erf) = vrcp.f32 v8  }
0x879: {  	v8 =	vpop (erf);
	(erf) = vpow2.f32 v5  }
0x87a: {  	v15 =	vmul.f32 v16, v0;
	v5 =	vpop (erf)  }
0x87b: {  	v13 =	vpop (erf)  }
0x87c: {  	[tilespmem:s30+$0xFFFFFFE0] =	vst v3;
	v16 =	vpop (erf)  }
0x87d: {  	[tilespmem:s19+$0x0] =	vst v12;
	v10 =	vmul.f32 v10, v0;
	v12 =	vpop (erf)  }
0x87e: {  	v3 =	vmul.f32 v17, v0;
	[tilespmem:s30+$0xFFFFFFF0] =	vst v15;
	v8 =	vadd.f32 $1.000000000e+00, v8;
	v15 =	vpop (erf)  }
0x87f: {  	[tilespmem:s30+$0x10] =	vst v10;
	v10 =	vmul.f32 v11, v0;
	v11 =	vadd.f32 $1.000000000e+00, v13;
	v13 =	vpop (erf)  }
0x880: {  	(erf) = vrcp.f32 v8;
	v8 =	vadd.f32 $1.000000000e+00, v13;
	v13 =	vpop (erf)  }
0x881: {  	[tilespmem:s30+$0x0] =	vst v10;
	v10 =	vmul.f32 v14, v0;
	v14 =	vpop (erf)  }
0x882: {  	[tilespmem:s21+$0xFFFFFFF0] =	vst v3;
	(erf) = vrcp.f32 v11;
	v11 =	vadd.f32 $1.000000000e+00, v16;
	v3 =	vpop (erf)  }
0x883: {  	(erf) = vrcp.f32 v8;
	v3 =	vadd.f32 $1.000000000e+00, v3  }
0x884: {  	v7 =	vmul.f32 v7, v0;
	(erf) = vrcp.f32 v11  }
0x885: {  	(erf) = vrcp.f32 v3;
	v3 =	vmul.f32 v4, v0  }
0x886: {  	s5 =	sadd.s32 $0x40, s12;
	[tilespmem:s21+$0xFFFFFFE0] =	vst v7;
	v5 =	vmul.f32 v5, v0;
	v4 =	vmul.f32 v15, v0  }
0x887: {  	v6 =	vmul.f32 v6, v0;
	[tilespmem:s5+$0xFFFFFFE0] =	vst v3;
	v3 =	vmul.f32 v13, v0  }
0x888: {  	[tilespmem:s5+$0x0] =	vst v4;
	v4 =	vmul.f32 v14, v0  }
0x889: {  	[tilespmem:s21+$0x0] =	vst v6  }
0x88a: {  	s9 =	sadd.s32 $0x40, s5;
	[tilespmem:s5+$0x10] =	vst v5;
	v5 =	vpop (erf)  }
0x88b: {  	v6 =	vmul.f32 v12, v0;
	[tilespmem:s9+$0xFFFFFFF0] =	vst v3;
	v3 =	vpop (erf)  }
0x88c: {  	v7 =	vmul.f32 v9, v0;
	[tilespmem:s9+$0x10] =	vst v4;
	v4 =	vpop (erf)  }
0x88d: {  	[tilespmem:s21+$0x10] =	vst v10;
	v4 =	vmul.f32 v4, v0  }
0x88e: {  	[tilespmem:s5+$0xFFFFFFF0] =	vst v7;
	v3 =	vmul.f32 v3, v0  }
0x88f: {  	[tilespmem:s9+$0xFFFFFFE0] =	vst v6;
	v6 =	vpop (erf)  }
0x890: {  	s21 =	sadd.s32 $0x40, s9;
	[tilespmem:s9+$0x0] =	vst v3;
	v3 =	vmul.f32 v6, v0  }
0x891: {  	v5 =	vmul.f32 v5, v0;
	[tilespmem:s21+$0xFFFFFFF0] =	vst v4;
	v4 =	vpop (erf)  }
0x892: {  	[tilespmem:s21+$0x10] =	vst v3;
	v3 =	vmul.f32 v4, v0  }
0x893: {  	[tilespmem:s21+$0xFFFFFFE0] =	vst v5  }
0x894: {  	[tilespmem:s21+$0x0] =	vst v3  }
0x895: {  	s5 =	sld [smem:$0x7EF];
	_ =	sdelay $0x2  }
0x896: {  	[hbm4b:s5+s1] =	stream.linear.scatter [tilespmem:s23], [sflag:$0xB], $0x1900, $0x38;
	[tilespmem:$0x1EEA8] =	vst v63  }
0x897: {  	_ =	swait.ge [sflag:s31], $0x1900  }
0x898: {  	[sflag:s31] =	ssyncset.done $0x0  }
0x899: {  	[sflag:s31] =	ssyncadd.s32 $0xFFFFE700  }
0x89a: {  	_ =	swait.ge [sflag:s31], $0x1900  }
0x89b: {  	[sflag:s31] =	ssyncset.done $0x0  }
0x89c: {  	[sflag:s31] =	ssyncadd.s32 $0xFFFFE700  }
0x89d: {  	[tilespmem:s14], [sflag:$0x9] =	stream.indirect.gather [spmem:s29], $0x1, s16, s0, $0xb8;
	[tilespmem:$0x1EEA8] =	vst v63  }
0x89e: {  	_ = 	snop  }
0x89f: {  	[tilespmem:s6], [sflag:$0xA] =	stream.indirect.gather [spmem:s29], $0x1, s2, s0, $0xb8;
	[tilespmem:$0x1EEA8] =	vst v63  }
0x8a0: {  	_ =	swait.ge [sflag:s22], $0xC80  }
0x8a1: {  	[sflag:s22] =	ssyncset.done $0x0  }
0x8a2: {  	[sflag:s22] =	ssyncadd.s32 $0xFFFFF380  }
0x8a3: {  	_ =	swait.ge [sflag:s7], $0xC80  }
0x8a4: {  	[sflag:s7] =	ssyncset.done $0x0  }
0x8a5: {  	[sflag:s7] =	ssyncadd.s32 $0xFFFFF380  }
0x8a6: {  	_ =	swait.ge [sflag:s26], $0x1900  }
0x8a7: {  	[sflag:s26] =	ssyncset.done $0x0  }
0x8a8: {  	s12 =	simm.s32 $0x18AC8;
	[sflag:s26] =	ssyncadd.s32 $0xFFFFE700  }
0x8a9: {  	v3 =	vld [tilespmem:s12+$0xFFFFFFE0]  }
0x8aa: {  	v4 =	vld [tilespmem:s12+$0x10]  }
0x8ab: {  	v5 =	vld [tilespmem:s12+$0xFFFFFFF0]  }
0x8ac: {  	s17 =	simm.s32 $0x171C8;
	v6 =	vld [tilespmem:s12+$0x0]  }
0x8ad: {  	v7 =	vld [tilespmem:s17+$0xFFFFFFE0]  }
0x8ae: {  	v8 =	vld [tilespmem:s17+$0xFFFFFFF0]  }
0x8af: {  	v9 =	vld [tilespmem:s17+$0x0]  }
0x8b0: {  	s19 =	simm.s32 $0x18B08;
	v10 =	vld [tilespmem:s17+$0x10]  }
0x8b1: {  	v11 =	vld [tilespmem:s19+$0xFFFFFFE0]  }
0x8b2: {  	v12 =	vld [tilespmem:s19+$0xFFFFFFF0]  }
0x8b3: {  	s21 =	simm.s32 $0x17208;
	v13 =	vld [tilespmem:s19+$0x0]  }
0x8b4: {  	s5 =	simm.s32 $0x17248;
	v14 =	vld [tilespmem:s21+$0xFFFFFFE0];
	v3 =	vsub.f32 v7, v3  }
0x8b5: {  	s17 =	simm.s32 $0x18B48;
	v16 =	vld [tilespmem:s5+$0xFFFFFFE0]  }
0x8b6: {  	v15 =	vld [tilespmem:s17+$0xFFFFFFE0];
	v4 =	vsub.f32 v10, v4;
	v3 =	vmul.f32 v3, v2  }
0x8b7: {  	v7 =	vld [tilespmem:s19+$0x10];
	v5 =	vsub.f32 v8, v5  }
0x8b8: {  	v6 =	vsub.f32 v9, v6;
	v9 =	vld [tilespmem:s21+$0x0];
	v4 =	vmul.f32 v4, v2;
	v3 =	vadd.f32 v3, v1  }
0x8b9: {  	v10 =	vld [tilespmem:s21+$0x10];
	v11 =	vsub.f32 v14, v11;
	v5 =	vmul.f32 v5, v2  }
0x8ba: {  	v17 =	vld [tilespmem:s17+$0x10];
	v4 =	vadd.f32 v4, v1;
	v3 =	vmul.f32 $1.442695020e+00, v3  }
0x8bb: {  	v8 =	vld [tilespmem:s21+$0xFFFFFFF0];
	v11 =	vmul.f32 v11, v2;
	v5 =	vadd.f32 v5, v1  }
0x8bc: {  	v14 =	vld [tilespmem:s17+$0xFFFFFFF0];
	v4 =	vmul.f32 $1.442695020e+00, v4;
	(erf) = vpow2.f32 v3  }
0x8bd: {  	v6 =	vmul.f32 v6, v2;
	v9 =	vsub.f32 v9, v13;
	v5 =	vmul.f32 $1.442695020e+00, v5;
	v3 =	vld [tilespmem:s5+$0xFFFFFFF0]  }
0x8be: {  	v13 =	vld [tilespmem:s5+$0x0];
	(erf) = vpow2.f32 v4;
	v4 =	vsub.f32 v10, v7;
	v7 =	vadd.f32 v11, v1  }
0x8bf: {  	s21 =	simm.s32 $0x17288;
	v6 =	vadd.f32 v6, v1;
	v10 =	vsub.f32 v16, v15;
	v11 =	vld [tilespmem:s5+$0x10];
	(erf) = vpow2.f32 v5  }
0x8c0: {  	s12 =	simm.s32 $0x18B88;
	v15 =	vld [tilespmem:s21+$0xFFFFFFF0];
	v4 =	vmul.f32 v4, v2;
	v7 =	vmul.f32 $1.442695020e+00, v7  }
0x8c1: {  	v6 =	vmul.f32 $1.442695020e+00, v6;
	v5 =	vsub.f32 v8, v12;
	v8 =	vld [tilespmem:s12+$0xFFFFFFE0];
	v10 =	vmul.f32 v10, v2  }
0x8c2: {  	v3 =	vsub.f32 v3, v14;
	v4 =	vadd.f32 v4, v1;
	v14 =	vld [tilespmem:s21+$0xFFFFFFE0];
	(erf) = vpow2.f32 v7  }
0x8c3: {  	v5 =	vmul.f32 v5, v2;
	v10 =	vadd.f32 v10, v1;
	(erf) = vpow2.f32 v6;
	v6 =	vld [tilespmem:s17+$0x0]  }
0x8c4: {  	v9 =	vmul.f32 v9, v2;
	v12 =	vld [tilespmem:s12+$0xFFFFFFF0];
	v4 =	vmul.f32 $1.442695020e+00, v4  }
0x8c5: {  	v5 =	vadd.f32 v5, v1;
	v3 =	vmul.f32 v3, v2;
	v10 =	vmul.f32 $1.442695020e+00, v10;
	v7 =	vpop (erf)  }
0x8c6: {  	(erf) = vpow2.f32 v4;
	v4 =	vsub.f32 v11, v17;
	v7 =	vadd.f32 $1.000000000e+00, v7  }
0x8c7: {  	v5 =	vmul.f32 $1.442695020e+00, v5;
	v3 =	vadd.f32 v3, v1;
	v16 =	vpop (erf);
	v8 =	vsub.f32 v14, v8  }
0x8c8: {  	v11 =	vld [tilespmem:s12+$0x10];
	v14 =	vpop (erf);
	v4 =	vmul.f32 v4, v2;
	v6 =	vsub.f32 v13, v6;
	(erf) = vrcp.f32 v7  }
0x8c9: {  	s9 =	simm.s32 $0x18BC8;
	v7 =	vsub.f32 v15, v12;
	v12 =	vld [tilespmem:s21+$0x10];
	v14 =	vadd.f32 $1.000000000e+00, v14;
	(erf) = vpow2.f32 v5  }
0x8ca: {  	v3 =	vmul.f32 $1.442695020e+00, v3;
	v15 =	vadd.f32 $1.000000000e+00, v16;
	v16 =	vld [tilespmem:s9+$0xFFFFFFF0];
	v5 =	vadd.f32 v9, v1  }
0x8cb: {  	s19 =	simm.s32 $0x172C8;
	v8 =	vmul.f32 v8, v2;
	v9 =	vld [tilespmem:s9+$0xFFFFFFE0];
	v4 =	vadd.f32 v4, v1;
	v6 =	vmul.f32 v6, v2  }
0x8cc: {  	(erf) = vrcp.f32 v14;
	v14 =	vld [tilespmem:s19+$0xFFFFFFF0];
	v5 =	vmul.f32 $1.442695020e+00, v5  }
0x8cd: {  	v4 =	vmul.f32 $1.442695020e+00, v4;
	(erf) = vpow2.f32 v10;
	v10 =	vld [tilespmem:s19+$0xFFFFFFE0]  }
0x8ce: {  	v7 =	vmul.f32 v7, v2;
	v13 =	vpop (erf);
	v8 =	vadd.f32 v8, v1;
	(erf) = vrcp.f32 v15  }
0x8cf: {  	v18 =	vld [tilespmem:s21+$0x0];
	v17 =	vpop (erf);
	v13 =	vadd.f32 $1.000000000e+00, v13;
	v6 =	vadd.f32 v6, v1;
	(erf) = vpow2.f32 v5  }
0x8d0: {  	v8 =	vmul.f32 $1.442695020e+00, v8;
	v15 =	vadd.f32 $1.000000000e+00, v17;
	v5 =	vld [tilespmem:s12+$0x0];
	v11 =	vsub.f32 v12, v11;
	v17 =	vpop (erf)  }
0x8d1: {  	v19 =	vld [tilespmem:s19+$0x10];
	v23 =	vmul.f32 $1.442695020e+00, v6;
	(erf) = vpow2.f32 v4;
	v14 =	vsub.f32 v14, v16;
	v4 =	vpop (erf)  }
0x8d2: {  	v12 =	vld [tilespmem:s9+$0x10];
	(erf) = vrcp.f32 v13;
	v11 =	vmul.f32 v11, v2;
	v9 =	vsub.f32 v10, v9;
	v10 =	vpop (erf)  }
0x8d3: {  	s17 =	simm.s32 $0x18C08;
	(erf) = vrcp.f32 v15;
	v14 =	vmul.f32 v14, v2;
	v10 =	vadd.f32 $1.000000000e+00, v10  }
0x8d4: {  	v20 =	vld [tilespmem:s17+$0xFFFFFFE0];
	v21 =	vmul.f32 v4, v0;
	(erf) = vpow2.f32 v3  }
0x8d5: {  	v22 =	vld [tilespmem:s17+$0xFFFFFFF0];
	s21 =	simm.s32 $0x17308;
	v3 =	vadd.f32 $1.000000000e+00, v17;
	v5 =	vsub.f32 v18, v5;
	v13 =	vpop (erf);
	(erf) = vrcp.f32 v10  }
0x8d6: {  	v25 =	vld [tilespmem:s21+$0xFFFFFFF0];
	v11 =	vadd.f32 v11, v1;
	v9 =	vmul.f32 v9, v2;
	v17 =	vpop (erf);
	(erf) = vpow2.f32 v8  }
0x8d7: {  	v18 =	vld [tilespmem:s21+$0xFFFFFFE0];
	v19 =	vsub.f32 v19, v12;
	v24 =	vpop (erf);
	(erf) = vrcp.f32 v3;
	v3 =	vmul.f32 v5, v2  }
0x8d8: {  	v11 =	vmul.f32 $1.442695020e+00, v11;
	v9 =	vadd.f32 v9, v1;
	v8 =	vadd.f32 v7, v1;
	v6 =	vpop (erf);
	v7 =	vld [tilespmem:s19+$0x0]  }
0x8d9: {  	v13 =	vmul.f32 v13, v0;
	v26 =	vadd.f32 $1.000000000e+00, v17;
	v16 =	vadd.f32 $1.000000000e+00, v6;
	v6 =	vld [tilespmem:s17+$0x10]  }
0x8da: {  	v10 =	vmul.f32 $1.442695020e+00, v9;
	v9 =	vadd.f32 v14, v1;
	s19 =	simm.s32 $0x1A3C8;
	v15 =	vpop (erf);
	v5 =	vld [tilespmem:s17+$0x0];
	(erf) = vpow2.f32 v23  }
0x8db: {  	v4 =	vld [tilespmem:s9+$0x0];
	[tilespmem:s19+$0xFFFFFFF0] =	vst v13;
	v23 =	vmul.f32 v24, v0;
	v14 =	vadd.f32 v3, v1;
	(erf) = vpow2.f32 v11;
	v3 =	vpop (erf)  }
0x8dc: {  	s30 =	simm.s32 $0x1A408;
	s5 =	simm.s32 $0x140;
	s12 =	simm.s32 $0x1A448;
	v13 =	vsub.f32 v25, v22;
	[tilespmem:s19+$0xFFFFFFE0] =	vst v21;
	v17 =	vmul.f32 $1.442695020e+00, v8;
	v8 =	vld [tilespmem:s21+$0x0];
	v3 =	vmul.f32 v3, v0;
	v12 =	vpop (erf)  }
0x8dd: {  	s9 =	simm.s32 $0x18C48;
	v18 =	vsub.f32 v18, v20;
	s17 =	simm.s32 $0x17348;
	v11 =	vld [tilespmem:s21+$0x10];
	s21 =	simm.s32 $0x1A448;
	[tilespmem:s19+$0x10] =	vst v23;
	(erf) = vrcp.f32 v26;
	v20 =	vpop (erf);
	v12 =	vmul.f32 v12, v0  }
.LBB2_30:
0x8de: {  	v21 =	vld [tilespmem:s9+$0xFFFFFFE0];
	s5 =	sadd.s32 $0x40, s5;
	v19 =	vmul.f32 v19, v2;
	v20 =	vadd.f32 $1.000000000e+00, v20;
	s12 =	sadd.s32 $0x40, s12;
	v22 =	vpop (erf);
	(erf) = vrcp.f32 v16  }
0x8df: {  	v15 =	vadd.f32 $1.000000000e+00, v15;
	p0 =	slt.u32 s5, $0x18C0;
	v16 =	vmul.f32 v18, v2;
	(erf) = vpow2.f32 v17;
	[tilespmem:s19+$0x0] =	vst v12;
	v12 =	vmovc v6;
	v6 =	vld [tilespmem:s9+$0x10];
	v17 =	vmovc v5;
	s19 =	smov.u32 s30;
	s30 =	smov.u32 s21  }
0x8e0: {  	v13 =	vmul.f32 v13, v2;
	s21 =	smov.u32 s12;
	v18 =	vld [tilespmem:s9+$0xFFFFFFF0];
	v19 =	vadd.f32 v19, v1;
	v23 =	vpop (erf);
	(erf) = vrcp.f32 v20  }
0x8e1: {  	v14 =	vmul.f32 $1.442695020e+00, v14;
	v20 =	vmul.f32 v22, v0;
	v5 =	vld [tilespmem:s9+$0x0];
	v27 =	vadd.f32 v16, v1;
	v22 =	vpop (erf)  }
0x8e2: {  	v25 =	vsub.f32 v7, v4;
	v7 =	vmovc v8;
	v4 =	vmovc v17;
	v24 =	vld [tilespmem:s17+$0xFFFFFFF0];
	v19 =	vmul.f32 $1.442695020e+00, v19;
	(erf) = vpow2.f32 v10  }
0x8e3: {  	v17 =	vmov v9;
	v26 =	vld [tilespmem:s17+$0xFFFFFFE0];
	v10 =	vmul.f32 $1.442695020e+00, v27;
	v16 =	vpop (erf);
	(erf) = vrcp.f32 v15;
	[tilespmem:s19+$0xFFFFFFF0] =	vst v20  }
.Ltmp14:
0x8e4: {  	v9 =	vadd.f32 v13, v1;
	v13 =	vmul.f32 v25, v2;
	v8 =	vld [tilespmem:s17+$0x0];
	v15 =	vpop (erf);
	v16 =	vadd.f32 $1.000000000e+00, v16;
	(pc) =	sbr.rel @p0 .LBB2_30-.Ltmp14, $4  }
0x8e5: {  	v25 =	vadd.f32 $1.000000000e+00, v23;
	v22 =	vmul.f32 v22, v0;
	v23 =	vmovc v3;
	(erf) = vpow2.f32 v14  }
0x8e6: {  	v17 =	vmul.f32 $1.442695020e+00, v17;
	v14 =	vadd.f32 v13, v1;
	(erf) = vpow2.f32 v19;
	v3 =	vpop (erf)  }
0x8e7: {  	v19 =	vsub.f32 v11, v12;
	v13 =	vsub.f32 v24, v18;
	v3 =	vmul.f32 v3, v0;
	[tilespmem:s19+$0x10] =	vst v22;
	v12 =	vpop (erf)  }
0x8e8: {  	s9 =	sadd.s32 $0x40, s9;
	v18 =	vsub.f32 v26, v21;
	v11 =	vld [tilespmem:s17+$0x10];
	s17 =	sadd.s32 $0x40, s17;
	(erf) = vrcp.f32 v25;
	v20 =	vpop (erf);
	[tilespmem:s19+$0xFFFFFFE0] =	vst v23;
	v12 =	vmul.f32 v12, v0  }
0x8e9: {  	v19 =	vmul.f32 v19, v2  }
0x8ea: {  	(erf) = vrcp.f32 v16  }
0x8eb: {  	v20 =	vadd.f32 $1.000000000e+00, v20;
	v15 =	vadd.f32 $1.000000000e+00, v15;
	(erf) = vpow2.f32 v17  }
0x8ec: {  	v16 =	vpop (erf)  }
0x8ed: {  	v17 =	vadd.f32 v19, v1;
	(erf) = vrcp.f32 v20;
	v19 =	vpop (erf)  }
0x8ee: {  	v14 =	vmul.f32 $1.442695020e+00, v14;
	(erf) = vpow2.f32 v10;
	v10 =	vpop (erf)  }
0x8ef: {  	v17 =	vmul.f32 $1.442695020e+00, v17;
	(erf) = vrcp.f32 v15;
	v15 =	vpop (erf)  }
0x8f0: {  	v19 =	vadd.f32 $1.000000000e+00, v19;
	(erf) = vpow2.f32 v14;
	v14 =	vadd.f32 $1.000000000e+00, v15  }
0x8f1: {  	v9 =	vmul.f32 $1.442695020e+00, v9;
	(erf) = vpow2.f32 v17;
	v15 =	vpop (erf)  }
0x8f2: {  	v4 =	vsub.f32 v7, v4;
	v17 =	vmul.f32 v18, v2;
	(erf) = vrcp.f32 v19;
	v7 =	vpop (erf)  }
0x8f3: {  	v6 =	vsub.f32 v11, v6;
	(erf) = vrcp.f32 v14;
	v11 =	vpop (erf)  }
0x8f4: {  	v4 =	vmul.f32 v4, v2;
	(erf) = vpow2.f32 v9;
	v9 =	vadd.f32 v17, v1;
	v14 =	vpop (erf)  }
0x8f5: {  	v6 =	vmul.f32 v6, v2;
	v14 =	vadd.f32 $1.000000000e+00, v14  }
0x8f6: {  	v4 =	vadd.f32 v4, v1;
	v9 =	vmul.f32 $1.442695020e+00, v9  }
0x8f7: {  	v13 =	vmul.f32 v13, v2;
	v6 =	vadd.f32 v6, v1;
	v17 =	vpop (erf)  }
0x8f8: {  	v4 =	vmul.f32 $1.442695020e+00, v4;
	v15 =	vadd.f32 $1.000000000e+00, v15;
	v18 =	vpop (erf);
	(erf) = vrcp.f32 v14  }
0x8f9: {  	v6 =	vmul.f32 $1.442695020e+00, v6;
	v14 =	vpop (erf);
	(erf) = vpow2.f32 v9  }
0x8fa: {  	v5 =	vsub.f32 v8, v5;
	v9 =	vpop (erf);
	(erf) = vrcp.f32 v15;
	v15 =	vadd.f32 $1.000000000e+00, v18  }
0x8fb: {  	v8 =	vpop (erf)  }
0x8fc: {  	v13 =	vadd.f32 v13, v1;
	v5 =	vmul.f32 v5, v2;
	(erf) = vpow2.f32 v4;
	v4 =	vpop (erf)  }
0x8fd: {  	v9 =	vadd.f32 $1.000000000e+00, v9;
	(erf) = vpow2.f32 v6;
	v6 =	vpop (erf)  }
0x8fe: {  	v13 =	vmul.f32 $1.442695020e+00, v13;
	v5 =	vadd.f32 v5, v1;
	(erf) = vrcp.f32 v15;
	v15 =	vpop (erf)  }
0x8ff: {  	v8 =	vadd.f32 $1.000000000e+00, v8;
	(erf) = vrcp.f32 v9;
	v15 =	vadd.f32 $1.000000000e+00, v15  }
0x900: {  	v5 =	vmul.f32 $1.442695020e+00, v5;
	(erf) = vpow2.f32 v13  }
0x901: {  	(erf) = vrcp.f32 v15  }
0x902: {  	v9 =	vpop (erf);
	(erf) = vrcp.f32 v8  }
0x903: {  	v8 =	vpop (erf);
	(erf) = vpow2.f32 v5  }
0x904: {  	v15 =	vmul.f32 v16, v0;
	v5 =	vpop (erf)  }
0x905: {  	v13 =	vpop (erf)  }
0x906: {  	[tilespmem:s30+$0xFFFFFFE0] =	vst v3;
	v16 =	vpop (erf)  }
0x907: {  	[tilespmem:s19+$0x0] =	vst v12;
	v10 =	vmul.f32 v10, v0;
	v12 =	vpop (erf)  }
0x908: {  	v3 =	vmul.f32 v17, v0;
	[tilespmem:s30+$0xFFFFFFF0] =	vst v15;
	v8 =	vadd.f32 $1.000000000e+00, v8;
	v15 =	vpop (erf)  }
0x909: {  	[tilespmem:s30+$0x10] =	vst v10;
	v10 =	vmul.f32 v11, v0;
	v11 =	vadd.f32 $1.000000000e+00, v13;
	v13 =	vpop (erf)  }
0x90a: {  	(erf) = vrcp.f32 v8;
	v8 =	vadd.f32 $1.000000000e+00, v13;
	v13 =	vpop (erf)  }
0x90b: {  	[tilespmem:s30+$0x0] =	vst v10;
	v10 =	vmul.f32 v14, v0;
	v14 =	vpop (erf)  }
0x90c: {  	[tilespmem:s21+$0xFFFFFFF0] =	vst v3;
	(erf) = vrcp.f32 v11;
	v11 =	vadd.f32 $1.000000000e+00, v16;
	v3 =	vpop (erf)  }
0x90d: {  	(erf) = vrcp.f32 v8;
	v3 =	vadd.f32 $1.000000000e+00, v3  }
0x90e: {  	v7 =	vmul.f32 v7, v0;
	(erf) = vrcp.f32 v11  }
0x90f: {  	(erf) = vrcp.f32 v3;
	v3 =	vmul.f32 v4, v0  }
0x910: {  	s5 =	sadd.s32 $0x40, s12;
	[tilespmem:s21+$0xFFFFFFE0] =	vst v7;
	v5 =	vmul.f32 v5, v0;
	v4 =	vmul.f32 v15, v0  }
0x911: {  	v6 =	vmul.f32 v6, v0;
	[tilespmem:s5+$0xFFFFFFE0] =	vst v3;
	v3 =	vmul.f32 v13, v0  }
0x912: {  	[tilespmem:s5+$0x0] =	vst v4;
	v4 =	vmul.f32 v14, v0  }
0x913: {  	[tilespmem:s21+$0x0] =	vst v6  }
0x914: {  	s9 =	sadd.s32 $0x40, s5;
	[tilespmem:s5+$0x10] =	vst v5;
	v5 =	vpop (erf)  }
0x915: {  	v6 =	vmul.f32 v12, v0;
	[tilespmem:s9+$0xFFFFFFF0] =	vst v3;
	v3 =	vpop (erf)  }
0x916: {  	v7 =	vmul.f32 v9, v0;
	[tilespmem:s9+$0x10] =	vst v4;
	v4 =	vpop (erf)  }
0x917: {  	[tilespmem:s21+$0x10] =	vst v10;
	v4 =	vmul.f32 v4, v0  }
0x918: {  	[tilespmem:s5+$0xFFFFFFF0] =	vst v7;
	v3 =	vmul.f32 v3, v0  }
0x919: {  	[tilespmem:s9+$0xFFFFFFE0] =	vst v6;
	v6 =	vpop (erf)  }
0x91a: {  	s21 =	sadd.s32 $0x40, s9;
	[tilespmem:s9+$0x0] =	vst v3;
	v3 =	vmul.f32 v6, v0  }
0x91b: {  	v5 =	vmul.f32 v5, v0;
	[tilespmem:s21+$0xFFFFFFF0] =	vst v4;
	v4 =	vpop (erf)  }
0x91c: {  	[tilespmem:s21+$0x10] =	vst v3;
	v3 =	vmul.f32 v4, v0  }
0x91d: {  	[tilespmem:s21+$0xFFFFFFE0] =	vst v5  }
0x91e: {  	[tilespmem:s21+$0x0] =	vst v3  }
0x91f: {  	s5 =	sld [smem:$0x7F0];
	_ =	sdelay $0x2  }
0x920: {  	[hbm4b:s5+s1] =	stream.linear.scatter [tilespmem:s15], [sflag:$0x8], $0x1900, $0x38;
	[tilespmem:$0x1EEA8] =	vst v63  }
0x921: {  	_ =	swait.ge [sflag:s24], $0xC80  }
0x922: {  	[sflag:s24] =	ssyncset.done $0x0  }
0x923: {  	[sflag:s24] =	ssyncadd.s32 $0xFFFFF380  }
0x924: {  	_ =	swait.ge [sflag:s10], $0xC80  }
0x925: {  	[sflag:s10] =	ssyncset.done $0x0  }
0x926: {  	[sflag:s10] =	ssyncadd.s32 $0xFFFFF380  }
0x927: {  	_ =	swait.ge [sflag:s28], $0x1900  }
0x928: {  	[sflag:s28] =	ssyncset.done $0x0  }
0x929: {  	s12 =	simm.s32 $0x1BCC8;
	[sflag:s28] =	ssyncadd.s32 $0xFFFFE700  }
0x92a: {  	v3 =	vld [tilespmem:s12+$0xFFFFFFE0]  }
0x92b: {  	v4 =	vld [tilespmem:s12+$0x10]  }
0x92c: {  	v5 =	vld [tilespmem:s12+$0xFFFFFFF0]  }
0x92d: {  	s17 =	simm.s32 $0x10DC8;
	v6 =	vld [tilespmem:s12+$0x0]  }
0x92e: {  	v7 =	vld [tilespmem:s17+$0xFFFFFFE0]  }
0x92f: {  	v8 =	vld [tilespmem:s17+$0xFFFFFFF0]  }
0x930: {  	v9 =	vld [tilespmem:s17+$0x0]  }
0x931: {  	s19 =	simm.s32 $0x1BD08;
	v10 =	vld [tilespmem:s17+$0x10]  }
0x932: {  	v11 =	vld [tilespmem:s19+$0xFFFFFFE0]  }
0x933: {  	v12 =	vld [tilespmem:s19+$0xFFFFFFF0]  }
0x934: {  	s21 =	simm.s32 $0x10E08;
	v13 =	vld [tilespmem:s19+$0x0]  }
0x935: {  	s5 =	simm.s32 $0x10E48;
	v14 =	vld [tilespmem:s21+$0xFFFFFFE0];
	v3 =	vsub.f32 v7, v3  }
0x936: {  	s17 =	simm.s32 $0x1BD48;
	v16 =	vld [tilespmem:s5+$0xFFFFFFE0]  }
0x937: {  	v15 =	vld [tilespmem:s17+$0xFFFFFFE0];
	v4 =	vsub.f32 v10, v4;
	v3 =	vmul.f32 v3, v2  }
0x938: {  	v7 =	vld [tilespmem:s19+$0x10];
	v5 =	vsub.f32 v8, v5  }
0x939: {  	v6 =	vsub.f32 v9, v6;
	v9 =	vld [tilespmem:s21+$0x0];
	v4 =	vmul.f32 v4, v2;
	v3 =	vadd.f32 v3, v1  }
0x93a: {  	v10 =	vld [tilespmem:s21+$0x10];
	v11 =	vsub.f32 v14, v11;
	v5 =	vmul.f32 v5, v2  }
0x93b: {  	v17 =	vld [tilespmem:s17+$0x10];
	v4 =	vadd.f32 v4, v1;
	v3 =	vmul.f32 $1.442695020e+00, v3  }
0x93c: {  	v8 =	vld [tilespmem:s21+$0xFFFFFFF0];
	v11 =	vmul.f32 v11, v2;
	v5 =	vadd.f32 v5, v1  }
0x93d: {  	v14 =	vld [tilespmem:s17+$0xFFFFFFF0];
	v4 =	vmul.f32 $1.442695020e+00, v4;
	(erf) = vpow2.f32 v3  }
0x93e: {  	v6 =	vmul.f32 v6, v2;
	v9 =	vsub.f32 v9, v13;
	v5 =	vmul.f32 $1.442695020e+00, v5;
	v3 =	vld [tilespmem:s5+$0xFFFFFFF0]  }
0x93f: {  	v13 =	vld [tilespmem:s5+$0x0];
	(erf) = vpow2.f32 v4;
	v4 =	vsub.f32 v10, v7;
	v7 =	vadd.f32 v11, v1  }
0x940: {  	s21 =	simm.s32 $0x10E88;
	v6 =	vadd.f32 v6, v1;
	v10 =	vsub.f32 v16, v15;
	v11 =	vld [tilespmem:s5+$0x10];
	(erf) = vpow2.f32 v5  }
0x941: {  	s12 =	simm.s32 $0x1BD88;
	v15 =	vld [tilespmem:s21+$0xFFFFFFF0];
	v4 =	vmul.f32 v4, v2;
	v7 =	vmul.f32 $1.442695020e+00, v7  }
0x942: {  	v6 =	vmul.f32 $1.442695020e+00, v6;
	v5 =	vsub.f32 v8, v12;
	v8 =	vld [tilespmem:s12+$0xFFFFFFE0];
	v10 =	vmul.f32 v10, v2  }
0x943: {  	v3 =	vsub.f32 v3, v14;
	v4 =	vadd.f32 v4, v1;
	v14 =	vld [tilespmem:s21+$0xFFFFFFE0];
	(erf) = vpow2.f32 v7  }
0x944: {  	v5 =	vmul.f32 v5, v2;
	v10 =	vadd.f32 v10, v1;
	(erf) = vpow2.f32 v6;
	v6 =	vld [tilespmem:s17+$0x0]  }
0x945: {  	v9 =	vmul.f32 v9, v2;
	v12 =	vld [tilespmem:s12+$0xFFFFFFF0];
	v4 =	vmul.f32 $1.442695020e+00, v4  }
0x946: {  	v5 =	vadd.f32 v5, v1;
	v3 =	vmul.f32 v3, v2;
	v10 =	vmul.f32 $1.442695020e+00, v10;
	v7 =	vpop (erf)  }
0x947: {  	(erf) = vpow2.f32 v4;
	v4 =	vsub.f32 v11, v17;
	v7 =	vadd.f32 $1.000000000e+00, v7  }
0x948: {  	v5 =	vmul.f32 $1.442695020e+00, v5;
	v3 =	vadd.f32 v3, v1;
	v16 =	vpop (erf);
	v8 =	vsub.f32 v14, v8  }
0x949: {  	v11 =	vld [tilespmem:s12+$0x10];
	v14 =	vpop (erf);
	v4 =	vmul.f32 v4, v2;
	v6 =	vsub.f32 v13, v6;
	(erf) = vrcp.f32 v7  }
0x94a: {  	s9 =	simm.s32 $0x1BDC8;
	v7 =	vsub.f32 v15, v12;
	v12 =	vld [tilespmem:s21+$0x10];
	v14 =	vadd.f32 $1.000000000e+00, v14;
	(erf) = vpow2.f32 v5  }
0x94b: {  	v3 =	vmul.f32 $1.442695020e+00, v3;
	v15 =	vadd.f32 $1.000000000e+00, v16;
	v16 =	vld [tilespmem:s9+$0xFFFFFFF0];
	v5 =	vadd.f32 v9, v1  }
0x94c: {  	s19 =	simm.s32 $0x10EC8;
	v8 =	vmul.f32 v8, v2;
	v9 =	vld [tilespmem:s9+$0xFFFFFFE0];
	v4 =	vadd.f32 v4, v1;
	v6 =	vmul.f32 v6, v2  }
0x94d: {  	(erf) = vrcp.f32 v14;
	v14 =	vld [tilespmem:s19+$0xFFFFFFF0];
	v5 =	vmul.f32 $1.442695020e+00, v5  }
0x94e: {  	v4 =	vmul.f32 $1.442695020e+00, v4;
	(erf) = vpow2.f32 v10;
	v10 =	vld [tilespmem:s19+$0xFFFFFFE0]  }
0x94f: {  	v7 =	vmul.f32 v7, v2;
	v13 =	vpop (erf);
	v8 =	vadd.f32 v8, v1;
	(erf) = vrcp.f32 v15  }
0x950: {  	v18 =	vld [tilespmem:s21+$0x0];
	v17 =	vpop (erf);
	v13 =	vadd.f32 $1.000000000e+00, v13;
	v6 =	vadd.f32 v6, v1;
	(erf) = vpow2.f32 v5  }
0x951: {  	v8 =	vmul.f32 $1.442695020e+00, v8;
	v15 =	vadd.f32 $1.000000000e+00, v17;
	v5 =	vld [tilespmem:s12+$0x0];
	v11 =	vsub.f32 v12, v11;
	v17 =	vpop (erf)  }
0x952: {  	v19 =	vld [tilespmem:s19+$0x10];
	v23 =	vmul.f32 $1.442695020e+00, v6;
	(erf) = vpow2.f32 v4;
	v14 =	vsub.f32 v14, v16;
	v4 =	vpop (erf)  }
0x953: {  	v12 =	vld [tilespmem:s9+$0x10];
	(erf) = vrcp.f32 v13;
	v11 =	vmul.f32 v11, v2;
	v9 =	vsub.f32 v10, v9;
	v10 =	vpop (erf)  }
0x954: {  	s17 =	simm.s32 $0x1BE08;
	(erf) = vrcp.f32 v15;
	v14 =	vmul.f32 v14, v2;
	v10 =	vadd.f32 $1.000000000e+00, v10  }
0x955: {  	v20 =	vld [tilespmem:s17+$0xFFFFFFE0];
	v21 =	vmul.f32 v4, v0;
	(erf) = vpow2.f32 v3  }
0x956: {  	v22 =	vld [tilespmem:s17+$0xFFFFFFF0];
	s21 =	simm.s32 $0x10F08;
	v3 =	vadd.f32 $1.000000000e+00, v17;
	v5 =	vsub.f32 v18, v5;
	v13 =	vpop (erf);
	(erf) = vrcp.f32 v10  }
0x957: {  	v25 =	vld [tilespmem:s21+$0xFFFFFFF0];
	v11 =	vadd.f32 v11, v1;
	v9 =	vmul.f32 v9, v2;
	v17 =	vpop (erf);
	(erf) = vpow2.f32 v8  }
0x958: {  	v18 =	vld [tilespmem:s21+$0xFFFFFFE0];
	v19 =	vsub.f32 v19, v12;
	v24 =	vpop (erf);
	(erf) = vrcp.f32 v3;
	v3 =	vmul.f32 v5, v2  }
0x959: {  	v11 =	vmul.f32 $1.442695020e+00, v11;
	v9 =	vadd.f32 v9, v1;
	v8 =	vadd.f32 v7, v1;
	v6 =	vpop (erf);
	v7 =	vld [tilespmem:s19+$0x0]  }
0x95a: {  	v13 =	vmul.f32 v13, v0;
	v26 =	vadd.f32 $1.000000000e+00, v17;
	v16 =	vadd.f32 $1.000000000e+00, v6;
	v6 =	vld [tilespmem:s17+$0x10]  }
0x95b: {  	v10 =	vmul.f32 $1.442695020e+00, v9;
	v9 =	vadd.f32 v14, v1;
	s19 =	simm.s32 $0x1D5C8;
	v15 =	vpop (erf);
	v5 =	vld [tilespmem:s17+$0x0];
	(erf) = vpow2.f32 v23  }
0x95c: {  	v4 =	vld [tilespmem:s9+$0x0];
	[tilespmem:s19+$0xFFFFFFF0] =	vst v13;
	v23 =	vmul.f32 v24, v0;
	v14 =	vadd.f32 v3, v1;
	(erf) = vpow2.f32 v11;
	v3 =	vpop (erf)  }
0x95d: {  	s30 =	simm.s32 $0x1D608;
	s5 =	simm.s32 $0x140;
	s12 =	simm.s32 $0x1D648;
	v13 =	vsub.f32 v25, v22;
	[tilespmem:s19+$0xFFFFFFE0] =	vst v21;
	v17 =	vmul.f32 $1.442695020e+00, v8;
	v8 =	vld [tilespmem:s21+$0x0];
	v3 =	vmul.f32 v3, v0;
	v12 =	vpop (erf)  }
0x95e: {  	s9 =	simm.s32 $0x1BE48;
	v18 =	vsub.f32 v18, v20;
	s17 =	simm.s32 $0x10F48;
	v11 =	vld [tilespmem:s21+$0x10];
	s21 =	simm.s32 $0x1D648;
	[tilespmem:s19+$0x10] =	vst v23;
	(erf) = vrcp.f32 v26;
	v20 =	vpop (erf);
	v12 =	vmul.f32 v12, v0  }
.LBB2_32:
0x95f: {  	v21 =	vld [tilespmem:s9+$0xFFFFFFE0];
	s5 =	sadd.s32 $0x40, s5;
	v19 =	vmul.f32 v19, v2;
	v20 =	vadd.f32 $1.000000000e+00, v20;
	s12 =	sadd.s32 $0x40, s12;
	v22 =	vpop (erf);
	(erf) = vrcp.f32 v16  }
0x960: {  	v15 =	vadd.f32 $1.000000000e+00, v15;
	p0 =	slt.u32 s5, $0x18C0;
	v16 =	vmul.f32 v18, v2;
	(erf) = vpow2.f32 v17;
	[tilespmem:s19+$0x0] =	vst v12;
	v12 =	vmovc v6;
	v6 =	vld [tilespmem:s9+$0x10];
	v17 =	vmovc v5;
	s19 =	smov.u32 s30;
	s30 =	smov.u32 s21  }
0x961: {  	v13 =	vmul.f32 v13, v2;
	s21 =	smov.u32 s12;
	v18 =	vld [tilespmem:s9+$0xFFFFFFF0];
	v19 =	vadd.f32 v19, v1;
	v23 =	vpop (erf);
	(erf) = vrcp.f32 v20  }
0x962: {  	v14 =	vmul.f32 $1.442695020e+00, v14;
	v20 =	vmul.f32 v22, v0;
	v5 =	vld [tilespmem:s9+$0x0];
	v27 =	vadd.f32 v16, v1;
	v22 =	vpop (erf)  }
0x963: {  	v25 =	vsub.f32 v7, v4;
	v7 =	vmovc v8;
	v4 =	vmovc v17;
	v24 =	vld [tilespmem:s17+$0xFFFFFFF0];
	v19 =	vmul.f32 $1.442695020e+00, v19;
	(erf) = vpow2.f32 v10  }
0x964: {  	v17 =	vmov v9;
	v26 =	vld [tilespmem:s17+$0xFFFFFFE0];
	v10 =	vmul.f32 $1.442695020e+00, v27;
	v16 =	vpop (erf);
	(erf) = vrcp.f32 v15;
	[tilespmem:s19+$0xFFFFFFF0] =	vst v20  }
.Ltmp15:
0x965: {  	v9 =	vadd.f32 v13, v1;
	v13 =	vmul.f32 v25, v2;
	v8 =	vld [tilespmem:s17+$0x0];
	v15 =	vpop (erf);
	v16 =	vadd.f32 $1.000000000e+00, v16;
	(pc) =	sbr.rel @p0 .LBB2_32-.Ltmp15, $4  }
0x966: {  	v25 =	vadd.f32 $1.000000000e+00, v23;
	v22 =	vmul.f32 v22, v0;
	v23 =	vmovc v3;
	(erf) = vpow2.f32 v14  }
0x967: {  	v17 =	vmul.f32 $1.442695020e+00, v17;
	v14 =	vadd.f32 v13, v1;
	(erf) = vpow2.f32 v19;
	v3 =	vpop (erf)  }
0x968: {  	v19 =	vsub.f32 v11, v12;
	v13 =	vsub.f32 v24, v18;
	v3 =	vmul.f32 v3, v0;
	[tilespmem:s19+$0x10] =	vst v22;
	v12 =	vpop (erf)  }
0x969: {  	s9 =	sadd.s32 $0x40, s9;
	v18 =	vsub.f32 v26, v21;
	v11 =	vld [tilespmem:s17+$0x10];
	s17 =	sadd.s32 $0x40, s17;
	(erf) = vrcp.f32 v25;
	v20 =	vpop (erf);
	[tilespmem:s19+$0xFFFFFFE0] =	vst v23;
	v12 =	vmul.f32 v12, v0  }
0x96a: {  	v19 =	vmul.f32 v19, v2;
	v20 =	vadd.f32 $1.000000000e+00, v20;
	(erf) = vrcp.f32 v16  }
0x96b: {  	(erf) = vpow2.f32 v17  }
0x96c: {  	v50 =	vpop (erf);
	v15 =	vadd.f32 $1.000000000e+00, v15;
	v51 =	vadd.f32 v19, v1;
	(erf) = vrcp.f32 v20  }
0x96d: {  	v14 =	vmul.f32 $1.442695020e+00, v14;
	v52 =	vpop (erf);
	(erf) = vpow2.f32 v10  }
0x96e: {  	v53 =	vpop (erf);
	v17 =	vmul.f32 $1.442695020e+00, v51;
	(erf) = vrcp.f32 v15  }
0x96f: {  	v19 =	vadd.f32 $1.000000000e+00, v52;
	v54 =	vpop (erf);
	(erf) = vpow2.f32 v14  }
0x970: {  	v55 =	vadd.f32 $1.000000000e+00, v54;
	(erf) = vpow2.f32 v17  }
0x971: {  	v9 =	vmul.f32 $1.442695020e+00, v9;
	v56 =	vpop (erf);
	(erf) = vrcp.f32 v19  }
0x972: {  	v4 =	vsub.f32 v7, v4;
	v57 =	vmul.f32 v18, v2;
	v58 =	vpop (erf);
	(erf) = vrcp.f32 v55  }
0x973: {  	v6 =	vsub.f32 v11, v6;
	v59 =	vpop (erf);
	(erf) = vpow2.f32 v9  }
0x974: {  	v4 =	vmul.f32 v4, v2;
	v60 =	vadd.f32 v57, v1;
	v61 =	vpop (erf)  }
0x975: {  	v6 =	vmul.f32 v6, v2;
	v14 =	vadd.f32 $1.000000000e+00, v61;
	v62 =	vpop (erf)  }
0x976: {  	v13 =	vmul.f32 v13, v2;
	v4 =	vadd.f32 v4, v1;
	v9 =	vmul.f32 $1.442695020e+00, v60;
	v63 =	vpop (erf)  }
0x977: {  	v15 =	vadd.f32 $1.000000000e+00, v56;
	v6 =	vadd.f32 v6, v1;
	(erf) = vrcp.f32 v14;
	v20 =	vpop (erf)  }
0x978: {  	v4 =	vmul.f32 $1.442695020e+00, v4;
	(erf) = vpow2.f32 v9;
	v21 =	vpop (erf)  }
0x979: {  	v5 =	vsub.f32 v8, v5;
	v6 =	vmul.f32 $1.442695020e+00, v6;
	(erf) = vrcp.f32 v15;
	v22 =	vpop (erf)  }
0x97a: {  	v13 =	vadd.f32 v13, v1;
	v23 =	vadd.f32 $1.000000000e+00, v63;
	(erf) = vpow2.f32 v4;
	v24 =	vpop (erf)  }
0x97b: {  	v25 =	vmul.f32 v5, v2;
	v26 =	vadd.f32 $1.000000000e+00, v21;
	(erf) = vpow2.f32 v6;
	v27 =	vpop (erf)  }
0x97c: {  	v28 =	vmul.f32 $1.442695020e+00, v13;
	(erf) = vrcp.f32 v23;
	v29 =	vpop (erf)  }
0x97d: {  	v30 =	vadd.f32 v25, v1;
	v31 =	vadd.f32 $1.000000000e+00, v29;
	(erf) = vrcp.f32 v26  }
0x97e: {  	v32 =	vadd.f32 $1.000000000e+00, v22;
	(erf) = vpow2.f32 v28  }
0x97f: {  	v1 =	vmul.f32 $1.442695020e+00, v30;
	(erf) = vrcp.f32 v31  }
0x980: {  	v33 =	vpop (erf);
	(erf) = vrcp.f32 v32  }
0x981: {  	v34 =	vpop (erf);
	(erf) = vpow2.f32 v1  }
0x982: {  	v35 =	vpop (erf)  }
0x983: {  	v36 =	vpop (erf)  }
0x984: {  	v38 =	vpop (erf)  }
0x985: {  	[tilespmem:s30+$0xFFFFFFE0] =	vst v3;
	v37 =	vmul.f32 v50, v0;
	v39 =	vpop (erf)  }
0x986: {  	[tilespmem:s19+$0x0] =	vst v12;
	v10 =	vmul.f32 v53, v0;
	v40 =	vpop (erf)  }
0x987: {  	[tilespmem:s30+$0xFFFFFFF0] =	vst v37;
	v7 =	vmul.f32 v58, v0;
	v5 =	vadd.f32 $1.000000000e+00, v34;
	v42 =	vpop (erf)  }
0x988: {  	[tilespmem:s30+$0x10] =	vst v10;
	v41 =	vmul.f32 v59, v0;
	v8 =	vadd.f32 $1.000000000e+00, v36;
	v45 =	vpop (erf)  }
0x989: {  	[tilespmem:s21+$0xFFFFFFE0] =	vst v7;
	v43 =	vmul.f32 v62, v0;
	(erf) = vrcp.f32 v5;
	v44 =	vadd.f32 $1.000000000e+00, v42;
	v48 =	vpop (erf)  }
0x98a: {  	[tilespmem:s30+$0x0] =	vst v41;
	v46 =	vmul.f32 v20, v0;
	v47 =	vadd.f32 $1.000000000e+00, v38;
	(erf) = vrcp.f32 v8;
	v49 =	vpop (erf)  }
0x98b: {  	[tilespmem:s21+$0xFFFFFFF0] =	vst v43;
	v51 =	vmul.f32 v24, v0;
	(erf) = vrcp.f32 v44;
	v3 =	vadd.f32 $1.000000000e+00, v49  }
0x98c: {  	s5 =	sadd.s32 $0x40, s12;
	[tilespmem:s21+$0x10] =	vst v46;
	v50 =	vmul.f32 v27, v0;
	(erf) = vrcp.f32 v47  }
0x98d: {  	[tilespmem:s5+$0xFFFFFFE0] =	vst v51;
	v2 =	vmul.f32 v33, v0;
	(erf) = vrcp.f32 v3  }
0x98e: {  	[tilespmem:s21+$0x0] =	vst v50;
	v1 =	vmul.f32 v35, v0  }
0x98f: {  	[tilespmem:s5+$0xFFFFFFF0] =	vst v2;
	v56 =	vmul.f32 v39, v0  }
0x990: {  	s9 =	sadd.s32 $0x40, s5;
	[tilespmem:s5+$0x10] =	vst v1;
	v52 =	vmul.f32 v40, v0  }
0x991: {  	[tilespmem:s9+$0xFFFFFFE0] =	vst v56;
	v53 =	vmul.f32 v45, v0  }
0x992: {  	[tilespmem:s5+$0x0] =	vst v52;
	v54 =	vmul.f32 v48, v0;
	v55 =	vpop (erf)  }
0x993: {  	[tilespmem:s9+$0xFFFFFFF0] =	vst v53;
	v3 =	vmul.f32 v55, v0;
	v57 =	vpop (erf)  }
0x994: {  	s21 =	sadd.s32 $0x40, s9;
	[tilespmem:s9+$0x10] =	vst v54;
	v58 =	vmul.f32 v57, v0;
	v59 =	vpop (erf)  }
0x995: {  	[tilespmem:s21+$0xFFFFFFE0] =	vst v3;
	v2 =	vmul.f32 v59, v0;
	v60 =	vpop (erf)  }
0x996: {  	[tilespmem:s9+$0x0] =	vst v58;
	v61 =	vmul.f32 v60, v0;
	v62 =	vpop (erf)  }
0x997: {  	[tilespmem:s21+$0xFFFFFFF0] =	vst v2;
	v63 =	vmul.f32 v62, v0  }
0x998: {  	[tilespmem:s21+$0x10] =	vst v61  }
0x999: {  	[tilespmem:s21+$0x0] =	vst v63  }
0x99a: {  	s5 =	sld [smem:$0x7F1];
	_ =	sdelay $0x2  }
0x99b: {  	[hbm4b:s5+s1] =	stream.linear.scatter [tilespmem:s23], [sflag:$0xB], $0x1900, $0x38;
	[tilespmem:$0x1EEA8] =	vst v63  }
0x99c: {  	_ =	swait.ge [sflag:s26], $0x1900  }
0x99d: {  	[sflag:s26] =	ssyncset.done $0x0  }
0x99e: {  	[sflag:s26] =	ssyncadd.s32 $0xFFFFE700  }
0x99f: {  	_ =	swait.ge [sflag:s28], $0x1900  }
0x9a0: {  	s30 =	sld [smem:$0x7FD];
	_ =	sdelay $0x1  }
0x9a1: {  	s11 =	sadd.s32 $0x1, s11  }
0x9a2: {  	p0 =	sne.s32 s11, s30  }
.Ltmp16:
0x9a3: {  	_ = 	snop;
	(pc) =	sbr.rel @p0 .LBB2_1-.Ltmp16, $3  }
0x9a4: {  	_ =	sdelay $0x1  }
0x9a5: {  	[sflag:s28] =	ssyncset.done $0x0  }
0x9a6: {  	[sflag:s28] =	ssyncadd.s32 $0xFFFFE700  }
0x9a7: {  	_ =	sfence.sel $0x180000  }
0x9a8: {  	[bflag:$0x0] =	sbarrier.arrive $0xFFFF  }
0x9a9: {  	_ =	strace $0x90000047  }
0x9aa: {  	s0 =	stileid.u32;
	[bflag:$0x2] =	sbarrier.arrive $0xFFFF  }
0x9ab: {  	p0 =	sne.s32 s0, $0x0;
	s0 =	rddreg [dreg:$0x6]  }
0x9ac: {  	s0 =	sadd.s32 @!p0 $0x100000, s0  }
0x9ad: {  	[sflag:s0] =	ssyncadd.tile.s32 @!p0 $0x1;
	_ =	shalt  }
.Lfunc_end2:
_tile_overlayer_lowered:
.L_overlay_start_2:
0x9ae: {  	(tag) =	ssettag $0x2  }
0x9af: {  	s0 =	rddreg [dreg:$0x0];
	s2 =	stileid.u32  }
0x9b0: {  	s1 =	rddreg [dreg:$0x1];
	p0 =	sne.s32 s2, $0x0  }
0x9b1: {  	s3 =	rddreg [dreg:$0x2];
	[bflag:$0x3] =	sbarrier.arrive $0xFFFF;
	s2 =	simm.s32 @!p0 $0x1C0C  }
0x9b2: {  	[timem:s3], [sflag:s2] =	dma.local @!p0 [hbm:s0], s1  }
0x9b3: {  	s0 =	simm.s32 @!p0 $0xC  }
0x9b4: {  	_ =	swait.ge @!p0 [sflag:s0], s1  }
0x9b5: {  	s1 =	ssub.s32 @!p0 $0x0, s1;
	[sflag:s0] =	ssyncset.done @!p0 $0x0  }
0x9b6: {  	[sflag:s0] =	ssyncadd.s32 @!p0 s1  }
0x9b7: {  	[bflag:$0x3] =	sbarrier.arrive $0xFFFF  }
0x9b8: {  	_ =	shalt  }

</sc_bundles>
